<compile_context>
chip_gen: v7x
topology: tpu7x:2x2x1
jax: 0.10.2.dev20260603
libtpu: 0.0.44.dev20260713+nightly
codegen_flags: <defaults>
</compile_context>

<pallas_src>
import functools

import jax
import jax.numpy as jnp
import numpy as np
from jax import lax
from jax.experimental import pallas as pl
from jax.experimental.pallas import tpu as pltpu
from jax.experimental.pallas import tpu_sc as plsc

_N_SEG = 100
_N_SPAT = 50
_N_OUT = 100
_B = 128
_SEG_W = 112
_SPAT_W = 64
_N_GROUPS = 7
_ROWS = 4
_U = 4


def _build_tables():
    members = [[] for _ in range(_N_OUT)]
    for a in range(_N_SEG):
        for b in range(_N_SPAT):
            s = (a * b) // 10
            if s < _N_OUT:
                members[s].append((a, b))
    counts = [len(m) for m in members]

    b0 = members[0]
    b0_slots = (len(b0) + 15) // 16
    b0_pad = b0 + [(_N_SEG, _N_SPAT)] * (b0_slots * 16 - len(b0))

    rem = sorted(range(1, _N_OUT), key=lambda s: -counts[s])
    group_buckets = [rem[g * 14:(g + 1) * 14] for g in range(6)] + [rem[84:99]]
    later_pool = list(rem[84:99])
    perms, groups = [], []
    res0_lane = None
    pool_i = 0
    for g in range(_N_GROUPS):
        lanes = list(group_buckets[g])
        perm = list(lanes)
        while len(perm) < 16:
            if g == _N_GROUPS - 1 and res0_lane is None:
                res0_lane = len(perm)
                perm.append(0)
            else:
                perm.append(later_pool[pool_i % len(later_pool)])
                pool_i += 1
            lanes.append(None)
        groups.append(lanes)
        perms.append(perm)
    gslots = [max(counts[s] for s in gg if s is not None) for gg in groups]

    def pad_u(n):
        return ((n + _U - 1) // _U) * _U

    chain_lens = tuple([pad_u(b0_slots)] + [pad_u(x) for x in gslots])

    chains = [[[b0_pad[m * 16 + l] if m < b0_slots else (_N_SEG, _N_SPAT)
                for l in range(16)] for m in range(chain_lens[0])]]
    for g in range(_N_GROUPS):
        rows = []
        for m in range(chain_lens[1 + g]):
            row = []
            for l in range(16):
                s = groups[g][l]
                if s is not None and m < counts[s]:
                    row.append(members[s][m])
                else:
                    row.append((_N_SEG, _N_SPAT))
            rows.append(row)
        chains.append(rows)
    pack = np.array([[p[0] + (p[1] << 7) for p in row]
                     for c in chains for row in c], np.int32)
    return chain_lens, res0_lane, pack, np.array(perms, np.int32)


_CHAIN_LENS, _RES0_LANE, _PACK_TAB, _PERM_TAB = _build_tables()
_CHAIN_OFF = tuple(int(x) for x in np.cumsum((0,) + _CHAIN_LENS))
_N_SLOTS = int(sum(_CHAIN_LENS))


def _sc_body(seg_hbm, spat_hbm, pack_hbm, perm_hbm, out_hbm,
             seg_raw, spat_raw, seg_v, spat_v, pack_v, perm_v, out_v, sem):
    wid = lax.axis_index("s") * 2 + lax.axis_index("c")
    base = wid * _ROWS
    c_a = pltpu.make_async_copy(seg_hbm.at[pl.ds(base, _ROWS)], seg_raw, sem)
    c_b = pltpu.make_async_copy(spat_hbm.at[pl.ds(base, _ROWS)], spat_raw, sem)
    c_c = pltpu.make_async_copy(pack_hbm, pack_v, sem)
    c_d = pltpu.make_async_copy(perm_hbm, perm_v, sem)
    c_a.start()
    c_b.start()
    c_c.start()
    c_d.start()
    c_a.wait()
    c_b.wait()
    c_c.wait()
    c_d.wait()

    one = jnp.float32(1.0)
    zero16 = jnp.zeros((16,), jnp.float32)
    iota = lax.iota(jnp.int32, 16)

    for r in range(_ROWS):
        row_splat = jnp.zeros((16,), jnp.int32) + r
        for k in range(_SEG_W // 16):
            src = iota + (16 * k)
            g = plsc.load_gather(seg_raw, [row_splat, jnp.minimum(src, _N_SEG - 1)])
            seg_v[pl.ds(r * _SEG_W + 16 * k, 16)] = jnp.where(src < _N_SEG, g, zero16)
        for k in range(_SPAT_W // 16):
            src = iota + (16 * k)
            g = plsc.load_gather(spat_raw, [row_splat, jnp.minimum(src, _N_SPAT - 1)])
            spat_v[pl.ds(r * _SPAT_W + 16 * k, 16)] = jnp.where(src < _N_SPAT, g, zero16)

    def insert4(t, vs):
        t0, t1, t2 = t
        m01 = jnp.maximum(vs[0], vs[1])
        n01 = jnp.minimum(vs[0], vs[1])
        m23 = jnp.maximum(vs[2], vs[3])
        n23 = jnp.minimum(vs[2], vs[3])
        s0 = jnp.maximum(m01, m23)
        x = jnp.minimum(m01, m23)
        y = jnp.maximum(n01, n23)
        s1 = jnp.maximum(x, y)
        s2 = jnp.minimum(x, y)
        c0 = jnp.maximum(t0, s0)
        c1_ = jnp.maximum(jnp.minimum(t0, s0), jnp.maximum(t1, s1))
        c2_ = jnp.maximum(jnp.maximum(t2, s2),
                          jnp.maximum(jnp.minimum(t1, s0),
                                      jnp.minimum(t0, s1)))
        return (c0, c1_, c2_)

    res0 = [None] * _ROWS
    for c in range(1 + _N_GROUPS):
        cbase = _CHAIN_OFF[c] * 16

        def mbody(m, ts, cbase=cbase):
            moff = m * (_U * 16)
            vs = [[] for _ in range(_ROWS)]
            for u in range(_U):
                pk = pack_v[pl.ds(moff + (cbase + u * 16), 16)]
                a = pk & 127
                b = lax.shift_right_logical(pk, 7)
                for r in range(_ROWS):
                    vs[r].append(plsc.load_gather(seg_v, [a + r * _SEG_W])
                                 * plsc.load_gather(spat_v, [b + r * _SPAT_W]))
            return tuple(insert4(ts[r], vs[r]) for r in range(_ROWS))

        ts = lax.fori_loop(0, _CHAIN_LENS[c] // _U, mbody,
                           tuple((zero16, zero16, zero16)
                                 for _ in range(_ROWS)))

        if c == 0:
            for r in range(_ROWS):
                u0, u1, u2 = ts[r]
                acc = one
                for _ in range(3):
                    mx = jnp.max(u0)
                    acc = acc * (one - mx)
                    msk = iota == plsc.all_reduce_ffs(u0 == mx)
                    u0 = jnp.where(msk, u1, u0)
                    u1 = jnp.where(msk, u2, u1)
                    u2 = jnp.where(msk, zero16, u2)
                res0[r] = one - acc
        else:
            g = c - 1
            pos = perm_v[pl.ds(g * 16, 16)]
            for r in range(_ROWS):
                t0, t1, t2 = ts[r]
                res = one - (one - t0) * (one - t1) * (one - t2)
                if g == _N_GROUPS - 1:
                    res = jnp.where(iota == _RES0_LANE, res0[r], res)
                row_splat = jnp.zeros((16,), jnp.int32) + r
                plsc.store_scatter(out_v, [row_splat, pos], res)
    pltpu.sync_copy(out_v, out_hbm.at[pl.ds(base, _ROWS)])


@jax.jit
def _run(seg, spat, pack_flat, perm_flat):
    mesh = plsc.VectorSubcoreMesh(core_axis_name="c", subcore_axis_name="s")
    fn = functools.partial(
        pl.kernel,
        mesh=mesh,
        out_type=jax.ShapeDtypeStruct((_B, _N_OUT), jnp.float32),
        compiler_params=pltpu.CompilerParams(needs_layout_passes=False),
        scratch_types=[
            pltpu.VMEM((_ROWS, _N_SEG), jnp.float32),
            pltpu.VMEM((_ROWS, _N_SPAT), jnp.float32),
            pltpu.VMEM((_ROWS * _SEG_W,), jnp.float32),
            pltpu.VMEM((_ROWS * _SPAT_W,), jnp.float32),
            pltpu.VMEM((_N_SLOTS * 16,), jnp.int32),
            pltpu.VMEM((_N_GROUPS * 16,), jnp.int32),
            pltpu.VMEM((_ROWS, _N_OUT), jnp.float32),
            pltpu.SemaphoreType.DMA,
        ],
    )(_sc_body)
    return fn(seg, spat, pack_flat, perm_flat)


_DEVICE_TABS = None


def kernel(seg_confidences, spatial_features, rule_weights):
    del rule_weights
    global _DEVICE_TABS
    if _DEVICE_TABS is None:
        _DEVICE_TABS = (jnp.asarray(_PACK_TAB.reshape(-1)),
                        jnp.asarray(_PERM_TAB.reshape(-1)))
    return _run(seg_confidences, spatial_features, *_DEVICE_TABS)

# --- scband reference (transcript-rebuilt; emitter-appended) ---
"""Pipeline reference for scband-scallop-training-module-4045859193661 (READ-ONLY COPY).

The authoritative reference and input builder live on the scoring server;
editing this copy changes nothing except your own understanding.
"""

import jax, jax.numpy as jnp
import numpy as np

N_SEG = 100
N_SPAT = 50
N_OUT = 100
TOP_K = 3


def setup_inputs(seed: int = 0) -> dict:
    key = jax.random.key(seed)
    k1, k2 = jax.random.split(key)
    seg_confidences = jax.random.uniform(k1, (128, N_SEG), dtype=jnp.float32)
    spatial_features = jax.random.uniform(k2, (128, N_SPAT), dtype=jnp.float32)
    rule_weights = jnp.array([0.9, 0.8, 0.7, 0.6], dtype=jnp.float32)
    return {
        "seg_confidences": seg_confidences,
        "spatial_features": spatial_features,
        "rule_weights": rule_weights,
    }


def reference(seg_confidences, spatial_features, rule_weights):
    # Differentiable top-k-proofs semantics of the Scallop program:
    #   rel landing_score(s) = seg_confidence(s1) and spatial_feature(s2) and s = (s1 * s2) / 10
    # Each proof for output s is a pair (s1, s2) with (s1*s2)//10 == s.
    # Proof probability = p_seg[s1] * p_spat[s2]. The difftopkproofs provenance
    # keeps the top-k proofs per output and combines them with noisy-or.
    B = seg_confidences.shape[0]
    s1 = jnp.arange(N_SEG)
    s2 = jnp.arange(N_SPAT)
    s_idx = ((s1[:, None] * s2[None, :]) // 10).reshape(-1)  # [N_SEG*N_SPAT]
    # All pairwise proof probabilities
    pair = (seg_confidences[:, :, None] * spatial_features[:, None, :]).reshape(B, -1)  # [B, 5000]
    out_ids = jnp.arange(N_OUT)
    mask = (s_idx[None, :] == out_ids[:, None])  # [N_OUT, 5000]
    # Mask proofs not belonging to each output bucket with -1 (below any prob)
    masked = jnp.where(mask[None, :, :], pair[:, None, :], -1.0)  # [B, N_OUT, 5000]
    topv, _ = jax.lax.top_k(masked, TOP_K)  # [B, N_OUT, k]
    topv = jnp.maximum(topv, 0.0)
    # Noisy-or combination of the top-k proofs
    landing_score = 1.0 - jnp.prod(1.0 - topv, axis=-1)  # [B, N_OUT]
    return landing_score

if __name__ == "__main__":
    import jax
    _d = setup_inputs()
    print(jax.jit(kernel)(*tuple(_d.values())))

</pallas_src>

<mosaic_0001>
#map = affine_map<(d0, d1) -> (0, 0)>
#map1 = affine_map<(d0, d1) -> (0)>
module attributes {stable_mosaic.version = 14 : i64} {
  func.func @_sc_body(%arg0: i32, %arg1: i32, %arg2: memref<128x100xf32, #tpu.memory_space<hbm>>, %arg3: memref<128x50xf32, #tpu.memory_space<hbm>>, %arg4: memref<3456xi32, #tpu.memory_space<hbm>>, %arg5: memref<112xi32, #tpu.memory_space<hbm>>, %arg6: memref<128x100xf32, #tpu.memory_space<hbm>>, %arg7: memref<4x100xf32, #tpu.memory_space<vmem>>, %arg8: memref<4x50xf32, #tpu.memory_space<vmem>>, %arg9: memref<448xf32, #tpu.memory_space<vmem>>, %arg10: memref<256xf32, #tpu.memory_space<vmem>>, %arg11: memref<3456xi32, #tpu.memory_space<vmem>>, %arg12: memref<112xi32, #tpu.memory_space<vmem>>, %arg13: memref<4x100xf32, #tpu.memory_space<vmem>>, %arg14: memref<!tpu.dma_semaphore, #tpu.memory_space<semaphore_mem>>) attributes {dimension_semantics = [#tpu.dimension_semantics<core_parallel>, #tpu.dimension_semantics<subcore_parallel>], iteration_bounds = array<i64: 2, 16>, scalar_prefetch = 0 : i64, scratch_operands = 8 : i64, tpu.core_type = #tpu.core_type<sc_vector_subcore>, window_params = [{transform_indices = #map}, {transform_indices = #map}, {transform_indices = #map1}, {transform_indices = #map1}, {transform_indices = #map}]} {
    %mul3A = arith.constant 2 : i32
    %mul3A_0 = arith.muli %arg1, %mul3A : i32
    %add3A = arith.addi %mul3A_0, %arg0 : i32
    %mul3A_1 = arith.constant 4 : i32
    %mul3A_2 = arith.muli %add3A, %mul3A_1 : i32
    %dma_start3A = arith.constant 0 : i32
    %dma_start3A_3 = tpu.memref_slice %arg2[%mul3A_2, %dma_start3A] : memref<128x100xf32, #tpu.memory_space<hbm>> -> memref<4x100xf32, #tpu.memory_space<hbm>>
    %dma_start3A_4 = arith.constant 0 : i32
    %dma_start3A_5 = tpu.memref_slice %arg2[%mul3A_2, %dma_start3A_4] : memref<128x100xf32, #tpu.memory_space<hbm>> -> memref<4x100xf32, #tpu.memory_space<hbm>>
    tpu.enqueue_dma source(%dma_start3A_5 : memref<4x100xf32, #tpu.memory_space<hbm>>) target(%arg7 : memref<4x100xf32, #tpu.memory_space<vmem>>) target_semaphore(%arg14 : memref<!tpu.dma_semaphore, #tpu.memory_space<semaphore_mem>>)
    %dma_start3A_6 = arith.constant 0 : i32
    %dma_start3A_7 = tpu.memref_slice %arg3[%mul3A_2, %dma_start3A_6] : memref<128x50xf32, #tpu.memory_space<hbm>> -> memref<4x50xf32, #tpu.memory_space<hbm>>
    %dma_start3A_8 = arith.constant 0 : i32
    %dma_start3A_9 = tpu.memref_slice %arg3[%mul3A_2, %dma_start3A_8] : memref<128x50xf32, #tpu.memory_space<hbm>> -> memref<4x50xf32, #tpu.memory_space<hbm>>
    tpu.enqueue_dma source(%dma_start3A_9 : memref<4x50xf32, #tpu.memory_space<hbm>>) target(%arg8 : memref<4x50xf32, #tpu.memory_space<vmem>>) target_semaphore(%arg14 : memref<!tpu.dma_semaphore, #tpu.memory_space<semaphore_mem>>)
    tpu.enqueue_dma source(%arg4 : memref<3456xi32, #tpu.memory_space<hbm>>) target(%arg11 : memref<3456xi32, #tpu.memory_space<vmem>>) target_semaphore(%arg14 : memref<!tpu.dma_semaphore, #tpu.memory_space<semaphore_mem>>)
    tpu.enqueue_dma source(%arg5 : memref<112xi32, #tpu.memory_space<hbm>>) target(%arg12 : memref<112xi32, #tpu.memory_space<vmem>>) target_semaphore(%arg14 : memref<!tpu.dma_semaphore, #tpu.memory_space<semaphore_mem>>)
    %dma_wait3A = arith.constant 0 : i32
    %dma_wait3A_10 = tpu.memref_slice %arg2[%mul3A_2, %dma_wait3A] : memref<128x100xf32, #tpu.memory_space<hbm>> -> memref<4x100xf32, #tpu.memory_space<hbm>>
    %dma_wait3A_11 = arith.constant 0 : i32
    %dma_wait3A_12 = tpu.memref_slice %arg2[%mul3A_2, %dma_wait3A_11] : memref<128x100xf32, #tpu.memory_space<hbm>> -> memref<4x100xf32, #tpu.memory_space<hbm>>
    tpu.wait_dma2 semaphore(%arg14 : memref<!tpu.dma_semaphore, #tpu.memory_space<semaphore_mem>>) src(%dma_wait3A_12 : memref<4x100xf32, #tpu.memory_space<hbm>>) dst(%arg7 : memref<4x100xf32, #tpu.memory_space<vmem>>)
    %dma_wait3A_13 = arith.constant 0 : i32
    %dma_wait3A_14 = tpu.memref_slice %arg3[%mul3A_2, %dma_wait3A_13] : memref<128x50xf32, #tpu.memory_space<hbm>> -> memref<4x50xf32, #tpu.memory_space<hbm>>
    %dma_wait3A_15 = arith.constant 0 : i32
    %dma_wait3A_16 = tpu.memref_slice %arg3[%mul3A_2, %dma_wait3A_15] : memref<128x50xf32, #tpu.memory_space<hbm>> -> memref<4x50xf32, #tpu.memory_space<hbm>>
    tpu.wait_dma2 semaphore(%arg14 : memref<!tpu.dma_semaphore, #tpu.memory_space<semaphore_mem>>) src(%dma_wait3A_16 : memref<4x50xf32, #tpu.memory_space<hbm>>) dst(%arg8 : memref<4x50xf32, #tpu.memory_space<vmem>>)
    tpu.wait_dma2 semaphore(%arg14 : memref<!tpu.dma_semaphore, #tpu.memory_space<semaphore_mem>>) src(%arg4 : memref<3456xi32, #tpu.memory_space<hbm>>) dst(%arg11 : memref<3456xi32, #tpu.memory_space<vmem>>)
    tpu.wait_dma2 semaphore(%arg14 : memref<!tpu.dma_semaphore, #tpu.memory_space<semaphore_mem>>) src(%arg5 : memref<112xi32, #tpu.memory_space<hbm>>) dst(%arg12 : memref<112xi32, #tpu.memory_space<vmem>>)
    %broadcast_in_dim3A = arith.constant 0.000000e+00 : f32
    %broadcast_in_dim3A_17 = vector.broadcast %broadcast_in_dim3A : f32 to vector<16xf32>
    %iota3A = tpu.iota {dimensions = array<i32: 0>} : vector<16xi32>
    %broadcast_in_dim3A_18 = arith.constant 0 : i32
    %broadcast_in_dim3A_19 = vector.broadcast %broadcast_in_dim3A_18 : i32 to vector<16xi32>
    %add3A_20 = arith.constant 0 : i32
    %add3A_21 = vector.broadcast %add3A_20 : i32 to vector<16xi32>
    %add3A_22 = arith.addi %broadcast_in_dim3A_19, %add3A_21 : vector<16xi32>
    %add3A_23 = arith.constant 0 : i32
    %add3A_24 = vector.broadcast %add3A_23 : i32 to vector<16xi32>
    %add3A_25 = arith.addi %iota3A, %add3A_24 : vector<16xi32>
    %min3A = arith.constant 99 : i32
    %min3A_26 = vector.broadcast %min3A : i32 to vector<16xi32>
    %min3A_27 = arith.minsi %add3A_25, %min3A_26 : vector<16xi32>
    %gather3A = tpu.vector_load_idx %arg7[%add3A_22, %min3A_27] : memref<4x100xf32, #tpu.memory_space<vmem>>[vector<16xi32>, vector<16xi32>], vector<16xf32>,
    %lt3A = arith.constant 100 : i32
    %lt3A_28 = vector.broadcast %lt3A : i32 to vector<16xi32>
    %lt3A_29 = arith.cmpi slt, %add3A_25, %lt3A_28 : vector<16xi32>
    %select_n3A = arith.select %lt3A_29, %gather3A, %broadcast_in_dim3A_17 : vector<16xi1>, vector<16xf32>
    %swap3A = arith.constant 0 : index
    %swap3A_30 = tpu.vector_load %arg9[%swap3A] {strides = array<i32>} : memref<448xf32, #tpu.memory_space<vmem>>, vector<16xf32>,
    tpu.vector_store %arg9[%swap3A], %select_n3A {strides = array<i32>} : memref<448xf32, #tpu.memory_space<vmem>>, vector<16xf32>,
    %add3A_31 = arith.constant 16 : i32
    %add3A_32 = vector.broadcast %add3A_31 : i32 to vector<16xi32>
    %add3A_33 = arith.addi %iota3A, %add3A_32 : vector<16xi32>
    %min3A_34 = arith.constant 99 : i32
    %min3A_35 = vector.broadcast %min3A_34 : i32 to vector<16xi32>
    %min3A_36 = arith.minsi %add3A_33, %min3A_35 : vector<16xi32>
    %gather3A_37 = tpu.vector_load_idx %arg7[%add3A_22, %min3A_36] : memref<4x100xf32, #tpu.memory_space<vmem>>[vector<16xi32>, vector<16xi32>], vector<16xf32>,
    %lt3A_38 = arith.constant 100 : i32
    %lt3A_39 = vector.broadcast %lt3A_38 : i32 to vector<16xi32>
    %lt3A_40 = arith.cmpi slt, %add3A_33, %lt3A_39 : vector<16xi32>
    %select_n3A_41 = arith.select %lt3A_40, %gather3A_37, %broadcast_in_dim3A_17 : vector<16xi1>, vector<16xf32>
    %swap3A_42 = arith.constant 16 : index
    %swap3A_43 = tpu.vector_load %arg9[%swap3A_42] {strides = array<i32>} : memref<448xf32, #tpu.memory_space<vmem>>, vector<16xf32>,
    tpu.vector_store %arg9[%swap3A_42], %select_n3A_41 {strides = array<i32>} : memref<448xf32, #tpu.memory_space<vmem>>, vector<16xf32>,
    %add3A_44 = arith.constant 32 : i32
    %add3A_45 = vector.broadcast %add3A_44 : i32 to vector<16xi32>
    %add3A_46 = arith.addi %iota3A, %add3A_45 : vector<16xi32>
    %min3A_47 = arith.constant 99 : i32
    %min3A_48 = vector.broadcast %min3A_47 : i32 to vector<16xi32>
    %min3A_49 = arith.minsi %add3A_46, %min3A_48 : vector<16xi32>
    %gather3A_50 = tpu.vector_load_idx %arg7[%add3A_22, %min3A_49] : memref<4x100xf32, #tpu.memory_space<vmem>>[vector<16xi32>, vector<16xi32>], vector<16xf32>,
    %lt3A_51 = arith.constant 100 : i32
    %lt3A_52 = vector.broadcast %lt3A_51 : i32 to vector<16xi32>
    %lt3A_53 = arith.cmpi slt, %add3A_46, %lt3A_52 : vector<16xi32>
    %select_n3A_54 = arith.select %lt3A_53, %gather3A_50, %broadcast_in_dim3A_17 : vector<16xi1>, vector<16xf32>
    %swap3A_55 = arith.constant 32 : index
    %swap3A_56 = tpu.vector_load %arg9[%swap3A_55] {strides = array<i32>} : memref<448xf32, #tpu.memory_space<vmem>>, vector<16xf32>,
    tpu.vector_store %arg9[%swap3A_55], %select_n3A_54 {strides = array<i32>} : memref<448xf32, #tpu.memory_space<vmem>>, vector<16xf32>,
    %add3A_57 = arith.constant 48 : i32
    %add3A_58 = vector.broadcast %add3A_57 : i32 to vector<16xi32>
    %add3A_59 = arith.addi %iota3A, %add3A_58 : vector<16xi32>
    %min3A_60 = arith.constant 99 : i32
    %min3A_61 = vector.broadcast %min3A_60 : i32 to vector<16xi32>
    %min3A_62 = arith.minsi %add3A_59, %min3A_61 : vector<16xi32>
    %gather3A_63 = tpu.vector_load_idx %arg7[%add3A_22, %min3A_62] : memref<4x100xf32, #tpu.memory_space<vmem>>[vector<16xi32>, vector<16xi32>], vector<16xf32>,
    %lt3A_64 = arith.constant 100 : i32
    %lt3A_65 = vector.broadcast %lt3A_64 : i32 to vector<16xi32>
    %lt3A_66 = arith.cmpi slt, %add3A_59, %lt3A_65 : vector<16xi32>
    %select_n3A_67 = arith.select %lt3A_66, %gather3A_63, %broadcast_in_dim3A_17 : vector<16xi1>, vector<16xf32>
    %swap3A_68 = arith.constant 48 : index
    %swap3A_69 = tpu.vector_load %arg9[%swap3A_68] {strides = array<i32>} : memref<448xf32, #tpu.memory_space<vmem>>, vector<16xf32>,
    tpu.vector_store %arg9[%swap3A_68], %select_n3A_67 {strides = array<i32>} : memref<448xf32, #tpu.memory_space<vmem>>, vector<16xf32>,
    %add3A_70 = arith.constant 64 : i32
    %add3A_71 = vector.broadcast %add3A_70 : i32 to vector<16xi32>
    %add3A_72 = arith.addi %iota3A, %add3A_71 : vector<16xi32>
    %min3A_73 = arith.constant 99 : i32
    %min3A_74 = vector.broadcast %min3A_73 : i32 to vector<16xi32>
    %min3A_75 = arith.minsi %add3A_72, %min3A_74 : vector<16xi32>
    %gather3A_76 = tpu.vector_load_idx %arg7[%add3A_22, %min3A_75] : memref<4x100xf32, #tpu.memory_space<vmem>>[vector<16xi32>, vector<16xi32>], vector<16xf32>,
    %lt3A_77 = arith.constant 100 : i32
    %lt3A_78 = vector.broadcast %lt3A_77 : i32 to vector<16xi32>
    %lt3A_79 = arith.cmpi slt, %add3A_72, %lt3A_78 : vector<16xi32>
    %select_n3A_80 = arith.select %lt3A_79, %gather3A_76, %broadcast_in_dim3A_17 : vector<16xi1>, vector<16xf32>
    %swap3A_81 = arith.constant 64 : index
    %swap3A_82 = tpu.vector_load %arg9[%swap3A_81] {strides = array<i32>} : memref<448xf32, #tpu.memory_space<vmem>>, vector<16xf32>,
    tpu.vector_store %arg9[%swap3A_81], %select_n3A_80 {strides = array<i32>} : memref<448xf32, #tpu.memory_space<vmem>>, vector<16xf32>,
    %add3A_83 = arith.constant 80 : i32
    %add3A_84 = vector.broadcast %add3A_83 : i32 to vector<16xi32>
    %add3A_85 = arith.addi %iota3A, %add3A_84 : vector<16xi32>
    %min3A_86 = arith.constant 99 : i32
    %min3A_87 = vector.broadcast %min3A_86 : i32 to vector<16xi32>
    %min3A_88 = arith.minsi %add3A_85, %min3A_87 : vector<16xi32>
    %gather3A_89 = tpu.vector_load_idx %arg7[%add3A_22, %min3A_88] : memref<4x100xf32, #tpu.memory_space<vmem>>[vector<16xi32>, vector<16xi32>], vector<16xf32>,
    %lt3A_90 = arith.constant 100 : i32
    %lt3A_91 = vector.broadcast %lt3A_90 : i32 to vector<16xi32>
    %lt3A_92 = arith.cmpi slt, %add3A_85, %lt3A_91 : vector<16xi32>
    %select_n3A_93 = arith.select %lt3A_92, %gather3A_89, %broadcast_in_dim3A_17 : vector<16xi1>, vector<16xf32>
    %swap3A_94 = arith.constant 80 : index
    %swap3A_95 = tpu.vector_load %arg9[%swap3A_94] {strides = array<i32>} : memref<448xf32, #tpu.memory_space<vmem>>, vector<16xf32>,
    tpu.vector_store %arg9[%swap3A_94], %select_n3A_93 {strides = array<i32>} : memref<448xf32, #tpu.memory_space<vmem>>, vector<16xf32>,
    %add3A_96 = arith.constant 96 : i32
    %add3A_97 = vector.broadcast %add3A_96 : i32 to vector<16xi32>
    %add3A_98 = arith.addi %iota3A, %add3A_97 : vector<16xi32>
    %min3A_99 = arith.constant 99 : i32
    %min3A_100 = vector.broadcast %min3A_99 : i32 to vector<16xi32>
    %min3A_101 = arith.minsi %add3A_98, %min3A_100 : vector<16xi32>
    %gather3A_102 = tpu.vector_load_idx %arg7[%add3A_22, %min3A_101] : memref<4x100xf32, #tpu.memory_space<vmem>>[vector<16xi32>, vector<16xi32>], vector<16xf32>,
    %lt3A_103 = arith.constant 100 : i32
    %lt3A_104 = vector.broadcast %lt3A_103 : i32 to vector<16xi32>
    %lt3A_105 = arith.cmpi slt, %add3A_98, %lt3A_104 : vector<16xi32>
    %select_n3A_106 = arith.select %lt3A_105, %gather3A_102, %broadcast_in_dim3A_17 : vector<16xi1>, vector<16xf32>
    %swap3A_107 = arith.constant 96 : index
    %swap3A_108 = tpu.vector_load %arg9[%swap3A_107] {strides = array<i32>} : memref<448xf32, #tpu.memory_space<vmem>>, vector<16xf32>,
    tpu.vector_store %arg9[%swap3A_107], %select_n3A_106 {strides = array<i32>} : memref<448xf32, #tpu.memory_space<vmem>>, vector<16xf32>,
    %add3A_109 = arith.constant 0 : i32
    %add3A_110 = vector.broadcast %add3A_109 : i32 to vector<16xi32>
    %add3A_111 = arith.addi %iota3A, %add3A_110 : vector<16xi32>
    %min3A_112 = arith.constant 49 : i32
    %min3A_113 = vector.broadcast %min3A_112 : i32 to vector<16xi32>
    %min3A_114 = arith.minsi %add3A_111, %min3A_113 : vector<16xi32>
    %gather3A_115 = tpu.vector_load_idx %arg8[%add3A_22, %min3A_114] : memref<4x50xf32, #tpu.memory_space<vmem>>[vector<16xi32>, vector<16xi32>], vector<16xf32>,
    %lt3A_116 = arith.constant 50 : i32
    %lt3A_117 = vector.broadcast %lt3A_116 : i32 to vector<16xi32>
    %lt3A_118 = arith.cmpi slt, %add3A_111, %lt3A_117 : vector<16xi32>
    %select_n3A_119 = arith.select %lt3A_118, %gather3A_115, %broadcast_in_dim3A_17 : vector<16xi1>, vector<16xf32>
    %swap3A_120 = arith.constant 0 : index
    %swap3A_121 = tpu.vector_load %arg10[%swap3A_120] {strides = array<i32>} : memref<256xf32, #tpu.memory_space<vmem>>, vector<16xf32>,
    tpu.vector_store %arg10[%swap3A_120], %select_n3A_119 {strides = array<i32>} : memref<256xf32, #tpu.memory_space<vmem>>, vector<16xf32>,
    %add3A_122 = arith.constant 16 : i32
    %add3A_123 = vector.broadcast %add3A_122 : i32 to vector<16xi32>
    %add3A_124 = arith.addi %iota3A, %add3A_123 : vector<16xi32>
    %min3A_125 = arith.constant 49 : i32
    %min3A_126 = vector.broadcast %min3A_125 : i32 to vector<16xi32>
    %min3A_127 = arith.minsi %add3A_124, %min3A_126 : vector<16xi32>
    %gather3A_128 = tpu.vector_load_idx %arg8[%add3A_22, %min3A_127] : memref<4x50xf32, #tpu.memory_space<vmem>>[vector<16xi32>, vector<16xi32>], vector<16xf32>,
    %lt3A_129 = arith.constant 50 : i32
    %lt3A_130 = vector.broadcast %lt3A_129 : i32 to vector<16xi32>
    %lt3A_131 = arith.cmpi slt, %add3A_124, %lt3A_130 : vector<16xi32>
    %select_n3A_132 = arith.select %lt3A_131, %gather3A_128, %broadcast_in_dim3A_17 : vector<16xi1>, vector<16xf32>
    %swap3A_133 = arith.constant 16 : index
    %swap3A_134 = tpu.vector_load %arg10[%swap3A_133] {strides = array<i32>} : memref<256xf32, #tpu.memory_space<vmem>>, vector<16xf32>,
    tpu.vector_store %arg10[%swap3A_133], %select_n3A_132 {strides = array<i32>} : memref<256xf32, #tpu.memory_space<vmem>>, vector<16xf32>,
    %add3A_135 = arith.constant 32 : i32
    %add3A_136 = vector.broadcast %add3A_135 : i32 to vector<16xi32>
    %add3A_137 = arith.addi %iota3A, %add3A_136 : vector<16xi32>
    %min3A_138 = arith.constant 49 : i32
    %min3A_139 = vector.broadcast %min3A_138 : i32 to vector<16xi32>
    %min3A_140 = arith.minsi %add3A_137, %min3A_139 : vector<16xi32>
    %gather3A_141 = tpu.vector_load_idx %arg8[%add3A_22, %min3A_140] : memref<4x50xf32, #tpu.memory_space<vmem>>[vector<16xi32>, vector<16xi32>], vector<16xf32>,
    %lt3A_142 = arith.constant 50 : i32
    %lt3A_143 = vector.broadcast %lt3A_142 : i32 to vector<16xi32>
    %lt3A_144 = arith.cmpi slt, %add3A_137, %lt3A_143 : vector<16xi32>
    %select_n3A_145 = arith.select %lt3A_144, %gather3A_141, %broadcast_in_dim3A_17 : vector<16xi1>, vector<16xf32>
    %swap3A_146 = arith.constant 32 : index
    %swap3A_147 = tpu.vector_load %arg10[%swap3A_146] {strides = array<i32>} : memref<256xf32, #tpu.memory_space<vmem>>, vector<16xf32>,
    tpu.vector_store %arg10[%swap3A_146], %select_n3A_145 {strides = array<i32>} : memref<256xf32, #tpu.memory_space<vmem>>, vector<16xf32>,
    %add3A_148 = arith.constant 48 : i32
    %add3A_149 = vector.broadcast %add3A_148 : i32 to vector<16xi32>
    %add3A_150 = arith.addi %iota3A, %add3A_149 : vector<16xi32>
    %min3A_151 = arith.constant 49 : i32
    %min3A_152 = vector.broadcast %min3A_151 : i32 to vector<16xi32>
    %min3A_153 = arith.minsi %add3A_150, %min3A_152 : vector<16xi32>
    %gather3A_154 = tpu.vector_load_idx %arg8[%add3A_22, %min3A_153] : memref<4x50xf32, #tpu.memory_space<vmem>>[vector<16xi32>, vector<16xi32>], vector<16xf32>,
    %lt3A_155 = arith.constant 50 : i32
    %lt3A_156 = vector.broadcast %lt3A_155 : i32 to vector<16xi32>
    %lt3A_157 = arith.cmpi slt, %add3A_150, %lt3A_156 : vector<16xi32>
    %select_n3A_158 = arith.select %lt3A_157, %gather3A_154, %broadcast_in_dim3A_17 : vector<16xi1>, vector<16xf32>
    %swap3A_159 = arith.constant 48 : index
    %swap3A_160 = tpu.vector_load %arg10[%swap3A_159] {strides = array<i32>} : memref<256xf32, #tpu.memory_space<vmem>>, vector<16xf32>,
    tpu.vector_store %arg10[%swap3A_159], %select_n3A_158 {strides = array<i32>} : memref<256xf32, #tpu.memory_space<vmem>>, vector<16xf32>,
    %broadcast_in_dim3A_161 = arith.constant 0 : i32
    %broadcast_in_dim3A_162 = vector.broadcast %broadcast_in_dim3A_161 : i32 to vector<16xi32>
    %add3A_163 = arith.constant 1 : i32
    %add3A_164 = vector.broadcast %add3A_163 : i32 to vector<16xi32>
    %add3A_165 = arith.addi %broadcast_in_dim3A_162, %add3A_164 : vector<16xi32>
    %add3A_166 = arith.constant 0 : i32
    %add3A_167 = vector.broadcast %add3A_166 : i32 to vector<16xi32>
    %add3A_168 = arith.addi %iota3A, %add3A_167 : vector<16xi32>
    %min3A_169 = arith.constant 99 : i32
    %min3A_170 = vector.broadcast %min3A_169 : i32 to vector<16xi32>
    %min3A_171 = arith.minsi %add3A_168, %min3A_170 : vector<16xi32>
    %gather3A_172 = tpu.vector_load_idx %arg7[%add3A_165, %min3A_171] : memref<4x100xf32, #tpu.memory_space<vmem>>[vector<16xi32>, vector<16xi32>], vector<16xf32>,
    %lt3A_173 = arith.constant 100 : i32
    %lt3A_174 = vector.broadcast %lt3A_173 : i32 to vector<16xi32>
    %lt3A_175 = arith.cmpi slt, %add3A_168, %lt3A_174 : vector<16xi32>
    %select_n3A_176 = arith.select %lt3A_175, %gather3A_172, %broadcast_in_dim3A_17 : vector<16xi1>, vector<16xf32>
    %swap3A_177 = arith.constant 112 : index
    %swap3A_178 = tpu.vector_load %arg9[%swap3A_177] {strides = array<i32>} : memref<448xf32, #tpu.memory_space<vmem>>, vector<16xf32>,
    tpu.vector_store %arg9[%swap3A_177], %select_n3A_176 {strides = array<i32>} : memref<448xf32, #tpu.memory_space<vmem>>, vector<16xf32>,
    %add3A_179 = arith.constant 16 : i32
    %add3A_180 = vector.broadcast %add3A_179 : i32 to vector<16xi32>
    %add3A_181 = arith.addi %iota3A, %add3A_180 : vector<16xi32>
    %min3A_182 = arith.constant 99 : i32
    %min3A_183 = vector.broadcast %min3A_182 : i32 to vector<16xi32>
    %min3A_184 = arith.minsi %add3A_181, %min3A_183 : vector<16xi32>
    %gather3A_185 = tpu.vector_load_idx %arg7[%add3A_165, %min3A_184] : memref<4x100xf32, #tpu.memory_space<vmem>>[vector<16xi32>, vector<16xi32>], vector<16xf32>,
    %lt3A_186 = arith.constant 100 : i32
    %lt3A_187 = vector.broadcast %lt3A_186 : i32 to vector<16xi32>
    %lt3A_188 = arith.cmpi slt, %add3A_181, %lt3A_187 : vector<16xi32>
    %select_n3A_189 = arith.select %lt3A_188, %gather3A_185, %broadcast_in_dim3A_17 : vector<16xi1>, vector<16xf32>
    %swap3A_190 = arith.constant 128 : index
    %swap3A_191 = tpu.vector_load %arg9[%swap3A_190] {strides = array<i32>} : memref<448xf32, #tpu.memory_space<vmem>>, vector<16xf32>,
    tpu.vector_store %arg9[%swap3A_190], %select_n3A_189 {strides = array<i32>} : memref<448xf32, #tpu.memory_space<vmem>>, vector<16xf32>,
    %add3A_192 = arith.constant 32 : i32
    %add3A_193 = vector.broadcast %add3A_192 : i32 to vector<16xi32>
    %add3A_194 = arith.addi %iota3A, %add3A_193 : vector<16xi32>
    %min3A_195 = arith.constant 99 : i32
    %min3A_196 = vector.broadcast %min3A_195 : i32 to vector<16xi32>
    %min3A_197 = arith.minsi %add3A_194, %min3A_196 : vector<16xi32>
    %gather3A_198 = tpu.vector_load_idx %arg7[%add3A_165, %min3A_197] : memref<4x100xf32, #tpu.memory_space<vmem>>[vector<16xi32>, vector<16xi32>], vector<16xf32>,
    %lt3A_199 = arith.constant 100 : i32
    %lt3A_200 = vector.broadcast %lt3A_199 : i32 to vector<16xi32>
    %lt3A_201 = arith.cmpi slt, %add3A_194, %lt3A_200 : vector<16xi32>
    %select_n3A_202 = arith.select %lt3A_201, %gather3A_198, %broadcast_in_dim3A_17 : vector<16xi1>, vector<16xf32>
    %swap3A_203 = arith.constant 144 : index
    %swap3A_204 = tpu.vector_load %arg9[%swap3A_203] {strides = array<i32>} : memref<448xf32, #tpu.memory_space<vmem>>, vector<16xf32>,
    tpu.vector_store %arg9[%swap3A_203], %select_n3A_202 {strides = array<i32>} : memref<448xf32, #tpu.memory_space<vmem>>, vector<16xf32>,
    %add3A_205 = arith.constant 48 : i32
    %add3A_206 = vector.broadcast %add3A_205 : i32 to vector<16xi32>
    %add3A_207 = arith.addi %iota3A, %add3A_206 : vector<16xi32>
    %min3A_208 = arith.constant 99 : i32
    %min3A_209 = vector.broadcast %min3A_208 : i32 to vector<16xi32>
    %min3A_210 = arith.minsi %add3A_207, %min3A_209 : vector<16xi32>
    %gather3A_211 = tpu.vector_load_idx %arg7[%add3A_165, %min3A_210] : memref<4x100xf32, #tpu.memory_space<vmem>>[vector<16xi32>, vector<16xi32>], vector<16xf32>,
    %lt3A_212 = arith.constant 100 : i32
    %lt3A_213 = vector.broadcast %lt3A_212 : i32 to vector<16xi32>
    %lt3A_214 = arith.cmpi slt, %add3A_207, %lt3A_213 : vector<16xi32>
    %select_n3A_215 = arith.select %lt3A_214, %gather3A_211, %broadcast_in_dim3A_17 : vector<16xi1>, vector<16xf32>
    %swap3A_216 = arith.constant 160 : index
    %swap3A_217 = tpu.vector_load %arg9[%swap3A_216] {strides = array<i32>} : memref<448xf32, #tpu.memory_space<vmem>>, vector<16xf32>,
    tpu.vector_store %arg9[%swap3A_216], %select_n3A_215 {strides = array<i32>} : memref<448xf32, #tpu.memory_space<vmem>>, vector<16xf32>,
    %add3A_218 = arith.constant 64 : i32
    %add3A_219 = vector.broadcast %add3A_218 : i32 to vector<16xi32>
    %add3A_220 = arith.addi %iota3A, %add3A_219 : vector<16xi32>
    %min3A_221 = arith.constant 99 : i32
    %min3A_222 = vector.broadcast %min3A_221 : i32 to vector<16xi32>
    %min3A_223 = arith.minsi %add3A_220, %min3A_222 : vector<16xi32>
    %gather3A_224 = tpu.vector_load_idx %arg7[%add3A_165, %min3A_223] : memref<4x100xf32, #tpu.memory_space<vmem>>[vector<16xi32>, vector<16xi32>], vector<16xf32>,
    %lt3A_225 = arith.constant 100 : i32
    %lt3A_226 = vector.broadcast %lt3A_225 : i32 to vector<16xi32>
    %lt3A_227 = arith.cmpi slt, %add3A_220, %lt3A_226 : vector<16xi32>
    %select_n3A_228 = arith.select %lt3A_227, %gather3A_224, %broadcast_in_dim3A_17 : vector<16xi1>, vector<16xf32>
    %swap3A_229 = arith.constant 176 : index
    %swap3A_230 = tpu.vector_load %arg9[%swap3A_229] {strides = array<i32>} : memref<448xf32, #tpu.memory_space<vmem>>, vector<16xf32>,
    tpu.vector_store %arg9[%swap3A_229], %select_n3A_228 {strides = array<i32>} : memref<448xf32, #tpu.memory_space<vmem>>, vector<16xf32>,
    %add3A_231 = arith.constant 80 : i32
    %add3A_232 = vector.broadcast %add3A_231 : i32 to vector<16xi32>
    %add3A_233 = arith.addi %iota3A, %add3A_232 : vector<16xi32>
    %min3A_234 = arith.constant 99 : i32
    %min3A_235 = vector.broadcast %min3A_234 : i32 to vector<16xi32>
    %min3A_236 = arith.minsi %add3A_233, %min3A_235 : vector<16xi32>
    %gather3A_237 = tpu.vector_load_idx %arg7[%add3A_165, %min3A_236] : memref<4x100xf32, #tpu.memory_space<vmem>>[vector<16xi32>, vector<16xi32>], vector<16xf32>,
    %lt3A_238 = arith.constant 100 : i32
    %lt3A_239 = vector.broadcast %lt3A_238 : i32 to vector<16xi32>
    %lt3A_240 = arith.cmpi slt, %add3A_233, %lt3A_239 : vector<16xi32>
    %select_n3A_241 = arith.select %lt3A_240, %gather3A_237, %broadcast_in_dim3A_17 : vector<16xi1>, vector<16xf32>
    %swap3A_242 = arith.constant 192 : index
    %swap3A_243 = tpu.vector_load %arg9[%swap3A_242] {strides = array<i32>} : memref<448xf32, #tpu.memory_space<vmem>>, vector<16xf32>,
    tpu.vector_store %arg9[%swap3A_242], %select_n3A_241 {strides = array<i32>} : memref<448xf32, #tpu.memory_space<vmem>>, vector<16xf32>,
    %add3A_244 = arith.constant 96 : i32
    %add3A_245 = vector.broadcast %add3A_244 : i32 to vector<16xi32>
    %add3A_246 = arith.addi %iota3A, %add3A_245 : vector<16xi32>
    %min3A_247 = arith.constant 99 : i32
    %min3A_248 = vector.broadcast %min3A_247 : i32 to vector<16xi32>
    %min3A_249 = arith.minsi %add3A_246, %min3A_248 : vector<16xi32>
    %gather3A_250 = tpu.vector_load_idx %arg7[%add3A_165, %min3A_249] : memref<4x100xf32, #tpu.memory_space<vmem>>[vector<16xi32>, vector<16xi32>], vector<16xf32>,
    %lt3A_251 = arith.constant 100 : i32
    %lt3A_252 = vector.broadcast %lt3A_251 : i32 to vector<16xi32>
    %lt3A_253 = arith.cmpi slt, %add3A_246, %lt3A_252 : vector<16xi32>
    %select_n3A_254 = arith.select %lt3A_253, %gather3A_250, %broadcast_in_dim3A_17 : vector<16xi1>, vector<16xf32>
    %swap3A_255 = arith.constant 208 : index
    %swap3A_256 = tpu.vector_load %arg9[%swap3A_255] {strides = array<i32>} : memref<448xf32, #tpu.memory_space<vmem>>, vector<16xf32>,
    tpu.vector_store %arg9[%swap3A_255], %select_n3A_254 {strides = array<i32>} : memref<448xf32, #tpu.memory_space<vmem>>, vector<16xf32>,
    %add3A_257 = arith.constant 0 : i32
    %add3A_258 = vector.broadcast %add3A_257 : i32 to vector<16xi32>
    %add3A_259 = arith.addi %iota3A, %add3A_258 : vector<16xi32>
    %min3A_260 = arith.constant 49 : i32
    %min3A_261 = vector.broadcast %min3A_260 : i32 to vector<16xi32>
    %min3A_262 = arith.minsi %add3A_259, %min3A_261 : vector<16xi32>
    %gather3A_263 = tpu.vector_load_idx %arg8[%add3A_165, %min3A_262] : memref<4x50xf32, #tpu.memory_space<vmem>>[vector<16xi32>, vector<16xi32>], vector<16xf32>,
    %lt3A_264 = arith.constant 50 : i32
    %lt3A_265 = vector.broadcast %lt3A_264 : i32 to vector<16xi32>
    %lt3A_266 = arith.cmpi slt, %add3A_259, %lt3A_265 : vector<16xi32>
    %select_n3A_267 = arith.select %lt3A_266, %gather3A_263, %broadcast_in_dim3A_17 : vector<16xi1>, vector<16xf32>
    %swap3A_268 = arith.constant 64 : index
    %swap3A_269 = tpu.vector_load %arg10[%swap3A_268] {strides = array<i32>} : memref<256xf32, #tpu.memory_space<vmem>>, vector<16xf32>,
    tpu.vector_store %arg10[%swap3A_268], %select_n3A_267 {strides = array<i32>} : memref<256xf32, #tpu.memory_space<vmem>>, vector<16xf32>,
    %add3A_270 = arith.constant 16 : i32
    %add3A_271 = vector.broadcast %add3A_270 : i32 to vector<16xi32>
    %add3A_272 = arith.addi %iota3A, %add3A_271 : vector<16xi32>
    %min3A_273 = arith.constant 49 : i32
    %min3A_274 = vector.broadcast %min3A_273 : i32 to vector<16xi32>
    %min3A_275 = arith.minsi %add3A_272, %min3A_274 : vector<16xi32>
    %gather3A_276 = tpu.vector_load_idx %arg8[%add3A_165, %min3A_275] : memref<4x50xf32, #tpu.memory_space<vmem>>[vector<16xi32>, vector<16xi32>], vector<16xf32>,
    %lt3A_277 = arith.constant 50 : i32
    %lt3A_278 = vector.broadcast %lt3A_277 : i32 to vector<16xi32>
    %lt3A_279 = arith.cmpi slt, %add3A_272, %lt3A_278 : vector<16xi32>
    %select_n3A_280 = arith.select %lt3A_279, %gather3A_276, %broadcast_in_dim3A_17 : vector<16xi1>, vector<16xf32>
    %swap3A_281 = arith.constant 80 : index
    %swap3A_282 = tpu.vector_load %arg10[%swap3A_281] {strides = array<i32>} : memref<256xf32, #tpu.memory_space<vmem>>, vector<16xf32>,
    tpu.vector_store %arg10[%swap3A_281], %select_n3A_280 {strides = array<i32>} : memref<256xf32, #tpu.memory_space<vmem>>, vector<16xf32>,
    %add3A_283 = arith.constant 32 : i32
    %add3A_284 = vector.broadcast %add3A_283 : i32 to vector<16xi32>
    %add3A_285 = arith.addi %iota3A, %add3A_284 : vector<16xi32>
    %min3A_286 = arith.constant 49 : i32
    %min3A_287 = vector.broadcast %min3A_286 : i32 to vector<16xi32>
    %min3A_288 = arith.minsi %add3A_285, %min3A_287 : vector<16xi32>
    %gather3A_289 = tpu.vector_load_idx %arg8[%add3A_165, %min3A_288] : memref<4x50xf32, #tpu.memory_space<vmem>>[vector<16xi32>, vector<16xi32>], vector<16xf32>,
    %lt3A_290 = arith.constant 50 : i32
    %lt3A_291 = vector.broadcast %lt3A_290 : i32 to vector<16xi32>
    %lt3A_292 = arith.cmpi slt, %add3A_285, %lt3A_291 : vector<16xi32>
    %select_n3A_293 = arith.select %lt3A_292, %gather3A_289, %broadcast_in_dim3A_17 : vector<16xi1>, vector<16xf32>
    %swap3A_294 = arith.constant 96 : index
    %swap3A_295 = tpu.vector_load %arg10[%swap3A_294] {strides = array<i32>} : memref<256xf32, #tpu.memory_space<vmem>>, vector<16xf32>,
    tpu.vector_store %arg10[%swap3A_294], %select_n3A_293 {strides = array<i32>} : memref<256xf32, #tpu.memory_space<vmem>>, vector<16xf32>,
    %add3A_296 = arith.constant 48 : i32
    %add3A_297 = vector.broadcast %add3A_296 : i32 to vector<16xi32>
    %add3A_298 = arith.addi %iota3A, %add3A_297 : vector<16xi32>
    %min3A_299 = arith.constant 49 : i32
    %min3A_300 = vector.broadcast %min3A_299 : i32 to vector<16xi32>
    %min3A_301 = arith.minsi %add3A_298, %min3A_300 : vector<16xi32>
    %gather3A_302 = tpu.vector_load_idx %arg8[%add3A_165, %min3A_301] : memref<4x50xf32, #tpu.memory_space<vmem>>[vector<16xi32>, vector<16xi32>], vector<16xf32>,
    %lt3A_303 = arith.constant 50 : i32
    %lt3A_304 = vector.broadcast %lt3A_303 : i32 to vector<16xi32>
    %lt3A_305 = arith.cmpi slt, %add3A_298, %lt3A_304 : vector<16xi32>
    %select_n3A_306 = arith.select %lt3A_305, %gather3A_302, %broadcast_in_dim3A_17 : vector<16xi1>, vector<16xf32>
    %swap3A_307 = arith.constant 112 : index
    %swap3A_308 = tpu.vector_load %arg10[%swap3A_307] {strides = array<i32>} : memref<256xf32, #tpu.memory_space<vmem>>, vector<16xf32>,
    tpu.vector_store %arg10[%swap3A_307], %select_n3A_306 {strides = array<i32>} : memref<256xf32, #tpu.memory_space<vmem>>, vector<16xf32>,
    %broadcast_in_dim3A_309 = arith.constant 0 : i32
    %broadcast_in_dim3A_310 = vector.broadcast %broadcast_in_dim3A_309 : i32 to vector<16xi32>
    %add3A_311 = arith.constant 2 : i32
    %add3A_312 = vector.broadcast %add3A_311 : i32 to vector<16xi32>
    %add3A_313 = arith.addi %broadcast_in_dim3A_310, %add3A_312 : vector<16xi32>
    %add3A_314 = arith.constant 0 : i32
    %add3A_315 = vector.broadcast %add3A_314 : i32 to vector<16xi32>
    %add3A_316 = arith.addi %iota3A, %add3A_315 : vector<16xi32>
    %min3A_317 = arith.constant 99 : i32
    %min3A_318 = vector.broadcast %min3A_317 : i32 to vector<16xi32>
    %min3A_319 = arith.minsi %add3A_316, %min3A_318 : vector<16xi32>
    %gather3A_320 = tpu.vector_load_idx %arg7[%add3A_313, %min3A_319] : memref<4x100xf32, #tpu.memory_space<vmem>>[vector<16xi32>, vector<16xi32>], vector<16xf32>,
    %lt3A_321 = arith.constant 100 : i32
    %lt3A_322 = vector.broadcast %lt3A_321 : i32 to vector<16xi32>
    %lt3A_323 = arith.cmpi slt, %add3A_316, %lt3A_322 : vector<16xi32>
    %select_n3A_324 = arith.select %lt3A_323, %gather3A_320, %broadcast_in_dim3A_17 : vector<16xi1>, vector<16xf32>
    %swap3A_325 = arith.constant 224 : index
    %swap3A_326 = tpu.vector_load %arg9[%swap3A_325] {strides = array<i32>} : memref<448xf32, #tpu.memory_space<vmem>>, vector<16xf32>,
    tpu.vector_store %arg9[%swap3A_325], %select_n3A_324 {strides = array<i32>} : memref<448xf32, #tpu.memory_space<vmem>>, vector<16xf32>,
    %add3A_327 = arith.constant 16 : i32
    %add3A_328 = vector.broadcast %add3A_327 : i32 to vector<16xi32>
    %add3A_329 = arith.addi %iota3A, %add3A_328 : vector<16xi32>
    %min3A_330 = arith.constant 99 : i32
    %min3A_331 = vector.broadcast %min3A_330 : i32 to vector<16xi32>
    %min3A_332 = arith.minsi %add3A_329, %min3A_331 : vector<16xi32>
    %gather3A_333 = tpu.vector_load_idx %arg7[%add3A_313, %min3A_332] : memref<4x100xf32, #tpu.memory_space<vmem>>[vector<16xi32>, vector<16xi32>], vector<16xf32>,
    %lt3A_334 = arith.constant 100 : i32
    %lt3A_335 = vector.broadcast %lt3A_334 : i32 to vector<16xi32>
    %lt3A_336 = arith.cmpi slt, %add3A_329, %lt3A_335 : vector<16xi32>
    %select_n3A_337 = arith.select %lt3A_336, %gather3A_333, %broadcast_in_dim3A_17 : vector<16xi1>, vector<16xf32>
    %swap3A_338 = arith.constant 240 : index
    %swap3A_339 = tpu.vector_load %arg9[%swap3A_338] {strides = array<i32>} : memref<448xf32, #tpu.memory_space<vmem>>, vector<16xf32>,
    tpu.vector_store %arg9[%swap3A_338], %select_n3A_337 {strides = array<i32>} : memref<448xf32, #tpu.memory_space<vmem>>, vector<16xf32>,
    %add3A_340 = arith.constant 32 : i32
    %add3A_341 = vector.broadcast %add3A_340 : i32 to vector<16xi32>
    %add3A_342 = arith.addi %iota3A, %add3A_341 : vector<16xi32>
    %min3A_343 = arith.constant 99 : i32
    %min3A_344 = vector.broadcast %min3A_343 : i32 to vector<16xi32>
    %min3A_345 = arith.minsi %add3A_342, %min3A_344 : vector<16xi32>
    %gather3A_346 = tpu.vector_load_idx %arg7[%add3A_313, %min3A_345] : memref<4x100xf32, #tpu.memory_space<vmem>>[vector<16xi32>, vector<16xi32>], vector<16xf32>,
    %lt3A_347 = arith.constant 100 : i32
    %lt3A_348 = vector.broadcast %lt3A_347 : i32 to vector<16xi32>
    %lt3A_349 = arith.cmpi slt, %add3A_342, %lt3A_348 : vector<16xi32>
    %select_n3A_350 = arith.select %lt3A_349, %gather3A_346, %broadcast_in_dim3A_17 : vector<16xi1>, vector<16xf32>
    %swap3A_351 = arith.constant 256 : index
    %swap3A_352 = tpu.vector_load %arg9[%swap3A_351] {strides = array<i32>} : memref<448xf32, #tpu.memory_space<vmem>>, vector<16xf32>,
    tpu.vector_store %arg9[%swap3A_351], %select_n3A_350 {strides = array<i32>} : memref<448xf32, #tpu.memory_space<vmem>>, vector<16xf32>,
    %add3A_353 = arith.constant 48 : i32
    %add3A_354 = vector.broadcast %add3A_353 : i32 to vector<16xi32>
    %add3A_355 = arith.addi %iota3A, %add3A_354 : vector<16xi32>
    %min3A_356 = arith.constant 99 : i32
    %min3A_357 = vector.broadcast %min3A_356 : i32 to vector<16xi32>
    %min3A_358 = arith.minsi %add3A_355, %min3A_357 : vector<16xi32>
    %gather3A_359 = tpu.vector_load_idx %arg7[%add3A_313, %min3A_358] : memref<4x100xf32, #tpu.memory_space<vmem>>[vector<16xi32>, vector<16xi32>], vector<16xf32>,
    %lt3A_360 = arith.constant 100 : i32
    %lt3A_361 = vector.broadcast %lt3A_360 : i32 to vector<16xi32>
    %lt3A_362 = arith.cmpi slt, %add3A_355, %lt3A_361 : vector<16xi32>
    %select_n3A_363 = arith.select %lt3A_362, %gather3A_359, %broadcast_in_dim3A_17 : vector<16xi1>, vector<16xf32>
    %swap3A_364 = arith.constant 272 : index
    %swap3A_365 = tpu.vector_load %arg9[%swap3A_364] {strides = array<i32>} : memref<448xf32, #tpu.memory_space<vmem>>, vector<16xf32>,
    tpu.vector_store %arg9[%swap3A_364], %select_n3A_363 {strides = array<i32>} : memref<448xf32, #tpu.memory_space<vmem>>, vector<16xf32>,
    %add3A_366 = arith.constant 64 : i32
    %add3A_367 = vector.broadcast %add3A_366 : i32 to vector<16xi32>
    %add3A_368 = arith.addi %iota3A, %add3A_367 : vector<16xi32>
    %min3A_369 = arith.constant 99 : i32
    %min3A_370 = vector.broadcast %min3A_369 : i32 to vector<16xi32>
    %min3A_371 = arith.minsi %add3A_368, %min3A_370 : vector<16xi32>
    %gather3A_372 = tpu.vector_load_idx %arg7[%add3A_313, %min3A_371] : memref<4x100xf32, #tpu.memory_space<vmem>>[vector<16xi32>, vector<16xi32>], vector<16xf32>,
    %lt3A_373 = arith.constant 100 : i32
    %lt3A_374 = vector.broadcast %lt3A_373 : i32 to vector<16xi32>
    %lt3A_375 = arith.cmpi slt, %add3A_368, %lt3A_374 : vector<16xi32>
    %select_n3A_376 = arith.select %lt3A_375, %gather3A_372, %broadcast_in_dim3A_17 : vector<16xi1>, vector<16xf32>
    %swap3A_377 = arith.constant 288 : index
    %swap3A_378 = tpu.vector_load %arg9[%swap3A_377] {strides = array<i32>} : memref<448xf32, #tpu.memory_space<vmem>>, vector<16xf32>,
    tpu.vector_store %arg9[%swap3A_377], %select_n3A_376 {strides = array<i32>} : memref<448xf32, #tpu.memory_space<vmem>>, vector<16xf32>,
    %add3A_379 = arith.constant 80 : i32
    %add3A_380 = vector.broadcast %add3A_379 : i32 to vector<16xi32>
    %add3A_381 = arith.addi %iota3A, %add3A_380 : vector<16xi32>
    %min3A_382 = arith.constant 99 : i32
    %min3A_383 = vector.broadcast %min3A_382 : i32 to vector<16xi32>
    %min3A_384 = arith.minsi %add3A_381, %min3A_383 : vector<16xi32>
    %gather3A_385 = tpu.vector_load_idx %arg7[%add3A_313, %min3A_384] : memref<4x100xf32, #tpu.memory_space<vmem>>[vector<16xi32>, vector<16xi32>], vector<16xf32>,
    %lt3A_386 = arith.constant 100 : i32
    %lt3A_387 = vector.broadcast %lt3A_386 : i32 to vector<16xi32>
    %lt3A_388 = arith.cmpi slt, %add3A_381, %lt3A_387 : vector<16xi32>
    %select_n3A_389 = arith.select %lt3A_388, %gather3A_385, %broadcast_in_dim3A_17 : vector<16xi1>, vector<16xf32>
    %swap3A_390 = arith.constant 304 : index
    %swap3A_391 = tpu.vector_load %arg9[%swap3A_390] {strides = array<i32>} : memref<448xf32, #tpu.memory_space<vmem>>, vector<16xf32>,
    tpu.vector_store %arg9[%swap3A_390], %select_n3A_389 {strides = array<i32>} : memref<448xf32, #tpu.memory_space<vmem>>, vector<16xf32>,
    %add3A_392 = arith.constant 96 : i32
    %add3A_393 = vector.broadcast %add3A_392 : i32 to vector<16xi32>
    %add3A_394 = arith.addi %iota3A, %add3A_393 : vector<16xi32>
    %min3A_395 = arith.constant 99 : i32
    %min3A_396 = vector.broadcast %min3A_395 : i32 to vector<16xi32>
    %min3A_397 = arith.minsi %add3A_394, %min3A_396 : vector<16xi32>
    %gather3A_398 = tpu.vector_load_idx %arg7[%add3A_313, %min3A_397] : memref<4x100xf32, #tpu.memory_space<vmem>>[vector<16xi32>, vector<16xi32>], vector<16xf32>,
    %lt3A_399 = arith.constant 100 : i32
    %lt3A_400 = vector.broadcast %lt3A_399 : i32 to vector<16xi32>
    %lt3A_401 = arith.cmpi slt, %add3A_394, %lt3A_400 : vector<16xi32>
    %select_n3A_402 = arith.select %lt3A_401, %gather3A_398, %broadcast_in_dim3A_17 : vector<16xi1>, vector<16xf32>
    %swap3A_403 = arith.constant 320 : index
    %swap3A_404 = tpu.vector_load %arg9[%swap3A_403] {strides = array<i32>} : memref<448xf32, #tpu.memory_space<vmem>>, vector<16xf32>,
    tpu.vector_store %arg9[%swap3A_403], %select_n3A_402 {strides = array<i32>} : memref<448xf32, #tpu.memory_space<vmem>>, vector<16xf32>,
    %add3A_405 = arith.constant 0 : i32
    %add3A_406 = vector.broadcast %add3A_405 : i32 to vector<16xi32>
    %add3A_407 = arith.addi %iota3A, %add3A_406 : vector<16xi32>
    %min3A_408 = arith.constant 49 : i32
    %min3A_409 = vector.broadcast %min3A_408 : i32 to vector<16xi32>
    %min3A_410 = arith.minsi %add3A_407, %min3A_409 : vector<16xi32>
    %gather3A_411 = tpu.vector_load_idx %arg8[%add3A_313, %min3A_410] : memref<4x50xf32, #tpu.memory_space<vmem>>[vector<16xi32>, vector<16xi32>], vector<16xf32>,
    %lt3A_412 = arith.constant 50 : i32
    %lt3A_413 = vector.broadcast %lt3A_412 : i32 to vector<16xi32>
    %lt3A_414 = arith.cmpi slt, %add3A_407, %lt3A_413 : vector<16xi32>
    %select_n3A_415 = arith.select %lt3A_414, %gather3A_411, %broadcast_in_dim3A_17 : vector<16xi1>, vector<16xf32>
    %swap3A_416 = arith.constant 128 : index
    %swap3A_417 = tpu.vector_load %arg10[%swap3A_416] {strides = array<i32>} : memref<256xf32, #tpu.memory_space<vmem>>, vector<16xf32>,
    tpu.vector_store %arg10[%swap3A_416], %select_n3A_415 {strides = array<i32>} : memref<256xf32, #tpu.memory_space<vmem>>, vector<16xf32>,
    %add3A_418 = arith.constant 16 : i32
    %add3A_419 = vector.broadcast %add3A_418 : i32 to vector<16xi32>
    %add3A_420 = arith.addi %iota3A, %add3A_419 : vector<16xi32>
    %min3A_421 = arith.constant 49 : i32
    %min3A_422 = vector.broadcast %min3A_421 : i32 to vector<16xi32>
    %min3A_423 = arith.minsi %add3A_420, %min3A_422 : vector<16xi32>
    %gather3A_424 = tpu.vector_load_idx %arg8[%add3A_313, %min3A_423] : memref<4x50xf32, #tpu.memory_space<vmem>>[vector<16xi32>, vector<16xi32>], vector<16xf32>,
    %lt3A_425 = arith.constant 50 : i32
    %lt3A_426 = vector.broadcast %lt3A_425 : i32 to vector<16xi32>
    %lt3A_427 = arith.cmpi slt, %add3A_420, %lt3A_426 : vector<16xi32>
    %select_n3A_428 = arith.select %lt3A_427, %gather3A_424, %broadcast_in_dim3A_17 : vector<16xi1>, vector<16xf32>
    %swap3A_429 = arith.constant 144 : index
    %swap3A_430 = tpu.vector_load %arg10[%swap3A_429] {strides = array<i32>} : memref<256xf32, #tpu.memory_space<vmem>>, vector<16xf32>,
    tpu.vector_store %arg10[%swap3A_429], %select_n3A_428 {strides = array<i32>} : memref<256xf32, #tpu.memory_space<vmem>>, vector<16xf32>,
    %add3A_431 = arith.constant 32 : i32
    %add3A_432 = vector.broadcast %add3A_431 : i32 to vector<16xi32>
    %add3A_433 = arith.addi %iota3A, %add3A_432 : vector<16xi32>
    %min3A_434 = arith.constant 49 : i32
    %min3A_435 = vector.broadcast %min3A_434 : i32 to vector<16xi32>
    %min3A_436 = arith.minsi %add3A_433, %min3A_435 : vector<16xi32>
    %gather3A_437 = tpu.vector_load_idx %arg8[%add3A_313, %min3A_436] : memref<4x50xf32, #tpu.memory_space<vmem>>[vector<16xi32>, vector<16xi32>], vector<16xf32>,
    %lt3A_438 = arith.constant 50 : i32
    %lt3A_439 = vector.broadcast %lt3A_438 : i32 to vector<16xi32>
    %lt3A_440 = arith.cmpi slt, %add3A_433, %lt3A_439 : vector<16xi32>
    %select_n3A_441 = arith.select %lt3A_440, %gather3A_437, %broadcast_in_dim3A_17 : vector<16xi1>, vector<16xf32>
    %swap3A_442 = arith.constant 160 : index
    %swap3A_443 = tpu.vector_load %arg10[%swap3A_442] {strides = array<i32>} : memref<256xf32, #tpu.memory_space<vmem>>, vector<16xf32>,
    tpu.vector_store %arg10[%swap3A_442], %select_n3A_441 {strides = array<i32>} : memref<256xf32, #tpu.memory_space<vmem>>, vector<16xf32>,
    %add3A_444 = arith.constant 48 : i32
    %add3A_445 = vector.broadcast %add3A_444 : i32 to vector<16xi32>
    %add3A_446 = arith.addi %iota3A, %add3A_445 : vector<16xi32>
    %min3A_447 = arith.constant 49 : i32
    %min3A_448 = vector.broadcast %min3A_447 : i32 to vector<16xi32>
    %min3A_449 = arith.minsi %add3A_446, %min3A_448 : vector<16xi32>
    %gather3A_450 = tpu.vector_load_idx %arg8[%add3A_313, %min3A_449] : memref<4x50xf32, #tpu.memory_space<vmem>>[vector<16xi32>, vector<16xi32>], vector<16xf32>,
    %lt3A_451 = arith.constant 50 : i32
    %lt3A_452 = vector.broadcast %lt3A_451 : i32 to vector<16xi32>
    %lt3A_453 = arith.cmpi slt, %add3A_446, %lt3A_452 : vector<16xi32>
    %select_n3A_454 = arith.select %lt3A_453, %gather3A_450, %broadcast_in_dim3A_17 : vector<16xi1>, vector<16xf32>
    %swap3A_455 = arith.constant 176 : index
    %swap3A_456 = tpu.vector_load %arg10[%swap3A_455] {strides = array<i32>} : memref<256xf32, #tpu.memory_space<vmem>>, vector<16xf32>,
    tpu.vector_store %arg10[%swap3A_455], %select_n3A_454 {strides = array<i32>} : memref<256xf32, #tpu.memory_space<vmem>>, vector<16xf32>,
    %broadcast_in_dim3A_457 = arith.constant 0 : i32
    %broadcast_in_dim3A_458 = vector.broadcast %broadcast_in_dim3A_457 : i32 to vector<16xi32>
    %add3A_459 = arith.constant 3 : i32
    %add3A_460 = vector.broadcast %add3A_459 : i32 to vector<16xi32>
    %add3A_461 = arith.addi %broadcast_in_dim3A_458, %add3A_460 : vector<16xi32>
    %add3A_462 = arith.constant 0 : i32
    %add3A_463 = vector.broadcast %add3A_462 : i32 to vector<16xi32>
    %add3A_464 = arith.addi %iota3A, %add3A_463 : vector<16xi32>
    %min3A_465 = arith.constant 99 : i32
    %min3A_466 = vector.broadcast %min3A_465 : i32 to vector<16xi32>
    %min3A_467 = arith.minsi %add3A_464, %min3A_466 : vector<16xi32>
    %gather3A_468 = tpu.vector_load_idx %arg7[%add3A_461, %min3A_467] : memref<4x100xf32, #tpu.memory_space<vmem>>[vector<16xi32>, vector<16xi32>], vector<16xf32>,
    %lt3A_469 = arith.constant 100 : i32
    %lt3A_470 = vector.broadcast %lt3A_469 : i32 to vector<16xi32>
    %lt3A_471 = arith.cmpi slt, %add3A_464, %lt3A_470 : vector<16xi32>
    %select_n3A_472 = arith.select %lt3A_471, %gather3A_468, %broadcast_in_dim3A_17 : vector<16xi1>, vector<16xf32>
    %swap3A_473 = arith.constant 336 : index
    %swap3A_474 = tpu.vector_load %arg9[%swap3A_473] {strides = array<i32>} : memref<448xf32, #tpu.memory_space<vmem>>, vector<16xf32>,
    tpu.vector_store %arg9[%swap3A_473], %select_n3A_472 {strides = array<i32>} : memref<448xf32, #tpu.memory_space<vmem>>, vector<16xf32>,
    %add3A_475 = arith.constant 16 : i32
    %add3A_476 = vector.broadcast %add3A_475 : i32 to vector<16xi32>
    %add3A_477 = arith.addi %iota3A, %add3A_476 : vector<16xi32>
    %min3A_478 = arith.constant 99 : i32
    %min3A_479 = vector.broadcast %min3A_478 : i32 to vector<16xi32>
    %min3A_480 = arith.minsi %add3A_477, %min3A_479 : vector<16xi32>
    %gather3A_481 = tpu.vector_load_idx %arg7[%add3A_461, %min3A_480] : memref<4x100xf32, #tpu.memory_space<vmem>>[vector<16xi32>, vector<16xi32>], vector<16xf32>,
    %lt3A_482 = arith.constant 100 : i32
    %lt3A_483 = vector.broadcast %lt3A_482 : i32 to vector<16xi32>
    %lt3A_484 = arith.cmpi slt, %add3A_477, %lt3A_483 : vector<16xi32>
    %select_n3A_485 = arith.select %lt3A_484, %gather3A_481, %broadcast_in_dim3A_17 : vector<16xi1>, vector<16xf32>
    %swap3A_486 = arith.constant 352 : index
    %swap3A_487 = tpu.vector_load %arg9[%swap3A_486] {strides = array<i32>} : memref<448xf32, #tpu.memory_space<vmem>>, vector<16xf32>,
    tpu.vector_store %arg9[%swap3A_486], %select_n3A_485 {strides = array<i32>} : memref<448xf32, #tpu.memory_space<vmem>>, vector<16xf32>,
    %add3A_488 = arith.constant 32 : i32
    %add3A_489 = vector.broadcast %add3A_488 : i32 to vector<16xi32>
    %add3A_490 = arith.addi %iota3A, %add3A_489 : vector<16xi32>
    %min3A_491 = arith.constant 99 : i32
    %min3A_492 = vector.broadcast %min3A_491 : i32 to vector<16xi32>
    %min3A_493 = arith.minsi %add3A_490, %min3A_492 : vector<16xi32>
    %gather3A_494 = tpu.vector_load_idx %arg7[%add3A_461, %min3A_493] : memref<4x100xf32, #tpu.memory_space<vmem>>[vector<16xi32>, vector<16xi32>], vector<16xf32>,
    %lt3A_495 = arith.constant 100 : i32
    %lt3A_496 = vector.broadcast %lt3A_495 : i32 to vector<16xi32>
    %lt3A_497 = arith.cmpi slt, %add3A_490, %lt3A_496 : vector<16xi32>
    %select_n3A_498 = arith.select %lt3A_497, %gather3A_494, %broadcast_in_dim3A_17 : vector<16xi1>, vector<16xf32>
    %swap3A_499 = arith.constant 368 : index
    %swap3A_500 = tpu.vector_load %arg9[%swap3A_499] {strides = array<i32>} : memref<448xf32, #tpu.memory_space<vmem>>, vector<16xf32>,
    tpu.vector_store %arg9[%swap3A_499], %select_n3A_498 {strides = array<i32>} : memref<448xf32, #tpu.memory_space<vmem>>, vector<16xf32>,
    %add3A_501 = arith.constant 48 : i32
    %add3A_502 = vector.broadcast %add3A_501 : i32 to vector<16xi32>
    %add3A_503 = arith.addi %iota3A, %add3A_502 : vector<16xi32>
    %min3A_504 = arith.constant 99 : i32
    %min3A_505 = vector.broadcast %min3A_504 : i32 to vector<16xi32>
    %min3A_506 = arith.minsi %add3A_503, %min3A_505 : vector<16xi32>
    %gather3A_507 = tpu.vector_load_idx %arg7[%add3A_461, %min3A_506] : memref<4x100xf32, #tpu.memory_space<vmem>>[vector<16xi32>, vector<16xi32>], vector<16xf32>,
    %lt3A_508 = arith.constant 100 : i32
    %lt3A_509 = vector.broadcast %lt3A_508 : i32 to vector<16xi32>
    %lt3A_510 = arith.cmpi slt, %add3A_503, %lt3A_509 : vector<16xi32>
    %select_n3A_511 = arith.select %lt3A_510, %gather3A_507, %broadcast_in_dim3A_17 : vector<16xi1>, vector<16xf32>
    %swap3A_512 = arith.constant 384 : index
    %swap3A_513 = tpu.vector_load %arg9[%swap3A_512] {strides = array<i32>} : memref<448xf32, #tpu.memory_space<vmem>>, vector<16xf32>,
    tpu.vector_store %arg9[%swap3A_512], %select_n3A_511 {strides = array<i32>} : memref<448xf32, #tpu.memory_space<vmem>>, vector<16xf32>,
    %add3A_514 = arith.constant 64 : i32
    %add3A_515 = vector.broadcast %add3A_514 : i32 to vector<16xi32>
    %add3A_516 = arith.addi %iota3A, %add3A_515 : vector<16xi32>
    %min3A_517 = arith.constant 99 : i32
    %min3A_518 = vector.broadcast %min3A_517 : i32 to vector<16xi32>
    %min3A_519 = arith.minsi %add3A_516, %min3A_518 : vector<16xi32>
    %gather3A_520 = tpu.vector_load_idx %arg7[%add3A_461, %min3A_519] : memref<4x100xf32, #tpu.memory_space<vmem>>[vector<16xi32>, vector<16xi32>], vector<16xf32>,
    %lt3A_521 = arith.constant 100 : i32
    %lt3A_522 = vector.broadcast %lt3A_521 : i32 to vector<16xi32>
    %lt3A_523 = arith.cmpi slt, %add3A_516, %lt3A_522 : vector<16xi32>
    %select_n3A_524 = arith.select %lt3A_523, %gather3A_520, %broadcast_in_dim3A_17 : vector<16xi1>, vector<16xf32>
    %swap3A_525 = arith.constant 400 : index
    %swap3A_526 = tpu.vector_load %arg9[%swap3A_525] {strides = array<i32>} : memref<448xf32, #tpu.memory_space<vmem>>, vector<16xf32>,
    tpu.vector_store %arg9[%swap3A_525], %select_n3A_524 {strides = array<i32>} : memref<448xf32, #tpu.memory_space<vmem>>, vector<16xf32>,
    %add3A_527 = arith.constant 80 : i32
    %add3A_528 = vector.broadcast %add3A_527 : i32 to vector<16xi32>
    %add3A_529 = arith.addi %iota3A, %add3A_528 : vector<16xi32>
    %min3A_530 = arith.constant 99 : i32
    %min3A_531 = vector.broadcast %min3A_530 : i32 to vector<16xi32>
    %min3A_532 = arith.minsi %add3A_529, %min3A_531 : vector<16xi32>
    %gather3A_533 = tpu.vector_load_idx %arg7[%add3A_461, %min3A_532] : memref<4x100xf32, #tpu.memory_space<vmem>>[vector<16xi32>, vector<16xi32>], vector<16xf32>,
    %lt3A_534 = arith.constant 100 : i32
    %lt3A_535 = vector.broadcast %lt3A_534 : i32 to vector<16xi32>
    %lt3A_536 = arith.cmpi slt, %add3A_529, %lt3A_535 : vector<16xi32>
    %select_n3A_537 = arith.select %lt3A_536, %gather3A_533, %broadcast_in_dim3A_17 : vector<16xi1>, vector<16xf32>
    %swap3A_538 = arith.constant 416 : index
    %swap3A_539 = tpu.vector_load %arg9[%swap3A_538] {strides = array<i32>} : memref<448xf32, #tpu.memory_space<vmem>>, vector<16xf32>,
    tpu.vector_store %arg9[%swap3A_538], %select_n3A_537 {strides = array<i32>} : memref<448xf32, #tpu.memory_space<vmem>>, vector<16xf32>,
    %add3A_540 = arith.constant 96 : i32
    %add3A_541 = vector.broadcast %add3A_540 : i32 to vector<16xi32>
    %add3A_542 = arith.addi %iota3A, %add3A_541 : vector<16xi32>
    %min3A_543 = arith.constant 99 : i32
    %min3A_544 = vector.broadcast %min3A_543 : i32 to vector<16xi32>
    %min3A_545 = arith.minsi %add3A_542, %min3A_544 : vector<16xi32>
    %gather3A_546 = tpu.vector_load_idx %arg7[%add3A_461, %min3A_545] : memref<4x100xf32, #tpu.memory_space<vmem>>[vector<16xi32>, vector<16xi32>], vector<16xf32>,
    %lt3A_547 = arith.constant 100 : i32
    %lt3A_548 = vector.broadcast %lt3A_547 : i32 to vector<16xi32>
    %lt3A_549 = arith.cmpi slt, %add3A_542, %lt3A_548 : vector<16xi32>
    %select_n3A_550 = arith.select %lt3A_549, %gather3A_546, %broadcast_in_dim3A_17 : vector<16xi1>, vector<16xf32>
    %swap3A_551 = arith.constant 432 : index
    %swap3A_552 = tpu.vector_load %arg9[%swap3A_551] {strides = array<i32>} : memref<448xf32, #tpu.memory_space<vmem>>, vector<16xf32>,
    tpu.vector_store %arg9[%swap3A_551], %select_n3A_550 {strides = array<i32>} : memref<448xf32, #tpu.memory_space<vmem>>, vector<16xf32>,
    %add3A_553 = arith.constant 0 : i32
    %add3A_554 = vector.broadcast %add3A_553 : i32 to vector<16xi32>
    %add3A_555 = arith.addi %iota3A, %add3A_554 : vector<16xi32>
    %min3A_556 = arith.constant 49 : i32
    %min3A_557 = vector.broadcast %min3A_556 : i32 to vector<16xi32>
    %min3A_558 = arith.minsi %add3A_555, %min3A_557 : vector<16xi32>
    %gather3A_559 = tpu.vector_load_idx %arg8[%add3A_461, %min3A_558] : memref<4x50xf32, #tpu.memory_space<vmem>>[vector<16xi32>, vector<16xi32>], vector<16xf32>,
    %lt3A_560 = arith.constant 50 : i32
    %lt3A_561 = vector.broadcast %lt3A_560 : i32 to vector<16xi32>
    %lt3A_562 = arith.cmpi slt, %add3A_555, %lt3A_561 : vector<16xi32>
    %select_n3A_563 = arith.select %lt3A_562, %gather3A_559, %broadcast_in_dim3A_17 : vector<16xi1>, vector<16xf32>
    %swap3A_564 = arith.constant 192 : index
    %swap3A_565 = tpu.vector_load %arg10[%swap3A_564] {strides = array<i32>} : memref<256xf32, #tpu.memory_space<vmem>>, vector<16xf32>,
    tpu.vector_store %arg10[%swap3A_564], %select_n3A_563 {strides = array<i32>} : memref<256xf32, #tpu.memory_space<vmem>>, vector<16xf32>,
    %add3A_566 = arith.constant 16 : i32
    %add3A_567 = vector.broadcast %add3A_566 : i32 to vector<16xi32>
    %add3A_568 = arith.addi %iota3A, %add3A_567 : vector<16xi32>
    %min3A_569 = arith.constant 49 : i32
    %min3A_570 = vector.broadcast %min3A_569 : i32 to vector<16xi32>
    %min3A_571 = arith.minsi %add3A_568, %min3A_570 : vector<16xi32>
    %gather3A_572 = tpu.vector_load_idx %arg8[%add3A_461, %min3A_571] : memref<4x50xf32, #tpu.memory_space<vmem>>[vector<16xi32>, vector<16xi32>], vector<16xf32>,
    %lt3A_573 = arith.constant 50 : i32
    %lt3A_574 = vector.broadcast %lt3A_573 : i32 to vector<16xi32>
    %lt3A_575 = arith.cmpi slt, %add3A_568, %lt3A_574 : vector<16xi32>
    %select_n3A_576 = arith.select %lt3A_575, %gather3A_572, %broadcast_in_dim3A_17 : vector<16xi1>, vector<16xf32>
    %swap3A_577 = arith.constant 208 : index
    %swap3A_578 = tpu.vector_load %arg10[%swap3A_577] {strides = array<i32>} : memref<256xf32, #tpu.memory_space<vmem>>, vector<16xf32>,
    tpu.vector_store %arg10[%swap3A_577], %select_n3A_576 {strides = array<i32>} : memref<256xf32, #tpu.memory_space<vmem>>, vector<16xf32>,
    %add3A_579 = arith.constant 32 : i32
    %add3A_580 = vector.broadcast %add3A_579 : i32 to vector<16xi32>
    %add3A_581 = arith.addi %iota3A, %add3A_580 : vector<16xi32>
    %min3A_582 = arith.constant 49 : i32
    %min3A_583 = vector.broadcast %min3A_582 : i32 to vector<16xi32>
    %min3A_584 = arith.minsi %add3A_581, %min3A_583 : vector<16xi32>
    %gather3A_585 = tpu.vector_load_idx %arg8[%add3A_461, %min3A_584] : memref<4x50xf32, #tpu.memory_space<vmem>>[vector<16xi32>, vector<16xi32>], vector<16xf32>,
    %lt3A_586 = arith.constant 50 : i32
    %lt3A_587 = vector.broadcast %lt3A_586 : i32 to vector<16xi32>
    %lt3A_588 = arith.cmpi slt, %add3A_581, %lt3A_587 : vector<16xi32>
    %select_n3A_589 = arith.select %lt3A_588, %gather3A_585, %broadcast_in_dim3A_17 : vector<16xi1>, vector<16xf32>
    %swap3A_590 = arith.constant 224 : index
    %swap3A_591 = tpu.vector_load %arg10[%swap3A_590] {strides = array<i32>} : memref<256xf32, #tpu.memory_space<vmem>>, vector<16xf32>,
    tpu.vector_store %arg10[%swap3A_590], %select_n3A_589 {strides = array<i32>} : memref<256xf32, #tpu.memory_space<vmem>>, vector<16xf32>,
    %add3A_592 = arith.constant 48 : i32
    %add3A_593 = vector.broadcast %add3A_592 : i32 to vector<16xi32>
    %add3A_594 = arith.addi %iota3A, %add3A_593 : vector<16xi32>
    %min3A_595 = arith.constant 49 : i32
    %min3A_596 = vector.broadcast %min3A_595 : i32 to vector<16xi32>
    %min3A_597 = arith.minsi %add3A_594, %min3A_596 : vector<16xi32>
    %gather3A_598 = tpu.vector_load_idx %arg8[%add3A_461, %min3A_597] : memref<4x50xf32, #tpu.memory_space<vmem>>[vector<16xi32>, vector<16xi32>], vector<16xf32>,
    %lt3A_599 = arith.constant 50 : i32
    %lt3A_600 = vector.broadcast %lt3A_599 : i32 to vector<16xi32>
    %lt3A_601 = arith.cmpi slt, %add3A_594, %lt3A_600 : vector<16xi32>
    %select_n3A_602 = arith.select %lt3A_601, %gather3A_598, %broadcast_in_dim3A_17 : vector<16xi1>, vector<16xf32>
    %swap3A_603 = arith.constant 240 : index
    %swap3A_604 = tpu.vector_load %arg10[%swap3A_603] {strides = array<i32>} : memref<256xf32, #tpu.memory_space<vmem>>, vector<16xf32>,
    tpu.vector_store %arg10[%swap3A_603], %select_n3A_602 {strides = array<i32>} : memref<256xf32, #tpu.memory_space<vmem>>, vector<16xf32>,
    %scan3A = arith.constant 0 : i32
    %scan3A_605 = arith.constant 3 : i32
    %scan3A_606 = arith.addi %scan3A, %scan3A_605 : i32
    %scan3A_607 = arith.constant 1 : i32
    %scan3A_608:12 = scf.for %scan3A_1393 = %scan3A to %scan3A_606 step %scan3A_607 iter_args(%scan3A_1394 = %broadcast_in_dim3A_17, %scan3A_1395 = %broadcast_in_dim3A_17, %scan3A_1396 = %broadcast_in_dim3A_17, %scan3A_1397 = %broadcast_in_dim3A_17, %scan3A_1398 = %broadcast_in_dim3A_17, %scan3A_1399 = %broadcast_in_dim3A_17, %scan3A_1400 = %broadcast_in_dim3A_17, %scan3A_1401 = %broadcast_in_dim3A_17, %scan3A_1402 = %broadcast_in_dim3A_17, %scan3A_1403 = %broadcast_in_dim3A_17, %scan3A_1404 = %broadcast_in_dim3A_17, %scan3A_1405 = %broadcast_in_dim3A_17) -> (vector<16xf32>, vector<16xf32>, vector<16xf32>, vector<16xf32>, vector<16xf32>, vector<16xf32>, vector<16xf32>, vector<16xf32>, vector<16xf32>, vector<16xf32>, vector<16xf32>, vector<16xf32>)  : i32 {
      %mul3A_1406 = arith.constant 64 : i32
      %mul3A_1407 = arith.muli %scan3A_1393, %mul3A_1406 : i32
      %add3A_1408 = arith.constant 0 : i32
      %add3A_1409 = arith.addi %mul3A_1407, %add3A_1408 : i32
      %get3A_1410 = arith.index_cast %add3A_1409 : i32 to index
      %get3A_1411 = tpu.vector_load %arg11[%get3A_1410] {strides = array<i32>} : memref<3456xi32, #tpu.memory_space<vmem>>, vector<16xi32>,
      %and3A = arith.constant 127 : i32
      %and3A_1412 = vector.broadcast %and3A : i32 to vector<16xi32>
      %and3A_1413 = arith.andi %get3A_1411, %and3A_1412 : vector<16xi32>
      %shift_right_logical3A = arith.constant 7 : i32
      %shift_right_logical3A_1414 = vector.broadcast %shift_right_logical3A : i32 to vector<16xi32>
      %shift_right_logical3A_1415 = arith.shrui %get3A_1411, %shift_right_logical3A_1414 : vector<16xi32>
      %add3A_1416 = arith.constant 0 : i32
      %add3A_1417 = vector.broadcast %add3A_1416 : i32 to vector<16xi32>
      %add3A_1418 = arith.addi %and3A_1413, %add3A_1417 : vector<16xi32>
      %gather3A_1419 = tpu.vector_load_idx %arg9[%add3A_1418] : memref<448xf32, #tpu.memory_space<vmem>>[vector<16xi32>], vector<16xf32>,
      %add3A_1420 = arith.constant 0 : i32
      %add3A_1421 = vector.broadcast %add3A_1420 : i32 to vector<16xi32>
      %add3A_1422 = arith.addi %shift_right_logical3A_1415, %add3A_1421 : vector<16xi32>
      %gather3A_1423 = tpu.vector_load_idx %arg10[%add3A_1422] : memref<256xf32, #tpu.memory_space<vmem>>[vector<16xi32>], vector<16xf32>,
      %mul3A_1424 = arith.mulf %gather3A_1419, %gather3A_1423 : vector<16xf32>
      %add3A_1425 = arith.constant 112 : i32
      %add3A_1426 = vector.broadcast %add3A_1425 : i32 to vector<16xi32>
      %add3A_1427 = arith.addi %and3A_1413, %add3A_1426 : vector<16xi32>
      %gather3A_1428 = tpu.vector_load_idx %arg9[%add3A_1427] : memref<448xf32, #tpu.memory_space<vmem>>[vector<16xi32>], vector<16xf32>,
      %add3A_1429 = arith.constant 64 : i32
      %add3A_1430 = vector.broadcast %add3A_1429 : i32 to vector<16xi32>
      %add3A_1431 = arith.addi %shift_right_logical3A_1415, %add3A_1430 : vector<16xi32>
      %gather3A_1432 = tpu.vector_load_idx %arg10[%add3A_1431] : memref<256xf32, #tpu.memory_space<vmem>>[vector<16xi32>], vector<16xf32>,
      %mul3A_1433 = arith.mulf %gather3A_1428, %gather3A_1432 : vector<16xf32>
      %add3A_1434 = arith.constant 224 : i32
      %add3A_1435 = vector.broadcast %add3A_1434 : i32 to vector<16xi32>
      %add3A_1436 = arith.addi %and3A_1413, %add3A_1435 : vector<16xi32>
      %gather3A_1437 = tpu.vector_load_idx %arg9[%add3A_1436] : memref<448xf32, #tpu.memory_space<vmem>>[vector<16xi32>], vector<16xf32>,
      %add3A_1438 = arith.constant 128 : i32
      %add3A_1439 = vector.broadcast %add3A_1438 : i32 to vector<16xi32>
      %add3A_1440 = arith.addi %shift_right_logical3A_1415, %add3A_1439 : vector<16xi32>
      %gather3A_1441 = tpu.vector_load_idx %arg10[%add3A_1440] : memref<256xf32, #tpu.memory_space<vmem>>[vector<16xi32>], vector<16xf32>,
      %mul3A_1442 = arith.mulf %gather3A_1437, %gather3A_1441 : vector<16xf32>
      %add3A_1443 = arith.constant 336 : i32
      %add3A_1444 = vector.broadcast %add3A_1443 : i32 to vector<16xi32>
      %add3A_1445 = arith.addi %and3A_1413, %add3A_1444 : vector<16xi32>
      %gather3A_1446 = tpu.vector_load_idx %arg9[%add3A_1445] : memref<448xf32, #tpu.memory_space<vmem>>[vector<16xi32>], vector<16xf32>,
      %add3A_1447 = arith.constant 192 : i32
      %add3A_1448 = vector.broadcast %add3A_1447 : i32 to vector<16xi32>
      %add3A_1449 = arith.addi %shift_right_logical3A_1415, %add3A_1448 : vector<16xi32>
      %gather3A_1450 = tpu.vector_load_idx %arg10[%add3A_1449] : memref<256xf32, #tpu.memory_space<vmem>>[vector<16xi32>], vector<16xf32>,
      %mul3A_1451 = arith.mulf %gather3A_1446, %gather3A_1450 : vector<16xf32>
      %add3A_1452 = arith.constant 16 : i32
      %add3A_1453 = arith.addi %mul3A_1407, %add3A_1452 : i32
      %get3A_1454 = arith.index_cast %add3A_1453 : i32 to index
      %get3A_1455 = tpu.vector_load %arg11[%get3A_1454] {strides = array<i32>} : memref<3456xi32, #tpu.memory_space<vmem>>, vector<16xi32>,
      %and3A_1456 = arith.constant 127 : i32
      %and3A_1457 = vector.broadcast %and3A_1456 : i32 to vector<16xi32>
      %and3A_1458 = arith.andi %get3A_1455, %and3A_1457 : vector<16xi32>
      %shift_right_logical3A_1459 = arith.constant 7 : i32
      %shift_right_logical3A_1460 = vector.broadcast %shift_right_logical3A_1459 : i32 to vector<16xi32>
      %shift_right_logical3A_1461 = arith.shrui %get3A_1455, %shift_right_logical3A_1460 : vector<16xi32>
      %add3A_1462 = arith.constant 0 : i32
      %add3A_1463 = vector.broadcast %add3A_1462 : i32 to vector<16xi32>
      %add3A_1464 = arith.addi %and3A_1458, %add3A_1463 : vector<16xi32>
      %gather3A_1465 = tpu.vector_load_idx %arg9[%add3A_1464] : memref<448xf32, #tpu.memory_space<vmem>>[vector<16xi32>], vector<16xf32>,
      %add3A_1466 = arith.constant 0 : i32
      %add3A_1467 = vector.broadcast %add3A_1466 : i32 to vector<16xi32>
      %add3A_1468 = arith.addi %shift_right_logical3A_1461, %add3A_1467 : vector<16xi32>
      %gather3A_1469 = tpu.vector_load_idx %arg10[%add3A_1468] : memref<256xf32, #tpu.memory_space<vmem>>[vector<16xi32>], vector<16xf32>,
      %mul3A_1470 = arith.mulf %gather3A_1465, %gather3A_1469 : vector<16xf32>
      %add3A_1471 = arith.constant 112 : i32
      %add3A_1472 = vector.broadcast %add3A_1471 : i32 to vector<16xi32>
      %add3A_1473 = arith.addi %and3A_1458, %add3A_1472 : vector<16xi32>
      %gather3A_1474 = tpu.vector_load_idx %arg9[%add3A_1473] : memref<448xf32, #tpu.memory_space<vmem>>[vector<16xi32>], vector<16xf32>,
      %add3A_1475 = arith.constant 64 : i32
      %add3A_1476 = vector.broadcast %add3A_1475 : i32 to vector<16xi32>
      %add3A_1477 = arith.addi %shift_right_logical3A_1461, %add3A_1476 : vector<16xi32>
      %gather3A_1478 = tpu.vector_load_idx %arg10[%add3A_1477] : memref<256xf32, #tpu.memory_space<vmem>>[vector<16xi32>], vector<16xf32>,
      %mul3A_1479 = arith.mulf %gather3A_1474, %gather3A_1478 : vector<16xf32>
      %add3A_1480 = arith.constant 224 : i32
      %add3A_1481 = vector.broadcast %add3A_1480 : i32 to vector<16xi32>
      %add3A_1482 = arith.addi %and3A_1458, %add3A_1481 : vector<16xi32>
      %gather3A_1483 = tpu.vector_load_idx %arg9[%add3A_1482] : memref<448xf32, #tpu.memory_space<vmem>>[vector<16xi32>], vector<16xf32>,
      %add3A_1484 = arith.constant 128 : i32
      %add3A_1485 = vector.broadcast %add3A_1484 : i32 to vector<16xi32>
      %add3A_1486 = arith.addi %shift_right_logical3A_1461, %add3A_1485 : vector<16xi32>
      %gather3A_1487 = tpu.vector_load_idx %arg10[%add3A_1486] : memref<256xf32, #tpu.memory_space<vmem>>[vector<16xi32>], vector<16xf32>,
      %mul3A_1488 = arith.mulf %gather3A_1483, %gather3A_1487 : vector<16xf32>
      %add3A_1489 = arith.constant 336 : i32
      %add3A_1490 = vector.broadcast %add3A_1489 : i32 to vector<16xi32>
      %add3A_1491 = arith.addi %and3A_1458, %add3A_1490 : vector<16xi32>
      %gather3A_1492 = tpu.vector_load_idx %arg9[%add3A_1491] : memref<448xf32, #tpu.memory_space<vmem>>[vector<16xi32>], vector<16xf32>,
      %add3A_1493 = arith.constant 192 : i32
      %add3A_1494 = vector.broadcast %add3A_1493 : i32 to vector<16xi32>
      %add3A_1495 = arith.addi %shift_right_logical3A_1461, %add3A_1494 : vector<16xi32>
      %gather3A_1496 = tpu.vector_load_idx %arg10[%add3A_1495] : memref<256xf32, #tpu.memory_space<vmem>>[vector<16xi32>], vector<16xf32>,
      %mul3A_1497 = arith.mulf %gather3A_1492, %gather3A_1496 : vector<16xf32>
      %add3A_1498 = arith.constant 32 : i32
      %add3A_1499 = arith.addi %mul3A_1407, %add3A_1498 : i32
      %get3A_1500 = arith.index_cast %add3A_1499 : i32 to index
      %get3A_1501 = tpu.vector_load %arg11[%get3A_1500] {strides = array<i32>} : memref<3456xi32, #tpu.memory_space<vmem>>, vector<16xi32>,
      %and3A_1502 = arith.constant 127 : i32
      %and3A_1503 = vector.broadcast %and3A_1502 : i32 to vector<16xi32>
      %and3A_1504 = arith.andi %get3A_1501, %and3A_1503 : vector<16xi32>
      %shift_right_logical3A_1505 = arith.constant 7 : i32
      %shift_right_logical3A_1506 = vector.broadcast %shift_right_logical3A_1505 : i32 to vector<16xi32>
      %shift_right_logical3A_1507 = arith.shrui %get3A_1501, %shift_right_logical3A_1506 : vector<16xi32>
      %add3A_1508 = arith.constant 0 : i32
      %add3A_1509 = vector.broadcast %add3A_1508 : i32 to vector<16xi32>
      %add3A_1510 = arith.addi %and3A_1504, %add3A_1509 : vector<16xi32>
      %gather3A_1511 = tpu.vector_load_idx %arg9[%add3A_1510] : memref<448xf32, #tpu.memory_space<vmem>>[vector<16xi32>], vector<16xf32>,
      %add3A_1512 = arith.constant 0 : i32
      %add3A_1513 = vector.broadcast %add3A_1512 : i32 to vector<16xi32>
      %add3A_1514 = arith.addi %shift_right_logical3A_1507, %add3A_1513 : vector<16xi32>
      %gather3A_1515 = tpu.vector_load_idx %arg10[%add3A_1514] : memref<256xf32, #tpu.memory_space<vmem>>[vector<16xi32>], vector<16xf32>,
      %mul3A_1516 = arith.mulf %gather3A_1511, %gather3A_1515 : vector<16xf32>
      %add3A_1517 = arith.constant 112 : i32
      %add3A_1518 = vector.broadcast %add3A_1517 : i32 to vector<16xi32>
      %add3A_1519 = arith.addi %and3A_1504, %add3A_1518 : vector<16xi32>
      %gather3A_1520 = tpu.vector_load_idx %arg9[%add3A_1519] : memref<448xf32, #tpu.memory_space<vmem>>[vector<16xi32>], vector<16xf32>,
      %add3A_1521 = arith.constant 64 : i32
      %add3A_1522 = vector.broadcast %add3A_1521 : i32 to vector<16xi32>
      %add3A_1523 = arith.addi %shift_right_logical3A_1507, %add3A_1522 : vector<16xi32>
      %gather3A_1524 = tpu.vector_load_idx %arg10[%add3A_1523] : memref<256xf32, #tpu.memory_space<vmem>>[vector<16xi32>], vector<16xf32>,
      %mul3A_1525 = arith.mulf %gather3A_1520, %gather3A_1524 : vector<16xf32>
      %add3A_1526 = arith.constant 224 : i32
      %add3A_1527 = vector.broadcast %add3A_1526 : i32 to vector<16xi32>
      %add3A_1528 = arith.addi %and3A_1504, %add3A_1527 : vector<16xi32>
      %gather3A_1529 = tpu.vector_load_idx %arg9[%add3A_1528] : memref<448xf32, #tpu.memory_space<vmem>>[vector<16xi32>], vector<16xf32>,
      %add3A_1530 = arith.constant 128 : i32
      %add3A_1531 = vector.broadcast %add3A_1530 : i32 to vector<16xi32>
      %add3A_1532 = arith.addi %shift_right_logical3A_1507, %add3A_1531 : vector<16xi32>
      %gather3A_1533 = tpu.vector_load_idx %arg10[%add3A_1532] : memref<256xf32, #tpu.memory_space<vmem>>[vector<16xi32>], vector<16xf32>,
      %mul3A_1534 = arith.mulf %gather3A_1529, %gather3A_1533 : vector<16xf32>
      %add3A_1535 = arith.constant 336 : i32
      %add3A_1536 = vector.broadcast %add3A_1535 : i32 to vector<16xi32>
      %add3A_1537 = arith.addi %and3A_1504, %add3A_1536 : vector<16xi32>
      %gather3A_1538 = tpu.vector_load_idx %arg9[%add3A_1537] : memref<448xf32, #tpu.memory_space<vmem>>[vector<16xi32>], vector<16xf32>,
      %add3A_1539 = arith.constant 192 : i32
      %add3A_1540 = vector.broadcast %add3A_1539 : i32 to vector<16xi32>
      %add3A_1541 = arith.addi %shift_right_logical3A_1507, %add3A_1540 : vector<16xi32>
      %gather3A_1542 = tpu.vector_load_idx %arg10[%add3A_1541] : memref<256xf32, #tpu.memory_space<vmem>>[vector<16xi32>], vector<16xf32>,
      %mul3A_1543 = arith.mulf %gather3A_1538, %gather3A_1542 : vector<16xf32>
      %add3A_1544 = arith.constant 48 : i32
      %add3A_1545 = arith.addi %mul3A_1407, %add3A_1544 : i32
      %get3A_1546 = arith.index_cast %add3A_1545 : i32 to index
      %get3A_1547 = tpu.vector_load %arg11[%get3A_1546] {strides = array<i32>} : memref<3456xi32, #tpu.memory_space<vmem>>, vector<16xi32>,
      %and3A_1548 = arith.constant 127 : i32
      %and3A_1549 = vector.broadcast %and3A_1548 : i32 to vector<16xi32>
      %and3A_1550 = arith.andi %get3A_1547, %and3A_1549 : vector<16xi32>
      %shift_right_logical3A_1551 = arith.constant 7 : i32
      %shift_right_logical3A_1552 = vector.broadcast %shift_right_logical3A_1551 : i32 to vector<16xi32>
      %shift_right_logical3A_1553 = arith.shrui %get3A_1547, %shift_right_logical3A_1552 : vector<16xi32>
      %add3A_1554 = arith.constant 0 : i32
      %add3A_1555 = vector.broadcast %add3A_1554 : i32 to vector<16xi32>
      %add3A_1556 = arith.addi %and3A_1550, %add3A_1555 : vector<16xi32>
      %gather3A_1557 = tpu.vector_load_idx %arg9[%add3A_1556] : memref<448xf32, #tpu.memory_space<vmem>>[vector<16xi32>], vector<16xf32>,
      %add3A_1558 = arith.constant 0 : i32
      %add3A_1559 = vector.broadcast %add3A_1558 : i32 to vector<16xi32>
      %add3A_1560 = arith.addi %shift_right_logical3A_1553, %add3A_1559 : vector<16xi32>
      %gather3A_1561 = tpu.vector_load_idx %arg10[%add3A_1560] : memref<256xf32, #tpu.memory_space<vmem>>[vector<16xi32>], vector<16xf32>,
      %mul3A_1562 = arith.mulf %gather3A_1557, %gather3A_1561 : vector<16xf32>
      %add3A_1563 = arith.constant 112 : i32
      %add3A_1564 = vector.broadcast %add3A_1563 : i32 to vector<16xi32>
      %add3A_1565 = arith.addi %and3A_1550, %add3A_1564 : vector<16xi32>
      %gather3A_1566 = tpu.vector_load_idx %arg9[%add3A_1565] : memref<448xf32, #tpu.memory_space<vmem>>[vector<16xi32>], vector<16xf32>,
      %add3A_1567 = arith.constant 64 : i32
      %add3A_1568 = vector.broadcast %add3A_1567 : i32 to vector<16xi32>
      %add3A_1569 = arith.addi %shift_right_logical3A_1553, %add3A_1568 : vector<16xi32>
      %gather3A_1570 = tpu.vector_load_idx %arg10[%add3A_1569] : memref<256xf32, #tpu.memory_space<vmem>>[vector<16xi32>], vector<16xf32>,
      %mul3A_1571 = arith.mulf %gather3A_1566, %gather3A_1570 : vector<16xf32>
      %add3A_1572 = arith.constant 224 : i32
      %add3A_1573 = vector.broadcast %add3A_1572 : i32 to vector<16xi32>
      %add3A_1574 = arith.addi %and3A_1550, %add3A_1573 : vector<16xi32>
      %gather3A_1575 = tpu.vector_load_idx %arg9[%add3A_1574] : memref<448xf32, #tpu.memory_space<vmem>>[vector<16xi32>], vector<16xf32>,
      %add3A_1576 = arith.constant 128 : i32
      %add3A_1577 = vector.broadcast %add3A_1576 : i32 to vector<16xi32>
      %add3A_1578 = arith.addi %shift_right_logical3A_1553, %add3A_1577 : vector<16xi32>
      %gather3A_1579 = tpu.vector_load_idx %arg10[%add3A_1578] : memref<256xf32, #tpu.memory_space<vmem>>[vector<16xi32>], vector<16xf32>,
      %mul3A_1580 = arith.mulf %gather3A_1575, %gather3A_1579 : vector<16xf32>
      %add3A_1581 = arith.constant 336 : i32
      %add3A_1582 = vector.broadcast %add3A_1581 : i32 to vector<16xi32>
      %add3A_1583 = arith.addi %and3A_1550, %add3A_1582 : vector<16xi32>
      %gather3A_1584 = tpu.vector_load_idx %arg9[%add3A_1583] : memref<448xf32, #tpu.memory_space<vmem>>[vector<16xi32>], vector<16xf32>,
      %add3A_1585 = arith.constant 192 : i32
      %add3A_1586 = vector.broadcast %add3A_1585 : i32 to vector<16xi32>
      %add3A_1587 = arith.addi %shift_right_logical3A_1553, %add3A_1586 : vector<16xi32>
      %gather3A_1588 = tpu.vector_load_idx %arg10[%add3A_1587] : memref<256xf32, #tpu.memory_space<vmem>>[vector<16xi32>], vector<16xf32>,
      %mul3A_1589 = arith.mulf %gather3A_1584, %gather3A_1588 : vector<16xf32>
      %max3A = arith.maximumf %mul3A_1424, %mul3A_1470 : vector<16xf32>
      %min3A_1590 = arith.minimumf %mul3A_1424, %mul3A_1470 : vector<16xf32>
      %max3A_1591 = arith.maximumf %mul3A_1516, %mul3A_1562 : vector<16xf32>
      %min3A_1592 = arith.minimumf %mul3A_1516, %mul3A_1562 : vector<16xf32>
      %max3A_1593 = arith.maximumf %max3A, %max3A_1591 : vector<16xf32>
      %min3A_1594 = arith.minimumf %max3A, %max3A_1591 : vector<16xf32>
      %max3A_1595 = arith.maximumf %min3A_1590, %min3A_1592 : vector<16xf32>
      %max3A_1596 = arith.maximumf %min3A_1594, %max3A_1595 : vector<16xf32>
      %min3A_1597 = arith.minimumf %min3A_1594, %max3A_1595 : vector<16xf32>
      %max3A_1598 = arith.maximumf %scan3A_1394, %max3A_1593 : vector<16xf32>
      %min3A_1599 = arith.minimumf %scan3A_1394, %max3A_1593 : vector<16xf32>
      %max3A_1600 = arith.maximumf %scan3A_1395, %max3A_1596 : vector<16xf32>
      %max3A_1601 = arith.maximumf %min3A_1599, %max3A_1600 : vector<16xf32>
      %max3A_1602 = arith.maximumf %scan3A_1396, %min3A_1597 : vector<16xf32>
      %min3A_1603 = arith.minimumf %scan3A_1395, %max3A_1593 : vector<16xf32>
      %min3A_1604 = arith.minimumf %scan3A_1394, %max3A_1596 : vector<16xf32>
      %max3A_1605 = arith.maximumf %min3A_1603, %min3A_1604 : vector<16xf32>
      %max3A_1606 = arith.maximumf %max3A_1602, %max3A_1605 : vector<16xf32>
      %max3A_1607 = arith.maximumf %mul3A_1433, %mul3A_1479 : vector<16xf32>
      %min3A_1608 = arith.minimumf %mul3A_1433, %mul3A_1479 : vector<16xf32>
      %max3A_1609 = arith.maximumf %mul3A_1525, %mul3A_1571 : vector<16xf32>
      %min3A_1610 = arith.minimumf %mul3A_1525, %mul3A_1571 : vector<16xf32>
      %max3A_1611 = arith.maximumf %max3A_1607, %max3A_1609 : vector<16xf32>
      %min3A_1612 = arith.minimumf %max3A_1607, %max3A_1609 : vector<16xf32>
      %max3A_1613 = arith.maximumf %min3A_1608, %min3A_1610 : vector<16xf32>
      %max3A_1614 = arith.maximumf %min3A_1612, %max3A_1613 : vector<16xf32>
      %min3A_1615 = arith.minimumf %min3A_1612, %max3A_1613 : vector<16xf32>
      %max3A_1616 = arith.maximumf %scan3A_1397, %max3A_1611 : vector<16xf32>
      %min3A_1617 = arith.minimumf %scan3A_1397, %max3A_1611 : vector<16xf32>
      %max3A_1618 = arith.maximumf %scan3A_1398, %max3A_1614 : vector<16xf32>
      %max3A_1619 = arith.maximumf %min3A_1617, %max3A_1618 : vector<16xf32>
      %max3A_1620 = arith.maximumf %scan3A_1399, %min3A_1615 : vector<16xf32>
      %min3A_1621 = arith.minimumf %scan3A_1398, %max3A_1611 : vector<16xf32>
      %min3A_1622 = arith.minimumf %scan3A_1397, %max3A_1614 : vector<16xf32>
      %max3A_1623 = arith.maximumf %min3A_1621, %min3A_1622 : vector<16xf32>
      %max3A_1624 = arith.maximumf %max3A_1620, %max3A_1623 : vector<16xf32>
      %max3A_1625 = arith.maximumf %mul3A_1442, %mul3A_1488 : vector<16xf32>
      %min3A_1626 = arith.minimumf %mul3A_1442, %mul3A_1488 : vector<16xf32>
      %max3A_1627 = arith.maximumf %mul3A_1534, %mul3A_1580 : vector<16xf32>
      %min3A_1628 = arith.minimumf %mul3A_1534, %mul3A_1580 : vector<16xf32>
      %max3A_1629 = arith.maximumf %max3A_1625, %max3A_1627 : vector<16xf32>
      %min3A_1630 = arith.minimumf %max3A_1625, %max3A_1627 : vector<16xf32>
      %max3A_1631 = arith.maximumf %min3A_1626, %min3A_1628 : vector<16xf32>
      %max3A_1632 = arith.maximumf %min3A_1630, %max3A_1631 : vector<16xf32>
      %min3A_1633 = arith.minimumf %min3A_1630, %max3A_1631 : vector<16xf32>
      %max3A_1634 = arith.maximumf %scan3A_1400, %max3A_1629 : vector<16xf32>
      %min3A_1635 = arith.minimumf %scan3A_1400, %max3A_1629 : vector<16xf32>
      %max3A_1636 = arith.maximumf %scan3A_1401, %max3A_1632 : vector<16xf32>
      %max3A_1637 = arith.maximumf %min3A_1635, %max3A_1636 : vector<16xf32>
      %max3A_1638 = arith.maximumf %scan3A_1402, %min3A_1633 : vector<16xf32>
      %min3A_1639 = arith.minimumf %scan3A_1401, %max3A_1629 : vector<16xf32>
      %min3A_1640 = arith.minimumf %scan3A_1400, %max3A_1632 : vector<16xf32>
      %max3A_1641 = arith.maximumf %min3A_1639, %min3A_1640 : vector<16xf32>
      %max3A_1642 = arith.maximumf %max3A_1638, %max3A_1641 : vector<16xf32>
      %max3A_1643 = arith.maximumf %mul3A_1451, %mul3A_1497 : vector<16xf32>
      %min3A_1644 = arith.minimumf %mul3A_1451, %mul3A_1497 : vector<16xf32>
      %max3A_1645 = arith.maximumf %mul3A_1543, %mul3A_1589 : vector<16xf32>
      %min3A_1646 = arith.minimumf %mul3A_1543, %mul3A_1589 : vector<16xf32>
      %max3A_1647 = arith.maximumf %max3A_1643, %max3A_1645 : vector<16xf32>
      %min3A_1648 = arith.minimumf %max3A_1643, %max3A_1645 : vector<16xf32>
      %max3A_1649 = arith.maximumf %min3A_1644, %min3A_1646 : vector<16xf32>
      %max3A_1650 = arith.maximumf %min3A_1648, %max3A_1649 : vector<16xf32>
      %min3A_1651 = arith.minimumf %min3A_1648, %max3A_1649 : vector<16xf32>
      %max3A_1652 = arith.maximumf %scan3A_1403, %max3A_1647 : vector<16xf32>
      %min3A_1653 = arith.minimumf %scan3A_1403, %max3A_1647 : vector<16xf32>
      %max3A_1654 = arith.maximumf %scan3A_1404, %max3A_1650 : vector<16xf32>
      %max3A_1655 = arith.maximumf %min3A_1653, %max3A_1654 : vector<16xf32>
      %max3A_1656 = arith.maximumf %scan3A_1405, %min3A_1651 : vector<16xf32>
      %min3A_1657 = arith.minimumf %scan3A_1404, %max3A_1647 : vector<16xf32>
      %min3A_1658 = arith.minimumf %scan3A_1403, %max3A_1650 : vector<16xf32>
      %max3A_1659 = arith.maximumf %min3A_1657, %min3A_1658 : vector<16xf32>
      %max3A_1660 = arith.maximumf %max3A_1656, %max3A_1659 : vector<16xf32>
      scf.yield %max3A_1598, %max3A_1601, %max3A_1606, %max3A_1616, %max3A_1619, %max3A_1624, %max3A_1634, %max3A_1637, %max3A_1642, %max3A_1652, %max3A_1655, %max3A_1660 : vector<16xf32>, vector<16xf32>, vector<16xf32>, vector<16xf32>, vector<16xf32>, vector<16xf32>, vector<16xf32>, vector<16xf32>, vector<16xf32>, vector<16xf32>, vector<16xf32>, vector<16xf32>
    }
    %scan3A_609 = arith.constant 3 : i32
    %reduce_max3A = arith.constant true
    %reduce_max3A_610 = vector.broadcast %reduce_max3A : i1 to vector<16xi1>
    %reduce_max3A_611 = tpu.scan <max>, %scan3A_608#0 masked %reduce_max3A_610 : vector<16xf32>, vector<16xi1> -> vector<16xf32>
    %reduce_max3A_612 = vector.extract %reduce_max3A_611[15] : f32 from vector<16xf32>
    %sub3A = arith.constant 1.000000e+00 : f32
    %sub3A_613 = arith.subf %sub3A, %reduce_max3A_612 : f32
    %mul3A_614 = arith.constant 1.000000e+00 : f32
    %mul3A_615 = arith.mulf %mul3A_614, %sub3A_613 : f32
    %eq3A = vector.broadcast %reduce_max3A_612 : f32 to vector<16xf32>
    %eq3A_616 = arith.cmpf oeq, %scan3A_608#0, %eq3A : vector<16xf32>
    %all_reduce_ffs3A = tpu.all_reduce %eq3A_616 {dim = 0 : i64, kind = #tpu.reduction_kind<find_first_set>} : vector<16xi1> -> vector<16xi32>
    %eq3A_617 = arith.cmpi eq, %iota3A, %all_reduce_ffs3A : vector<16xi32>
    %select_n3A_618 = arith.select %eq3A_617, %scan3A_608#1, %scan3A_608#0 : vector<16xi1>, vector<16xf32>
    %select_n3A_619 = arith.select %eq3A_617, %scan3A_608#2, %scan3A_608#1 : vector<16xi1>, vector<16xf32>
    %select_n3A_620 = arith.select %eq3A_617, %broadcast_in_dim3A_17, %scan3A_608#2 : vector<16xi1>, vector<16xf32>
    %reduce_max3A_621 = arith.constant true
    %reduce_max3A_622 = vector.broadcast %reduce_max3A_621 : i1 to vector<16xi1>
    %reduce_max3A_623 = tpu.scan <max>, %select_n3A_618 masked %reduce_max3A_622 : vector<16xf32>, vector<16xi1> -> vector<16xf32>
    %reduce_max3A_624 = vector.extract %reduce_max3A_623[15] : f32 from vector<16xf32>
    %sub3A_625 = arith.constant 1.000000e+00 : f32
    %sub3A_626 = arith.subf %sub3A_625, %reduce_max3A_624 : f32
    %mul3A_627 = arith.mulf %mul3A_615, %sub3A_626 : f32
    %eq3A_628 = vector.broadcast %reduce_max3A_624 : f32 to vector<16xf32>
    %eq3A_629 = arith.cmpf oeq, %select_n3A_618, %eq3A_628 : vector<16xf32>
    %all_reduce_ffs3A_630 = tpu.all_reduce %eq3A_629 {dim = 0 : i64, kind = #tpu.reduction_kind<find_first_set>} : vector<16xi1> -> vector<16xi32>
    %eq3A_631 = arith.cmpi eq, %iota3A, %all_reduce_ffs3A_630 : vector<16xi32>
    %select_n3A_632 = arith.select %eq3A_631, %select_n3A_619, %select_n3A_618 : vector<16xi1>, vector<16xf32>
    %select_n3A_633 = arith.select %eq3A_631, %select_n3A_620, %select_n3A_619 : vector<16xi1>, vector<16xf32>
    %select_n3A_634 = arith.select %eq3A_631, %broadcast_in_dim3A_17, %select_n3A_620 : vector<16xi1>, vector<16xf32>
    %reduce_max3A_635 = arith.constant true
    %reduce_max3A_636 = vector.broadcast %reduce_max3A_635 : i1 to vector<16xi1>
    %reduce_max3A_637 = tpu.scan <max>, %select_n3A_632 masked %reduce_max3A_636 : vector<16xf32>, vector<16xi1> -> vector<16xf32>
    %reduce_max3A_638 = vector.extract %reduce_max3A_637[15] : f32 from vector<16xf32>
    %sub3A_639 = arith.constant 1.000000e+00 : f32
    %sub3A_640 = arith.subf %sub3A_639, %reduce_max3A_638 : f32
    %mul3A_641 = arith.mulf %mul3A_627, %sub3A_640 : f32
    %eq3A_642 = vector.broadcast %reduce_max3A_638 : f32 to vector<16xf32>
    %eq3A_643 = arith.cmpf oeq, %select_n3A_632, %eq3A_642 : vector<16xf32>
    %all_reduce_ffs3A_644 = tpu.all_reduce %eq3A_643 {dim = 0 : i64, kind = #tpu.reduction_kind<find_first_set>} : vector<16xi1> -> vector<16xi32>
    %eq3A_645 = arith.cmpi eq, %iota3A, %all_reduce_ffs3A_644 : vector<16xi32>
    %select_n3A_646 = arith.select %eq3A_645, %select_n3A_633, %select_n3A_632 : vector<16xi1>, vector<16xf32>
    %select_n3A_647 = arith.select %eq3A_645, %select_n3A_634, %select_n3A_633 : vector<16xi1>, vector<16xf32>
    %select_n3A_648 = arith.select %eq3A_645, %broadcast_in_dim3A_17, %select_n3A_634 : vector<16xi1>, vector<16xf32>
    %sub3A_649 = arith.constant 1.000000e+00 : f32
    %sub3A_650 = arith.subf %sub3A_649, %mul3A_641 : f32
    %reduce_max3A_651 = arith.constant true
    %reduce_max3A_652 = vector.broadcast %reduce_max3A_651 : i1 to vector<16xi1>
    %reduce_max3A_653 = tpu.scan <max>, %scan3A_608#3 masked %reduce_max3A_652 : vector<16xf32>, vector<16xi1> -> vector<16xf32>
    %reduce_max3A_654 = vector.extract %reduce_max3A_653[15] : f32 from vector<16xf32>
    %sub3A_655 = arith.constant 1.000000e+00 : f32
    %sub3A_656 = arith.subf %sub3A_655, %reduce_max3A_654 : f32
    %mul3A_657 = arith.constant 1.000000e+00 : f32
    %mul3A_658 = arith.mulf %mul3A_657, %sub3A_656 : f32
    %eq3A_659 = vector.broadcast %reduce_max3A_654 : f32 to vector<16xf32>
    %eq3A_660 = arith.cmpf oeq, %scan3A_608#3, %eq3A_659 : vector<16xf32>
    %all_reduce_ffs3A_661 = tpu.all_reduce %eq3A_660 {dim = 0 : i64, kind = #tpu.reduction_kind<find_first_set>} : vector<16xi1> -> vector<16xi32>
    %eq3A_662 = arith.cmpi eq, %iota3A, %all_reduce_ffs3A_661 : vector<16xi32>
    %select_n3A_663 = arith.select %eq3A_662, %scan3A_608#4, %scan3A_608#3 : vector<16xi1>, vector<16xf32>
    %select_n3A_664 = arith.select %eq3A_662, %scan3A_608#5, %scan3A_608#4 : vector<16xi1>, vector<16xf32>
    %select_n3A_665 = arith.select %eq3A_662, %broadcast_in_dim3A_17, %scan3A_608#5 : vector<16xi1>, vector<16xf32>
    %reduce_max3A_666 = arith.constant true
    %reduce_max3A_667 = vector.broadcast %reduce_max3A_666 : i1 to vector<16xi1>
    %reduce_max3A_668 = tpu.scan <max>, %select_n3A_663 masked %reduce_max3A_667 : vector<16xf32>, vector<16xi1> -> vector<16xf32>
    %reduce_max3A_669 = vector.extract %reduce_max3A_668[15] : f32 from vector<16xf32>
    %sub3A_670 = arith.constant 1.000000e+00 : f32
    %sub3A_671 = arith.subf %sub3A_670, %reduce_max3A_669 : f32
    %mul3A_672 = arith.mulf %mul3A_658, %sub3A_671 : f32
    %eq3A_673 = vector.broadcast %reduce_max3A_669 : f32 to vector<16xf32>
    %eq3A_674 = arith.cmpf oeq, %select_n3A_663, %eq3A_673 : vector<16xf32>
    %all_reduce_ffs3A_675 = tpu.all_reduce %eq3A_674 {dim = 0 : i64, kind = #tpu.reduction_kind<find_first_set>} : vector<16xi1> -> vector<16xi32>
    %eq3A_676 = arith.cmpi eq, %iota3A, %all_reduce_ffs3A_675 : vector<16xi32>
    %select_n3A_677 = arith.select %eq3A_676, %select_n3A_664, %select_n3A_663 : vector<16xi1>, vector<16xf32>
    %select_n3A_678 = arith.select %eq3A_676, %select_n3A_665, %select_n3A_664 : vector<16xi1>, vector<16xf32>
    %select_n3A_679 = arith.select %eq3A_676, %broadcast_in_dim3A_17, %select_n3A_665 : vector<16xi1>, vector<16xf32>
    %reduce_max3A_680 = arith.constant true
    %reduce_max3A_681 = vector.broadcast %reduce_max3A_680 : i1 to vector<16xi1>
    %reduce_max3A_682 = tpu.scan <max>, %select_n3A_677 masked %reduce_max3A_681 : vector<16xf32>, vector<16xi1> -> vector<16xf32>
    %reduce_max3A_683 = vector.extract %reduce_max3A_682[15] : f32 from vector<16xf32>
    %sub3A_684 = arith.constant 1.000000e+00 : f32
    %sub3A_685 = arith.subf %sub3A_684, %reduce_max3A_683 : f32
    %mul3A_686 = arith.mulf %mul3A_672, %sub3A_685 : f32
    %eq3A_687 = vector.broadcast %reduce_max3A_683 : f32 to vector<16xf32>
    %eq3A_688 = arith.cmpf oeq, %select_n3A_677, %eq3A_687 : vector<16xf32>
    %all_reduce_ffs3A_689 = tpu.all_reduce %eq3A_688 {dim = 0 : i64, kind = #tpu.reduction_kind<find_first_set>} : vector<16xi1> -> vector<16xi32>
    %eq3A_690 = arith.cmpi eq, %iota3A, %all_reduce_ffs3A_689 : vector<16xi32>
    %select_n3A_691 = arith.select %eq3A_690, %select_n3A_678, %select_n3A_677 : vector<16xi1>, vector<16xf32>
    %select_n3A_692 = arith.select %eq3A_690, %select_n3A_679, %select_n3A_678 : vector<16xi1>, vector<16xf32>
    %select_n3A_693 = arith.select %eq3A_690, %broadcast_in_dim3A_17, %select_n3A_679 : vector<16xi1>, vector<16xf32>
    %sub3A_694 = arith.constant 1.000000e+00 : f32
    %sub3A_695 = arith.subf %sub3A_694, %mul3A_686 : f32
    %reduce_max3A_696 = arith.constant true
    %reduce_max3A_697 = vector.broadcast %reduce_max3A_696 : i1 to vector<16xi1>
    %reduce_max3A_698 = tpu.scan <max>, %scan3A_608#6 masked %reduce_max3A_697 : vector<16xf32>, vector<16xi1> -> vector<16xf32>
    %reduce_max3A_699 = vector.extract %reduce_max3A_698[15] : f32 from vector<16xf32>
    %sub3A_700 = arith.constant 1.000000e+00 : f32
    %sub3A_701 = arith.subf %sub3A_700, %reduce_max3A_699 : f32
    %mul3A_702 = arith.constant 1.000000e+00 : f32
    %mul3A_703 = arith.mulf %mul3A_702, %sub3A_701 : f32
    %eq3A_704 = vector.broadcast %reduce_max3A_699 : f32 to vector<16xf32>
    %eq3A_705 = arith.cmpf oeq, %scan3A_608#6, %eq3A_704 : vector<16xf32>
    %all_reduce_ffs3A_706 = tpu.all_reduce %eq3A_705 {dim = 0 : i64, kind = #tpu.reduction_kind<find_first_set>} : vector<16xi1> -> vector<16xi32>
    %eq3A_707 = arith.cmpi eq, %iota3A, %all_reduce_ffs3A_706 : vector<16xi32>
    %select_n3A_708 = arith.select %eq3A_707, %scan3A_608#7, %scan3A_608#6 : vector<16xi1>, vector<16xf32>
    %select_n3A_709 = arith.select %eq3A_707, %scan3A_608#8, %scan3A_608#7 : vector<16xi1>, vector<16xf32>
    %select_n3A_710 = arith.select %eq3A_707, %broadcast_in_dim3A_17, %scan3A_608#8 : vector<16xi1>, vector<16xf32>
    %reduce_max3A_711 = arith.constant true
    %reduce_max3A_712 = vector.broadcast %reduce_max3A_711 : i1 to vector<16xi1>
    %reduce_max3A_713 = tpu.scan <max>, %select_n3A_708 masked %reduce_max3A_712 : vector<16xf32>, vector<16xi1> -> vector<16xf32>
    %reduce_max3A_714 = vector.extract %reduce_max3A_713[15] : f32 from vector<16xf32>
    %sub3A_715 = arith.constant 1.000000e+00 : f32
    %sub3A_716 = arith.subf %sub3A_715, %reduce_max3A_714 : f32
    %mul3A_717 = arith.mulf %mul3A_703, %sub3A_716 : f32
    %eq3A_718 = vector.broadcast %reduce_max3A_714 : f32 to vector<16xf32>
    %eq3A_719 = arith.cmpf oeq, %select_n3A_708, %eq3A_718 : vector<16xf32>
    %all_reduce_ffs3A_720 = tpu.all_reduce %eq3A_719 {dim = 0 : i64, kind = #tpu.reduction_kind<find_first_set>} : vector<16xi1> -> vector<16xi32>
    %eq3A_721 = arith.cmpi eq, %iota3A, %all_reduce_ffs3A_720 : vector<16xi32>
    %select_n3A_722 = arith.select %eq3A_721, %select_n3A_709, %select_n3A_708 : vector<16xi1>, vector<16xf32>
    %select_n3A_723 = arith.select %eq3A_721, %select_n3A_710, %select_n3A_709 : vector<16xi1>, vector<16xf32>
    %select_n3A_724 = arith.select %eq3A_721, %broadcast_in_dim3A_17, %select_n3A_710 : vector<16xi1>, vector<16xf32>
    %reduce_max3A_725 = arith.constant true
    %reduce_max3A_726 = vector.broadcast %reduce_max3A_725 : i1 to vector<16xi1>
    %reduce_max3A_727 = tpu.scan <max>, %select_n3A_722 masked %reduce_max3A_726 : vector<16xf32>, vector<16xi1> -> vector<16xf32>
    %reduce_max3A_728 = vector.extract %reduce_max3A_727[15] : f32 from vector<16xf32>
    %sub3A_729 = arith.constant 1.000000e+00 : f32
    %sub3A_730 = arith.subf %sub3A_729, %reduce_max3A_728 : f32
    %mul3A_731 = arith.mulf %mul3A_717, %sub3A_730 : f32
    %eq3A_732 = vector.broadcast %reduce_max3A_728 : f32 to vector<16xf32>
    %eq3A_733 = arith.cmpf oeq, %select_n3A_722, %eq3A_732 : vector<16xf32>
    %all_reduce_ffs3A_734 = tpu.all_reduce %eq3A_733 {dim = 0 : i64, kind = #tpu.reduction_kind<find_first_set>} : vector<16xi1> -> vector<16xi32>
    %eq3A_735 = arith.cmpi eq, %iota3A, %all_reduce_ffs3A_734 : vector<16xi32>
    %select_n3A_736 = arith.select %eq3A_735, %select_n3A_723, %select_n3A_722 : vector<16xi1>, vector<16xf32>
    %select_n3A_737 = arith.select %eq3A_735, %select_n3A_724, %select_n3A_723 : vector<16xi1>, vector<16xf32>
    %select_n3A_738 = arith.select %eq3A_735, %broadcast_in_dim3A_17, %select_n3A_724 : vector<16xi1>, vector<16xf32>
    %sub3A_739 = arith.constant 1.000000e+00 : f32
    %sub3A_740 = arith.subf %sub3A_739, %mul3A_731 : f32
    %reduce_max3A_741 = arith.constant true
    %reduce_max3A_742 = vector.broadcast %reduce_max3A_741 : i1 to vector<16xi1>
    %reduce_max3A_743 = tpu.scan <max>, %scan3A_608#9 masked %reduce_max3A_742 : vector<16xf32>, vector<16xi1> -> vector<16xf32>
    %reduce_max3A_744 = vector.extract %reduce_max3A_743[15] : f32 from vector<16xf32>
    %sub3A_745 = arith.constant 1.000000e+00 : f32
    %sub3A_746 = arith.subf %sub3A_745, %reduce_max3A_744 : f32
    %mul3A_747 = arith.constant 1.000000e+00 : f32
    %mul3A_748 = arith.mulf %mul3A_747, %sub3A_746 : f32
    %eq3A_749 = vector.broadcast %reduce_max3A_744 : f32 to vector<16xf32>
    %eq3A_750 = arith.cmpf oeq, %scan3A_608#9, %eq3A_749 : vector<16xf32>
    %all_reduce_ffs3A_751 = tpu.all_reduce %eq3A_750 {dim = 0 : i64, kind = #tpu.reduction_kind<find_first_set>} : vector<16xi1> -> vector<16xi32>
    %eq3A_752 = arith.cmpi eq, %iota3A, %all_reduce_ffs3A_751 : vector<16xi32>
    %select_n3A_753 = arith.select %eq3A_752, %scan3A_608#10, %scan3A_608#9 : vector<16xi1>, vector<16xf32>
    %select_n3A_754 = arith.select %eq3A_752, %scan3A_608#11, %scan3A_608#10 : vector<16xi1>, vector<16xf32>
    %select_n3A_755 = arith.select %eq3A_752, %broadcast_in_dim3A_17, %scan3A_608#11 : vector<16xi1>, vector<16xf32>
    %reduce_max3A_756 = arith.constant true
    %reduce_max3A_757 = vector.broadcast %reduce_max3A_756 : i1 to vector<16xi1>
    %reduce_max3A_758 = tpu.scan <max>, %select_n3A_753 masked %reduce_max3A_757 : vector<16xf32>, vector<16xi1> -> vector<16xf32>
    %reduce_max3A_759 = vector.extract %reduce_max3A_758[15] : f32 from vector<16xf32>
    %sub3A_760 = arith.constant 1.000000e+00 : f32
    %sub3A_761 = arith.subf %sub3A_760, %reduce_max3A_759 : f32
    %mul3A_762 = arith.mulf %mul3A_748, %sub3A_761 : f32
    %eq3A_763 = vector.broadcast %reduce_max3A_759 : f32 to vector<16xf32>
    %eq3A_764 = arith.cmpf oeq, %select_n3A_753, %eq3A_763 : vector<16xf32>
    %all_reduce_ffs3A_765 = tpu.all_reduce %eq3A_764 {dim = 0 : i64, kind = #tpu.reduction_kind<find_first_set>} : vector<16xi1> -> vector<16xi32>
    %eq3A_766 = arith.cmpi eq, %iota3A, %all_reduce_ffs3A_765 : vector<16xi32>
    %select_n3A_767 = arith.select %eq3A_766, %select_n3A_754, %select_n3A_753 : vector<16xi1>, vector<16xf32>
    %select_n3A_768 = arith.select %eq3A_766, %select_n3A_755, %select_n3A_754 : vector<16xi1>, vector<16xf32>
    %select_n3A_769 = arith.select %eq3A_766, %broadcast_in_dim3A_17, %select_n3A_755 : vector<16xi1>, vector<16xf32>
    %reduce_max3A_770 = arith.constant true
    %reduce_max3A_771 = vector.broadcast %reduce_max3A_770 : i1 to vector<16xi1>
    %reduce_max3A_772 = tpu.scan <max>, %select_n3A_767 masked %reduce_max3A_771 : vector<16xf32>, vector<16xi1> -> vector<16xf32>
    %reduce_max3A_773 = vector.extract %reduce_max3A_772[15] : f32 from vector<16xf32>
    %sub3A_774 = arith.constant 1.000000e+00 : f32
    %sub3A_775 = arith.subf %sub3A_774, %reduce_max3A_773 : f32
    %mul3A_776 = arith.mulf %mul3A_762, %sub3A_775 : f32
    %eq3A_777 = vector.broadcast %reduce_max3A_773 : f32 to vector<16xf32>
    %eq3A_778 = arith.cmpf oeq, %select_n3A_767, %eq3A_777 : vector<16xf32>
    %all_reduce_ffs3A_779 = tpu.all_reduce %eq3A_778 {dim = 0 : i64, kind = #tpu.reduction_kind<find_first_set>} : vector<16xi1> -> vector<16xi32>
    %eq3A_780 = arith.cmpi eq, %iota3A, %all_reduce_ffs3A_779 : vector<16xi32>
    %select_n3A_781 = arith.select %eq3A_780, %select_n3A_768, %select_n3A_767 : vector<16xi1>, vector<16xf32>
    %select_n3A_782 = arith.select %eq3A_780, %select_n3A_769, %select_n3A_768 : vector<16xi1>, vector<16xf32>
    %select_n3A_783 = arith.select %eq3A_780, %broadcast_in_dim3A_17, %select_n3A_769 : vector<16xi1>, vector<16xf32>
    %sub3A_784 = arith.constant 1.000000e+00 : f32
    %sub3A_785 = arith.subf %sub3A_784, %mul3A_776 : f32
    %scan3A_786 = arith.constant 0 : i32
    %scan3A_787 = arith.constant 13 : i32
    %scan3A_788 = arith.addi %scan3A_786, %scan3A_787 : i32
    %scan3A_789 = arith.constant 1 : i32
    %scan3A_790:12 = scf.for %scan3A_1393 = %scan3A_786 to %scan3A_788 step %scan3A_789 iter_args(%scan3A_1394 = %broadcast_in_dim3A_17, %scan3A_1395 = %broadcast_in_dim3A_17, %scan3A_1396 = %broadcast_in_dim3A_17, %scan3A_1397 = %broadcast_in_dim3A_17, %scan3A_1398 = %broadcast_in_dim3A_17, %scan3A_1399 = %broadcast_in_dim3A_17, %scan3A_1400 = %broadcast_in_dim3A_17, %scan3A_1401 = %broadcast_in_dim3A_17, %scan3A_1402 = %broadcast_in_dim3A_17, %scan3A_1403 = %broadcast_in_dim3A_17, %scan3A_1404 = %broadcast_in_dim3A_17, %scan3A_1405 = %broadcast_in_dim3A_17) -> (vector<16xf32>, vector<16xf32>, vector<16xf32>, vector<16xf32>, vector<16xf32>, vector<16xf32>, vector<16xf32>, vector<16xf32>, vector<16xf32>, vector<16xf32>, vector<16xf32>, vector<16xf32>)  : i32 {
      %mul3A_1406 = arith.constant 64 : i32
      %mul3A_1407 = arith.muli %scan3A_1393, %mul3A_1406 : i32
      %add3A_1408 = arith.constant 192 : i32
      %add3A_1409 = arith.addi %mul3A_1407, %add3A_1408 : i32
      %get3A_1410 = arith.index_cast %add3A_1409 : i32 to index
      %get3A_1411 = tpu.vector_load %arg11[%get3A_1410] {strides = array<i32>} : memref<3456xi32, #tpu.memory_space<vmem>>, vector<16xi32>,
      %and3A = arith.constant 127 : i32
      %and3A_1412 = vector.broadcast %and3A : i32 to vector<16xi32>
      %and3A_1413 = arith.andi %get3A_1411, %and3A_1412 : vector<16xi32>
      %shift_right_logical3A = arith.constant 7 : i32
      %shift_right_logical3A_1414 = vector.broadcast %shift_right_logical3A : i32 to vector<16xi32>
      %shift_right_logical3A_1415 = arith.shrui %get3A_1411, %shift_right_logical3A_1414 : vector<16xi32>
      %add3A_1416 = arith.constant 0 : i32
      %add3A_1417 = vector.broadcast %add3A_1416 : i32 to vector<16xi32>
      %add3A_1418 = arith.addi %and3A_1413, %add3A_1417 : vector<16xi32>
      %gather3A_1419 = tpu.vector_load_idx %arg9[%add3A_1418] : memref<448xf32, #tpu.memory_space<vmem>>[vector<16xi32>], vector<16xf32>,
      %add3A_1420 = arith.constant 0 : i32
      %add3A_1421 = vector.broadcast %add3A_1420 : i32 to vector<16xi32>
      %add3A_1422 = arith.addi %shift_right_logical3A_1415, %add3A_1421 : vector<16xi32>
      %gather3A_1423 = tpu.vector_load_idx %arg10[%add3A_1422] : memref<256xf32, #tpu.memory_space<vmem>>[vector<16xi32>], vector<16xf32>,
      %mul3A_1424 = arith.mulf %gather3A_1419, %gather3A_1423 : vector<16xf32>
      %add3A_1425 = arith.constant 112 : i32
      %add3A_1426 = vector.broadcast %add3A_1425 : i32 to vector<16xi32>
      %add3A_1427 = arith.addi %and3A_1413, %add3A_1426 : vector<16xi32>
      %gather3A_1428 = tpu.vector_load_idx %arg9[%add3A_1427] : memref<448xf32, #tpu.memory_space<vmem>>[vector<16xi32>], vector<16xf32>,
      %add3A_1429 = arith.constant 64 : i32
      %add3A_1430 = vector.broadcast %add3A_1429 : i32 to vector<16xi32>
      %add3A_1431 = arith.addi %shift_right_logical3A_1415, %add3A_1430 : vector<16xi32>
      %gather3A_1432 = tpu.vector_load_idx %arg10[%add3A_1431] : memref<256xf32, #tpu.memory_space<vmem>>[vector<16xi32>], vector<16xf32>,
      %mul3A_1433 = arith.mulf %gather3A_1428, %gather3A_1432 : vector<16xf32>
      %add3A_1434 = arith.constant 224 : i32
      %add3A_1435 = vector.broadcast %add3A_1434 : i32 to vector<16xi32>
      %add3A_1436 = arith.addi %and3A_1413, %add3A_1435 : vector<16xi32>
      %gather3A_1437 = tpu.vector_load_idx %arg9[%add3A_1436] : memref<448xf32, #tpu.memory_space<vmem>>[vector<16xi32>], vector<16xf32>,
      %add3A_1438 = arith.constant 128 : i32
      %add3A_1439 = vector.broadcast %add3A_1438 : i32 to vector<16xi32>
      %add3A_1440 = arith.addi %shift_right_logical3A_1415, %add3A_1439 : vector<16xi32>
      %gather3A_1441 = tpu.vector_load_idx %arg10[%add3A_1440] : memref<256xf32, #tpu.memory_space<vmem>>[vector<16xi32>], vector<16xf32>,
      %mul3A_1442 = arith.mulf %gather3A_1437, %gather3A_1441 : vector<16xf32>
      %add3A_1443 = arith.constant 336 : i32
      %add3A_1444 = vector.broadcast %add3A_1443 : i32 to vector<16xi32>
      %add3A_1445 = arith.addi %and3A_1413, %add3A_1444 : vector<16xi32>
      %gather3A_1446 = tpu.vector_load_idx %arg9[%add3A_1445] : memref<448xf32, #tpu.memory_space<vmem>>[vector<16xi32>], vector<16xf32>,
      %add3A_1447 = arith.constant 192 : i32
      %add3A_1448 = vector.broadcast %add3A_1447 : i32 to vector<16xi32>
      %add3A_1449 = arith.addi %shift_right_logical3A_1415, %add3A_1448 : vector<16xi32>
      %gather3A_1450 = tpu.vector_load_idx %arg10[%add3A_1449] : memref<256xf32, #tpu.memory_space<vmem>>[vector<16xi32>], vector<16xf32>,
      %mul3A_1451 = arith.mulf %gather3A_1446, %gather3A_1450 : vector<16xf32>
      %add3A_1452 = arith.constant 208 : i32
      %add3A_1453 = arith.addi %mul3A_1407, %add3A_1452 : i32
      %get3A_1454 = arith.index_cast %add3A_1453 : i32 to index
      %get3A_1455 = tpu.vector_load %arg11[%get3A_1454] {strides = array<i32>} : memref<3456xi32, #tpu.memory_space<vmem>>, vector<16xi32>,
      %and3A_1456 = arith.constant 127 : i32
      %and3A_1457 = vector.broadcast %and3A_1456 : i32 to vector<16xi32>
      %and3A_1458 = arith.andi %get3A_1455, %and3A_1457 : vector<16xi32>
      %shift_right_logical3A_1459 = arith.constant 7 : i32
      %shift_right_logical3A_1460 = vector.broadcast %shift_right_logical3A_1459 : i32 to vector<16xi32>
      %shift_right_logical3A_1461 = arith.shrui %get3A_1455, %shift_right_logical3A_1460 : vector<16xi32>
      %add3A_1462 = arith.constant 0 : i32
      %add3A_1463 = vector.broadcast %add3A_1462 : i32 to vector<16xi32>
      %add3A_1464 = arith.addi %and3A_1458, %add3A_1463 : vector<16xi32>
      %gather3A_1465 = tpu.vector_load_idx %arg9[%add3A_1464] : memref<448xf32, #tpu.memory_space<vmem>>[vector<16xi32>], vector<16xf32>,
      %add3A_1466 = arith.constant 0 : i32
      %add3A_1467 = vector.broadcast %add3A_1466 : i32 to vector<16xi32>
      %add3A_1468 = arith.addi %shift_right_logical3A_1461, %add3A_1467 : vector<16xi32>
      %gather3A_1469 = tpu.vector_load_idx %arg10[%add3A_1468] : memref<256xf32, #tpu.memory_space<vmem>>[vector<16xi32>], vector<16xf32>,
      %mul3A_1470 = arith.mulf %gather3A_1465, %gather3A_1469 : vector<16xf32>
      %add3A_1471 = arith.constant 112 : i32
      %add3A_1472 = vector.broadcast %add3A_1471 : i32 to vector<16xi32>
      %add3A_1473 = arith.addi %and3A_1458, %add3A_1472 : vector<16xi32>
      %gather3A_1474 = tpu.vector_load_idx %arg9[%add3A_1473] : memref<448xf32, #tpu.memory_space<vmem>>[vector<16xi32>], vector<16xf32>,
      %add3A_1475 = arith.constant 64 : i32
      %add3A_1476 = vector.broadcast %add3A_1475 : i32 to vector<16xi32>
      %add3A_1477 = arith.addi %shift_right_logical3A_1461, %add3A_1476 : vector<16xi32>
      %gather3A_1478 = tpu.vector_load_idx %arg10[%add3A_1477] : memref<256xf32, #tpu.memory_space<vmem>>[vector<16xi32>], vector<16xf32>,
      %mul3A_1479 = arith.mulf %gather3A_1474, %gather3A_1478 : vector<16xf32>
      %add3A_1480 = arith.constant 224 : i32
      %add3A_1481 = vector.broadcast %add3A_1480 : i32 to vector<16xi32>
      %add3A_1482 = arith.addi %and3A_1458, %add3A_1481 : vector<16xi32>
      %gather3A_1483 = tpu.vector_load_idx %arg9[%add3A_1482] : memref<448xf32, #tpu.memory_space<vmem>>[vector<16xi32>], vector<16xf32>,
      %add3A_1484 = arith.constant 128 : i32
      %add3A_1485 = vector.broadcast %add3A_1484 : i32 to vector<16xi32>
      %add3A_1486 = arith.addi %shift_right_logical3A_1461, %add3A_1485 : vector<16xi32>
      %gather3A_1487 = tpu.vector_load_idx %arg10[%add3A_1486] : memref<256xf32, #tpu.memory_space<vmem>>[vector<16xi32>], vector<16xf32>,
      %mul3A_1488 = arith.mulf %gather3A_1483, %gather3A_1487 : vector<16xf32>
      %add3A_1489 = arith.constant 336 : i32
      %add3A_1490 = vector.broadcast %add3A_1489 : i32 to vector<16xi32>
      %add3A_1491 = arith.addi %and3A_1458, %add3A_1490 : vector<16xi32>
      %gather3A_1492 = tpu.vector_load_idx %arg9[%add3A_1491] : memref<448xf32, #tpu.memory_space<vmem>>[vector<16xi32>], vector<16xf32>,
      %add3A_1493 = arith.constant 192 : i32
      %add3A_1494 = vector.broadcast %add3A_1493 : i32 to vector<16xi32>
      %add3A_1495 = arith.addi %shift_right_logical3A_1461, %add3A_1494 : vector<16xi32>
      %gather3A_1496 = tpu.vector_load_idx %arg10[%add3A_1495] : memref<256xf32, #tpu.memory_space<vmem>>[vector<16xi32>], vector<16xf32>,
      %mul3A_1497 = arith.mulf %gather3A_1492, %gather3A_1496 : vector<16xf32>
      %add3A_1498 = arith.constant 224 : i32
      %add3A_1499 = arith.addi %mul3A_1407, %add3A_1498 : i32
      %get3A_1500 = arith.index_cast %add3A_1499 : i32 to index
      %get3A_1501 = tpu.vector_load %arg11[%get3A_1500] {strides = array<i32>} : memref<3456xi32, #tpu.memory_space<vmem>>, vector<16xi32>,
      %and3A_1502 = arith.constant 127 : i32
      %and3A_1503 = vector.broadcast %and3A_1502 : i32 to vector<16xi32>
      %and3A_1504 = arith.andi %get3A_1501, %and3A_1503 : vector<16xi32>
      %shift_right_logical3A_1505 = arith.constant 7 : i32
      %shift_right_logical3A_1506 = vector.broadcast %shift_right_logical3A_1505 : i32 to vector<16xi32>
      %shift_right_logical3A_1507 = arith.shrui %get3A_1501, %shift_right_logical3A_1506 : vector<16xi32>
      %add3A_1508 = arith.constant 0 : i32
      %add3A_1509 = vector.broadcast %add3A_1508 : i32 to vector<16xi32>
      %add3A_1510 = arith.addi %and3A_1504, %add3A_1509 : vector<16xi32>
      %gather3A_1511 = tpu.vector_load_idx %arg9[%add3A_1510] : memref<448xf32, #tpu.memory_space<vmem>>[vector<16xi32>], vector<16xf32>,
      %add3A_1512 = arith.constant 0 : i32
      %add3A_1513 = vector.broadcast %add3A_1512 : i32 to vector<16xi32>
      %add3A_1514 = arith.addi %shift_right_logical3A_1507, %add3A_1513 : vector<16xi32>
      %gather3A_1515 = tpu.vector_load_idx %arg10[%add3A_1514] : memref<256xf32, #tpu.memory_space<vmem>>[vector<16xi32>], vector<16xf32>,
      %mul3A_1516 = arith.mulf %gather3A_1511, %gather3A_1515 : vector<16xf32>
      %add3A_1517 = arith.constant 112 : i32
      %add3A_1518 = vector.broadcast %add3A_1517 : i32 to vector<16xi32>
      %add3A_1519 = arith.addi %and3A_1504, %add3A_1518 : vector<16xi32>
      %gather3A_1520 = tpu.vector_load_idx %arg9[%add3A_1519] : memref<448xf32, #tpu.memory_space<vmem>>[vector<16xi32>], vector<16xf32>,
      %add3A_1521 = arith.constant 64 : i32
      %add3A_1522 = vector.broadcast %add3A_1521 : i32 to vector<16xi32>
      %add3A_1523 = arith.addi %shift_right_logical3A_1507, %add3A_1522 : vector<16xi32>
      %gather3A_1524 = tpu.vector_load_idx %arg10[%add3A_1523] : memref<256xf32, #tpu.memory_space<vmem>>[vector<16xi32>], vector<16xf32>,
      %mul3A_1525 = arith.mulf %gather3A_1520, %gather3A_1524 : vector<16xf32>
      %add3A_1526 = arith.constant 224 : i32
      %add3A_1527 = vector.broadcast %add3A_1526 : i32 to vector<16xi32>
      %add3A_1528 = arith.addi %and3A_1504, %add3A_1527 : vector<16xi32>
      %gather3A_1529 = tpu.vector_load_idx %arg9[%add3A_1528] : memref<448xf32, #tpu.memory_space<vmem>>[vector<16xi32>], vector<16xf32>,
      %add3A_1530 = arith.constant 128 : i32
      %add3A_1531 = vector.broadcast %add3A_1530 : i32 to vector<16xi32>
      %add3A_1532 = arith.addi %shift_right_logical3A_1507, %add3A_1531 : vector<16xi32>
      %gather3A_1533 = tpu.vector_load_idx %arg10[%add3A_1532] : memref<256xf32, #tpu.memory_space<vmem>>[vector<16xi32>], vector<16xf32>,
      %mul3A_1534 = arith.mulf %gather3A_1529, %gather3A_1533 : vector<16xf32>
      %add3A_1535 = arith.constant 336 : i32
      %add3A_1536 = vector.broadcast %add3A_1535 : i32 to vector<16xi32>
      %add3A_1537 = arith.addi %and3A_1504, %add3A_1536 : vector<16xi32>
      %gather3A_1538 = tpu.vector_load_idx %arg9[%add3A_1537] : memref<448xf32, #tpu.memory_space<vmem>>[vector<16xi32>], vector<16xf32>,
      %add3A_1539 = arith.constant 192 : i32
      %add3A_1540 = vector.broadcast %add3A_1539 : i32 to vector<16xi32>
      %add3A_1541 = arith.addi %shift_right_logical3A_1507, %add3A_1540 : vector<16xi32>
      %gather3A_1542 = tpu.vector_load_idx %arg10[%add3A_1541] : memref<256xf32, #tpu.memory_space<vmem>>[vector<16xi32>], vector<16xf32>,
      %mul3A_1543 = arith.mulf %gather3A_1538, %gather3A_1542 : vector<16xf32>
      %add3A_1544 = arith.constant 240 : i32
      %add3A_1545 = arith.addi %mul3A_1407, %add3A_1544 : i32
      %get3A_1546 = arith.index_cast %add3A_1545 : i32 to index
      %get3A_1547 = tpu.vector_load %arg11[%get3A_1546] {strides = array<i32>} : memref<3456xi32, #tpu.memory_space<vmem>>, vector<16xi32>,
      %and3A_1548 = arith.constant 127 : i32
      %and3A_1549 = vector.broadcast %and3A_1548 : i32 to vector<16xi32>
      %and3A_1550 = arith.andi %get3A_1547, %and3A_1549 : vector<16xi32>
      %shift_right_logical3A_1551 = arith.constant 7 : i32
      %shift_right_logical3A_1552 = vector.broadcast %shift_right_logical3A_1551 : i32 to vector<16xi32>
      %shift_right_logical3A_1553 = arith.shrui %get3A_1547, %shift_right_logical3A_1552 : vector<16xi32>
      %add3A_1554 = arith.constant 0 : i32
      %add3A_1555 = vector.broadcast %add3A_1554 : i32 to vector<16xi32>
      %add3A_1556 = arith.addi %and3A_1550, %add3A_1555 : vector<16xi32>
      %gather3A_1557 = tpu.vector_load_idx %arg9[%add3A_1556] : memref<448xf32, #tpu.memory_space<vmem>>[vector<16xi32>], vector<16xf32>,
      %add3A_1558 = arith.constant 0 : i32
      %add3A_1559 = vector.broadcast %add3A_1558 : i32 to vector<16xi32>
      %add3A_1560 = arith.addi %shift_right_logical3A_1553, %add3A_1559 : vector<16xi32>
      %gather3A_1561 = tpu.vector_load_idx %arg10[%add3A_1560] : memref<256xf32, #tpu.memory_space<vmem>>[vector<16xi32>], vector<16xf32>,
      %mul3A_1562 = arith.mulf %gather3A_1557, %gather3A_1561 : vector<16xf32>
      %add3A_1563 = arith.constant 112 : i32
      %add3A_1564 = vector.broadcast %add3A_1563 : i32 to vector<16xi32>
      %add3A_1565 = arith.addi %and3A_1550, %add3A_1564 : vector<16xi32>
      %gather3A_1566 = tpu.vector_load_idx %arg9[%add3A_1565] : memref<448xf32, #tpu.memory_space<vmem>>[vector<16xi32>], vector<16xf32>,
      %add3A_1567 = arith.constant 64 : i32
      %add3A_1568 = vector.broadcast %add3A_1567 : i32 to vector<16xi32>
      %add3A_1569 = arith.addi %shift_right_logical3A_1553, %add3A_1568 : vector<16xi32>
      %gather3A_1570 = tpu.vector_load_idx %arg10[%add3A_1569] : memref<256xf32, #tpu.memory_space<vmem>>[vector<16xi32>], vector<16xf32>,
      %mul3A_1571 = arith.mulf %gather3A_1566, %gather3A_1570 : vector<16xf32>
      %add3A_1572 = arith.constant 224 : i32
      %add3A_1573 = vector.broadcast %add3A_1572 : i32 to vector<16xi32>
      %add3A_1574 = arith.addi %and3A_1550, %add3A_1573 : vector<16xi32>
      %gather3A_1575 = tpu.vector_load_idx %arg9[%add3A_1574] : memref<448xf32, #tpu.memory_space<vmem>>[vector<16xi32>], vector<16xf32>,
      %add3A_1576 = arith.constant 128 : i32
      %add3A_1577 = vector.broadcast %add3A_1576 : i32 to vector<16xi32>
      %add3A_1578 = arith.addi %shift_right_logical3A_1553, %add3A_1577 : vector<16xi32>
      %gather3A_1579 = tpu.vector_load_idx %arg10[%add3A_1578] : memref<256xf32, #tpu.memory_space<vmem>>[vector<16xi32>], vector<16xf32>,
      %mul3A_1580 = arith.mulf %gather3A_1575, %gather3A_1579 : vector<16xf32>
      %add3A_1581 = arith.constant 336 : i32
      %add3A_1582 = vector.broadcast %add3A_1581 : i32 to vector<16xi32>
      %add3A_1583 = arith.addi %and3A_1550, %add3A_1582 : vector<16xi32>
      %gather3A_1584 = tpu.vector_load_idx %arg9[%add3A_1583] : memref<448xf32, #tpu.memory_space<vmem>>[vector<16xi32>], vector<16xf32>,
      %add3A_1585 = arith.constant 192 : i32
      %add3A_1586 = vector.broadcast %add3A_1585 : i32 to vector<16xi32>
      %add3A_1587 = arith.addi %shift_right_logical3A_1553, %add3A_1586 : vector<16xi32>
      %gather3A_1588 = tpu.vector_load_idx %arg10[%add3A_1587] : memref<256xf32, #tpu.memory_space<vmem>>[vector<16xi32>], vector<16xf32>,
      %mul3A_1589 = arith.mulf %gather3A_1584, %gather3A_1588 : vector<16xf32>
      %max3A = arith.maximumf %mul3A_1424, %mul3A_1470 : vector<16xf32>
      %min3A_1590 = arith.minimumf %mul3A_1424, %mul3A_1470 : vector<16xf32>
      %max3A_1591 = arith.maximumf %mul3A_1516, %mul3A_1562 : vector<16xf32>
      %min3A_1592 = arith.minimumf %mul3A_1516, %mul3A_1562 : vector<16xf32>
      %max3A_1593 = arith.maximumf %max3A, %max3A_1591 : vector<16xf32>
      %min3A_1594 = arith.minimumf %max3A, %max3A_1591 : vector<16xf32>
      %max3A_1595 = arith.maximumf %min3A_1590, %min3A_1592 : vector<16xf32>
      %max3A_1596 = arith.maximumf %min3A_1594, %max3A_1595 : vector<16xf32>
      %min3A_1597 = arith.minimumf %min3A_1594, %max3A_1595 : vector<16xf32>
      %max3A_1598 = arith.maximumf %scan3A_1394, %max3A_1593 : vector<16xf32>
      %min3A_1599 = arith.minimumf %scan3A_1394, %max3A_1593 : vector<16xf32>
      %max3A_1600 = arith.maximumf %scan3A_1395, %max3A_1596 : vector<16xf32>
      %max3A_1601 = arith.maximumf %min3A_1599, %max3A_1600 : vector<16xf32>
      %max3A_1602 = arith.maximumf %scan3A_1396, %min3A_1597 : vector<16xf32>
      %min3A_1603 = arith.minimumf %scan3A_1395, %max3A_1593 : vector<16xf32>
      %min3A_1604 = arith.minimumf %scan3A_1394, %max3A_1596 : vector<16xf32>
      %max3A_1605 = arith.maximumf %min3A_1603, %min3A_1604 : vector<16xf32>
      %max3A_1606 = arith.maximumf %max3A_1602, %max3A_1605 : vector<16xf32>
      %max3A_1607 = arith.maximumf %mul3A_1433, %mul3A_1479 : vector<16xf32>
      %min3A_1608 = arith.minimumf %mul3A_1433, %mul3A_1479 : vector<16xf32>
      %max3A_1609 = arith.maximumf %mul3A_1525, %mul3A_1571 : vector<16xf32>
      %min3A_1610 = arith.minimumf %mul3A_1525, %mul3A_1571 : vector<16xf32>
      %max3A_1611 = arith.maximumf %max3A_1607, %max3A_1609 : vector<16xf32>
      %min3A_1612 = arith.minimumf %max3A_1607, %max3A_1609 : vector<16xf32>
      %max3A_1613 = arith.maximumf %min3A_1608, %min3A_1610 : vector<16xf32>
      %max3A_1614 = arith.maximumf %min3A_1612, %max3A_1613 : vector<16xf32>
      %min3A_1615 = arith.minimumf %min3A_1612, %max3A_1613 : vector<16xf32>
      %max3A_1616 = arith.maximumf %scan3A_1397, %max3A_1611 : vector<16xf32>
      %min3A_1617 = arith.minimumf %scan3A_1397, %max3A_1611 : vector<16xf32>
      %max3A_1618 = arith.maximumf %scan3A_1398, %max3A_1614 : vector<16xf32>
      %max3A_1619 = arith.maximumf %min3A_1617, %max3A_1618 : vector<16xf32>
      %max3A_1620 = arith.maximumf %scan3A_1399, %min3A_1615 : vector<16xf32>
      %min3A_1621 = arith.minimumf %scan3A_1398, %max3A_1611 : vector<16xf32>
      %min3A_1622 = arith.minimumf %scan3A_1397, %max3A_1614 : vector<16xf32>
      %max3A_1623 = arith.maximumf %min3A_1621, %min3A_1622 : vector<16xf32>
      %max3A_1624 = arith.maximumf %max3A_1620, %max3A_1623 : vector<16xf32>
      %max3A_1625 = arith.maximumf %mul3A_1442, %mul3A_1488 : vector<16xf32>
      %min3A_1626 = arith.minimumf %mul3A_1442, %mul3A_1488 : vector<16xf32>
      %max3A_1627 = arith.maximumf %mul3A_1534, %mul3A_1580 : vector<16xf32>
      %min3A_1628 = arith.minimumf %mul3A_1534, %mul3A_1580 : vector<16xf32>
      %max3A_1629 = arith.maximumf %max3A_1625, %max3A_1627 : vector<16xf32>
      %min3A_1630 = arith.minimumf %max3A_1625, %max3A_1627 : vector<16xf32>
      %max3A_1631 = arith.maximumf %min3A_1626, %min3A_1628 : vector<16xf32>
      %max3A_1632 = arith.maximumf %min3A_1630, %max3A_1631 : vector<16xf32>
      %min3A_1633 = arith.minimumf %min3A_1630, %max3A_1631 : vector<16xf32>
      %max3A_1634 = arith.maximumf %scan3A_1400, %max3A_1629 : vector<16xf32>
      %min3A_1635 = arith.minimumf %scan3A_1400, %max3A_1629 : vector<16xf32>
      %max3A_1636 = arith.maximumf %scan3A_1401, %max3A_1632 : vector<16xf32>
      %max3A_1637 = arith.maximumf %min3A_1635, %max3A_1636 : vector<16xf32>
      %max3A_1638 = arith.maximumf %scan3A_1402, %min3A_1633 : vector<16xf32>
      %min3A_1639 = arith.minimumf %scan3A_1401, %max3A_1629 : vector<16xf32>
      %min3A_1640 = arith.minimumf %scan3A_1400, %max3A_1632 : vector<16xf32>
      %max3A_1641 = arith.maximumf %min3A_1639, %min3A_1640 : vector<16xf32>
      %max3A_1642 = arith.maximumf %max3A_1638, %max3A_1641 : vector<16xf32>
      %max3A_1643 = arith.maximumf %mul3A_1451, %mul3A_1497 : vector<16xf32>
      %min3A_1644 = arith.minimumf %mul3A_1451, %mul3A_1497 : vector<16xf32>
      %max3A_1645 = arith.maximumf %mul3A_1543, %mul3A_1589 : vector<16xf32>
      %min3A_1646 = arith.minimumf %mul3A_1543, %mul3A_1589 : vector<16xf32>
      %max3A_1647 = arith.maximumf %max3A_1643, %max3A_1645 : vector<16xf32>
      %min3A_1648 = arith.minimumf %max3A_1643, %max3A_1645 : vector<16xf32>
      %max3A_1649 = arith.maximumf %min3A_1644, %min3A_1646 : vector<16xf32>
      %max3A_1650 = arith.maximumf %min3A_1648, %max3A_1649 : vector<16xf32>
      %min3A_1651 = arith.minimumf %min3A_1648, %max3A_1649 : vector<16xf32>
      %max3A_1652 = arith.maximumf %scan3A_1403, %max3A_1647 : vector<16xf32>
      %min3A_1653 = arith.minimumf %scan3A_1403, %max3A_1647 : vector<16xf32>
      %max3A_1654 = arith.maximumf %scan3A_1404, %max3A_1650 : vector<16xf32>
      %max3A_1655 = arith.maximumf %min3A_1653, %max3A_1654 : vector<16xf32>
      %max3A_1656 = arith.maximumf %scan3A_1405, %min3A_1651 : vector<16xf32>
      %min3A_1657 = arith.minimumf %scan3A_1404, %max3A_1647 : vector<16xf32>
      %min3A_1658 = arith.minimumf %scan3A_1403, %max3A_1650 : vector<16xf32>
      %max3A_1659 = arith.maximumf %min3A_1657, %min3A_1658 : vector<16xf32>
      %max3A_1660 = arith.maximumf %max3A_1656, %max3A_1659 : vector<16xf32>
      scf.yield %max3A_1598, %max3A_1601, %max3A_1606, %max3A_1616, %max3A_1619, %max3A_1624, %max3A_1634, %max3A_1637, %max3A_1642, %max3A_1652, %max3A_1655, %max3A_1660 : vector<16xf32>, vector<16xf32>, vector<16xf32>, vector<16xf32>, vector<16xf32>, vector<16xf32>, vector<16xf32>, vector<16xf32>, vector<16xf32>, vector<16xf32>, vector<16xf32>, vector<16xf32>
    }
    %scan3A_791 = arith.constant 13 : i32
    %get3A = arith.constant 0 : index
    %get3A_792 = tpu.vector_load %arg12[%get3A] {strides = array<i32>} : memref<112xi32, #tpu.memory_space<vmem>>, vector<16xi32>,
    %sub3A_793 = arith.constant 1.000000e+00 : f32
    %sub3A_794 = vector.broadcast %sub3A_793 : f32 to vector<16xf32>
    %sub3A_795 = arith.subf %sub3A_794, %scan3A_790#0 : vector<16xf32>
    %sub3A_796 = arith.constant 1.000000e+00 : f32
    %sub3A_797 = vector.broadcast %sub3A_796 : f32 to vector<16xf32>
    %sub3A_798 = arith.subf %sub3A_797, %scan3A_790#1 : vector<16xf32>
    %mul3A_799 = arith.mulf %sub3A_795, %sub3A_798 : vector<16xf32>
    %sub3A_800 = arith.constant 1.000000e+00 : f32
    %sub3A_801 = vector.broadcast %sub3A_800 : f32 to vector<16xf32>
    %sub3A_802 = arith.subf %sub3A_801, %scan3A_790#2 : vector<16xf32>
    %mul3A_803 = arith.mulf %mul3A_799, %sub3A_802 : vector<16xf32>
    %sub3A_804 = arith.constant 1.000000e+00 : f32
    %sub3A_805 = vector.broadcast %sub3A_804 : f32 to vector<16xf32>
    %sub3A_806 = arith.subf %sub3A_805, %mul3A_803 : vector<16xf32>
    %broadcast_in_dim3A_807 = arith.constant 0 : i32
    %broadcast_in_dim3A_808 = vector.broadcast %broadcast_in_dim3A_807 : i32 to vector<16xi32>
    %add3A_809 = arith.constant 0 : i32
    %add3A_810 = vector.broadcast %add3A_809 : i32 to vector<16xi32>
    %add3A_811 = arith.addi %broadcast_in_dim3A_808, %add3A_810 : vector<16xi32>
    tpu.vector_store_idx %arg13[%add3A_811, %get3A_792], %sub3A_806 : memref<4x100xf32, #tpu.memory_space<vmem>>[vector<16xi32>, vector<16xi32>], vector<16xf32>,
    %sub3A_812 = arith.constant 1.000000e+00 : f32
    %sub3A_813 = vector.broadcast %sub3A_812 : f32 to vector<16xf32>
    %sub3A_814 = arith.subf %sub3A_813, %scan3A_790#3 : vector<16xf32>
    %sub3A_815 = arith.constant 1.000000e+00 : f32
    %sub3A_816 = vector.broadcast %sub3A_815 : f32 to vector<16xf32>
    %sub3A_817 = arith.subf %sub3A_816, %scan3A_790#4 : vector<16xf32>
    %mul3A_818 = arith.mulf %sub3A_814, %sub3A_817 : vector<16xf32>
    %sub3A_819 = arith.constant 1.000000e+00 : f32
    %sub3A_820 = vector.broadcast %sub3A_819 : f32 to vector<16xf32>
    %sub3A_821 = arith.subf %sub3A_820, %scan3A_790#5 : vector<16xf32>
    %mul3A_822 = arith.mulf %mul3A_818, %sub3A_821 : vector<16xf32>
    %sub3A_823 = arith.constant 1.000000e+00 : f32
    %sub3A_824 = vector.broadcast %sub3A_823 : f32 to vector<16xf32>
    %sub3A_825 = arith.subf %sub3A_824, %mul3A_822 : vector<16xf32>
    %broadcast_in_dim3A_826 = arith.constant 0 : i32
    %broadcast_in_dim3A_827 = vector.broadcast %broadcast_in_dim3A_826 : i32 to vector<16xi32>
    %add3A_828 = arith.constant 1 : i32
    %add3A_829 = vector.broadcast %add3A_828 : i32 to vector<16xi32>
    %add3A_830 = arith.addi %broadcast_in_dim3A_827, %add3A_829 : vector<16xi32>
    tpu.vector_store_idx %arg13[%add3A_830, %get3A_792], %sub3A_825 : memref<4x100xf32, #tpu.memory_space<vmem>>[vector<16xi32>, vector<16xi32>], vector<16xf32>,
    %sub3A_831 = arith.constant 1.000000e+00 : f32
    %sub3A_832 = vector.broadcast %sub3A_831 : f32 to vector<16xf32>
    %sub3A_833 = arith.subf %sub3A_832, %scan3A_790#6 : vector<16xf32>
    %sub3A_834 = arith.constant 1.000000e+00 : f32
    %sub3A_835 = vector.broadcast %sub3A_834 : f32 to vector<16xf32>
    %sub3A_836 = arith.subf %sub3A_835, %scan3A_790#7 : vector<16xf32>
    %mul3A_837 = arith.mulf %sub3A_833, %sub3A_836 : vector<16xf32>
    %sub3A_838 = arith.constant 1.000000e+00 : f32
    %sub3A_839 = vector.broadcast %sub3A_838 : f32 to vector<16xf32>
    %sub3A_840 = arith.subf %sub3A_839, %scan3A_790#8 : vector<16xf32>
    %mul3A_841 = arith.mulf %mul3A_837, %sub3A_840 : vector<16xf32>
    %sub3A_842 = arith.constant 1.000000e+00 : f32
    %sub3A_843 = vector.broadcast %sub3A_842 : f32 to vector<16xf32>
    %sub3A_844 = arith.subf %sub3A_843, %mul3A_841 : vector<16xf32>
    %broadcast_in_dim3A_845 = arith.constant 0 : i32
    %broadcast_in_dim3A_846 = vector.broadcast %broadcast_in_dim3A_845 : i32 to vector<16xi32>
    %add3A_847 = arith.constant 2 : i32
    %add3A_848 = vector.broadcast %add3A_847 : i32 to vector<16xi32>
    %add3A_849 = arith.addi %broadcast_in_dim3A_846, %add3A_848 : vector<16xi32>
    tpu.vector_store_idx %arg13[%add3A_849, %get3A_792], %sub3A_844 : memref<4x100xf32, #tpu.memory_space<vmem>>[vector<16xi32>, vector<16xi32>], vector<16xf32>,
    %sub3A_850 = arith.constant 1.000000e+00 : f32
    %sub3A_851 = vector.broadcast %sub3A_850 : f32 to vector<16xf32>
    %sub3A_852 = arith.subf %sub3A_851, %scan3A_790#9 : vector<16xf32>
    %sub3A_853 = arith.constant 1.000000e+00 : f32
    %sub3A_854 = vector.broadcast %sub3A_853 : f32 to vector<16xf32>
    %sub3A_855 = arith.subf %sub3A_854, %scan3A_790#10 : vector<16xf32>
    %mul3A_856 = arith.mulf %sub3A_852, %sub3A_855 : vector<16xf32>
    %sub3A_857 = arith.constant 1.000000e+00 : f32
    %sub3A_858 = vector.broadcast %sub3A_857 : f32 to vector<16xf32>
    %sub3A_859 = arith.subf %sub3A_858, %scan3A_790#11 : vector<16xf32>
    %mul3A_860 = arith.mulf %mul3A_856, %sub3A_859 : vector<16xf32>
    %sub3A_861 = arith.constant 1.000000e+00 : f32
    %sub3A_862 = vector.broadcast %sub3A_861 : f32 to vector<16xf32>
    %sub3A_863 = arith.subf %sub3A_862, %mul3A_860 : vector<16xf32>
    %broadcast_in_dim3A_864 = arith.constant 0 : i32
    %broadcast_in_dim3A_865 = vector.broadcast %broadcast_in_dim3A_864 : i32 to vector<16xi32>
    %add3A_866 = arith.constant 3 : i32
    %add3A_867 = vector.broadcast %add3A_866 : i32 to vector<16xi32>
    %add3A_868 = arith.addi %broadcast_in_dim3A_865, %add3A_867 : vector<16xi32>
    tpu.vector_store_idx %arg13[%add3A_868, %get3A_792], %sub3A_863 : memref<4x100xf32, #tpu.memory_space<vmem>>[vector<16xi32>, vector<16xi32>], vector<16xf32>,
    %scan3A_869 = arith.constant 0 : i32
    %scan3A_870 = arith.constant 9 : i32
    %scan3A_871 = arith.addi %scan3A_869, %scan3A_870 : i32
    %scan3A_872 = arith.constant 1 : i32
    %scan3A_873:12 = scf.for %scan3A_1393 = %scan3A_869 to %scan3A_871 step %scan3A_872 iter_args(%scan3A_1394 = %broadcast_in_dim3A_17, %scan3A_1395 = %broadcast_in_dim3A_17, %scan3A_1396 = %broadcast_in_dim3A_17, %scan3A_1397 = %broadcast_in_dim3A_17, %scan3A_1398 = %broadcast_in_dim3A_17, %scan3A_1399 = %broadcast_in_dim3A_17, %scan3A_1400 = %broadcast_in_dim3A_17, %scan3A_1401 = %broadcast_in_dim3A_17, %scan3A_1402 = %broadcast_in_dim3A_17, %scan3A_1403 = %broadcast_in_dim3A_17, %scan3A_1404 = %broadcast_in_dim3A_17, %scan3A_1405 = %broadcast_in_dim3A_17) -> (vector<16xf32>, vector<16xf32>, vector<16xf32>, vector<16xf32>, vector<16xf32>, vector<16xf32>, vector<16xf32>, vector<16xf32>, vector<16xf32>, vector<16xf32>, vector<16xf32>, vector<16xf32>)  : i32 {
      %mul3A_1406 = arith.constant 64 : i32
      %mul3A_1407 = arith.muli %scan3A_1393, %mul3A_1406 : i32
      %add3A_1408 = arith.constant 1024 : i32
      %add3A_1409 = arith.addi %mul3A_1407, %add3A_1408 : i32
      %get3A_1410 = arith.index_cast %add3A_1409 : i32 to index
      %get3A_1411 = tpu.vector_load %arg11[%get3A_1410] {strides = array<i32>} : memref<3456xi32, #tpu.memory_space<vmem>>, vector<16xi32>,
      %and3A = arith.constant 127 : i32
      %and3A_1412 = vector.broadcast %and3A : i32 to vector<16xi32>
      %and3A_1413 = arith.andi %get3A_1411, %and3A_1412 : vector<16xi32>
      %shift_right_logical3A = arith.constant 7 : i32
      %shift_right_logical3A_1414 = vector.broadcast %shift_right_logical3A : i32 to vector<16xi32>
      %shift_right_logical3A_1415 = arith.shrui %get3A_1411, %shift_right_logical3A_1414 : vector<16xi32>
      %add3A_1416 = arith.constant 0 : i32
      %add3A_1417 = vector.broadcast %add3A_1416 : i32 to vector<16xi32>
      %add3A_1418 = arith.addi %and3A_1413, %add3A_1417 : vector<16xi32>
      %gather3A_1419 = tpu.vector_load_idx %arg9[%add3A_1418] : memref<448xf32, #tpu.memory_space<vmem>>[vector<16xi32>], vector<16xf32>,
      %add3A_1420 = arith.constant 0 : i32
      %add3A_1421 = vector.broadcast %add3A_1420 : i32 to vector<16xi32>
      %add3A_1422 = arith.addi %shift_right_logical3A_1415, %add3A_1421 : vector<16xi32>
      %gather3A_1423 = tpu.vector_load_idx %arg10[%add3A_1422] : memref<256xf32, #tpu.memory_space<vmem>>[vector<16xi32>], vector<16xf32>,
      %mul3A_1424 = arith.mulf %gather3A_1419, %gather3A_1423 : vector<16xf32>
      %add3A_1425 = arith.constant 112 : i32
      %add3A_1426 = vector.broadcast %add3A_1425 : i32 to vector<16xi32>
      %add3A_1427 = arith.addi %and3A_1413, %add3A_1426 : vector<16xi32>
      %gather3A_1428 = tpu.vector_load_idx %arg9[%add3A_1427] : memref<448xf32, #tpu.memory_space<vmem>>[vector<16xi32>], vector<16xf32>,
      %add3A_1429 = arith.constant 64 : i32
      %add3A_1430 = vector.broadcast %add3A_1429 : i32 to vector<16xi32>
      %add3A_1431 = arith.addi %shift_right_logical3A_1415, %add3A_1430 : vector<16xi32>
      %gather3A_1432 = tpu.vector_load_idx %arg10[%add3A_1431] : memref<256xf32, #tpu.memory_space<vmem>>[vector<16xi32>], vector<16xf32>,
      %mul3A_1433 = arith.mulf %gather3A_1428, %gather3A_1432 : vector<16xf32>
      %add3A_1434 = arith.constant 224 : i32
      %add3A_1435 = vector.broadcast %add3A_1434 : i32 to vector<16xi32>
      %add3A_1436 = arith.addi %and3A_1413, %add3A_1435 : vector<16xi32>
      %gather3A_1437 = tpu.vector_load_idx %arg9[%add3A_1436] : memref<448xf32, #tpu.memory_space<vmem>>[vector<16xi32>], vector<16xf32>,
      %add3A_1438 = arith.constant 128 : i32
      %add3A_1439 = vector.broadcast %add3A_1438 : i32 to vector<16xi32>
      %add3A_1440 = arith.addi %shift_right_logical3A_1415, %add3A_1439 : vector<16xi32>
      %gather3A_1441 = tpu.vector_load_idx %arg10[%add3A_1440] : memref<256xf32, #tpu.memory_space<vmem>>[vector<16xi32>], vector<16xf32>,
      %mul3A_1442 = arith.mulf %gather3A_1437, %gather3A_1441 : vector<16xf32>
      %add3A_1443 = arith.constant 336 : i32
      %add3A_1444 = vector.broadcast %add3A_1443 : i32 to vector<16xi32>
      %add3A_1445 = arith.addi %and3A_1413, %add3A_1444 : vector<16xi32>
      %gather3A_1446 = tpu.vector_load_idx %arg9[%add3A_1445] : memref<448xf32, #tpu.memory_space<vmem>>[vector<16xi32>], vector<16xf32>,
      %add3A_1447 = arith.constant 192 : i32
      %add3A_1448 = vector.broadcast %add3A_1447 : i32 to vector<16xi32>
      %add3A_1449 = arith.addi %shift_right_logical3A_1415, %add3A_1448 : vector<16xi32>
      %gather3A_1450 = tpu.vector_load_idx %arg10[%add3A_1449] : memref<256xf32, #tpu.memory_space<vmem>>[vector<16xi32>], vector<16xf32>,
      %mul3A_1451 = arith.mulf %gather3A_1446, %gather3A_1450 : vector<16xf32>
      %add3A_1452 = arith.constant 1040 : i32
      %add3A_1453 = arith.addi %mul3A_1407, %add3A_1452 : i32
      %get3A_1454 = arith.index_cast %add3A_1453 : i32 to index
      %get3A_1455 = tpu.vector_load %arg11[%get3A_1454] {strides = array<i32>} : memref<3456xi32, #tpu.memory_space<vmem>>, vector<16xi32>,
      %and3A_1456 = arith.constant 127 : i32
      %and3A_1457 = vector.broadcast %and3A_1456 : i32 to vector<16xi32>
      %and3A_1458 = arith.andi %get3A_1455, %and3A_1457 : vector<16xi32>
      %shift_right_logical3A_1459 = arith.constant 7 : i32
      %shift_right_logical3A_1460 = vector.broadcast %shift_right_logical3A_1459 : i32 to vector<16xi32>
      %shift_right_logical3A_1461 = arith.shrui %get3A_1455, %shift_right_logical3A_1460 : vector<16xi32>
      %add3A_1462 = arith.constant 0 : i32
      %add3A_1463 = vector.broadcast %add3A_1462 : i32 to vector<16xi32>
      %add3A_1464 = arith.addi %and3A_1458, %add3A_1463 : vector<16xi32>
      %gather3A_1465 = tpu.vector_load_idx %arg9[%add3A_1464] : memref<448xf32, #tpu.memory_space<vmem>>[vector<16xi32>], vector<16xf32>,
      %add3A_1466 = arith.constant 0 : i32
      %add3A_1467 = vector.broadcast %add3A_1466 : i32 to vector<16xi32>
      %add3A_1468 = arith.addi %shift_right_logical3A_1461, %add3A_1467 : vector<16xi32>
      %gather3A_1469 = tpu.vector_load_idx %arg10[%add3A_1468] : memref<256xf32, #tpu.memory_space<vmem>>[vector<16xi32>], vector<16xf32>,
      %mul3A_1470 = arith.mulf %gather3A_1465, %gather3A_1469 : vector<16xf32>
      %add3A_1471 = arith.constant 112 : i32
      %add3A_1472 = vector.broadcast %add3A_1471 : i32 to vector<16xi32>
      %add3A_1473 = arith.addi %and3A_1458, %add3A_1472 : vector<16xi32>
      %gather3A_1474 = tpu.vector_load_idx %arg9[%add3A_1473] : memref<448xf32, #tpu.memory_space<vmem>>[vector<16xi32>], vector<16xf32>,
      %add3A_1475 = arith.constant 64 : i32
      %add3A_1476 = vector.broadcast %add3A_1475 : i32 to vector<16xi32>
      %add3A_1477 = arith.addi %shift_right_logical3A_1461, %add3A_1476 : vector<16xi32>
      %gather3A_1478 = tpu.vector_load_idx %arg10[%add3A_1477] : memref<256xf32, #tpu.memory_space<vmem>>[vector<16xi32>], vector<16xf32>,
      %mul3A_1479 = arith.mulf %gather3A_1474, %gather3A_1478 : vector<16xf32>
      %add3A_1480 = arith.constant 224 : i32
      %add3A_1481 = vector.broadcast %add3A_1480 : i32 to vector<16xi32>
      %add3A_1482 = arith.addi %and3A_1458, %add3A_1481 : vector<16xi32>
      %gather3A_1483 = tpu.vector_load_idx %arg9[%add3A_1482] : memref<448xf32, #tpu.memory_space<vmem>>[vector<16xi32>], vector<16xf32>,
      %add3A_1484 = arith.constant 128 : i32
      %add3A_1485 = vector.broadcast %add3A_1484 : i32 to vector<16xi32>
      %add3A_1486 = arith.addi %shift_right_logical3A_1461, %add3A_1485 : vector<16xi32>
      %gather3A_1487 = tpu.vector_load_idx %arg10[%add3A_1486] : memref<256xf32, #tpu.memory_space<vmem>>[vector<16xi32>], vector<16xf32>,
      %mul3A_1488 = arith.mulf %gather3A_1483, %gather3A_1487 : vector<16xf32>
      %add3A_1489 = arith.constant 336 : i32
      %add3A_1490 = vector.broadcast %add3A_1489 : i32 to vector<16xi32>
      %add3A_1491 = arith.addi %and3A_1458, %add3A_1490 : vector<16xi32>
      %gather3A_1492 = tpu.vector_load_idx %arg9[%add3A_1491] : memref<448xf32, #tpu.memory_space<vmem>>[vector<16xi32>], vector<16xf32>,
      %add3A_1493 = arith.constant 192 : i32
      %add3A_1494 = vector.broadcast %add3A_1493 : i32 to vector<16xi32>
      %add3A_1495 = arith.addi %shift_right_logical3A_1461, %add3A_1494 : vector<16xi32>
      %gather3A_1496 = tpu.vector_load_idx %arg10[%add3A_1495] : memref<256xf32, #tpu.memory_space<vmem>>[vector<16xi32>], vector<16xf32>,
      %mul3A_1497 = arith.mulf %gather3A_1492, %gather3A_1496 : vector<16xf32>
      %add3A_1498 = arith.constant 1056 : i32
      %add3A_1499 = arith.addi %mul3A_1407, %add3A_1498 : i32
      %get3A_1500 = arith.index_cast %add3A_1499 : i32 to index
      %get3A_1501 = tpu.vector_load %arg11[%get3A_1500] {strides = array<i32>} : memref<3456xi32, #tpu.memory_space<vmem>>, vector<16xi32>,
      %and3A_1502 = arith.constant 127 : i32
      %and3A_1503 = vector.broadcast %and3A_1502 : i32 to vector<16xi32>
      %and3A_1504 = arith.andi %get3A_1501, %and3A_1503 : vector<16xi32>
      %shift_right_logical3A_1505 = arith.constant 7 : i32
      %shift_right_logical3A_1506 = vector.broadcast %shift_right_logical3A_1505 : i32 to vector<16xi32>
      %shift_right_logical3A_1507 = arith.shrui %get3A_1501, %shift_right_logical3A_1506 : vector<16xi32>
      %add3A_1508 = arith.constant 0 : i32
      %add3A_1509 = vector.broadcast %add3A_1508 : i32 to vector<16xi32>
      %add3A_1510 = arith.addi %and3A_1504, %add3A_1509 : vector<16xi32>
      %gather3A_1511 = tpu.vector_load_idx %arg9[%add3A_1510] : memref<448xf32, #tpu.memory_space<vmem>>[vector<16xi32>], vector<16xf32>,
      %add3A_1512 = arith.constant 0 : i32
      %add3A_1513 = vector.broadcast %add3A_1512 : i32 to vector<16xi32>
      %add3A_1514 = arith.addi %shift_right_logical3A_1507, %add3A_1513 : vector<16xi32>
      %gather3A_1515 = tpu.vector_load_idx %arg10[%add3A_1514] : memref<256xf32, #tpu.memory_space<vmem>>[vector<16xi32>], vector<16xf32>,
      %mul3A_1516 = arith.mulf %gather3A_1511, %gather3A_1515 : vector<16xf32>
      %add3A_1517 = arith.constant 112 : i32
      %add3A_1518 = vector.broadcast %add3A_1517 : i32 to vector<16xi32>
      %add3A_1519 = arith.addi %and3A_1504, %add3A_1518 : vector<16xi32>
      %gather3A_1520 = tpu.vector_load_idx %arg9[%add3A_1519] : memref<448xf32, #tpu.memory_space<vmem>>[vector<16xi32>], vector<16xf32>,
      %add3A_1521 = arith.constant 64 : i32
      %add3A_1522 = vector.broadcast %add3A_1521 : i32 to vector<16xi32>
      %add3A_1523 = arith.addi %shift_right_logical3A_1507, %add3A_1522 : vector<16xi32>
      %gather3A_1524 = tpu.vector_load_idx %arg10[%add3A_1523] : memref<256xf32, #tpu.memory_space<vmem>>[vector<16xi32>], vector<16xf32>,
      %mul3A_1525 = arith.mulf %gather3A_1520, %gather3A_1524 : vector<16xf32>
      %add3A_1526 = arith.constant 224 : i32
      %add3A_1527 = vector.broadcast %add3A_1526 : i32 to vector<16xi32>
      %add3A_1528 = arith.addi %and3A_1504, %add3A_1527 : vector<16xi32>
      %gather3A_1529 = tpu.vector_load_idx %arg9[%add3A_1528] : memref<448xf32, #tpu.memory_space<vmem>>[vector<16xi32>], vector<16xf32>,
      %add3A_1530 = arith.constant 128 : i32
      %add3A_1531 = vector.broadcast %add3A_1530 : i32 to vector<16xi32>
      %add3A_1532 = arith.addi %shift_right_logical3A_1507, %add3A_1531 : vector<16xi32>
      %gather3A_1533 = tpu.vector_load_idx %arg10[%add3A_1532] : memref<256xf32, #tpu.memory_space<vmem>>[vector<16xi32>], vector<16xf32>,
      %mul3A_1534 = arith.mulf %gather3A_1529, %gather3A_1533 : vector<16xf32>
      %add3A_1535 = arith.constant 336 : i32
      %add3A_1536 = vector.broadcast %add3A_1535 : i32 to vector<16xi32>
      %add3A_1537 = arith.addi %and3A_1504, %add3A_1536 : vector<16xi32>
      %gather3A_1538 = tpu.vector_load_idx %arg9[%add3A_1537] : memref<448xf32, #tpu.memory_space<vmem>>[vector<16xi32>], vector<16xf32>,
      %add3A_1539 = arith.constant 192 : i32
      %add3A_1540 = vector.broadcast %add3A_1539 : i32 to vector<16xi32>
      %add3A_1541 = arith.addi %shift_right_logical3A_1507, %add3A_1540 : vector<16xi32>
      %gather3A_1542 = tpu.vector_load_idx %arg10[%add3A_1541] : memref<256xf32, #tpu.memory_space<vmem>>[vector<16xi32>], vector<16xf32>,
      %mul3A_1543 = arith.mulf %gather3A_1538, %gather3A_1542 : vector<16xf32>
      %add3A_1544 = arith.constant 1072 : i32
      %add3A_1545 = arith.addi %mul3A_1407, %add3A_1544 : i32
      %get3A_1546 = arith.index_cast %add3A_1545 : i32 to index
      %get3A_1547 = tpu.vector_load %arg11[%get3A_1546] {strides = array<i32>} : memref<3456xi32, #tpu.memory_space<vmem>>, vector<16xi32>,
      %and3A_1548 = arith.constant 127 : i32
      %and3A_1549 = vector.broadcast %and3A_1548 : i32 to vector<16xi32>
      %and3A_1550 = arith.andi %get3A_1547, %and3A_1549 : vector<16xi32>
      %shift_right_logical3A_1551 = arith.constant 7 : i32
      %shift_right_logical3A_1552 = vector.broadcast %shift_right_logical3A_1551 : i32 to vector<16xi32>
      %shift_right_logical3A_1553 = arith.shrui %get3A_1547, %shift_right_logical3A_1552 : vector<16xi32>
      %add3A_1554 = arith.constant 0 : i32
      %add3A_1555 = vector.broadcast %add3A_1554 : i32 to vector<16xi32>
      %add3A_1556 = arith.addi %and3A_1550, %add3A_1555 : vector<16xi32>
      %gather3A_1557 = tpu.vector_load_idx %arg9[%add3A_1556] : memref<448xf32, #tpu.memory_space<vmem>>[vector<16xi32>], vector<16xf32>,
      %add3A_1558 = arith.constant 0 : i32
      %add3A_1559 = vector.broadcast %add3A_1558 : i32 to vector<16xi32>
      %add3A_1560 = arith.addi %shift_right_logical3A_1553, %add3A_1559 : vector<16xi32>
      %gather3A_1561 = tpu.vector_load_idx %arg10[%add3A_1560] : memref<256xf32, #tpu.memory_space<vmem>>[vector<16xi32>], vector<16xf32>,
      %mul3A_1562 = arith.mulf %gather3A_1557, %gather3A_1561 : vector<16xf32>
      %add3A_1563 = arith.constant 112 : i32
      %add3A_1564 = vector.broadcast %add3A_1563 : i32 to vector<16xi32>
      %add3A_1565 = arith.addi %and3A_1550, %add3A_1564 : vector<16xi32>
      %gather3A_1566 = tpu.vector_load_idx %arg9[%add3A_1565] : memref<448xf32, #tpu.memory_space<vmem>>[vector<16xi32>], vector<16xf32>,
      %add3A_1567 = arith.constant 64 : i32
      %add3A_1568 = vector.broadcast %add3A_1567 : i32 to vector<16xi32>
      %add3A_1569 = arith.addi %shift_right_logical3A_1553, %add3A_1568 : vector<16xi32>
      %gather3A_1570 = tpu.vector_load_idx %arg10[%add3A_1569] : memref<256xf32, #tpu.memory_space<vmem>>[vector<16xi32>], vector<16xf32>,
      %mul3A_1571 = arith.mulf %gather3A_1566, %gather3A_1570 : vector<16xf32>
      %add3A_1572 = arith.constant 224 : i32
      %add3A_1573 = vector.broadcast %add3A_1572 : i32 to vector<16xi32>
      %add3A_1574 = arith.addi %and3A_1550, %add3A_1573 : vector<16xi32>
      %gather3A_1575 = tpu.vector_load_idx %arg9[%add3A_1574] : memref<448xf32, #tpu.memory_space<vmem>>[vector<16xi32>], vector<16xf32>,
      %add3A_1576 = arith.constant 128 : i32
      %add3A_1577 = vector.broadcast %add3A_1576 : i32 to vector<16xi32>
      %add3A_1578 = arith.addi %shift_right_logical3A_1553, %add3A_1577 : vector<16xi32>
      %gather3A_1579 = tpu.vector_load_idx %arg10[%add3A_1578] : memref<256xf32, #tpu.memory_space<vmem>>[vector<16xi32>], vector<16xf32>,
      %mul3A_1580 = arith.mulf %gather3A_1575, %gather3A_1579 : vector<16xf32>
      %add3A_1581 = arith.constant 336 : i32
      %add3A_1582 = vector.broadcast %add3A_1581 : i32 to vector<16xi32>
      %add3A_1583 = arith.addi %and3A_1550, %add3A_1582 : vector<16xi32>
      %gather3A_1584 = tpu.vector_load_idx %arg9[%add3A_1583] : memref<448xf32, #tpu.memory_space<vmem>>[vector<16xi32>], vector<16xf32>,
      %add3A_1585 = arith.constant 192 : i32
      %add3A_1586 = vector.broadcast %add3A_1585 : i32 to vector<16xi32>
      %add3A_1587 = arith.addi %shift_right_logical3A_1553, %add3A_1586 : vector<16xi32>
      %gather3A_1588 = tpu.vector_load_idx %arg10[%add3A_1587] : memref<256xf32, #tpu.memory_space<vmem>>[vector<16xi32>], vector<16xf32>,
      %mul3A_1589 = arith.mulf %gather3A_1584, %gather3A_1588 : vector<16xf32>
      %max3A = arith.maximumf %mul3A_1424, %mul3A_1470 : vector<16xf32>
      %min3A_1590 = arith.minimumf %mul3A_1424, %mul3A_1470 : vector<16xf32>
      %max3A_1591 = arith.maximumf %mul3A_1516, %mul3A_1562 : vector<16xf32>
      %min3A_1592 = arith.minimumf %mul3A_1516, %mul3A_1562 : vector<16xf32>
      %max3A_1593 = arith.maximumf %max3A, %max3A_1591 : vector<16xf32>
      %min3A_1594 = arith.minimumf %max3A, %max3A_1591 : vector<16xf32>
      %max3A_1595 = arith.maximumf %min3A_1590, %min3A_1592 : vector<16xf32>
      %max3A_1596 = arith.maximumf %min3A_1594, %max3A_1595 : vector<16xf32>
      %min3A_1597 = arith.minimumf %min3A_1594, %max3A_1595 : vector<16xf32>
      %max3A_1598 = arith.maximumf %scan3A_1394, %max3A_1593 : vector<16xf32>
      %min3A_1599 = arith.minimumf %scan3A_1394, %max3A_1593 : vector<16xf32>
      %max3A_1600 = arith.maximumf %scan3A_1395, %max3A_1596 : vector<16xf32>
      %max3A_1601 = arith.maximumf %min3A_1599, %max3A_1600 : vector<16xf32>
      %max3A_1602 = arith.maximumf %scan3A_1396, %min3A_1597 : vector<16xf32>
      %min3A_1603 = arith.minimumf %scan3A_1395, %max3A_1593 : vector<16xf32>
      %min3A_1604 = arith.minimumf %scan3A_1394, %max3A_1596 : vector<16xf32>
      %max3A_1605 = arith.maximumf %min3A_1603, %min3A_1604 : vector<16xf32>
      %max3A_1606 = arith.maximumf %max3A_1602, %max3A_1605 : vector<16xf32>
      %max3A_1607 = arith.maximumf %mul3A_1433, %mul3A_1479 : vector<16xf32>
      %min3A_1608 = arith.minimumf %mul3A_1433, %mul3A_1479 : vector<16xf32>
      %max3A_1609 = arith.maximumf %mul3A_1525, %mul3A_1571 : vector<16xf32>
      %min3A_1610 = arith.minimumf %mul3A_1525, %mul3A_1571 : vector<16xf32>
      %max3A_1611 = arith.maximumf %max3A_1607, %max3A_1609 : vector<16xf32>
      %min3A_1612 = arith.minimumf %max3A_1607, %max3A_1609 : vector<16xf32>
      %max3A_1613 = arith.maximumf %min3A_1608, %min3A_1610 : vector<16xf32>
      %max3A_1614 = arith.maximumf %min3A_1612, %max3A_1613 : vector<16xf32>
      %min3A_1615 = arith.minimumf %min3A_1612, %max3A_1613 : vector<16xf32>
      %max3A_1616 = arith.maximumf %scan3A_1397, %max3A_1611 : vector<16xf32>
      %min3A_1617 = arith.minimumf %scan3A_1397, %max3A_1611 : vector<16xf32>
      %max3A_1618 = arith.maximumf %scan3A_1398, %max3A_1614 : vector<16xf32>
      %max3A_1619 = arith.maximumf %min3A_1617, %max3A_1618 : vector<16xf32>
      %max3A_1620 = arith.maximumf %scan3A_1399, %min3A_1615 : vector<16xf32>
      %min3A_1621 = arith.minimumf %scan3A_1398, %max3A_1611 : vector<16xf32>
      %min3A_1622 = arith.minimumf %scan3A_1397, %max3A_1614 : vector<16xf32>
      %max3A_1623 = arith.maximumf %min3A_1621, %min3A_1622 : vector<16xf32>
      %max3A_1624 = arith.maximumf %max3A_1620, %max3A_1623 : vector<16xf32>
      %max3A_1625 = arith.maximumf %mul3A_1442, %mul3A_1488 : vector<16xf32>
      %min3A_1626 = arith.minimumf %mul3A_1442, %mul3A_1488 : vector<16xf32>
      %max3A_1627 = arith.maximumf %mul3A_1534, %mul3A_1580 : vector<16xf32>
      %min3A_1628 = arith.minimumf %mul3A_1534, %mul3A_1580 : vector<16xf32>
      %max3A_1629 = arith.maximumf %max3A_1625, %max3A_1627 : vector<16xf32>
      %min3A_1630 = arith.minimumf %max3A_1625, %max3A_1627 : vector<16xf32>
      %max3A_1631 = arith.maximumf %min3A_1626, %min3A_1628 : vector<16xf32>
      %max3A_1632 = arith.maximumf %min3A_1630, %max3A_1631 : vector<16xf32>
      %min3A_1633 = arith.minimumf %min3A_1630, %max3A_1631 : vector<16xf32>
      %max3A_1634 = arith.maximumf %scan3A_1400, %max3A_1629 : vector<16xf32>
      %min3A_1635 = arith.minimumf %scan3A_1400, %max3A_1629 : vector<16xf32>
      %max3A_1636 = arith.maximumf %scan3A_1401, %max3A_1632 : vector<16xf32>
      %max3A_1637 = arith.maximumf %min3A_1635, %max3A_1636 : vector<16xf32>
      %max3A_1638 = arith.maximumf %scan3A_1402, %min3A_1633 : vector<16xf32>
      %min3A_1639 = arith.minimumf %scan3A_1401, %max3A_1629 : vector<16xf32>
      %min3A_1640 = arith.minimumf %scan3A_1400, %max3A_1632 : vector<16xf32>
      %max3A_1641 = arith.maximumf %min3A_1639, %min3A_1640 : vector<16xf32>
      %max3A_1642 = arith.maximumf %max3A_1638, %max3A_1641 : vector<16xf32>
      %max3A_1643 = arith.maximumf %mul3A_1451, %mul3A_1497 : vector<16xf32>
      %min3A_1644 = arith.minimumf %mul3A_1451, %mul3A_1497 : vector<16xf32>
      %max3A_1645 = arith.maximumf %mul3A_1543, %mul3A_1589 : vector<16xf32>
      %min3A_1646 = arith.minimumf %mul3A_1543, %mul3A_1589 : vector<16xf32>
      %max3A_1647 = arith.maximumf %max3A_1643, %max3A_1645 : vector<16xf32>
      %min3A_1648 = arith.minimumf %max3A_1643, %max3A_1645 : vector<16xf32>
      %max3A_1649 = arith.maximumf %min3A_1644, %min3A_1646 : vector<16xf32>
      %max3A_1650 = arith.maximumf %min3A_1648, %max3A_1649 : vector<16xf32>
      %min3A_1651 = arith.minimumf %min3A_1648, %max3A_1649 : vector<16xf32>
      %max3A_1652 = arith.maximumf %scan3A_1403, %max3A_1647 : vector<16xf32>
      %min3A_1653 = arith.minimumf %scan3A_1403, %max3A_1647 : vector<16xf32>
      %max3A_1654 = arith.maximumf %scan3A_1404, %max3A_1650 : vector<16xf32>
      %max3A_1655 = arith.maximumf %min3A_1653, %max3A_1654 : vector<16xf32>
      %max3A_1656 = arith.maximumf %scan3A_1405, %min3A_1651 : vector<16xf32>
      %min3A_1657 = arith.minimumf %scan3A_1404, %max3A_1647 : vector<16xf32>
      %min3A_1658 = arith.minimumf %scan3A_1403, %max3A_1650 : vector<16xf32>
      %max3A_1659 = arith.maximumf %min3A_1657, %min3A_1658 : vector<16xf32>
      %max3A_1660 = arith.maximumf %max3A_1656, %max3A_1659 : vector<16xf32>
      scf.yield %max3A_1598, %max3A_1601, %max3A_1606, %max3A_1616, %max3A_1619, %max3A_1624, %max3A_1634, %max3A_1637, %max3A_1642, %max3A_1652, %max3A_1655, %max3A_1660 : vector<16xf32>, vector<16xf32>, vector<16xf32>, vector<16xf32>, vector<16xf32>, vector<16xf32>, vector<16xf32>, vector<16xf32>, vector<16xf32>, vector<16xf32>, vector<16xf32>, vector<16xf32>
    }
    %scan3A_874 = arith.constant 9 : i32
    %get3A_875 = arith.constant 16 : index
    %get3A_876 = tpu.vector_load %arg12[%get3A_875] {strides = array<i32>} : memref<112xi32, #tpu.memory_space<vmem>>, vector<16xi32>,
    %sub3A_877 = arith.constant 1.000000e+00 : f32
    %sub3A_878 = vector.broadcast %sub3A_877 : f32 to vector<16xf32>
    %sub3A_879 = arith.subf %sub3A_878, %scan3A_873#0 : vector<16xf32>
    %sub3A_880 = arith.constant 1.000000e+00 : f32
    %sub3A_881 = vector.broadcast %sub3A_880 : f32 to vector<16xf32>
    %sub3A_882 = arith.subf %sub3A_881, %scan3A_873#1 : vector<16xf32>
    %mul3A_883 = arith.mulf %sub3A_879, %sub3A_882 : vector<16xf32>
    %sub3A_884 = arith.constant 1.000000e+00 : f32
    %sub3A_885 = vector.broadcast %sub3A_884 : f32 to vector<16xf32>
    %sub3A_886 = arith.subf %sub3A_885, %scan3A_873#2 : vector<16xf32>
    %mul3A_887 = arith.mulf %mul3A_883, %sub3A_886 : vector<16xf32>
    %sub3A_888 = arith.constant 1.000000e+00 : f32
    %sub3A_889 = vector.broadcast %sub3A_888 : f32 to vector<16xf32>
    %sub3A_890 = arith.subf %sub3A_889, %mul3A_887 : vector<16xf32>
    %broadcast_in_dim3A_891 = arith.constant 0 : i32
    %broadcast_in_dim3A_892 = vector.broadcast %broadcast_in_dim3A_891 : i32 to vector<16xi32>
    %add3A_893 = arith.constant 0 : i32
    %add3A_894 = vector.broadcast %add3A_893 : i32 to vector<16xi32>
    %add3A_895 = arith.addi %broadcast_in_dim3A_892, %add3A_894 : vector<16xi32>
    tpu.vector_store_idx %arg13[%add3A_895, %get3A_876], %sub3A_890 : memref<4x100xf32, #tpu.memory_space<vmem>>[vector<16xi32>, vector<16xi32>], vector<16xf32>,
    %sub3A_896 = arith.constant 1.000000e+00 : f32
    %sub3A_897 = vector.broadcast %sub3A_896 : f32 to vector<16xf32>
    %sub3A_898 = arith.subf %sub3A_897, %scan3A_873#3 : vector<16xf32>
    %sub3A_899 = arith.constant 1.000000e+00 : f32
    %sub3A_900 = vector.broadcast %sub3A_899 : f32 to vector<16xf32>
    %sub3A_901 = arith.subf %sub3A_900, %scan3A_873#4 : vector<16xf32>
    %mul3A_902 = arith.mulf %sub3A_898, %sub3A_901 : vector<16xf32>
    %sub3A_903 = arith.constant 1.000000e+00 : f32
    %sub3A_904 = vector.broadcast %sub3A_903 : f32 to vector<16xf32>
    %sub3A_905 = arith.subf %sub3A_904, %scan3A_873#5 : vector<16xf32>
    %mul3A_906 = arith.mulf %mul3A_902, %sub3A_905 : vector<16xf32>
    %sub3A_907 = arith.constant 1.000000e+00 : f32
    %sub3A_908 = vector.broadcast %sub3A_907 : f32 to vector<16xf32>
    %sub3A_909 = arith.subf %sub3A_908, %mul3A_906 : vector<16xf32>
    %broadcast_in_dim3A_910 = arith.constant 0 : i32
    %broadcast_in_dim3A_911 = vector.broadcast %broadcast_in_dim3A_910 : i32 to vector<16xi32>
    %add3A_912 = arith.constant 1 : i32
    %add3A_913 = vector.broadcast %add3A_912 : i32 to vector<16xi32>
    %add3A_914 = arith.addi %broadcast_in_dim3A_911, %add3A_913 : vector<16xi32>
    tpu.vector_store_idx %arg13[%add3A_914, %get3A_876], %sub3A_909 : memref<4x100xf32, #tpu.memory_space<vmem>>[vector<16xi32>, vector<16xi32>], vector<16xf32>,
    %sub3A_915 = arith.constant 1.000000e+00 : f32
    %sub3A_916 = vector.broadcast %sub3A_915 : f32 to vector<16xf32>
    %sub3A_917 = arith.subf %sub3A_916, %scan3A_873#6 : vector<16xf32>
    %sub3A_918 = arith.constant 1.000000e+00 : f32
    %sub3A_919 = vector.broadcast %sub3A_918 : f32 to vector<16xf32>
    %sub3A_920 = arith.subf %sub3A_919, %scan3A_873#7 : vector<16xf32>
    %mul3A_921 = arith.mulf %sub3A_917, %sub3A_920 : vector<16xf32>
    %sub3A_922 = arith.constant 1.000000e+00 : f32
    %sub3A_923 = vector.broadcast %sub3A_922 : f32 to vector<16xf32>
    %sub3A_924 = arith.subf %sub3A_923, %scan3A_873#8 : vector<16xf32>
    %mul3A_925 = arith.mulf %mul3A_921, %sub3A_924 : vector<16xf32>
    %sub3A_926 = arith.constant 1.000000e+00 : f32
    %sub3A_927 = vector.broadcast %sub3A_926 : f32 to vector<16xf32>
    %sub3A_928 = arith.subf %sub3A_927, %mul3A_925 : vector<16xf32>
    %broadcast_in_dim3A_929 = arith.constant 0 : i32
    %broadcast_in_dim3A_930 = vector.broadcast %broadcast_in_dim3A_929 : i32 to vector<16xi32>
    %add3A_931 = arith.constant 2 : i32
    %add3A_932 = vector.broadcast %add3A_931 : i32 to vector<16xi32>
    %add3A_933 = arith.addi %broadcast_in_dim3A_930, %add3A_932 : vector<16xi32>
    tpu.vector_store_idx %arg13[%add3A_933, %get3A_876], %sub3A_928 : memref<4x100xf32, #tpu.memory_space<vmem>>[vector<16xi32>, vector<16xi32>], vector<16xf32>,
    %sub3A_934 = arith.constant 1.000000e+00 : f32
    %sub3A_935 = vector.broadcast %sub3A_934 : f32 to vector<16xf32>
    %sub3A_936 = arith.subf %sub3A_935, %scan3A_873#9 : vector<16xf32>
    %sub3A_937 = arith.constant 1.000000e+00 : f32
    %sub3A_938 = vector.broadcast %sub3A_937 : f32 to vector<16xf32>
    %sub3A_939 = arith.subf %sub3A_938, %scan3A_873#10 : vector<16xf32>
    %mul3A_940 = arith.mulf %sub3A_936, %sub3A_939 : vector<16xf32>
    %sub3A_941 = arith.constant 1.000000e+00 : f32
    %sub3A_942 = vector.broadcast %sub3A_941 : f32 to vector<16xf32>
    %sub3A_943 = arith.subf %sub3A_942, %scan3A_873#11 : vector<16xf32>
    %mul3A_944 = arith.mulf %mul3A_940, %sub3A_943 : vector<16xf32>
    %sub3A_945 = arith.constant 1.000000e+00 : f32
    %sub3A_946 = vector.broadcast %sub3A_945 : f32 to vector<16xf32>
    %sub3A_947 = arith.subf %sub3A_946, %mul3A_944 : vector<16xf32>
    %broadcast_in_dim3A_948 = arith.constant 0 : i32
    %broadcast_in_dim3A_949 = vector.broadcast %broadcast_in_dim3A_948 : i32 to vector<16xi32>
    %add3A_950 = arith.constant 3 : i32
    %add3A_951 = vector.broadcast %add3A_950 : i32 to vector<16xi32>
    %add3A_952 = arith.addi %broadcast_in_dim3A_949, %add3A_951 : vector<16xi32>
    tpu.vector_store_idx %arg13[%add3A_952, %get3A_876], %sub3A_947 : memref<4x100xf32, #tpu.memory_space<vmem>>[vector<16xi32>, vector<16xi32>], vector<16xf32>,
    %scan3A_953 = arith.constant 0 : i32
    %scan3A_954 = arith.constant 7 : i32
    %scan3A_955 = arith.addi %scan3A_953, %scan3A_954 : i32
    %scan3A_956 = arith.constant 1 : i32
    %scan3A_957:12 = scf.for %scan3A_1393 = %scan3A_953 to %scan3A_955 step %scan3A_956 iter_args(%scan3A_1394 = %broadcast_in_dim3A_17, %scan3A_1395 = %broadcast_in_dim3A_17, %scan3A_1396 = %broadcast_in_dim3A_17, %scan3A_1397 = %broadcast_in_dim3A_17, %scan3A_1398 = %broadcast_in_dim3A_17, %scan3A_1399 = %broadcast_in_dim3A_17, %scan3A_1400 = %broadcast_in_dim3A_17, %scan3A_1401 = %broadcast_in_dim3A_17, %scan3A_1402 = %broadcast_in_dim3A_17, %scan3A_1403 = %broadcast_in_dim3A_17, %scan3A_1404 = %broadcast_in_dim3A_17, %scan3A_1405 = %broadcast_in_dim3A_17) -> (vector<16xf32>, vector<16xf32>, vector<16xf32>, vector<16xf32>, vector<16xf32>, vector<16xf32>, vector<16xf32>, vector<16xf32>, vector<16xf32>, vector<16xf32>, vector<16xf32>, vector<16xf32>)  : i32 {
      %mul3A_1406 = arith.constant 64 : i32
      %mul3A_1407 = arith.muli %scan3A_1393, %mul3A_1406 : i32
      %add3A_1408 = arith.constant 1600 : i32
      %add3A_1409 = arith.addi %mul3A_1407, %add3A_1408 : i32
      %get3A_1410 = arith.index_cast %add3A_1409 : i32 to index
      %get3A_1411 = tpu.vector_load %arg11[%get3A_1410] {strides = array<i32>} : memref<3456xi32, #tpu.memory_space<vmem>>, vector<16xi32>,
      %and3A = arith.constant 127 : i32
      %and3A_1412 = vector.broadcast %and3A : i32 to vector<16xi32>
      %and3A_1413 = arith.andi %get3A_1411, %and3A_1412 : vector<16xi32>
      %shift_right_logical3A = arith.constant 7 : i32
      %shift_right_logical3A_1414 = vector.broadcast %shift_right_logical3A : i32 to vector<16xi32>
      %shift_right_logical3A_1415 = arith.shrui %get3A_1411, %shift_right_logical3A_1414 : vector<16xi32>
      %add3A_1416 = arith.constant 0 : i32
      %add3A_1417 = vector.broadcast %add3A_1416 : i32 to vector<16xi32>
      %add3A_1418 = arith.addi %and3A_1413, %add3A_1417 : vector<16xi32>
      %gather3A_1419 = tpu.vector_load_idx %arg9[%add3A_1418] : memref<448xf32, #tpu.memory_space<vmem>>[vector<16xi32>], vector<16xf32>,
      %add3A_1420 = arith.constant 0 : i32
      %add3A_1421 = vector.broadcast %add3A_1420 : i32 to vector<16xi32>
      %add3A_1422 = arith.addi %shift_right_logical3A_1415, %add3A_1421 : vector<16xi32>
      %gather3A_1423 = tpu.vector_load_idx %arg10[%add3A_1422] : memref<256xf32, #tpu.memory_space<vmem>>[vector<16xi32>], vector<16xf32>,
      %mul3A_1424 = arith.mulf %gather3A_1419, %gather3A_1423 : vector<16xf32>
      %add3A_1425 = arith.constant 112 : i32
      %add3A_1426 = vector.broadcast %add3A_1425 : i32 to vector<16xi32>
      %add3A_1427 = arith.addi %and3A_1413, %add3A_1426 : vector<16xi32>
      %gather3A_1428 = tpu.vector_load_idx %arg9[%add3A_1427] : memref<448xf32, #tpu.memory_space<vmem>>[vector<16xi32>], vector<16xf32>,
      %add3A_1429 = arith.constant 64 : i32
      %add3A_1430 = vector.broadcast %add3A_1429 : i32 to vector<16xi32>
      %add3A_1431 = arith.addi %shift_right_logical3A_1415, %add3A_1430 : vector<16xi32>
      %gather3A_1432 = tpu.vector_load_idx %arg10[%add3A_1431] : memref<256xf32, #tpu.memory_space<vmem>>[vector<16xi32>], vector<16xf32>,
      %mul3A_1433 = arith.mulf %gather3A_1428, %gather3A_1432 : vector<16xf32>
      %add3A_1434 = arith.constant 224 : i32
      %add3A_1435 = vector.broadcast %add3A_1434 : i32 to vector<16xi32>
      %add3A_1436 = arith.addi %and3A_1413, %add3A_1435 : vector<16xi32>
      %gather3A_1437 = tpu.vector_load_idx %arg9[%add3A_1436] : memref<448xf32, #tpu.memory_space<vmem>>[vector<16xi32>], vector<16xf32>,
      %add3A_1438 = arith.constant 128 : i32
      %add3A_1439 = vector.broadcast %add3A_1438 : i32 to vector<16xi32>
      %add3A_1440 = arith.addi %shift_right_logical3A_1415, %add3A_1439 : vector<16xi32>
      %gather3A_1441 = tpu.vector_load_idx %arg10[%add3A_1440] : memref<256xf32, #tpu.memory_space<vmem>>[vector<16xi32>], vector<16xf32>,
      %mul3A_1442 = arith.mulf %gather3A_1437, %gather3A_1441 : vector<16xf32>
      %add3A_1443 = arith.constant 336 : i32
      %add3A_1444 = vector.broadcast %add3A_1443 : i32 to vector<16xi32>
      %add3A_1445 = arith.addi %and3A_1413, %add3A_1444 : vector<16xi32>
      %gather3A_1446 = tpu.vector_load_idx %arg9[%add3A_1445] : memref<448xf32, #tpu.memory_space<vmem>>[vector<16xi32>], vector<16xf32>,
      %add3A_1447 = arith.constant 192 : i32
      %add3A_1448 = vector.broadcast %add3A_1447 : i32 to vector<16xi32>
      %add3A_1449 = arith.addi %shift_right_logical3A_1415, %add3A_1448 : vector<16xi32>
      %gather3A_1450 = tpu.vector_load_idx %arg10[%add3A_1449] : memref<256xf32, #tpu.memory_space<vmem>>[vector<16xi32>], vector<16xf32>,
      %mul3A_1451 = arith.mulf %gather3A_1446, %gather3A_1450 : vector<16xf32>
      %add3A_1452 = arith.constant 1616 : i32
      %add3A_1453 = arith.addi %mul3A_1407, %add3A_1452 : i32
      %get3A_1454 = arith.index_cast %add3A_1453 : i32 to index
      %get3A_1455 = tpu.vector_load %arg11[%get3A_1454] {strides = array<i32>} : memref<3456xi32, #tpu.memory_space<vmem>>, vector<16xi32>,
      %and3A_1456 = arith.constant 127 : i32
      %and3A_1457 = vector.broadcast %and3A_1456 : i32 to vector<16xi32>
      %and3A_1458 = arith.andi %get3A_1455, %and3A_1457 : vector<16xi32>
      %shift_right_logical3A_1459 = arith.constant 7 : i32
      %shift_right_logical3A_1460 = vector.broadcast %shift_right_logical3A_1459 : i32 to vector<16xi32>
      %shift_right_logical3A_1461 = arith.shrui %get3A_1455, %shift_right_logical3A_1460 : vector<16xi32>
      %add3A_1462 = arith.constant 0 : i32
      %add3A_1463 = vector.broadcast %add3A_1462 : i32 to vector<16xi32>
      %add3A_1464 = arith.addi %and3A_1458, %add3A_1463 : vector<16xi32>
      %gather3A_1465 = tpu.vector_load_idx %arg9[%add3A_1464] : memref<448xf32, #tpu.memory_space<vmem>>[vector<16xi32>], vector<16xf32>,
      %add3A_1466 = arith.constant 0 : i32
      %add3A_1467 = vector.broadcast %add3A_1466 : i32 to vector<16xi32>
      %add3A_1468 = arith.addi %shift_right_logical3A_1461, %add3A_1467 : vector<16xi32>
      %gather3A_1469 = tpu.vector_load_idx %arg10[%add3A_1468] : memref<256xf32, #tpu.memory_space<vmem>>[vector<16xi32>], vector<16xf32>,
      %mul3A_1470 = arith.mulf %gather3A_1465, %gather3A_1469 : vector<16xf32>
      %add3A_1471 = arith.constant 112 : i32
      %add3A_1472 = vector.broadcast %add3A_1471 : i32 to vector<16xi32>
      %add3A_1473 = arith.addi %and3A_1458, %add3A_1472 : vector<16xi32>
      %gather3A_1474 = tpu.vector_load_idx %arg9[%add3A_1473] : memref<448xf32, #tpu.memory_space<vmem>>[vector<16xi32>], vector<16xf32>,
      %add3A_1475 = arith.constant 64 : i32
      %add3A_1476 = vector.broadcast %add3A_1475 : i32 to vector<16xi32>
      %add3A_1477 = arith.addi %shift_right_logical3A_1461, %add3A_1476 : vector<16xi32>
      %gather3A_1478 = tpu.vector_load_idx %arg10[%add3A_1477] : memref<256xf32, #tpu.memory_space<vmem>>[vector<16xi32>], vector<16xf32>,
      %mul3A_1479 = arith.mulf %gather3A_1474, %gather3A_1478 : vector<16xf32>
      %add3A_1480 = arith.constant 224 : i32
      %add3A_1481 = vector.broadcast %add3A_1480 : i32 to vector<16xi32>
      %add3A_1482 = arith.addi %and3A_1458, %add3A_1481 : vector<16xi32>
      %gather3A_1483 = tpu.vector_load_idx %arg9[%add3A_1482] : memref<448xf32, #tpu.memory_space<vmem>>[vector<16xi32>], vector<16xf32>,
      %add3A_1484 = arith.constant 128 : i32
      %add3A_1485 = vector.broadcast %add3A_1484 : i32 to vector<16xi32>
      %add3A_1486 = arith.addi %shift_right_logical3A_1461, %add3A_1485 : vector<16xi32>
      %gather3A_1487 = tpu.vector_load_idx %arg10[%add3A_1486] : memref<256xf32, #tpu.memory_space<vmem>>[vector<16xi32>], vector<16xf32>,
      %mul3A_1488 = arith.mulf %gather3A_1483, %gather3A_1487 : vector<16xf32>
      %add3A_1489 = arith.constant 336 : i32
      %add3A_1490 = vector.broadcast %add3A_1489 : i32 to vector<16xi32>
      %add3A_1491 = arith.addi %and3A_1458, %add3A_1490 : vector<16xi32>
      %gather3A_1492 = tpu.vector_load_idx %arg9[%add3A_1491] : memref<448xf32, #tpu.memory_space<vmem>>[vector<16xi32>], vector<16xf32>,
      %add3A_1493 = arith.constant 192 : i32
      %add3A_1494 = vector.broadcast %add3A_1493 : i32 to vector<16xi32>
      %add3A_1495 = arith.addi %shift_right_logical3A_1461, %add3A_1494 : vector<16xi32>
      %gather3A_1496 = tpu.vector_load_idx %arg10[%add3A_1495] : memref<256xf32, #tpu.memory_space<vmem>>[vector<16xi32>], vector<16xf32>,
      %mul3A_1497 = arith.mulf %gather3A_1492, %gather3A_1496 : vector<16xf32>
      %add3A_1498 = arith.constant 1632 : i32
      %add3A_1499 = arith.addi %mul3A_1407, %add3A_1498 : i32
      %get3A_1500 = arith.index_cast %add3A_1499 : i32 to index
      %get3A_1501 = tpu.vector_load %arg11[%get3A_1500] {strides = array<i32>} : memref<3456xi32, #tpu.memory_space<vmem>>, vector<16xi32>,
      %and3A_1502 = arith.constant 127 : i32
      %and3A_1503 = vector.broadcast %and3A_1502 : i32 to vector<16xi32>
      %and3A_1504 = arith.andi %get3A_1501, %and3A_1503 : vector<16xi32>
      %shift_right_logical3A_1505 = arith.constant 7 : i32
      %shift_right_logical3A_1506 = vector.broadcast %shift_right_logical3A_1505 : i32 to vector<16xi32>
      %shift_right_logical3A_1507 = arith.shrui %get3A_1501, %shift_right_logical3A_1506 : vector<16xi32>
      %add3A_1508 = arith.constant 0 : i32
      %add3A_1509 = vector.broadcast %add3A_1508 : i32 to vector<16xi32>
      %add3A_1510 = arith.addi %and3A_1504, %add3A_1509 : vector<16xi32>
      %gather3A_1511 = tpu.vector_load_idx %arg9[%add3A_1510] : memref<448xf32, #tpu.memory_space<vmem>>[vector<16xi32>], vector<16xf32>,
      %add3A_1512 = arith.constant 0 : i32
      %add3A_1513 = vector.broadcast %add3A_1512 : i32 to vector<16xi32>
      %add3A_1514 = arith.addi %shift_right_logical3A_1507, %add3A_1513 : vector<16xi32>
      %gather3A_1515 = tpu.vector_load_idx %arg10[%add3A_1514] : memref<256xf32, #tpu.memory_space<vmem>>[vector<16xi32>], vector<16xf32>,
      %mul3A_1516 = arith.mulf %gather3A_1511, %gather3A_1515 : vector<16xf32>
      %add3A_1517 = arith.constant 112 : i32
      %add3A_1518 = vector.broadcast %add3A_1517 : i32 to vector<16xi32>
      %add3A_1519 = arith.addi %and3A_1504, %add3A_1518 : vector<16xi32>
      %gather3A_1520 = tpu.vector_load_idx %arg9[%add3A_1519] : memref<448xf32, #tpu.memory_space<vmem>>[vector<16xi32>], vector<16xf32>,
      %add3A_1521 = arith.constant 64 : i32
      %add3A_1522 = vector.broadcast %add3A_1521 : i32 to vector<16xi32>
      %add3A_1523 = arith.addi %shift_right_logical3A_1507, %add3A_1522 : vector<16xi32>
      %gather3A_1524 = tpu.vector_load_idx %arg10[%add3A_1523] : memref<256xf32, #tpu.memory_space<vmem>>[vector<16xi32>], vector<16xf32>,
      %mul3A_1525 = arith.mulf %gather3A_1520, %gather3A_1524 : vector<16xf32>
      %add3A_1526 = arith.constant 224 : i32
      %add3A_1527 = vector.broadcast %add3A_1526 : i32 to vector<16xi32>
      %add3A_1528 = arith.addi %and3A_1504, %add3A_1527 : vector<16xi32>
      %gather3A_1529 = tpu.vector_load_idx %arg9[%add3A_1528] : memref<448xf32, #tpu.memory_space<vmem>>[vector<16xi32>], vector<16xf32>,
      %add3A_1530 = arith.constant 128 : i32
      %add3A_1531 = vector.broadcast %add3A_1530 : i32 to vector<16xi32>
      %add3A_1532 = arith.addi %shift_right_logical3A_1507, %add3A_1531 : vector<16xi32>
      %gather3A_1533 = tpu.vector_load_idx %arg10[%add3A_1532] : memref<256xf32, #tpu.memory_space<vmem>>[vector<16xi32>], vector<16xf32>,
      %mul3A_1534 = arith.mulf %gather3A_1529, %gather3A_1533 : vector<16xf32>
      %add3A_1535 = arith.constant 336 : i32
      %add3A_1536 = vector.broadcast %add3A_1535 : i32 to vector<16xi32>
      %add3A_1537 = arith.addi %and3A_1504, %add3A_1536 : vector<16xi32>
      %gather3A_1538 = tpu.vector_load_idx %arg9[%add3A_1537] : memref<448xf32, #tpu.memory_space<vmem>>[vector<16xi32>], vector<16xf32>,
      %add3A_1539 = arith.constant 192 : i32
      %add3A_1540 = vector.broadcast %add3A_1539 : i32 to vector<16xi32>
      %add3A_1541 = arith.addi %shift_right_logical3A_1507, %add3A_1540 : vector<16xi32>
      %gather3A_1542 = tpu.vector_load_idx %arg10[%add3A_1541] : memref<256xf32, #tpu.memory_space<vmem>>[vector<16xi32>], vector<16xf32>,
      %mul3A_1543 = arith.mulf %gather3A_1538, %gather3A_1542 : vector<16xf32>
      %add3A_1544 = arith.constant 1648 : i32
      %add3A_1545 = arith.addi %mul3A_1407, %add3A_1544 : i32
      %get3A_1546 = arith.index_cast %add3A_1545 : i32 to index
      %get3A_1547 = tpu.vector_load %arg11[%get3A_1546] {strides = array<i32>} : memref<3456xi32, #tpu.memory_space<vmem>>, vector<16xi32>,
      %and3A_1548 = arith.constant 127 : i32
      %and3A_1549 = vector.broadcast %and3A_1548 : i32 to vector<16xi32>
      %and3A_1550 = arith.andi %get3A_1547, %and3A_1549 : vector<16xi32>
      %shift_right_logical3A_1551 = arith.constant 7 : i32
      %shift_right_logical3A_1552 = vector.broadcast %shift_right_logical3A_1551 : i32 to vector<16xi32>
      %shift_right_logical3A_1553 = arith.shrui %get3A_1547, %shift_right_logical3A_1552 : vector<16xi32>
      %add3A_1554 = arith.constant 0 : i32
      %add3A_1555 = vector.broadcast %add3A_1554 : i32 to vector<16xi32>
      %add3A_1556 = arith.addi %and3A_1550, %add3A_1555 : vector<16xi32>
      %gather3A_1557 = tpu.vector_load_idx %arg9[%add3A_1556] : memref<448xf32, #tpu.memory_space<vmem>>[vector<16xi32>], vector<16xf32>,
      %add3A_1558 = arith.constant 0 : i32
      %add3A_1559 = vector.broadcast %add3A_1558 : i32 to vector<16xi32>
      %add3A_1560 = arith.addi %shift_right_logical3A_1553, %add3A_1559 : vector<16xi32>
      %gather3A_1561 = tpu.vector_load_idx %arg10[%add3A_1560] : memref<256xf32, #tpu.memory_space<vmem>>[vector<16xi32>], vector<16xf32>,
      %mul3A_1562 = arith.mulf %gather3A_1557, %gather3A_1561 : vector<16xf32>
      %add3A_1563 = arith.constant 112 : i32
      %add3A_1564 = vector.broadcast %add3A_1563 : i32 to vector<16xi32>
      %add3A_1565 = arith.addi %and3A_1550, %add3A_1564 : vector<16xi32>
      %gather3A_1566 = tpu.vector_load_idx %arg9[%add3A_1565] : memref<448xf32, #tpu.memory_space<vmem>>[vector<16xi32>], vector<16xf32>,
      %add3A_1567 = arith.constant 64 : i32
      %add3A_1568 = vector.broadcast %add3A_1567 : i32 to vector<16xi32>
      %add3A_1569 = arith.addi %shift_right_logical3A_1553, %add3A_1568 : vector<16xi32>
      %gather3A_1570 = tpu.vector_load_idx %arg10[%add3A_1569] : memref<256xf32, #tpu.memory_space<vmem>>[vector<16xi32>], vector<16xf32>,
      %mul3A_1571 = arith.mulf %gather3A_1566, %gather3A_1570 : vector<16xf32>
      %add3A_1572 = arith.constant 224 : i32
      %add3A_1573 = vector.broadcast %add3A_1572 : i32 to vector<16xi32>
      %add3A_1574 = arith.addi %and3A_1550, %add3A_1573 : vector<16xi32>
      %gather3A_1575 = tpu.vector_load_idx %arg9[%add3A_1574] : memref<448xf32, #tpu.memory_space<vmem>>[vector<16xi32>], vector<16xf32>,
      %add3A_1576 = arith.constant 128 : i32
      %add3A_1577 = vector.broadcast %add3A_1576 : i32 to vector<16xi32>
      %add3A_1578 = arith.addi %shift_right_logical3A_1553, %add3A_1577 : vector<16xi32>
      %gather3A_1579 = tpu.vector_load_idx %arg10[%add3A_1578] : memref<256xf32, #tpu.memory_space<vmem>>[vector<16xi32>], vector<16xf32>,
      %mul3A_1580 = arith.mulf %gather3A_1575, %gather3A_1579 : vector<16xf32>
      %add3A_1581 = arith.constant 336 : i32
      %add3A_1582 = vector.broadcast %add3A_1581 : i32 to vector<16xi32>
      %add3A_1583 = arith.addi %and3A_1550, %add3A_1582 : vector<16xi32>
      %gather3A_1584 = tpu.vector_load_idx %arg9[%add3A_1583] : memref<448xf32, #tpu.memory_space<vmem>>[vector<16xi32>], vector<16xf32>,
      %add3A_1585 = arith.constant 192 : i32
      %add3A_1586 = vector.broadcast %add3A_1585 : i32 to vector<16xi32>
      %add3A_1587 = arith.addi %shift_right_logical3A_1553, %add3A_1586 : vector<16xi32>
      %gather3A_1588 = tpu.vector_load_idx %arg10[%add3A_1587] : memref<256xf32, #tpu.memory_space<vmem>>[vector<16xi32>], vector<16xf32>,
      %mul3A_1589 = arith.mulf %gather3A_1584, %gather3A_1588 : vector<16xf32>
      %max3A = arith.maximumf %mul3A_1424, %mul3A_1470 : vector<16xf32>
      %min3A_1590 = arith.minimumf %mul3A_1424, %mul3A_1470 : vector<16xf32>
      %max3A_1591 = arith.maximumf %mul3A_1516, %mul3A_1562 : vector<16xf32>
      %min3A_1592 = arith.minimumf %mul3A_1516, %mul3A_1562 : vector<16xf32>
      %max3A_1593 = arith.maximumf %max3A, %max3A_1591 : vector<16xf32>
      %min3A_1594 = arith.minimumf %max3A, %max3A_1591 : vector<16xf32>
      %max3A_1595 = arith.maximumf %min3A_1590, %min3A_1592 : vector<16xf32>
      %max3A_1596 = arith.maximumf %min3A_1594, %max3A_1595 : vector<16xf32>
      %min3A_1597 = arith.minimumf %min3A_1594, %max3A_1595 : vector<16xf32>
      %max3A_1598 = arith.maximumf %scan3A_1394, %max3A_1593 : vector<16xf32>
      %min3A_1599 = arith.minimumf %scan3A_1394, %max3A_1593 : vector<16xf32>
      %max3A_1600 = arith.maximumf %scan3A_1395, %max3A_1596 : vector<16xf32>
      %max3A_1601 = arith.maximumf %min3A_1599, %max3A_1600 : vector<16xf32>
      %max3A_1602 = arith.maximumf %scan3A_1396, %min3A_1597 : vector<16xf32>
      %min3A_1603 = arith.minimumf %scan3A_1395, %max3A_1593 : vector<16xf32>
      %min3A_1604 = arith.minimumf %scan3A_1394, %max3A_1596 : vector<16xf32>
      %max3A_1605 = arith.maximumf %min3A_1603, %min3A_1604 : vector<16xf32>
      %max3A_1606 = arith.maximumf %max3A_1602, %max3A_1605 : vector<16xf32>
      %max3A_1607 = arith.maximumf %mul3A_1433, %mul3A_1479 : vector<16xf32>
      %min3A_1608 = arith.minimumf %mul3A_1433, %mul3A_1479 : vector<16xf32>
      %max3A_1609 = arith.maximumf %mul3A_1525, %mul3A_1571 : vector<16xf32>
      %min3A_1610 = arith.minimumf %mul3A_1525, %mul3A_1571 : vector<16xf32>
      %max3A_1611 = arith.maximumf %max3A_1607, %max3A_1609 : vector<16xf32>
      %min3A_1612 = arith.minimumf %max3A_1607, %max3A_1609 : vector<16xf32>
      %max3A_1613 = arith.maximumf %min3A_1608, %min3A_1610 : vector<16xf32>
      %max3A_1614 = arith.maximumf %min3A_1612, %max3A_1613 : vector<16xf32>
      %min3A_1615 = arith.minimumf %min3A_1612, %max3A_1613 : vector<16xf32>
      %max3A_1616 = arith.maximumf %scan3A_1397, %max3A_1611 : vector<16xf32>
      %min3A_1617 = arith.minimumf %scan3A_1397, %max3A_1611 : vector<16xf32>
      %max3A_1618 = arith.maximumf %scan3A_1398, %max3A_1614 : vector<16xf32>
      %max3A_1619 = arith.maximumf %min3A_1617, %max3A_1618 : vector<16xf32>
      %max3A_1620 = arith.maximumf %scan3A_1399, %min3A_1615 : vector<16xf32>
      %min3A_1621 = arith.minimumf %scan3A_1398, %max3A_1611 : vector<16xf32>
      %min3A_1622 = arith.minimumf %scan3A_1397, %max3A_1614 : vector<16xf32>
      %max3A_1623 = arith.maximumf %min3A_1621, %min3A_1622 : vector<16xf32>
      %max3A_1624 = arith.maximumf %max3A_1620, %max3A_1623 : vector<16xf32>
      %max3A_1625 = arith.maximumf %mul3A_1442, %mul3A_1488 : vector<16xf32>
      %min3A_1626 = arith.minimumf %mul3A_1442, %mul3A_1488 : vector<16xf32>
      %max3A_1627 = arith.maximumf %mul3A_1534, %mul3A_1580 : vector<16xf32>
      %min3A_1628 = arith.minimumf %mul3A_1534, %mul3A_1580 : vector<16xf32>
      %max3A_1629 = arith.maximumf %max3A_1625, %max3A_1627 : vector<16xf32>
      %min3A_1630 = arith.minimumf %max3A_1625, %max3A_1627 : vector<16xf32>
      %max3A_1631 = arith.maximumf %min3A_1626, %min3A_1628 : vector<16xf32>
      %max3A_1632 = arith.maximumf %min3A_1630, %max3A_1631 : vector<16xf32>
      %min3A_1633 = arith.minimumf %min3A_1630, %max3A_1631 : vector<16xf32>
      %max3A_1634 = arith.maximumf %scan3A_1400, %max3A_1629 : vector<16xf32>
      %min3A_1635 = arith.minimumf %scan3A_1400, %max3A_1629 : vector<16xf32>
      %max3A_1636 = arith.maximumf %scan3A_1401, %max3A_1632 : vector<16xf32>
      %max3A_1637 = arith.maximumf %min3A_1635, %max3A_1636 : vector<16xf32>
      %max3A_1638 = arith.maximumf %scan3A_1402, %min3A_1633 : vector<16xf32>
      %min3A_1639 = arith.minimumf %scan3A_1401, %max3A_1629 : vector<16xf32>
      %min3A_1640 = arith.minimumf %scan3A_1400, %max3A_1632 : vector<16xf32>
      %max3A_1641 = arith.maximumf %min3A_1639, %min3A_1640 : vector<16xf32>
      %max3A_1642 = arith.maximumf %max3A_1638, %max3A_1641 : vector<16xf32>
      %max3A_1643 = arith.maximumf %mul3A_1451, %mul3A_1497 : vector<16xf32>
      %min3A_1644 = arith.minimumf %mul3A_1451, %mul3A_1497 : vector<16xf32>
      %max3A_1645 = arith.maximumf %mul3A_1543, %mul3A_1589 : vector<16xf32>
      %min3A_1646 = arith.minimumf %mul3A_1543, %mul3A_1589 : vector<16xf32>
      %max3A_1647 = arith.maximumf %max3A_1643, %max3A_1645 : vector<16xf32>
      %min3A_1648 = arith.minimumf %max3A_1643, %max3A_1645 : vector<16xf32>
      %max3A_1649 = arith.maximumf %min3A_1644, %min3A_1646 : vector<16xf32>
      %max3A_1650 = arith.maximumf %min3A_1648, %max3A_1649 : vector<16xf32>
      %min3A_1651 = arith.minimumf %min3A_1648, %max3A_1649 : vector<16xf32>
      %max3A_1652 = arith.maximumf %scan3A_1403, %max3A_1647 : vector<16xf32>
      %min3A_1653 = arith.minimumf %scan3A_1403, %max3A_1647 : vector<16xf32>
      %max3A_1654 = arith.maximumf %scan3A_1404, %max3A_1650 : vector<16xf32>
      %max3A_1655 = arith.maximumf %min3A_1653, %max3A_1654 : vector<16xf32>
      %max3A_1656 = arith.maximumf %scan3A_1405, %min3A_1651 : vector<16xf32>
      %min3A_1657 = arith.minimumf %scan3A_1404, %max3A_1647 : vector<16xf32>
      %min3A_1658 = arith.minimumf %scan3A_1403, %max3A_1650 : vector<16xf32>
      %max3A_1659 = arith.maximumf %min3A_1657, %min3A_1658 : vector<16xf32>
      %max3A_1660 = arith.maximumf %max3A_1656, %max3A_1659 : vector<16xf32>
      scf.yield %max3A_1598, %max3A_1601, %max3A_1606, %max3A_1616, %max3A_1619, %max3A_1624, %max3A_1634, %max3A_1637, %max3A_1642, %max3A_1652, %max3A_1655, %max3A_1660 : vector<16xf32>, vector<16xf32>, vector<16xf32>, vector<16xf32>, vector<16xf32>, vector<16xf32>, vector<16xf32>, vector<16xf32>, vector<16xf32>, vector<16xf32>, vector<16xf32>, vector<16xf32>
    }
    %scan3A_958 = arith.constant 7 : i32
    %get3A_959 = arith.constant 32 : index
    %get3A_960 = tpu.vector_load %arg12[%get3A_959] {strides = array<i32>} : memref<112xi32, #tpu.memory_space<vmem>>, vector<16xi32>,
    %sub3A_961 = arith.constant 1.000000e+00 : f32
    %sub3A_962 = vector.broadcast %sub3A_961 : f32 to vector<16xf32>
    %sub3A_963 = arith.subf %sub3A_962, %scan3A_957#0 : vector<16xf32>
    %sub3A_964 = arith.constant 1.000000e+00 : f32
    %sub3A_965 = vector.broadcast %sub3A_964 : f32 to vector<16xf32>
    %sub3A_966 = arith.subf %sub3A_965, %scan3A_957#1 : vector<16xf32>
    %mul3A_967 = arith.mulf %sub3A_963, %sub3A_966 : vector<16xf32>
    %sub3A_968 = arith.constant 1.000000e+00 : f32
    %sub3A_969 = vector.broadcast %sub3A_968 : f32 to vector<16xf32>
    %sub3A_970 = arith.subf %sub3A_969, %scan3A_957#2 : vector<16xf32>
    %mul3A_971 = arith.mulf %mul3A_967, %sub3A_970 : vector<16xf32>
    %sub3A_972 = arith.constant 1.000000e+00 : f32
    %sub3A_973 = vector.broadcast %sub3A_972 : f32 to vector<16xf32>
    %sub3A_974 = arith.subf %sub3A_973, %mul3A_971 : vector<16xf32>
    %broadcast_in_dim3A_975 = arith.constant 0 : i32
    %broadcast_in_dim3A_976 = vector.broadcast %broadcast_in_dim3A_975 : i32 to vector<16xi32>
    %add3A_977 = arith.constant 0 : i32
    %add3A_978 = vector.broadcast %add3A_977 : i32 to vector<16xi32>
    %add3A_979 = arith.addi %broadcast_in_dim3A_976, %add3A_978 : vector<16xi32>
    tpu.vector_store_idx %arg13[%add3A_979, %get3A_960], %sub3A_974 : memref<4x100xf32, #tpu.memory_space<vmem>>[vector<16xi32>, vector<16xi32>], vector<16xf32>,
    %sub3A_980 = arith.constant 1.000000e+00 : f32
    %sub3A_981 = vector.broadcast %sub3A_980 : f32 to vector<16xf32>
    %sub3A_982 = arith.subf %sub3A_981, %scan3A_957#3 : vector<16xf32>
    %sub3A_983 = arith.constant 1.000000e+00 : f32
    %sub3A_984 = vector.broadcast %sub3A_983 : f32 to vector<16xf32>
    %sub3A_985 = arith.subf %sub3A_984, %scan3A_957#4 : vector<16xf32>
    %mul3A_986 = arith.mulf %sub3A_982, %sub3A_985 : vector<16xf32>
    %sub3A_987 = arith.constant 1.000000e+00 : f32
    %sub3A_988 = vector.broadcast %sub3A_987 : f32 to vector<16xf32>
    %sub3A_989 = arith.subf %sub3A_988, %scan3A_957#5 : vector<16xf32>
    %mul3A_990 = arith.mulf %mul3A_986, %sub3A_989 : vector<16xf32>
    %sub3A_991 = arith.constant 1.000000e+00 : f32
    %sub3A_992 = vector.broadcast %sub3A_991 : f32 to vector<16xf32>
    %sub3A_993 = arith.subf %sub3A_992, %mul3A_990 : vector<16xf32>
    %broadcast_in_dim3A_994 = arith.constant 0 : i32
    %broadcast_in_dim3A_995 = vector.broadcast %broadcast_in_dim3A_994 : i32 to vector<16xi32>
    %add3A_996 = arith.constant 1 : i32
    %add3A_997 = vector.broadcast %add3A_996 : i32 to vector<16xi32>
    %add3A_998 = arith.addi %broadcast_in_dim3A_995, %add3A_997 : vector<16xi32>
    tpu.vector_store_idx %arg13[%add3A_998, %get3A_960], %sub3A_993 : memref<4x100xf32, #tpu.memory_space<vmem>>[vector<16xi32>, vector<16xi32>], vector<16xf32>,
    %sub3A_999 = arith.constant 1.000000e+00 : f32
    %sub3A_1000 = vector.broadcast %sub3A_999 : f32 to vector<16xf32>
    %sub3A_1001 = arith.subf %sub3A_1000, %scan3A_957#6 : vector<16xf32>
    %sub3A_1002 = arith.constant 1.000000e+00 : f32
    %sub3A_1003 = vector.broadcast %sub3A_1002 : f32 to vector<16xf32>
    %sub3A_1004 = arith.subf %sub3A_1003, %scan3A_957#7 : vector<16xf32>
    %mul3A_1005 = arith.mulf %sub3A_1001, %sub3A_1004 : vector<16xf32>
    %sub3A_1006 = arith.constant 1.000000e+00 : f32
    %sub3A_1007 = vector.broadcast %sub3A_1006 : f32 to vector<16xf32>
    %sub3A_1008 = arith.subf %sub3A_1007, %scan3A_957#8 : vector<16xf32>
    %mul3A_1009 = arith.mulf %mul3A_1005, %sub3A_1008 : vector<16xf32>
    %sub3A_1010 = arith.constant 1.000000e+00 : f32
    %sub3A_1011 = vector.broadcast %sub3A_1010 : f32 to vector<16xf32>
    %sub3A_1012 = arith.subf %sub3A_1011, %mul3A_1009 : vector<16xf32>
    %broadcast_in_dim3A_1013 = arith.constant 0 : i32
    %broadcast_in_dim3A_1014 = vector.broadcast %broadcast_in_dim3A_1013 : i32 to vector<16xi32>
    %add3A_1015 = arith.constant 2 : i32
    %add3A_1016 = vector.broadcast %add3A_1015 : i32 to vector<16xi32>
    %add3A_1017 = arith.addi %broadcast_in_dim3A_1014, %add3A_1016 : vector<16xi32>
    tpu.vector_store_idx %arg13[%add3A_1017, %get3A_960], %sub3A_1012 : memref<4x100xf32, #tpu.memory_space<vmem>>[vector<16xi32>, vector<16xi32>], vector<16xf32>,
    %sub3A_1018 = arith.constant 1.000000e+00 : f32
    %sub3A_1019 = vector.broadcast %sub3A_1018 : f32 to vector<16xf32>
    %sub3A_1020 = arith.subf %sub3A_1019, %scan3A_957#9 : vector<16xf32>
    %sub3A_1021 = arith.constant 1.000000e+00 : f32
    %sub3A_1022 = vector.broadcast %sub3A_1021 : f32 to vector<16xf32>
    %sub3A_1023 = arith.subf %sub3A_1022, %scan3A_957#10 : vector<16xf32>
    %mul3A_1024 = arith.mulf %sub3A_1020, %sub3A_1023 : vector<16xf32>
    %sub3A_1025 = arith.constant 1.000000e+00 : f32
    %sub3A_1026 = vector.broadcast %sub3A_1025 : f32 to vector<16xf32>
    %sub3A_1027 = arith.subf %sub3A_1026, %scan3A_957#11 : vector<16xf32>
    %mul3A_1028 = arith.mulf %mul3A_1024, %sub3A_1027 : vector<16xf32>
    %sub3A_1029 = arith.constant 1.000000e+00 : f32
    %sub3A_1030 = vector.broadcast %sub3A_1029 : f32 to vector<16xf32>
    %sub3A_1031 = arith.subf %sub3A_1030, %mul3A_1028 : vector<16xf32>
    %broadcast_in_dim3A_1032 = arith.constant 0 : i32
    %broadcast_in_dim3A_1033 = vector.broadcast %broadcast_in_dim3A_1032 : i32 to vector<16xi32>
    %add3A_1034 = arith.constant 3 : i32
    %add3A_1035 = vector.broadcast %add3A_1034 : i32 to vector<16xi32>
    %add3A_1036 = arith.addi %broadcast_in_dim3A_1033, %add3A_1035 : vector<16xi32>
    tpu.vector_store_idx %arg13[%add3A_1036, %get3A_960], %sub3A_1031 : memref<4x100xf32, #tpu.memory_space<vmem>>[vector<16xi32>, vector<16xi32>], vector<16xf32>,
    %scan3A_1037 = arith.constant 0 : i32
    %scan3A_1038 = arith.constant 7 : i32
    %scan3A_1039 = arith.addi %scan3A_1037, %scan3A_1038 : i32
    %scan3A_1040 = arith.constant 1 : i32
    %scan3A_1041:12 = scf.for %scan3A_1393 = %scan3A_1037 to %scan3A_1039 step %scan3A_1040 iter_args(%scan3A_1394 = %broadcast_in_dim3A_17, %scan3A_1395 = %broadcast_in_dim3A_17, %scan3A_1396 = %broadcast_in_dim3A_17, %scan3A_1397 = %broadcast_in_dim3A_17, %scan3A_1398 = %broadcast_in_dim3A_17, %scan3A_1399 = %broadcast_in_dim3A_17, %scan3A_1400 = %broadcast_in_dim3A_17, %scan3A_1401 = %broadcast_in_dim3A_17, %scan3A_1402 = %broadcast_in_dim3A_17, %scan3A_1403 = %broadcast_in_dim3A_17, %scan3A_1404 = %broadcast_in_dim3A_17, %scan3A_1405 = %broadcast_in_dim3A_17) -> (vector<16xf32>, vector<16xf32>, vector<16xf32>, vector<16xf32>, vector<16xf32>, vector<16xf32>, vector<16xf32>, vector<16xf32>, vector<16xf32>, vector<16xf32>, vector<16xf32>, vector<16xf32>)  : i32 {
      %mul3A_1406 = arith.constant 64 : i32
      %mul3A_1407 = arith.muli %scan3A_1393, %mul3A_1406 : i32
      %add3A_1408 = arith.constant 2048 : i32
      %add3A_1409 = arith.addi %mul3A_1407, %add3A_1408 : i32
      %get3A_1410 = arith.index_cast %add3A_1409 : i32 to index
      %get3A_1411 = tpu.vector_load %arg11[%get3A_1410] {strides = array<i32>} : memref<3456xi32, #tpu.memory_space<vmem>>, vector<16xi32>,
      %and3A = arith.constant 127 : i32
      %and3A_1412 = vector.broadcast %and3A : i32 to vector<16xi32>
      %and3A_1413 = arith.andi %get3A_1411, %and3A_1412 : vector<16xi32>
      %shift_right_logical3A = arith.constant 7 : i32
      %shift_right_logical3A_1414 = vector.broadcast %shift_right_logical3A : i32 to vector<16xi32>
      %shift_right_logical3A_1415 = arith.shrui %get3A_1411, %shift_right_logical3A_1414 : vector<16xi32>
      %add3A_1416 = arith.constant 0 : i32
      %add3A_1417 = vector.broadcast %add3A_1416 : i32 to vector<16xi32>
      %add3A_1418 = arith.addi %and3A_1413, %add3A_1417 : vector<16xi32>
      %gather3A_1419 = tpu.vector_load_idx %arg9[%add3A_1418] : memref<448xf32, #tpu.memory_space<vmem>>[vector<16xi32>], vector<16xf32>,
      %add3A_1420 = arith.constant 0 : i32
      %add3A_1421 = vector.broadcast %add3A_1420 : i32 to vector<16xi32>
      %add3A_1422 = arith.addi %shift_right_logical3A_1415, %add3A_1421 : vector<16xi32>
      %gather3A_1423 = tpu.vector_load_idx %arg10[%add3A_1422] : memref<256xf32, #tpu.memory_space<vmem>>[vector<16xi32>], vector<16xf32>,
      %mul3A_1424 = arith.mulf %gather3A_1419, %gather3A_1423 : vector<16xf32>
      %add3A_1425 = arith.constant 112 : i32
      %add3A_1426 = vector.broadcast %add3A_1425 : i32 to vector<16xi32>
      %add3A_1427 = arith.addi %and3A_1413, %add3A_1426 : vector<16xi32>
      %gather3A_1428 = tpu.vector_load_idx %arg9[%add3A_1427] : memref<448xf32, #tpu.memory_space<vmem>>[vector<16xi32>], vector<16xf32>,
      %add3A_1429 = arith.constant 64 : i32
      %add3A_1430 = vector.broadcast %add3A_1429 : i32 to vector<16xi32>
      %add3A_1431 = arith.addi %shift_right_logical3A_1415, %add3A_1430 : vector<16xi32>
      %gather3A_1432 = tpu.vector_load_idx %arg10[%add3A_1431] : memref<256xf32, #tpu.memory_space<vmem>>[vector<16xi32>], vector<16xf32>,
      %mul3A_1433 = arith.mulf %gather3A_1428, %gather3A_1432 : vector<16xf32>
      %add3A_1434 = arith.constant 224 : i32
      %add3A_1435 = vector.broadcast %add3A_1434 : i32 to vector<16xi32>
      %add3A_1436 = arith.addi %and3A_1413, %add3A_1435 : vector<16xi32>
      %gather3A_1437 = tpu.vector_load_idx %arg9[%add3A_1436] : memref<448xf32, #tpu.memory_space<vmem>>[vector<16xi32>], vector<16xf32>,
      %add3A_1438 = arith.constant 128 : i32
      %add3A_1439 = vector.broadcast %add3A_1438 : i32 to vector<16xi32>
      %add3A_1440 = arith.addi %shift_right_logical3A_1415, %add3A_1439 : vector<16xi32>
      %gather3A_1441 = tpu.vector_load_idx %arg10[%add3A_1440] : memref<256xf32, #tpu.memory_space<vmem>>[vector<16xi32>], vector<16xf32>,
      %mul3A_1442 = arith.mulf %gather3A_1437, %gather3A_1441 : vector<16xf32>
      %add3A_1443 = arith.constant 336 : i32
      %add3A_1444 = vector.broadcast %add3A_1443 : i32 to vector<16xi32>
      %add3A_1445 = arith.addi %and3A_1413, %add3A_1444 : vector<16xi32>
      %gather3A_1446 = tpu.vector_load_idx %arg9[%add3A_1445] : memref<448xf32, #tpu.memory_space<vmem>>[vector<16xi32>], vector<16xf32>,
      %add3A_1447 = arith.constant 192 : i32
      %add3A_1448 = vector.broadcast %add3A_1447 : i32 to vector<16xi32>
      %add3A_1449 = arith.addi %shift_right_logical3A_1415, %add3A_1448 : vector<16xi32>
      %gather3A_1450 = tpu.vector_load_idx %arg10[%add3A_1449] : memref<256xf32, #tpu.memory_space<vmem>>[vector<16xi32>], vector<16xf32>,
      %mul3A_1451 = arith.mulf %gather3A_1446, %gather3A_1450 : vector<16xf32>
      %add3A_1452 = arith.constant 2064 : i32
      %add3A_1453 = arith.addi %mul3A_1407, %add3A_1452 : i32
      %get3A_1454 = arith.index_cast %add3A_1453 : i32 to index
      %get3A_1455 = tpu.vector_load %arg11[%get3A_1454] {strides = array<i32>} : memref<3456xi32, #tpu.memory_space<vmem>>, vector<16xi32>,
      %and3A_1456 = arith.constant 127 : i32
      %and3A_1457 = vector.broadcast %and3A_1456 : i32 to vector<16xi32>
      %and3A_1458 = arith.andi %get3A_1455, %and3A_1457 : vector<16xi32>
      %shift_right_logical3A_1459 = arith.constant 7 : i32
      %shift_right_logical3A_1460 = vector.broadcast %shift_right_logical3A_1459 : i32 to vector<16xi32>
      %shift_right_logical3A_1461 = arith.shrui %get3A_1455, %shift_right_logical3A_1460 : vector<16xi32>
      %add3A_1462 = arith.constant 0 : i32
      %add3A_1463 = vector.broadcast %add3A_1462 : i32 to vector<16xi32>
      %add3A_1464 = arith.addi %and3A_1458, %add3A_1463 : vector<16xi32>
      %gather3A_1465 = tpu.vector_load_idx %arg9[%add3A_1464] : memref<448xf32, #tpu.memory_space<vmem>>[vector<16xi32>], vector<16xf32>,
      %add3A_1466 = arith.constant 0 : i32
      %add3A_1467 = vector.broadcast %add3A_1466 : i32 to vector<16xi32>
      %add3A_1468 = arith.addi %shift_right_logical3A_1461, %add3A_1467 : vector<16xi32>
      %gather3A_1469 = tpu.vector_load_idx %arg10[%add3A_1468] : memref<256xf32, #tpu.memory_space<vmem>>[vector<16xi32>], vector<16xf32>,
      %mul3A_1470 = arith.mulf %gather3A_1465, %gather3A_1469 : vector<16xf32>
      %add3A_1471 = arith.constant 112 : i32
      %add3A_1472 = vector.broadcast %add3A_1471 : i32 to vector<16xi32>
      %add3A_1473 = arith.addi %and3A_1458, %add3A_1472 : vector<16xi32>
      %gather3A_1474 = tpu.vector_load_idx %arg9[%add3A_1473] : memref<448xf32, #tpu.memory_space<vmem>>[vector<16xi32>], vector<16xf32>,
      %add3A_1475 = arith.constant 64 : i32
      %add3A_1476 = vector.broadcast %add3A_1475 : i32 to vector<16xi32>
      %add3A_1477 = arith.addi %shift_right_logical3A_1461, %add3A_1476 : vector<16xi32>
      %gather3A_1478 = tpu.vector_load_idx %arg10[%add3A_1477] : memref<256xf32, #tpu.memory_space<vmem>>[vector<16xi32>], vector<16xf32>,
      %mul3A_1479 = arith.mulf %gather3A_1474, %gather3A_1478 : vector<16xf32>
      %add3A_1480 = arith.constant 224 : i32
      %add3A_1481 = vector.broadcast %add3A_1480 : i32 to vector<16xi32>
      %add3A_1482 = arith.addi %and3A_1458, %add3A_1481 : vector<16xi32>
      %gather3A_1483 = tpu.vector_load_idx %arg9[%add3A_1482] : memref<448xf32, #tpu.memory_space<vmem>>[vector<16xi32>], vector<16xf32>,
      %add3A_1484 = arith.constant 128 : i32
      %add3A_1485 = vector.broadcast %add3A_1484 : i32 to vector<16xi32>
      %add3A_1486 = arith.addi %shift_right_logical3A_1461, %add3A_1485 : vector<16xi32>
      %gather3A_1487 = tpu.vector_load_idx %arg10[%add3A_1486] : memref<256xf32, #tpu.memory_space<vmem>>[vector<16xi32>], vector<16xf32>,
      %mul3A_1488 = arith.mulf %gather3A_1483, %gather3A_1487 : vector<16xf32>
      %add3A_1489 = arith.constant 336 : i32
      %add3A_1490 = vector.broadcast %add3A_1489 : i32 to vector<16xi32>
      %add3A_1491 = arith.addi %and3A_1458, %add3A_1490 : vector<16xi32>
      %gather3A_1492 = tpu.vector_load_idx %arg9[%add3A_1491] : memref<448xf32, #tpu.memory_space<vmem>>[vector<16xi32>], vector<16xf32>,
      %add3A_1493 = arith.constant 192 : i32
      %add3A_1494 = vector.broadcast %add3A_1493 : i32 to vector<16xi32>
      %add3A_1495 = arith.addi %shift_right_logical3A_1461, %add3A_1494 : vector<16xi32>
      %gather3A_1496 = tpu.vector_load_idx %arg10[%add3A_1495] : memref<256xf32, #tpu.memory_space<vmem>>[vector<16xi32>], vector<16xf32>,
      %mul3A_1497 = arith.mulf %gather3A_1492, %gather3A_1496 : vector<16xf32>
      %add3A_1498 = arith.constant 2080 : i32
      %add3A_1499 = arith.addi %mul3A_1407, %add3A_1498 : i32
      %get3A_1500 = arith.index_cast %add3A_1499 : i32 to index
      %get3A_1501 = tpu.vector_load %arg11[%get3A_1500] {strides = array<i32>} : memref<3456xi32, #tpu.memory_space<vmem>>, vector<16xi32>,
      %and3A_1502 = arith.constant 127 : i32
      %and3A_1503 = vector.broadcast %and3A_1502 : i32 to vector<16xi32>
      %and3A_1504 = arith.andi %get3A_1501, %and3A_1503 : vector<16xi32>
      %shift_right_logical3A_1505 = arith.constant 7 : i32
      %shift_right_logical3A_1506 = vector.broadcast %shift_right_logical3A_1505 : i32 to vector<16xi32>
      %shift_right_logical3A_1507 = arith.shrui %get3A_1501, %shift_right_logical3A_1506 : vector<16xi32>
      %add3A_1508 = arith.constant 0 : i32
      %add3A_1509 = vector.broadcast %add3A_1508 : i32 to vector<16xi32>
      %add3A_1510 = arith.addi %and3A_1504, %add3A_1509 : vector<16xi32>
      %gather3A_1511 = tpu.vector_load_idx %arg9[%add3A_1510] : memref<448xf32, #tpu.memory_space<vmem>>[vector<16xi32>], vector<16xf32>,
      %add3A_1512 = arith.constant 0 : i32
      %add3A_1513 = vector.broadcast %add3A_1512 : i32 to vector<16xi32>
      %add3A_1514 = arith.addi %shift_right_logical3A_1507, %add3A_1513 : vector<16xi32>
      %gather3A_1515 = tpu.vector_load_idx %arg10[%add3A_1514] : memref<256xf32, #tpu.memory_space<vmem>>[vector<16xi32>], vector<16xf32>,
      %mul3A_1516 = arith.mulf %gather3A_1511, %gather3A_1515 : vector<16xf32>
      %add3A_1517 = arith.constant 112 : i32
      %add3A_1518 = vector.broadcast %add3A_1517 : i32 to vector<16xi32>
      %add3A_1519 = arith.addi %and3A_1504, %add3A_1518 : vector<16xi32>
      %gather3A_1520 = tpu.vector_load_idx %arg9[%add3A_1519] : memref<448xf32, #tpu.memory_space<vmem>>[vector<16xi32>], vector<16xf32>,
      %add3A_1521 = arith.constant 64 : i32
      %add3A_1522 = vector.broadcast %add3A_1521 : i32 to vector<16xi32>
      %add3A_1523 = arith.addi %shift_right_logical3A_1507, %add3A_1522 : vector<16xi32>
      %gather3A_1524 = tpu.vector_load_idx %arg10[%add3A_1523] : memref<256xf32, #tpu.memory_space<vmem>>[vector<16xi32>], vector<16xf32>,
      %mul3A_1525 = arith.mulf %gather3A_1520, %gather3A_1524 : vector<16xf32>
      %add3A_1526 = arith.constant 224 : i32
      %add3A_1527 = vector.broadcast %add3A_1526 : i32 to vector<16xi32>
      %add3A_1528 = arith.addi %and3A_1504, %add3A_1527 : vector<16xi32>
      %gather3A_1529 = tpu.vector_load_idx %arg9[%add3A_1528] : memref<448xf32, #tpu.memory_space<vmem>>[vector<16xi32>], vector<16xf32>,
      %add3A_1530 = arith.constant 128 : i32
      %add3A_1531 = vector.broadcast %add3A_1530 : i32 to vector<16xi32>
      %add3A_1532 = arith.addi %shift_right_logical3A_1507, %add3A_1531 : vector<16xi32>
      %gather3A_1533 = tpu.vector_load_idx %arg10[%add3A_1532] : memref<256xf32, #tpu.memory_space<vmem>>[vector<16xi32>], vector<16xf32>,
      %mul3A_1534 = arith.mulf %gather3A_1529, %gather3A_1533 : vector<16xf32>
      %add3A_1535 = arith.constant 336 : i32
      %add3A_1536 = vector.broadcast %add3A_1535 : i32 to vector<16xi32>
      %add3A_1537 = arith.addi %and3A_1504, %add3A_1536 : vector<16xi32>
      %gather3A_1538 = tpu.vector_load_idx %arg9[%add3A_1537] : memref<448xf32, #tpu.memory_space<vmem>>[vector<16xi32>], vector<16xf32>,
      %add3A_1539 = arith.constant 192 : i32
      %add3A_1540 = vector.broadcast %add3A_1539 : i32 to vector<16xi32>
      %add3A_1541 = arith.addi %shift_right_logical3A_1507, %add3A_1540 : vector<16xi32>
      %gather3A_1542 = tpu.vector_load_idx %arg10[%add3A_1541] : memref<256xf32, #tpu.memory_space<vmem>>[vector<16xi32>], vector<16xf32>,
      %mul3A_1543 = arith.mulf %gather3A_1538, %gather3A_1542 : vector<16xf32>
      %add3A_1544 = arith.constant 2096 : i32
      %add3A_1545 = arith.addi %mul3A_1407, %add3A_1544 : i32
      %get3A_1546 = arith.index_cast %add3A_1545 : i32 to index
      %get3A_1547 = tpu.vector_load %arg11[%get3A_1546] {strides = array<i32>} : memref<3456xi32, #tpu.memory_space<vmem>>, vector<16xi32>,
      %and3A_1548 = arith.constant 127 : i32
      %and3A_1549 = vector.broadcast %and3A_1548 : i32 to vector<16xi32>
      %and3A_1550 = arith.andi %get3A_1547, %and3A_1549 : vector<16xi32>
      %shift_right_logical3A_1551 = arith.constant 7 : i32
      %shift_right_logical3A_1552 = vector.broadcast %shift_right_logical3A_1551 : i32 to vector<16xi32>
      %shift_right_logical3A_1553 = arith.shrui %get3A_1547, %shift_right_logical3A_1552 : vector<16xi32>
      %add3A_1554 = arith.constant 0 : i32
      %add3A_1555 = vector.broadcast %add3A_1554 : i32 to vector<16xi32>
      %add3A_1556 = arith.addi %and3A_1550, %add3A_1555 : vector<16xi32>
      %gather3A_1557 = tpu.vector_load_idx %arg9[%add3A_1556] : memref<448xf32, #tpu.memory_space<vmem>>[vector<16xi32>], vector<16xf32>,
      %add3A_1558 = arith.constant 0 : i32
      %add3A_1559 = vector.broadcast %add3A_1558 : i32 to vector<16xi32>
      %add3A_1560 = arith.addi %shift_right_logical3A_1553, %add3A_1559 : vector<16xi32>
      %gather3A_1561 = tpu.vector_load_idx %arg10[%add3A_1560] : memref<256xf32, #tpu.memory_space<vmem>>[vector<16xi32>], vector<16xf32>,
      %mul3A_1562 = arith.mulf %gather3A_1557, %gather3A_1561 : vector<16xf32>
      %add3A_1563 = arith.constant 112 : i32
      %add3A_1564 = vector.broadcast %add3A_1563 : i32 to vector<16xi32>
      %add3A_1565 = arith.addi %and3A_1550, %add3A_1564 : vector<16xi32>
      %gather3A_1566 = tpu.vector_load_idx %arg9[%add3A_1565] : memref<448xf32, #tpu.memory_space<vmem>>[vector<16xi32>], vector<16xf32>,
      %add3A_1567 = arith.constant 64 : i32
      %add3A_1568 = vector.broadcast %add3A_1567 : i32 to vector<16xi32>
      %add3A_1569 = arith.addi %shift_right_logical3A_1553, %add3A_1568 : vector<16xi32>
      %gather3A_1570 = tpu.vector_load_idx %arg10[%add3A_1569] : memref<256xf32, #tpu.memory_space<vmem>>[vector<16xi32>], vector<16xf32>,
      %mul3A_1571 = arith.mulf %gather3A_1566, %gather3A_1570 : vector<16xf32>
      %add3A_1572 = arith.constant 224 : i32
      %add3A_1573 = vector.broadcast %add3A_1572 : i32 to vector<16xi32>
      %add3A_1574 = arith.addi %and3A_1550, %add3A_1573 : vector<16xi32>
      %gather3A_1575 = tpu.vector_load_idx %arg9[%add3A_1574] : memref<448xf32, #tpu.memory_space<vmem>>[vector<16xi32>], vector<16xf32>,
      %add3A_1576 = arith.constant 128 : i32
      %add3A_1577 = vector.broadcast %add3A_1576 : i32 to vector<16xi32>
      %add3A_1578 = arith.addi %shift_right_logical3A_1553, %add3A_1577 : vector<16xi32>
      %gather3A_1579 = tpu.vector_load_idx %arg10[%add3A_1578] : memref<256xf32, #tpu.memory_space<vmem>>[vector<16xi32>], vector<16xf32>,
      %mul3A_1580 = arith.mulf %gather3A_1575, %gather3A_1579 : vector<16xf32>
      %add3A_1581 = arith.constant 336 : i32
      %add3A_1582 = vector.broadcast %add3A_1581 : i32 to vector<16xi32>
      %add3A_1583 = arith.addi %and3A_1550, %add3A_1582 : vector<16xi32>
      %gather3A_1584 = tpu.vector_load_idx %arg9[%add3A_1583] : memref<448xf32, #tpu.memory_space<vmem>>[vector<16xi32>], vector<16xf32>,
      %add3A_1585 = arith.constant 192 : i32
      %add3A_1586 = vector.broadcast %add3A_1585 : i32 to vector<16xi32>
      %add3A_1587 = arith.addi %shift_right_logical3A_1553, %add3A_1586 : vector<16xi32>
      %gather3A_1588 = tpu.vector_load_idx %arg10[%add3A_1587] : memref<256xf32, #tpu.memory_space<vmem>>[vector<16xi32>], vector<16xf32>,
      %mul3A_1589 = arith.mulf %gather3A_1584, %gather3A_1588 : vector<16xf32>
      %max3A = arith.maximumf %mul3A_1424, %mul3A_1470 : vector<16xf32>
      %min3A_1590 = arith.minimumf %mul3A_1424, %mul3A_1470 : vector<16xf32>
      %max3A_1591 = arith.maximumf %mul3A_1516, %mul3A_1562 : vector<16xf32>
      %min3A_1592 = arith.minimumf %mul3A_1516, %mul3A_1562 : vector<16xf32>
      %max3A_1593 = arith.maximumf %max3A, %max3A_1591 : vector<16xf32>
      %min3A_1594 = arith.minimumf %max3A, %max3A_1591 : vector<16xf32>
      %max3A_1595 = arith.maximumf %min3A_1590, %min3A_1592 : vector<16xf32>
      %max3A_1596 = arith.maximumf %min3A_1594, %max3A_1595 : vector<16xf32>
      %min3A_1597 = arith.minimumf %min3A_1594, %max3A_1595 : vector<16xf32>
      %max3A_1598 = arith.maximumf %scan3A_1394, %max3A_1593 : vector<16xf32>
      %min3A_1599 = arith.minimumf %scan3A_1394, %max3A_1593 : vector<16xf32>
      %max3A_1600 = arith.maximumf %scan3A_1395, %max3A_1596 : vector<16xf32>
      %max3A_1601 = arith.maximumf %min3A_1599, %max3A_1600 : vector<16xf32>
      %max3A_1602 = arith.maximumf %scan3A_1396, %min3A_1597 : vector<16xf32>
      %min3A_1603 = arith.minimumf %scan3A_1395, %max3A_1593 : vector<16xf32>
      %min3A_1604 = arith.minimumf %scan3A_1394, %max3A_1596 : vector<16xf32>
      %max3A_1605 = arith.maximumf %min3A_1603, %min3A_1604 : vector<16xf32>
      %max3A_1606 = arith.maximumf %max3A_1602, %max3A_1605 : vector<16xf32>
      %max3A_1607 = arith.maximumf %mul3A_1433, %mul3A_1479 : vector<16xf32>
      %min3A_1608 = arith.minimumf %mul3A_1433, %mul3A_1479 : vector<16xf32>
      %max3A_1609 = arith.maximumf %mul3A_1525, %mul3A_1571 : vector<16xf32>
      %min3A_1610 = arith.minimumf %mul3A_1525, %mul3A_1571 : vector<16xf32>
      %max3A_1611 = arith.maximumf %max3A_1607, %max3A_1609 : vector<16xf32>
      %min3A_1612 = arith.minimumf %max3A_1607, %max3A_1609 : vector<16xf32>
      %max3A_1613 = arith.maximumf %min3A_1608, %min3A_1610 : vector<16xf32>
      %max3A_1614 = arith.maximumf %min3A_1612, %max3A_1613 : vector<16xf32>
      %min3A_1615 = arith.minimumf %min3A_1612, %max3A_1613 : vector<16xf32>
      %max3A_1616 = arith.maximumf %scan3A_1397, %max3A_1611 : vector<16xf32>
      %min3A_1617 = arith.minimumf %scan3A_1397, %max3A_1611 : vector<16xf32>
      %max3A_1618 = arith.maximumf %scan3A_1398, %max3A_1614 : vector<16xf32>
      %max3A_1619 = arith.maximumf %min3A_1617, %max3A_1618 : vector<16xf32>
      %max3A_1620 = arith.maximumf %scan3A_1399, %min3A_1615 : vector<16xf32>
      %min3A_1621 = arith.minimumf %scan3A_1398, %max3A_1611 : vector<16xf32>
      %min3A_1622 = arith.minimumf %scan3A_1397, %max3A_1614 : vector<16xf32>
      %max3A_1623 = arith.maximumf %min3A_1621, %min3A_1622 : vector<16xf32>
      %max3A_1624 = arith.maximumf %max3A_1620, %max3A_1623 : vector<16xf32>
      %max3A_1625 = arith.maximumf %mul3A_1442, %mul3A_1488 : vector<16xf32>
      %min3A_1626 = arith.minimumf %mul3A_1442, %mul3A_1488 : vector<16xf32>
      %max3A_1627 = arith.maximumf %mul3A_1534, %mul3A_1580 : vector<16xf32>
      %min3A_1628 = arith.minimumf %mul3A_1534, %mul3A_1580 : vector<16xf32>
      %max3A_1629 = arith.maximumf %max3A_1625, %max3A_1627 : vector<16xf32>
      %min3A_1630 = arith.minimumf %max3A_1625, %max3A_1627 : vector<16xf32>
      %max3A_1631 = arith.maximumf %min3A_1626, %min3A_1628 : vector<16xf32>
      %max3A_1632 = arith.maximumf %min3A_1630, %max3A_1631 : vector<16xf32>
      %min3A_1633 = arith.minimumf %min3A_1630, %max3A_1631 : vector<16xf32>
      %max3A_1634 = arith.maximumf %scan3A_1400, %max3A_1629 : vector<16xf32>
      %min3A_1635 = arith.minimumf %scan3A_1400, %max3A_1629 : vector<16xf32>
      %max3A_1636 = arith.maximumf %scan3A_1401, %max3A_1632 : vector<16xf32>
      %max3A_1637 = arith.maximumf %min3A_1635, %max3A_1636 : vector<16xf32>
      %max3A_1638 = arith.maximumf %scan3A_1402, %min3A_1633 : vector<16xf32>
      %min3A_1639 = arith.minimumf %scan3A_1401, %max3A_1629 : vector<16xf32>
      %min3A_1640 = arith.minimumf %scan3A_1400, %max3A_1632 : vector<16xf32>
      %max3A_1641 = arith.maximumf %min3A_1639, %min3A_1640 : vector<16xf32>
      %max3A_1642 = arith.maximumf %max3A_1638, %max3A_1641 : vector<16xf32>
      %max3A_1643 = arith.maximumf %mul3A_1451, %mul3A_1497 : vector<16xf32>
      %min3A_1644 = arith.minimumf %mul3A_1451, %mul3A_1497 : vector<16xf32>
      %max3A_1645 = arith.maximumf %mul3A_1543, %mul3A_1589 : vector<16xf32>
      %min3A_1646 = arith.minimumf %mul3A_1543, %mul3A_1589 : vector<16xf32>
      %max3A_1647 = arith.maximumf %max3A_1643, %max3A_1645 : vector<16xf32>
      %min3A_1648 = arith.minimumf %max3A_1643, %max3A_1645 : vector<16xf32>
      %max3A_1649 = arith.maximumf %min3A_1644, %min3A_1646 : vector<16xf32>
      %max3A_1650 = arith.maximumf %min3A_1648, %max3A_1649 : vector<16xf32>
      %min3A_1651 = arith.minimumf %min3A_1648, %max3A_1649 : vector<16xf32>
      %max3A_1652 = arith.maximumf %scan3A_1403, %max3A_1647 : vector<16xf32>
      %min3A_1653 = arith.minimumf %scan3A_1403, %max3A_1647 : vector<16xf32>
      %max3A_1654 = arith.maximumf %scan3A_1404, %max3A_1650 : vector<16xf32>
      %max3A_1655 = arith.maximumf %min3A_1653, %max3A_1654 : vector<16xf32>
      %max3A_1656 = arith.maximumf %scan3A_1405, %min3A_1651 : vector<16xf32>
      %min3A_1657 = arith.minimumf %scan3A_1404, %max3A_1647 : vector<16xf32>
      %min3A_1658 = arith.minimumf %scan3A_1403, %max3A_1650 : vector<16xf32>
      %max3A_1659 = arith.maximumf %min3A_1657, %min3A_1658 : vector<16xf32>
      %max3A_1660 = arith.maximumf %max3A_1656, %max3A_1659 : vector<16xf32>
      scf.yield %max3A_1598, %max3A_1601, %max3A_1606, %max3A_1616, %max3A_1619, %max3A_1624, %max3A_1634, %max3A_1637, %max3A_1642, %max3A_1652, %max3A_1655, %max3A_1660 : vector<16xf32>, vector<16xf32>, vector<16xf32>, vector<16xf32>, vector<16xf32>, vector<16xf32>, vector<16xf32>, vector<16xf32>, vector<16xf32>, vector<16xf32>, vector<16xf32>, vector<16xf32>
    }
    %scan3A_1042 = arith.constant 7 : i32
    %get3A_1043 = arith.constant 48 : index
    %get3A_1044 = tpu.vector_load %arg12[%get3A_1043] {strides = array<i32>} : memref<112xi32, #tpu.memory_space<vmem>>, vector<16xi32>,
    %sub3A_1045 = arith.constant 1.000000e+00 : f32
    %sub3A_1046 = vector.broadcast %sub3A_1045 : f32 to vector<16xf32>
    %sub3A_1047 = arith.subf %sub3A_1046, %scan3A_1041#0 : vector<16xf32>
    %sub3A_1048 = arith.constant 1.000000e+00 : f32
    %sub3A_1049 = vector.broadcast %sub3A_1048 : f32 to vector<16xf32>
    %sub3A_1050 = arith.subf %sub3A_1049, %scan3A_1041#1 : vector<16xf32>
    %mul3A_1051 = arith.mulf %sub3A_1047, %sub3A_1050 : vector<16xf32>
    %sub3A_1052 = arith.constant 1.000000e+00 : f32
    %sub3A_1053 = vector.broadcast %sub3A_1052 : f32 to vector<16xf32>
    %sub3A_1054 = arith.subf %sub3A_1053, %scan3A_1041#2 : vector<16xf32>
    %mul3A_1055 = arith.mulf %mul3A_1051, %sub3A_1054 : vector<16xf32>
    %sub3A_1056 = arith.constant 1.000000e+00 : f32
    %sub3A_1057 = vector.broadcast %sub3A_1056 : f32 to vector<16xf32>
    %sub3A_1058 = arith.subf %sub3A_1057, %mul3A_1055 : vector<16xf32>
    %broadcast_in_dim3A_1059 = arith.constant 0 : i32
    %broadcast_in_dim3A_1060 = vector.broadcast %broadcast_in_dim3A_1059 : i32 to vector<16xi32>
    %add3A_1061 = arith.constant 0 : i32
    %add3A_1062 = vector.broadcast %add3A_1061 : i32 to vector<16xi32>
    %add3A_1063 = arith.addi %broadcast_in_dim3A_1060, %add3A_1062 : vector<16xi32>
    tpu.vector_store_idx %arg13[%add3A_1063, %get3A_1044], %sub3A_1058 : memref<4x100xf32, #tpu.memory_space<vmem>>[vector<16xi32>, vector<16xi32>], vector<16xf32>,
    %sub3A_1064 = arith.constant 1.000000e+00 : f32
    %sub3A_1065 = vector.broadcast %sub3A_1064 : f32 to vector<16xf32>
    %sub3A_1066 = arith.subf %sub3A_1065, %scan3A_1041#3 : vector<16xf32>
    %sub3A_1067 = arith.constant 1.000000e+00 : f32
    %sub3A_1068 = vector.broadcast %sub3A_1067 : f32 to vector<16xf32>
    %sub3A_1069 = arith.subf %sub3A_1068, %scan3A_1041#4 : vector<16xf32>
    %mul3A_1070 = arith.mulf %sub3A_1066, %sub3A_1069 : vector<16xf32>
    %sub3A_1071 = arith.constant 1.000000e+00 : f32
    %sub3A_1072 = vector.broadcast %sub3A_1071 : f32 to vector<16xf32>
    %sub3A_1073 = arith.subf %sub3A_1072, %scan3A_1041#5 : vector<16xf32>
    %mul3A_1074 = arith.mulf %mul3A_1070, %sub3A_1073 : vector<16xf32>
    %sub3A_1075 = arith.constant 1.000000e+00 : f32
    %sub3A_1076 = vector.broadcast %sub3A_1075 : f32 to vector<16xf32>
    %sub3A_1077 = arith.subf %sub3A_1076, %mul3A_1074 : vector<16xf32>
    %broadcast_in_dim3A_1078 = arith.constant 0 : i32
    %broadcast_in_dim3A_1079 = vector.broadcast %broadcast_in_dim3A_1078 : i32 to vector<16xi32>
    %add3A_1080 = arith.constant 1 : i32
    %add3A_1081 = vector.broadcast %add3A_1080 : i32 to vector<16xi32>
    %add3A_1082 = arith.addi %broadcast_in_dim3A_1079, %add3A_1081 : vector<16xi32>
    tpu.vector_store_idx %arg13[%add3A_1082, %get3A_1044], %sub3A_1077 : memref<4x100xf32, #tpu.memory_space<vmem>>[vector<16xi32>, vector<16xi32>], vector<16xf32>,
    %sub3A_1083 = arith.constant 1.000000e+00 : f32
    %sub3A_1084 = vector.broadcast %sub3A_1083 : f32 to vector<16xf32>
    %sub3A_1085 = arith.subf %sub3A_1084, %scan3A_1041#6 : vector<16xf32>
    %sub3A_1086 = arith.constant 1.000000e+00 : f32
    %sub3A_1087 = vector.broadcast %sub3A_1086 : f32 to vector<16xf32>
    %sub3A_1088 = arith.subf %sub3A_1087, %scan3A_1041#7 : vector<16xf32>
    %mul3A_1089 = arith.mulf %sub3A_1085, %sub3A_1088 : vector<16xf32>
    %sub3A_1090 = arith.constant 1.000000e+00 : f32
    %sub3A_1091 = vector.broadcast %sub3A_1090 : f32 to vector<16xf32>
    %sub3A_1092 = arith.subf %sub3A_1091, %scan3A_1041#8 : vector<16xf32>
    %mul3A_1093 = arith.mulf %mul3A_1089, %sub3A_1092 : vector<16xf32>
    %sub3A_1094 = arith.constant 1.000000e+00 : f32
    %sub3A_1095 = vector.broadcast %sub3A_1094 : f32 to vector<16xf32>
    %sub3A_1096 = arith.subf %sub3A_1095, %mul3A_1093 : vector<16xf32>
    %broadcast_in_dim3A_1097 = arith.constant 0 : i32
    %broadcast_in_dim3A_1098 = vector.broadcast %broadcast_in_dim3A_1097 : i32 to vector<16xi32>
    %add3A_1099 = arith.constant 2 : i32
    %add3A_1100 = vector.broadcast %add3A_1099 : i32 to vector<16xi32>
    %add3A_1101 = arith.addi %broadcast_in_dim3A_1098, %add3A_1100 : vector<16xi32>
    tpu.vector_store_idx %arg13[%add3A_1101, %get3A_1044], %sub3A_1096 : memref<4x100xf32, #tpu.memory_space<vmem>>[vector<16xi32>, vector<16xi32>], vector<16xf32>,
    %sub3A_1102 = arith.constant 1.000000e+00 : f32
    %sub3A_1103 = vector.broadcast %sub3A_1102 : f32 to vector<16xf32>
    %sub3A_1104 = arith.subf %sub3A_1103, %scan3A_1041#9 : vector<16xf32>
    %sub3A_1105 = arith.constant 1.000000e+00 : f32
    %sub3A_1106 = vector.broadcast %sub3A_1105 : f32 to vector<16xf32>
    %sub3A_1107 = arith.subf %sub3A_1106, %scan3A_1041#10 : vector<16xf32>
    %mul3A_1108 = arith.mulf %sub3A_1104, %sub3A_1107 : vector<16xf32>
    %sub3A_1109 = arith.constant 1.000000e+00 : f32
    %sub3A_1110 = vector.broadcast %sub3A_1109 : f32 to vector<16xf32>
    %sub3A_1111 = arith.subf %sub3A_1110, %scan3A_1041#11 : vector<16xf32>
    %mul3A_1112 = arith.mulf %mul3A_1108, %sub3A_1111 : vector<16xf32>
    %sub3A_1113 = arith.constant 1.000000e+00 : f32
    %sub3A_1114 = vector.broadcast %sub3A_1113 : f32 to vector<16xf32>
    %sub3A_1115 = arith.subf %sub3A_1114, %mul3A_1112 : vector<16xf32>
    %broadcast_in_dim3A_1116 = arith.constant 0 : i32
    %broadcast_in_dim3A_1117 = vector.broadcast %broadcast_in_dim3A_1116 : i32 to vector<16xi32>
    %add3A_1118 = arith.constant 3 : i32
    %add3A_1119 = vector.broadcast %add3A_1118 : i32 to vector<16xi32>
    %add3A_1120 = arith.addi %broadcast_in_dim3A_1117, %add3A_1119 : vector<16xi32>
    tpu.vector_store_idx %arg13[%add3A_1120, %get3A_1044], %sub3A_1115 : memref<4x100xf32, #tpu.memory_space<vmem>>[vector<16xi32>, vector<16xi32>], vector<16xf32>,
    %scan3A_1121 = arith.constant 0 : i32
    %scan3A_1122 = arith.constant 6 : i32
    %scan3A_1123 = arith.addi %scan3A_1121, %scan3A_1122 : i32
    %scan3A_1124 = arith.constant 1 : i32
    %scan3A_1125:12 = scf.for %scan3A_1393 = %scan3A_1121 to %scan3A_1123 step %scan3A_1124 iter_args(%scan3A_1394 = %broadcast_in_dim3A_17, %scan3A_1395 = %broadcast_in_dim3A_17, %scan3A_1396 = %broadcast_in_dim3A_17, %scan3A_1397 = %broadcast_in_dim3A_17, %scan3A_1398 = %broadcast_in_dim3A_17, %scan3A_1399 = %broadcast_in_dim3A_17, %scan3A_1400 = %broadcast_in_dim3A_17, %scan3A_1401 = %broadcast_in_dim3A_17, %scan3A_1402 = %broadcast_in_dim3A_17, %scan3A_1403 = %broadcast_in_dim3A_17, %scan3A_1404 = %broadcast_in_dim3A_17, %scan3A_1405 = %broadcast_in_dim3A_17) -> (vector<16xf32>, vector<16xf32>, vector<16xf32>, vector<16xf32>, vector<16xf32>, vector<16xf32>, vector<16xf32>, vector<16xf32>, vector<16xf32>, vector<16xf32>, vector<16xf32>, vector<16xf32>)  : i32 {
      %mul3A_1406 = arith.constant 64 : i32
      %mul3A_1407 = arith.muli %scan3A_1393, %mul3A_1406 : i32
      %add3A_1408 = arith.constant 2496 : i32
      %add3A_1409 = arith.addi %mul3A_1407, %add3A_1408 : i32
      %get3A_1410 = arith.index_cast %add3A_1409 : i32 to index
      %get3A_1411 = tpu.vector_load %arg11[%get3A_1410] {strides = array<i32>} : memref<3456xi32, #tpu.memory_space<vmem>>, vector<16xi32>,
      %and3A = arith.constant 127 : i32
      %and3A_1412 = vector.broadcast %and3A : i32 to vector<16xi32>
      %and3A_1413 = arith.andi %get3A_1411, %and3A_1412 : vector<16xi32>
      %shift_right_logical3A = arith.constant 7 : i32
      %shift_right_logical3A_1414 = vector.broadcast %shift_right_logical3A : i32 to vector<16xi32>
      %shift_right_logical3A_1415 = arith.shrui %get3A_1411, %shift_right_logical3A_1414 : vector<16xi32>
      %add3A_1416 = arith.constant 0 : i32
      %add3A_1417 = vector.broadcast %add3A_1416 : i32 to vector<16xi32>
      %add3A_1418 = arith.addi %and3A_1413, %add3A_1417 : vector<16xi32>
      %gather3A_1419 = tpu.vector_load_idx %arg9[%add3A_1418] : memref<448xf32, #tpu.memory_space<vmem>>[vector<16xi32>], vector<16xf32>,
      %add3A_1420 = arith.constant 0 : i32
      %add3A_1421 = vector.broadcast %add3A_1420 : i32 to vector<16xi32>
      %add3A_1422 = arith.addi %shift_right_logical3A_1415, %add3A_1421 : vector<16xi32>
      %gather3A_1423 = tpu.vector_load_idx %arg10[%add3A_1422] : memref<256xf32, #tpu.memory_space<vmem>>[vector<16xi32>], vector<16xf32>,
      %mul3A_1424 = arith.mulf %gather3A_1419, %gather3A_1423 : vector<16xf32>
      %add3A_1425 = arith.constant 112 : i32
      %add3A_1426 = vector.broadcast %add3A_1425 : i32 to vector<16xi32>
      %add3A_1427 = arith.addi %and3A_1413, %add3A_1426 : vector<16xi32>
      %gather3A_1428 = tpu.vector_load_idx %arg9[%add3A_1427] : memref<448xf32, #tpu.memory_space<vmem>>[vector<16xi32>], vector<16xf32>,
      %add3A_1429 = arith.constant 64 : i32
      %add3A_1430 = vector.broadcast %add3A_1429 : i32 to vector<16xi32>
      %add3A_1431 = arith.addi %shift_right_logical3A_1415, %add3A_1430 : vector<16xi32>
      %gather3A_1432 = tpu.vector_load_idx %arg10[%add3A_1431] : memref<256xf32, #tpu.memory_space<vmem>>[vector<16xi32>], vector<16xf32>,
      %mul3A_1433 = arith.mulf %gather3A_1428, %gather3A_1432 : vector<16xf32>
      %add3A_1434 = arith.constant 224 : i32
      %add3A_1435 = vector.broadcast %add3A_1434 : i32 to vector<16xi32>
      %add3A_1436 = arith.addi %and3A_1413, %add3A_1435 : vector<16xi32>
      %gather3A_1437 = tpu.vector_load_idx %arg9[%add3A_1436] : memref<448xf32, #tpu.memory_space<vmem>>[vector<16xi32>], vector<16xf32>,
      %add3A_1438 = arith.constant 128 : i32
      %add3A_1439 = vector.broadcast %add3A_1438 : i32 to vector<16xi32>
      %add3A_1440 = arith.addi %shift_right_logical3A_1415, %add3A_1439 : vector<16xi32>
      %gather3A_1441 = tpu.vector_load_idx %arg10[%add3A_1440] : memref<256xf32, #tpu.memory_space<vmem>>[vector<16xi32>], vector<16xf32>,
      %mul3A_1442 = arith.mulf %gather3A_1437, %gather3A_1441 : vector<16xf32>
      %add3A_1443 = arith.constant 336 : i32
      %add3A_1444 = vector.broadcast %add3A_1443 : i32 to vector<16xi32>
      %add3A_1445 = arith.addi %and3A_1413, %add3A_1444 : vector<16xi32>
      %gather3A_1446 = tpu.vector_load_idx %arg9[%add3A_1445] : memref<448xf32, #tpu.memory_space<vmem>>[vector<16xi32>], vector<16xf32>,
      %add3A_1447 = arith.constant 192 : i32
      %add3A_1448 = vector.broadcast %add3A_1447 : i32 to vector<16xi32>
      %add3A_1449 = arith.addi %shift_right_logical3A_1415, %add3A_1448 : vector<16xi32>
      %gather3A_1450 = tpu.vector_load_idx %arg10[%add3A_1449] : memref<256xf32, #tpu.memory_space<vmem>>[vector<16xi32>], vector<16xf32>,
      %mul3A_1451 = arith.mulf %gather3A_1446, %gather3A_1450 : vector<16xf32>
      %add3A_1452 = arith.constant 2512 : i32
      %add3A_1453 = arith.addi %mul3A_1407, %add3A_1452 : i32
      %get3A_1454 = arith.index_cast %add3A_1453 : i32 to index
      %get3A_1455 = tpu.vector_load %arg11[%get3A_1454] {strides = array<i32>} : memref<3456xi32, #tpu.memory_space<vmem>>, vector<16xi32>,
      %and3A_1456 = arith.constant 127 : i32
      %and3A_1457 = vector.broadcast %and3A_1456 : i32 to vector<16xi32>
      %and3A_1458 = arith.andi %get3A_1455, %and3A_1457 : vector<16xi32>
      %shift_right_logical3A_1459 = arith.constant 7 : i32
      %shift_right_logical3A_1460 = vector.broadcast %shift_right_logical3A_1459 : i32 to vector<16xi32>
      %shift_right_logical3A_1461 = arith.shrui %get3A_1455, %shift_right_logical3A_1460 : vector<16xi32>
      %add3A_1462 = arith.constant 0 : i32
      %add3A_1463 = vector.broadcast %add3A_1462 : i32 to vector<16xi32>
      %add3A_1464 = arith.addi %and3A_1458, %add3A_1463 : vector<16xi32>
      %gather3A_1465 = tpu.vector_load_idx %arg9[%add3A_1464] : memref<448xf32, #tpu.memory_space<vmem>>[vector<16xi32>], vector<16xf32>,
      %add3A_1466 = arith.constant 0 : i32
      %add3A_1467 = vector.broadcast %add3A_1466 : i32 to vector<16xi32>
      %add3A_1468 = arith.addi %shift_right_logical3A_1461, %add3A_1467 : vector<16xi32>
      %gather3A_1469 = tpu.vector_load_idx %arg10[%add3A_1468] : memref<256xf32, #tpu.memory_space<vmem>>[vector<16xi32>], vector<16xf32>,
      %mul3A_1470 = arith.mulf %gather3A_1465, %gather3A_1469 : vector<16xf32>
      %add3A_1471 = arith.constant 112 : i32
      %add3A_1472 = vector.broadcast %add3A_1471 : i32 to vector<16xi32>
      %add3A_1473 = arith.addi %and3A_1458, %add3A_1472 : vector<16xi32>
      %gather3A_1474 = tpu.vector_load_idx %arg9[%add3A_1473] : memref<448xf32, #tpu.memory_space<vmem>>[vector<16xi32>], vector<16xf32>,
      %add3A_1475 = arith.constant 64 : i32
      %add3A_1476 = vector.broadcast %add3A_1475 : i32 to vector<16xi32>
      %add3A_1477 = arith.addi %shift_right_logical3A_1461, %add3A_1476 : vector<16xi32>
      %gather3A_1478 = tpu.vector_load_idx %arg10[%add3A_1477] : memref<256xf32, #tpu.memory_space<vmem>>[vector<16xi32>], vector<16xf32>,
      %mul3A_1479 = arith.mulf %gather3A_1474, %gather3A_1478 : vector<16xf32>
      %add3A_1480 = arith.constant 224 : i32
      %add3A_1481 = vector.broadcast %add3A_1480 : i32 to vector<16xi32>
      %add3A_1482 = arith.addi %and3A_1458, %add3A_1481 : vector<16xi32>
      %gather3A_1483 = tpu.vector_load_idx %arg9[%add3A_1482] : memref<448xf32, #tpu.memory_space<vmem>>[vector<16xi32>], vector<16xf32>,
      %add3A_1484 = arith.constant 128 : i32
      %add3A_1485 = vector.broadcast %add3A_1484 : i32 to vector<16xi32>
      %add3A_1486 = arith.addi %shift_right_logical3A_1461, %add3A_1485 : vector<16xi32>
      %gather3A_1487 = tpu.vector_load_idx %arg10[%add3A_1486] : memref<256xf32, #tpu.memory_space<vmem>>[vector<16xi32>], vector<16xf32>,
      %mul3A_1488 = arith.mulf %gather3A_1483, %gather3A_1487 : vector<16xf32>
      %add3A_1489 = arith.constant 336 : i32
      %add3A_1490 = vector.broadcast %add3A_1489 : i32 to vector<16xi32>
      %add3A_1491 = arith.addi %and3A_1458, %add3A_1490 : vector<16xi32>
      %gather3A_1492 = tpu.vector_load_idx %arg9[%add3A_1491] : memref<448xf32, #tpu.memory_space<vmem>>[vector<16xi32>], vector<16xf32>,
      %add3A_1493 = arith.constant 192 : i32
      %add3A_1494 = vector.broadcast %add3A_1493 : i32 to vector<16xi32>
      %add3A_1495 = arith.addi %shift_right_logical3A_1461, %add3A_1494 : vector<16xi32>
      %gather3A_1496 = tpu.vector_load_idx %arg10[%add3A_1495] : memref<256xf32, #tpu.memory_space<vmem>>[vector<16xi32>], vector<16xf32>,
      %mul3A_1497 = arith.mulf %gather3A_1492, %gather3A_1496 : vector<16xf32>
      %add3A_1498 = arith.constant 2528 : i32
      %add3A_1499 = arith.addi %mul3A_1407, %add3A_1498 : i32
      %get3A_1500 = arith.index_cast %add3A_1499 : i32 to index
      %get3A_1501 = tpu.vector_load %arg11[%get3A_1500] {strides = array<i32>} : memref<3456xi32, #tpu.memory_space<vmem>>, vector<16xi32>,
      %and3A_1502 = arith.constant 127 : i32
      %and3A_1503 = vector.broadcast %and3A_1502 : i32 to vector<16xi32>
      %and3A_1504 = arith.andi %get3A_1501, %and3A_1503 : vector<16xi32>
      %shift_right_logical3A_1505 = arith.constant 7 : i32
      %shift_right_logical3A_1506 = vector.broadcast %shift_right_logical3A_1505 : i32 to vector<16xi32>
      %shift_right_logical3A_1507 = arith.shrui %get3A_1501, %shift_right_logical3A_1506 : vector<16xi32>
      %add3A_1508 = arith.constant 0 : i32
      %add3A_1509 = vector.broadcast %add3A_1508 : i32 to vector<16xi32>
      %add3A_1510 = arith.addi %and3A_1504, %add3A_1509 : vector<16xi32>
      %gather3A_1511 = tpu.vector_load_idx %arg9[%add3A_1510] : memref<448xf32, #tpu.memory_space<vmem>>[vector<16xi32>], vector<16xf32>,
      %add3A_1512 = arith.constant 0 : i32
      %add3A_1513 = vector.broadcast %add3A_1512 : i32 to vector<16xi32>
      %add3A_1514 = arith.addi %shift_right_logical3A_1507, %add3A_1513 : vector<16xi32>
      %gather3A_1515 = tpu.vector_load_idx %arg10[%add3A_1514] : memref<256xf32, #tpu.memory_space<vmem>>[vector<16xi32>], vector<16xf32>,
      %mul3A_1516 = arith.mulf %gather3A_1511, %gather3A_1515 : vector<16xf32>
      %add3A_1517 = arith.constant 112 : i32
      %add3A_1518 = vector.broadcast %add3A_1517 : i32 to vector<16xi32>
      %add3A_1519 = arith.addi %and3A_1504, %add3A_1518 : vector<16xi32>
      %gather3A_1520 = tpu.vector_load_idx %arg9[%add3A_1519] : memref<448xf32, #tpu.memory_space<vmem>>[vector<16xi32>], vector<16xf32>,
      %add3A_1521 = arith.constant 64 : i32
      %add3A_1522 = vector.broadcast %add3A_1521 : i32 to vector<16xi32>
      %add3A_1523 = arith.addi %shift_right_logical3A_1507, %add3A_1522 : vector<16xi32>
      %gather3A_1524 = tpu.vector_load_idx %arg10[%add3A_1523] : memref<256xf32, #tpu.memory_space<vmem>>[vector<16xi32>], vector<16xf32>,
      %mul3A_1525 = arith.mulf %gather3A_1520, %gather3A_1524 : vector<16xf32>
      %add3A_1526 = arith.constant 224 : i32
      %add3A_1527 = vector.broadcast %add3A_1526 : i32 to vector<16xi32>
      %add3A_1528 = arith.addi %and3A_1504, %add3A_1527 : vector<16xi32>
      %gather3A_1529 = tpu.vector_load_idx %arg9[%add3A_1528] : memref<448xf32, #tpu.memory_space<vmem>>[vector<16xi32>], vector<16xf32>,
      %add3A_1530 = arith.constant 128 : i32
      %add3A_1531 = vector.broadcast %add3A_1530 : i32 to vector<16xi32>
      %add3A_1532 = arith.addi %shift_right_logical3A_1507, %add3A_1531 : vector<16xi32>
      %gather3A_1533 = tpu.vector_load_idx %arg10[%add3A_1532] : memref<256xf32, #tpu.memory_space<vmem>>[vector<16xi32>], vector<16xf32>,
      %mul3A_1534 = arith.mulf %gather3A_1529, %gather3A_1533 : vector<16xf32>
      %add3A_1535 = arith.constant 336 : i32
      %add3A_1536 = vector.broadcast %add3A_1535 : i32 to vector<16xi32>
      %add3A_1537 = arith.addi %and3A_1504, %add3A_1536 : vector<16xi32>
      %gather3A_1538 = tpu.vector_load_idx %arg9[%add3A_1537] : memref<448xf32, #tpu.memory_space<vmem>>[vector<16xi32>], vector<16xf32>,
      %add3A_1539 = arith.constant 192 : i32
      %add3A_1540 = vector.broadcast %add3A_1539 : i32 to vector<16xi32>
      %add3A_1541 = arith.addi %shift_right_logical3A_1507, %add3A_1540 : vector<16xi32>
      %gather3A_1542 = tpu.vector_load_idx %arg10[%add3A_1541] : memref<256xf32, #tpu.memory_space<vmem>>[vector<16xi32>], vector<16xf32>,
      %mul3A_1543 = arith.mulf %gather3A_1538, %gather3A_1542 : vector<16xf32>
      %add3A_1544 = arith.constant 2544 : i32
      %add3A_1545 = arith.addi %mul3A_1407, %add3A_1544 : i32
      %get3A_1546 = arith.index_cast %add3A_1545 : i32 to index
      %get3A_1547 = tpu.vector_load %arg11[%get3A_1546] {strides = array<i32>} : memref<3456xi32, #tpu.memory_space<vmem>>, vector<16xi32>,
      %and3A_1548 = arith.constant 127 : i32
      %and3A_1549 = vector.broadcast %and3A_1548 : i32 to vector<16xi32>
      %and3A_1550 = arith.andi %get3A_1547, %and3A_1549 : vector<16xi32>
      %shift_right_logical3A_1551 = arith.constant 7 : i32
      %shift_right_logical3A_1552 = vector.broadcast %shift_right_logical3A_1551 : i32 to vector<16xi32>
      %shift_right_logical3A_1553 = arith.shrui %get3A_1547, %shift_right_logical3A_1552 : vector<16xi32>
      %add3A_1554 = arith.constant 0 : i32
      %add3A_1555 = vector.broadcast %add3A_1554 : i32 to vector<16xi32>
      %add3A_1556 = arith.addi %and3A_1550, %add3A_1555 : vector<16xi32>
      %gather3A_1557 = tpu.vector_load_idx %arg9[%add3A_1556] : memref<448xf32, #tpu.memory_space<vmem>>[vector<16xi32>], vector<16xf32>,
      %add3A_1558 = arith.constant 0 : i32
      %add3A_1559 = vector.broadcast %add3A_1558 : i32 to vector<16xi32>
      %add3A_1560 = arith.addi %shift_right_logical3A_1553, %add3A_1559 : vector<16xi32>
      %gather3A_1561 = tpu.vector_load_idx %arg10[%add3A_1560] : memref<256xf32, #tpu.memory_space<vmem>>[vector<16xi32>], vector<16xf32>,
      %mul3A_1562 = arith.mulf %gather3A_1557, %gather3A_1561 : vector<16xf32>
      %add3A_1563 = arith.constant 112 : i32
      %add3A_1564 = vector.broadcast %add3A_1563 : i32 to vector<16xi32>
      %add3A_1565 = arith.addi %and3A_1550, %add3A_1564 : vector<16xi32>
      %gather3A_1566 = tpu.vector_load_idx %arg9[%add3A_1565] : memref<448xf32, #tpu.memory_space<vmem>>[vector<16xi32>], vector<16xf32>,
      %add3A_1567 = arith.constant 64 : i32
      %add3A_1568 = vector.broadcast %add3A_1567 : i32 to vector<16xi32>
      %add3A_1569 = arith.addi %shift_right_logical3A_1553, %add3A_1568 : vector<16xi32>
      %gather3A_1570 = tpu.vector_load_idx %arg10[%add3A_1569] : memref<256xf32, #tpu.memory_space<vmem>>[vector<16xi32>], vector<16xf32>,
      %mul3A_1571 = arith.mulf %gather3A_1566, %gather3A_1570 : vector<16xf32>
      %add3A_1572 = arith.constant 224 : i32
      %add3A_1573 = vector.broadcast %add3A_1572 : i32 to vector<16xi32>
      %add3A_1574 = arith.addi %and3A_1550, %add3A_1573 : vector<16xi32>
      %gather3A_1575 = tpu.vector_load_idx %arg9[%add3A_1574] : memref<448xf32, #tpu.memory_space<vmem>>[vector<16xi32>], vector<16xf32>,
      %add3A_1576 = arith.constant 128 : i32
      %add3A_1577 = vector.broadcast %add3A_1576 : i32 to vector<16xi32>
      %add3A_1578 = arith.addi %shift_right_logical3A_1553, %add3A_1577 : vector<16xi32>
      %gather3A_1579 = tpu.vector_load_idx %arg10[%add3A_1578] : memref<256xf32, #tpu.memory_space<vmem>>[vector<16xi32>], vector<16xf32>,
      %mul3A_1580 = arith.mulf %gather3A_1575, %gather3A_1579 : vector<16xf32>
      %add3A_1581 = arith.constant 336 : i32
      %add3A_1582 = vector.broadcast %add3A_1581 : i32 to vector<16xi32>
      %add3A_1583 = arith.addi %and3A_1550, %add3A_1582 : vector<16xi32>
      %gather3A_1584 = tpu.vector_load_idx %arg9[%add3A_1583] : memref<448xf32, #tpu.memory_space<vmem>>[vector<16xi32>], vector<16xf32>,
      %add3A_1585 = arith.constant 192 : i32
      %add3A_1586 = vector.broadcast %add3A_1585 : i32 to vector<16xi32>
      %add3A_1587 = arith.addi %shift_right_logical3A_1553, %add3A_1586 : vector<16xi32>
      %gather3A_1588 = tpu.vector_load_idx %arg10[%add3A_1587] : memref<256xf32, #tpu.memory_space<vmem>>[vector<16xi32>], vector<16xf32>,
      %mul3A_1589 = arith.mulf %gather3A_1584, %gather3A_1588 : vector<16xf32>
      %max3A = arith.maximumf %mul3A_1424, %mul3A_1470 : vector<16xf32>
      %min3A_1590 = arith.minimumf %mul3A_1424, %mul3A_1470 : vector<16xf32>
      %max3A_1591 = arith.maximumf %mul3A_1516, %mul3A_1562 : vector<16xf32>
      %min3A_1592 = arith.minimumf %mul3A_1516, %mul3A_1562 : vector<16xf32>
      %max3A_1593 = arith.maximumf %max3A, %max3A_1591 : vector<16xf32>
      %min3A_1594 = arith.minimumf %max3A, %max3A_1591 : vector<16xf32>
      %max3A_1595 = arith.maximumf %min3A_1590, %min3A_1592 : vector<16xf32>
      %max3A_1596 = arith.maximumf %min3A_1594, %max3A_1595 : vector<16xf32>
      %min3A_1597 = arith.minimumf %min3A_1594, %max3A_1595 : vector<16xf32>
      %max3A_1598 = arith.maximumf %scan3A_1394, %max3A_1593 : vector<16xf32>
      %min3A_1599 = arith.minimumf %scan3A_1394, %max3A_1593 : vector<16xf32>
      %max3A_1600 = arith.maximumf %scan3A_1395, %max3A_1596 : vector<16xf32>
      %max3A_1601 = arith.maximumf %min3A_1599, %max3A_1600 : vector<16xf32>
      %max3A_1602 = arith.maximumf %scan3A_1396, %min3A_1597 : vector<16xf32>
      %min3A_1603 = arith.minimumf %scan3A_1395, %max3A_1593 : vector<16xf32>
      %min3A_1604 = arith.minimumf %scan3A_1394, %max3A_1596 : vector<16xf32>
      %max3A_1605 = arith.maximumf %min3A_1603, %min3A_1604 : vector<16xf32>
      %max3A_1606 = arith.maximumf %max3A_1602, %max3A_1605 : vector<16xf32>
      %max3A_1607 = arith.maximumf %mul3A_1433, %mul3A_1479 : vector<16xf32>
      %min3A_1608 = arith.minimumf %mul3A_1433, %mul3A_1479 : vector<16xf32>
      %max3A_1609 = arith.maximumf %mul3A_1525, %mul3A_1571 : vector<16xf32>
      %min3A_1610 = arith.minimumf %mul3A_1525, %mul3A_1571 : vector<16xf32>
      %max3A_1611 = arith.maximumf %max3A_1607, %max3A_1609 : vector<16xf32>
      %min3A_1612 = arith.minimumf %max3A_1607, %max3A_1609 : vector<16xf32>
      %max3A_1613 = arith.maximumf %min3A_1608, %min3A_1610 : vector<16xf32>
      %max3A_1614 = arith.maximumf %min3A_1612, %max3A_1613 : vector<16xf32>
      %min3A_1615 = arith.minimumf %min3A_1612, %max3A_1613 : vector<16xf32>
      %max3A_1616 = arith.maximumf %scan3A_1397, %max3A_1611 : vector<16xf32>
      %min3A_1617 = arith.minimumf %scan3A_1397, %max3A_1611 : vector<16xf32>
      %max3A_1618 = arith.maximumf %scan3A_1398, %max3A_1614 : vector<16xf32>
      %max3A_1619 = arith.maximumf %min3A_1617, %max3A_1618 : vector<16xf32>
      %max3A_1620 = arith.maximumf %scan3A_1399, %min3A_1615 : vector<16xf32>
      %min3A_1621 = arith.minimumf %scan3A_1398, %max3A_1611 : vector<16xf32>
      %min3A_1622 = arith.minimumf %scan3A_1397, %max3A_1614 : vector<16xf32>
      %max3A_1623 = arith.maximumf %min3A_1621, %min3A_1622 : vector<16xf32>
      %max3A_1624 = arith.maximumf %max3A_1620, %max3A_1623 : vector<16xf32>
      %max3A_1625 = arith.maximumf %mul3A_1442, %mul3A_1488 : vector<16xf32>
      %min3A_1626 = arith.minimumf %mul3A_1442, %mul3A_1488 : vector<16xf32>
      %max3A_1627 = arith.maximumf %mul3A_1534, %mul3A_1580 : vector<16xf32>
      %min3A_1628 = arith.minimumf %mul3A_1534, %mul3A_1580 : vector<16xf32>
      %max3A_1629 = arith.maximumf %max3A_1625, %max3A_1627 : vector<16xf32>
      %min3A_1630 = arith.minimumf %max3A_1625, %max3A_1627 : vector<16xf32>
      %max3A_1631 = arith.maximumf %min3A_1626, %min3A_1628 : vector<16xf32>
      %max3A_1632 = arith.maximumf %min3A_1630, %max3A_1631 : vector<16xf32>
      %min3A_1633 = arith.minimumf %min3A_1630, %max3A_1631 : vector<16xf32>
      %max3A_1634 = arith.maximumf %scan3A_1400, %max3A_1629 : vector<16xf32>
      %min3A_1635 = arith.minimumf %scan3A_1400, %max3A_1629 : vector<16xf32>
      %max3A_1636 = arith.maximumf %scan3A_1401, %max3A_1632 : vector<16xf32>
      %max3A_1637 = arith.maximumf %min3A_1635, %max3A_1636 : vector<16xf32>
      %max3A_1638 = arith.maximumf %scan3A_1402, %min3A_1633 : vector<16xf32>
      %min3A_1639 = arith.minimumf %scan3A_1401, %max3A_1629 : vector<16xf32>
      %min3A_1640 = arith.minimumf %scan3A_1400, %max3A_1632 : vector<16xf32>
      %max3A_1641 = arith.maximumf %min3A_1639, %min3A_1640 : vector<16xf32>
      %max3A_1642 = arith.maximumf %max3A_1638, %max3A_1641 : vector<16xf32>
      %max3A_1643 = arith.maximumf %mul3A_1451, %mul3A_1497 : vector<16xf32>
      %min3A_1644 = arith.minimumf %mul3A_1451, %mul3A_1497 : vector<16xf32>
      %max3A_1645 = arith.maximumf %mul3A_1543, %mul3A_1589 : vector<16xf32>
      %min3A_1646 = arith.minimumf %mul3A_1543, %mul3A_1589 : vector<16xf32>
      %max3A_1647 = arith.maximumf %max3A_1643, %max3A_1645 : vector<16xf32>
      %min3A_1648 = arith.minimumf %max3A_1643, %max3A_1645 : vector<16xf32>
      %max3A_1649 = arith.maximumf %min3A_1644, %min3A_1646 : vector<16xf32>
      %max3A_1650 = arith.maximumf %min3A_1648, %max3A_1649 : vector<16xf32>
      %min3A_1651 = arith.minimumf %min3A_1648, %max3A_1649 : vector<16xf32>
      %max3A_1652 = arith.maximumf %scan3A_1403, %max3A_1647 : vector<16xf32>
      %min3A_1653 = arith.minimumf %scan3A_1403, %max3A_1647 : vector<16xf32>
      %max3A_1654 = arith.maximumf %scan3A_1404, %max3A_1650 : vector<16xf32>
      %max3A_1655 = arith.maximumf %min3A_1653, %max3A_1654 : vector<16xf32>
      %max3A_1656 = arith.maximumf %scan3A_1405, %min3A_1651 : vector<16xf32>
      %min3A_1657 = arith.minimumf %scan3A_1404, %max3A_1647 : vector<16xf32>
      %min3A_1658 = arith.minimumf %scan3A_1403, %max3A_1650 : vector<16xf32>
      %max3A_1659 = arith.maximumf %min3A_1657, %min3A_1658 : vector<16xf32>
      %max3A_1660 = arith.maximumf %max3A_1656, %max3A_1659 : vector<16xf32>
      scf.yield %max3A_1598, %max3A_1601, %max3A_1606, %max3A_1616, %max3A_1619, %max3A_1624, %max3A_1634, %max3A_1637, %max3A_1642, %max3A_1652, %max3A_1655, %max3A_1660 : vector<16xf32>, vector<16xf32>, vector<16xf32>, vector<16xf32>, vector<16xf32>, vector<16xf32>, vector<16xf32>, vector<16xf32>, vector<16xf32>, vector<16xf32>, vector<16xf32>, vector<16xf32>
    }
    %scan3A_1126 = arith.constant 6 : i32
    %get3A_1127 = arith.constant 64 : index
    %get3A_1128 = tpu.vector_load %arg12[%get3A_1127] {strides = array<i32>} : memref<112xi32, #tpu.memory_space<vmem>>, vector<16xi32>,
    %sub3A_1129 = arith.constant 1.000000e+00 : f32
    %sub3A_1130 = vector.broadcast %sub3A_1129 : f32 to vector<16xf32>
    %sub3A_1131 = arith.subf %sub3A_1130, %scan3A_1125#0 : vector<16xf32>
    %sub3A_1132 = arith.constant 1.000000e+00 : f32
    %sub3A_1133 = vector.broadcast %sub3A_1132 : f32 to vector<16xf32>
    %sub3A_1134 = arith.subf %sub3A_1133, %scan3A_1125#1 : vector<16xf32>
    %mul3A_1135 = arith.mulf %sub3A_1131, %sub3A_1134 : vector<16xf32>
    %sub3A_1136 = arith.constant 1.000000e+00 : f32
    %sub3A_1137 = vector.broadcast %sub3A_1136 : f32 to vector<16xf32>
    %sub3A_1138 = arith.subf %sub3A_1137, %scan3A_1125#2 : vector<16xf32>
    %mul3A_1139 = arith.mulf %mul3A_1135, %sub3A_1138 : vector<16xf32>
    %sub3A_1140 = arith.constant 1.000000e+00 : f32
    %sub3A_1141 = vector.broadcast %sub3A_1140 : f32 to vector<16xf32>
    %sub3A_1142 = arith.subf %sub3A_1141, %mul3A_1139 : vector<16xf32>
    %broadcast_in_dim3A_1143 = arith.constant 0 : i32
    %broadcast_in_dim3A_1144 = vector.broadcast %broadcast_in_dim3A_1143 : i32 to vector<16xi32>
    %add3A_1145 = arith.constant 0 : i32
    %add3A_1146 = vector.broadcast %add3A_1145 : i32 to vector<16xi32>
    %add3A_1147 = arith.addi %broadcast_in_dim3A_1144, %add3A_1146 : vector<16xi32>
    tpu.vector_store_idx %arg13[%add3A_1147, %get3A_1128], %sub3A_1142 : memref<4x100xf32, #tpu.memory_space<vmem>>[vector<16xi32>, vector<16xi32>], vector<16xf32>,
    %sub3A_1148 = arith.constant 1.000000e+00 : f32
    %sub3A_1149 = vector.broadcast %sub3A_1148 : f32 to vector<16xf32>
    %sub3A_1150 = arith.subf %sub3A_1149, %scan3A_1125#3 : vector<16xf32>
    %sub3A_1151 = arith.constant 1.000000e+00 : f32
    %sub3A_1152 = vector.broadcast %sub3A_1151 : f32 to vector<16xf32>
    %sub3A_1153 = arith.subf %sub3A_1152, %scan3A_1125#4 : vector<16xf32>
    %mul3A_1154 = arith.mulf %sub3A_1150, %sub3A_1153 : vector<16xf32>
    %sub3A_1155 = arith.constant 1.000000e+00 : f32
    %sub3A_1156 = vector.broadcast %sub3A_1155 : f32 to vector<16xf32>
    %sub3A_1157 = arith.subf %sub3A_1156, %scan3A_1125#5 : vector<16xf32>
    %mul3A_1158 = arith.mulf %mul3A_1154, %sub3A_1157 : vector<16xf32>
    %sub3A_1159 = arith.constant 1.000000e+00 : f32
    %sub3A_1160 = vector.broadcast %sub3A_1159 : f32 to vector<16xf32>
    %sub3A_1161 = arith.subf %sub3A_1160, %mul3A_1158 : vector<16xf32>
    %broadcast_in_dim3A_1162 = arith.constant 0 : i32
    %broadcast_in_dim3A_1163 = vector.broadcast %broadcast_in_dim3A_1162 : i32 to vector<16xi32>
    %add3A_1164 = arith.constant 1 : i32
    %add3A_1165 = vector.broadcast %add3A_1164 : i32 to vector<16xi32>
    %add3A_1166 = arith.addi %broadcast_in_dim3A_1163, %add3A_1165 : vector<16xi32>
    tpu.vector_store_idx %arg13[%add3A_1166, %get3A_1128], %sub3A_1161 : memref<4x100xf32, #tpu.memory_space<vmem>>[vector<16xi32>, vector<16xi32>], vector<16xf32>,
    %sub3A_1167 = arith.constant 1.000000e+00 : f32
    %sub3A_1168 = vector.broadcast %sub3A_1167 : f32 to vector<16xf32>
    %sub3A_1169 = arith.subf %sub3A_1168, %scan3A_1125#6 : vector<16xf32>
    %sub3A_1170 = arith.constant 1.000000e+00 : f32
    %sub3A_1171 = vector.broadcast %sub3A_1170 : f32 to vector<16xf32>
    %sub3A_1172 = arith.subf %sub3A_1171, %scan3A_1125#7 : vector<16xf32>
    %mul3A_1173 = arith.mulf %sub3A_1169, %sub3A_1172 : vector<16xf32>
    %sub3A_1174 = arith.constant 1.000000e+00 : f32
    %sub3A_1175 = vector.broadcast %sub3A_1174 : f32 to vector<16xf32>
    %sub3A_1176 = arith.subf %sub3A_1175, %scan3A_1125#8 : vector<16xf32>
    %mul3A_1177 = arith.mulf %mul3A_1173, %sub3A_1176 : vector<16xf32>
    %sub3A_1178 = arith.constant 1.000000e+00 : f32
    %sub3A_1179 = vector.broadcast %sub3A_1178 : f32 to vector<16xf32>
    %sub3A_1180 = arith.subf %sub3A_1179, %mul3A_1177 : vector<16xf32>
    %broadcast_in_dim3A_1181 = arith.constant 0 : i32
    %broadcast_in_dim3A_1182 = vector.broadcast %broadcast_in_dim3A_1181 : i32 to vector<16xi32>
    %add3A_1183 = arith.constant 2 : i32
    %add3A_1184 = vector.broadcast %add3A_1183 : i32 to vector<16xi32>
    %add3A_1185 = arith.addi %broadcast_in_dim3A_1182, %add3A_1184 : vector<16xi32>
    tpu.vector_store_idx %arg13[%add3A_1185, %get3A_1128], %sub3A_1180 : memref<4x100xf32, #tpu.memory_space<vmem>>[vector<16xi32>, vector<16xi32>], vector<16xf32>,
    %sub3A_1186 = arith.constant 1.000000e+00 : f32
    %sub3A_1187 = vector.broadcast %sub3A_1186 : f32 to vector<16xf32>
    %sub3A_1188 = arith.subf %sub3A_1187, %scan3A_1125#9 : vector<16xf32>
    %sub3A_1189 = arith.constant 1.000000e+00 : f32
    %sub3A_1190 = vector.broadcast %sub3A_1189 : f32 to vector<16xf32>
    %sub3A_1191 = arith.subf %sub3A_1190, %scan3A_1125#10 : vector<16xf32>
    %mul3A_1192 = arith.mulf %sub3A_1188, %sub3A_1191 : vector<16xf32>
    %sub3A_1193 = arith.constant 1.000000e+00 : f32
    %sub3A_1194 = vector.broadcast %sub3A_1193 : f32 to vector<16xf32>
    %sub3A_1195 = arith.subf %sub3A_1194, %scan3A_1125#11 : vector<16xf32>
    %mul3A_1196 = arith.mulf %mul3A_1192, %sub3A_1195 : vector<16xf32>
    %sub3A_1197 = arith.constant 1.000000e+00 : f32
    %sub3A_1198 = vector.broadcast %sub3A_1197 : f32 to vector<16xf32>
    %sub3A_1199 = arith.subf %sub3A_1198, %mul3A_1196 : vector<16xf32>
    %broadcast_in_dim3A_1200 = arith.constant 0 : i32
    %broadcast_in_dim3A_1201 = vector.broadcast %broadcast_in_dim3A_1200 : i32 to vector<16xi32>
    %add3A_1202 = arith.constant 3 : i32
    %add3A_1203 = vector.broadcast %add3A_1202 : i32 to vector<16xi32>
    %add3A_1204 = arith.addi %broadcast_in_dim3A_1201, %add3A_1203 : vector<16xi32>
    tpu.vector_store_idx %arg13[%add3A_1204, %get3A_1128], %sub3A_1199 : memref<4x100xf32, #tpu.memory_space<vmem>>[vector<16xi32>, vector<16xi32>], vector<16xf32>,
    %scan3A_1205 = arith.constant 0 : i32
    %scan3A_1206 = arith.constant 5 : i32
    %scan3A_1207 = arith.addi %scan3A_1205, %scan3A_1206 : i32
    %scan3A_1208 = arith.constant 1 : i32
    %scan3A_1209:12 = scf.for %scan3A_1393 = %scan3A_1205 to %scan3A_1207 step %scan3A_1208 iter_args(%scan3A_1394 = %broadcast_in_dim3A_17, %scan3A_1395 = %broadcast_in_dim3A_17, %scan3A_1396 = %broadcast_in_dim3A_17, %scan3A_1397 = %broadcast_in_dim3A_17, %scan3A_1398 = %broadcast_in_dim3A_17, %scan3A_1399 = %broadcast_in_dim3A_17, %scan3A_1400 = %broadcast_in_dim3A_17, %scan3A_1401 = %broadcast_in_dim3A_17, %scan3A_1402 = %broadcast_in_dim3A_17, %scan3A_1403 = %broadcast_in_dim3A_17, %scan3A_1404 = %broadcast_in_dim3A_17, %scan3A_1405 = %broadcast_in_dim3A_17) -> (vector<16xf32>, vector<16xf32>, vector<16xf32>, vector<16xf32>, vector<16xf32>, vector<16xf32>, vector<16xf32>, vector<16xf32>, vector<16xf32>, vector<16xf32>, vector<16xf32>, vector<16xf32>)  : i32 {
      %mul3A_1406 = arith.constant 64 : i32
      %mul3A_1407 = arith.muli %scan3A_1393, %mul3A_1406 : i32
      %add3A_1408 = arith.constant 2880 : i32
      %add3A_1409 = arith.addi %mul3A_1407, %add3A_1408 : i32
      %get3A_1410 = arith.index_cast %add3A_1409 : i32 to index
      %get3A_1411 = tpu.vector_load %arg11[%get3A_1410] {strides = array<i32>} : memref<3456xi32, #tpu.memory_space<vmem>>, vector<16xi32>,
      %and3A = arith.constant 127 : i32
      %and3A_1412 = vector.broadcast %and3A : i32 to vector<16xi32>
      %and3A_1413 = arith.andi %get3A_1411, %and3A_1412 : vector<16xi32>
      %shift_right_logical3A = arith.constant 7 : i32
      %shift_right_logical3A_1414 = vector.broadcast %shift_right_logical3A : i32 to vector<16xi32>
      %shift_right_logical3A_1415 = arith.shrui %get3A_1411, %shift_right_logical3A_1414 : vector<16xi32>
      %add3A_1416 = arith.constant 0 : i32
      %add3A_1417 = vector.broadcast %add3A_1416 : i32 to vector<16xi32>
      %add3A_1418 = arith.addi %and3A_1413, %add3A_1417 : vector<16xi32>
      %gather3A_1419 = tpu.vector_load_idx %arg9[%add3A_1418] : memref<448xf32, #tpu.memory_space<vmem>>[vector<16xi32>], vector<16xf32>,
      %add3A_1420 = arith.constant 0 : i32
      %add3A_1421 = vector.broadcast %add3A_1420 : i32 to vector<16xi32>
      %add3A_1422 = arith.addi %shift_right_logical3A_1415, %add3A_1421 : vector<16xi32>
      %gather3A_1423 = tpu.vector_load_idx %arg10[%add3A_1422] : memref<256xf32, #tpu.memory_space<vmem>>[vector<16xi32>], vector<16xf32>,
      %mul3A_1424 = arith.mulf %gather3A_1419, %gather3A_1423 : vector<16xf32>
      %add3A_1425 = arith.constant 112 : i32
      %add3A_1426 = vector.broadcast %add3A_1425 : i32 to vector<16xi32>
      %add3A_1427 = arith.addi %and3A_1413, %add3A_1426 : vector<16xi32>
      %gather3A_1428 = tpu.vector_load_idx %arg9[%add3A_1427] : memref<448xf32, #tpu.memory_space<vmem>>[vector<16xi32>], vector<16xf32>,
      %add3A_1429 = arith.constant 64 : i32
      %add3A_1430 = vector.broadcast %add3A_1429 : i32 to vector<16xi32>
      %add3A_1431 = arith.addi %shift_right_logical3A_1415, %add3A_1430 : vector<16xi32>
      %gather3A_1432 = tpu.vector_load_idx %arg10[%add3A_1431] : memref<256xf32, #tpu.memory_space<vmem>>[vector<16xi32>], vector<16xf32>,
      %mul3A_1433 = arith.mulf %gather3A_1428, %gather3A_1432 : vector<16xf32>
      %add3A_1434 = arith.constant 224 : i32
      %add3A_1435 = vector.broadcast %add3A_1434 : i32 to vector<16xi32>
      %add3A_1436 = arith.addi %and3A_1413, %add3A_1435 : vector<16xi32>
      %gather3A_1437 = tpu.vector_load_idx %arg9[%add3A_1436] : memref<448xf32, #tpu.memory_space<vmem>>[vector<16xi32>], vector<16xf32>,
      %add3A_1438 = arith.constant 128 : i32
      %add3A_1439 = vector.broadcast %add3A_1438 : i32 to vector<16xi32>
      %add3A_1440 = arith.addi %shift_right_logical3A_1415, %add3A_1439 : vector<16xi32>
      %gather3A_1441 = tpu.vector_load_idx %arg10[%add3A_1440] : memref<256xf32, #tpu.memory_space<vmem>>[vector<16xi32>], vector<16xf32>,
      %mul3A_1442 = arith.mulf %gather3A_1437, %gather3A_1441 : vector<16xf32>
      %add3A_1443 = arith.constant 336 : i32
      %add3A_1444 = vector.broadcast %add3A_1443 : i32 to vector<16xi32>
      %add3A_1445 = arith.addi %and3A_1413, %add3A_1444 : vector<16xi32>
      %gather3A_1446 = tpu.vector_load_idx %arg9[%add3A_1445] : memref<448xf32, #tpu.memory_space<vmem>>[vector<16xi32>], vector<16xf32>,
      %add3A_1447 = arith.constant 192 : i32
      %add3A_1448 = vector.broadcast %add3A_1447 : i32 to vector<16xi32>
      %add3A_1449 = arith.addi %shift_right_logical3A_1415, %add3A_1448 : vector<16xi32>
      %gather3A_1450 = tpu.vector_load_idx %arg10[%add3A_1449] : memref<256xf32, #tpu.memory_space<vmem>>[vector<16xi32>], vector<16xf32>,
      %mul3A_1451 = arith.mulf %gather3A_1446, %gather3A_1450 : vector<16xf32>
      %add3A_1452 = arith.constant 2896 : i32
      %add3A_1453 = arith.addi %mul3A_1407, %add3A_1452 : i32
      %get3A_1454 = arith.index_cast %add3A_1453 : i32 to index
      %get3A_1455 = tpu.vector_load %arg11[%get3A_1454] {strides = array<i32>} : memref<3456xi32, #tpu.memory_space<vmem>>, vector<16xi32>,
      %and3A_1456 = arith.constant 127 : i32
      %and3A_1457 = vector.broadcast %and3A_1456 : i32 to vector<16xi32>
      %and3A_1458 = arith.andi %get3A_1455, %and3A_1457 : vector<16xi32>
      %shift_right_logical3A_1459 = arith.constant 7 : i32
      %shift_right_logical3A_1460 = vector.broadcast %shift_right_logical3A_1459 : i32 to vector<16xi32>
      %shift_right_logical3A_1461 = arith.shrui %get3A_1455, %shift_right_logical3A_1460 : vector<16xi32>
      %add3A_1462 = arith.constant 0 : i32
      %add3A_1463 = vector.broadcast %add3A_1462 : i32 to vector<16xi32>
      %add3A_1464 = arith.addi %and3A_1458, %add3A_1463 : vector<16xi32>
      %gather3A_1465 = tpu.vector_load_idx %arg9[%add3A_1464] : memref<448xf32, #tpu.memory_space<vmem>>[vector<16xi32>], vector<16xf32>,
      %add3A_1466 = arith.constant 0 : i32
      %add3A_1467 = vector.broadcast %add3A_1466 : i32 to vector<16xi32>
      %add3A_1468 = arith.addi %shift_right_logical3A_1461, %add3A_1467 : vector<16xi32>
      %gather3A_1469 = tpu.vector_load_idx %arg10[%add3A_1468] : memref<256xf32, #tpu.memory_space<vmem>>[vector<16xi32>], vector<16xf32>,
      %mul3A_1470 = arith.mulf %gather3A_1465, %gather3A_1469 : vector<16xf32>
      %add3A_1471 = arith.constant 112 : i32
      %add3A_1472 = vector.broadcast %add3A_1471 : i32 to vector<16xi32>
      %add3A_1473 = arith.addi %and3A_1458, %add3A_1472 : vector<16xi32>
      %gather3A_1474 = tpu.vector_load_idx %arg9[%add3A_1473] : memref<448xf32, #tpu.memory_space<vmem>>[vector<16xi32>], vector<16xf32>,
      %add3A_1475 = arith.constant 64 : i32
      %add3A_1476 = vector.broadcast %add3A_1475 : i32 to vector<16xi32>
      %add3A_1477 = arith.addi %shift_right_logical3A_1461, %add3A_1476 : vector<16xi32>
      %gather3A_1478 = tpu.vector_load_idx %arg10[%add3A_1477] : memref<256xf32, #tpu.memory_space<vmem>>[vector<16xi32>], vector<16xf32>,
      %mul3A_1479 = arith.mulf %gather3A_1474, %gather3A_1478 : vector<16xf32>
      %add3A_1480 = arith.constant 224 : i32
      %add3A_1481 = vector.broadcast %add3A_1480 : i32 to vector<16xi32>
      %add3A_1482 = arith.addi %and3A_1458, %add3A_1481 : vector<16xi32>
      %gather3A_1483 = tpu.vector_load_idx %arg9[%add3A_1482] : memref<448xf32, #tpu.memory_space<vmem>>[vector<16xi32>], vector<16xf32>,
      %add3A_1484 = arith.constant 128 : i32
      %add3A_1485 = vector.broadcast %add3A_1484 : i32 to vector<16xi32>
      %add3A_1486 = arith.addi %shift_right_logical3A_1461, %add3A_1485 : vector<16xi32>
      %gather3A_1487 = tpu.vector_load_idx %arg10[%add3A_1486] : memref<256xf32, #tpu.memory_space<vmem>>[vector<16xi32>], vector<16xf32>,
      %mul3A_1488 = arith.mulf %gather3A_1483, %gather3A_1487 : vector<16xf32>
      %add3A_1489 = arith.constant 336 : i32
      %add3A_1490 = vector.broadcast %add3A_1489 : i32 to vector<16xi32>
      %add3A_1491 = arith.addi %and3A_1458, %add3A_1490 : vector<16xi32>
      %gather3A_1492 = tpu.vector_load_idx %arg9[%add3A_1491] : memref<448xf32, #tpu.memory_space<vmem>>[vector<16xi32>], vector<16xf32>,
      %add3A_1493 = arith.constant 192 : i32
      %add3A_1494 = vector.broadcast %add3A_1493 : i32 to vector<16xi32>
      %add3A_1495 = arith.addi %shift_right_logical3A_1461, %add3A_1494 : vector<16xi32>
      %gather3A_1496 = tpu.vector_load_idx %arg10[%add3A_1495] : memref<256xf32, #tpu.memory_space<vmem>>[vector<16xi32>], vector<16xf32>,
      %mul3A_1497 = arith.mulf %gather3A_1492, %gather3A_1496 : vector<16xf32>
      %add3A_1498 = arith.constant 2912 : i32
      %add3A_1499 = arith.addi %mul3A_1407, %add3A_1498 : i32
      %get3A_1500 = arith.index_cast %add3A_1499 : i32 to index
      %get3A_1501 = tpu.vector_load %arg11[%get3A_1500] {strides = array<i32>} : memref<3456xi32, #tpu.memory_space<vmem>>, vector<16xi32>,
      %and3A_1502 = arith.constant 127 : i32
      %and3A_1503 = vector.broadcast %and3A_1502 : i32 to vector<16xi32>
      %and3A_1504 = arith.andi %get3A_1501, %and3A_1503 : vector<16xi32>
      %shift_right_logical3A_1505 = arith.constant 7 : i32
      %shift_right_logical3A_1506 = vector.broadcast %shift_right_logical3A_1505 : i32 to vector<16xi32>
      %shift_right_logical3A_1507 = arith.shrui %get3A_1501, %shift_right_logical3A_1506 : vector<16xi32>
      %add3A_1508 = arith.constant 0 : i32
      %add3A_1509 = vector.broadcast %add3A_1508 : i32 to vector<16xi32>
      %add3A_1510 = arith.addi %and3A_1504, %add3A_1509 : vector<16xi32>
      %gather3A_1511 = tpu.vector_load_idx %arg9[%add3A_1510] : memref<448xf32, #tpu.memory_space<vmem>>[vector<16xi32>], vector<16xf32>,
      %add3A_1512 = arith.constant 0 : i32
      %add3A_1513 = vector.broadcast %add3A_1512 : i32 to vector<16xi32>
      %add3A_1514 = arith.addi %shift_right_logical3A_1507, %add3A_1513 : vector<16xi32>
      %gather3A_1515 = tpu.vector_load_idx %arg10[%add3A_1514] : memref<256xf32, #tpu.memory_space<vmem>>[vector<16xi32>], vector<16xf32>,
      %mul3A_1516 = arith.mulf %gather3A_1511, %gather3A_1515 : vector<16xf32>
      %add3A_1517 = arith.constant 112 : i32
      %add3A_1518 = vector.broadcast %add3A_1517 : i32 to vector<16xi32>
      %add3A_1519 = arith.addi %and3A_1504, %add3A_1518 : vector<16xi32>
      %gather3A_1520 = tpu.vector_load_idx %arg9[%add3A_1519] : memref<448xf32, #tpu.memory_space<vmem>>[vector<16xi32>], vector<16xf32>,
      %add3A_1521 = arith.constant 64 : i32
      %add3A_1522 = vector.broadcast %add3A_1521 : i32 to vector<16xi32>
      %add3A_1523 = arith.addi %shift_right_logical3A_1507, %add3A_1522 : vector<16xi32>
      %gather3A_1524 = tpu.vector_load_idx %arg10[%add3A_1523] : memref<256xf32, #tpu.memory_space<vmem>>[vector<16xi32>], vector<16xf32>,
      %mul3A_1525 = arith.mulf %gather3A_1520, %gather3A_1524 : vector<16xf32>
      %add3A_1526 = arith.constant 224 : i32
      %add3A_1527 = vector.broadcast %add3A_1526 : i32 to vector<16xi32>
      %add3A_1528 = arith.addi %and3A_1504, %add3A_1527 : vector<16xi32>
      %gather3A_1529 = tpu.vector_load_idx %arg9[%add3A_1528] : memref<448xf32, #tpu.memory_space<vmem>>[vector<16xi32>], vector<16xf32>,
      %add3A_1530 = arith.constant 128 : i32
      %add3A_1531 = vector.broadcast %add3A_1530 : i32 to vector<16xi32>
      %add3A_1532 = arith.addi %shift_right_logical3A_1507, %add3A_1531 : vector<16xi32>
      %gather3A_1533 = tpu.vector_load_idx %arg10[%add3A_1532] : memref<256xf32, #tpu.memory_space<vmem>>[vector<16xi32>], vector<16xf32>,
      %mul3A_1534 = arith.mulf %gather3A_1529, %gather3A_1533 : vector<16xf32>
      %add3A_1535 = arith.constant 336 : i32
      %add3A_1536 = vector.broadcast %add3A_1535 : i32 to vector<16xi32>
      %add3A_1537 = arith.addi %and3A_1504, %add3A_1536 : vector<16xi32>
      %gather3A_1538 = tpu.vector_load_idx %arg9[%add3A_1537] : memref<448xf32, #tpu.memory_space<vmem>>[vector<16xi32>], vector<16xf32>,
      %add3A_1539 = arith.constant 192 : i32
      %add3A_1540 = vector.broadcast %add3A_1539 : i32 to vector<16xi32>
      %add3A_1541 = arith.addi %shift_right_logical3A_1507, %add3A_1540 : vector<16xi32>
      %gather3A_1542 = tpu.vector_load_idx %arg10[%add3A_1541] : memref<256xf32, #tpu.memory_space<vmem>>[vector<16xi32>], vector<16xf32>,
      %mul3A_1543 = arith.mulf %gather3A_1538, %gather3A_1542 : vector<16xf32>
      %add3A_1544 = arith.constant 2928 : i32
      %add3A_1545 = arith.addi %mul3A_1407, %add3A_1544 : i32
      %get3A_1546 = arith.index_cast %add3A_1545 : i32 to index
      %get3A_1547 = tpu.vector_load %arg11[%get3A_1546] {strides = array<i32>} : memref<3456xi32, #tpu.memory_space<vmem>>, vector<16xi32>,
      %and3A_1548 = arith.constant 127 : i32
      %and3A_1549 = vector.broadcast %and3A_1548 : i32 to vector<16xi32>
      %and3A_1550 = arith.andi %get3A_1547, %and3A_1549 : vector<16xi32>
      %shift_right_logical3A_1551 = arith.constant 7 : i32
      %shift_right_logical3A_1552 = vector.broadcast %shift_right_logical3A_1551 : i32 to vector<16xi32>
      %shift_right_logical3A_1553 = arith.shrui %get3A_1547, %shift_right_logical3A_1552 : vector<16xi32>
      %add3A_1554 = arith.constant 0 : i32
      %add3A_1555 = vector.broadcast %add3A_1554 : i32 to vector<16xi32>
      %add3A_1556 = arith.addi %and3A_1550, %add3A_1555 : vector<16xi32>
      %gather3A_1557 = tpu.vector_load_idx %arg9[%add3A_1556] : memref<448xf32, #tpu.memory_space<vmem>>[vector<16xi32>], vector<16xf32>,
      %add3A_1558 = arith.constant 0 : i32
      %add3A_1559 = vector.broadcast %add3A_1558 : i32 to vector<16xi32>
      %add3A_1560 = arith.addi %shift_right_logical3A_1553, %add3A_1559 : vector<16xi32>
      %gather3A_1561 = tpu.vector_load_idx %arg10[%add3A_1560] : memref<256xf32, #tpu.memory_space<vmem>>[vector<16xi32>], vector<16xf32>,
      %mul3A_1562 = arith.mulf %gather3A_1557, %gather3A_1561 : vector<16xf32>
      %add3A_1563 = arith.constant 112 : i32
      %add3A_1564 = vector.broadcast %add3A_1563 : i32 to vector<16xi32>
      %add3A_1565 = arith.addi %and3A_1550, %add3A_1564 : vector<16xi32>
      %gather3A_1566 = tpu.vector_load_idx %arg9[%add3A_1565] : memref<448xf32, #tpu.memory_space<vmem>>[vector<16xi32>], vector<16xf32>,
      %add3A_1567 = arith.constant 64 : i32
      %add3A_1568 = vector.broadcast %add3A_1567 : i32 to vector<16xi32>
      %add3A_1569 = arith.addi %shift_right_logical3A_1553, %add3A_1568 : vector<16xi32>
      %gather3A_1570 = tpu.vector_load_idx %arg10[%add3A_1569] : memref<256xf32, #tpu.memory_space<vmem>>[vector<16xi32>], vector<16xf32>,
      %mul3A_1571 = arith.mulf %gather3A_1566, %gather3A_1570 : vector<16xf32>
      %add3A_1572 = arith.constant 224 : i32
      %add3A_1573 = vector.broadcast %add3A_1572 : i32 to vector<16xi32>
      %add3A_1574 = arith.addi %and3A_1550, %add3A_1573 : vector<16xi32>
      %gather3A_1575 = tpu.vector_load_idx %arg9[%add3A_1574] : memref<448xf32, #tpu.memory_space<vmem>>[vector<16xi32>], vector<16xf32>,
      %add3A_1576 = arith.constant 128 : i32
      %add3A_1577 = vector.broadcast %add3A_1576 : i32 to vector<16xi32>
      %add3A_1578 = arith.addi %shift_right_logical3A_1553, %add3A_1577 : vector<16xi32>
      %gather3A_1579 = tpu.vector_load_idx %arg10[%add3A_1578] : memref<256xf32, #tpu.memory_space<vmem>>[vector<16xi32>], vector<16xf32>,
      %mul3A_1580 = arith.mulf %gather3A_1575, %gather3A_1579 : vector<16xf32>
      %add3A_1581 = arith.constant 336 : i32
      %add3A_1582 = vector.broadcast %add3A_1581 : i32 to vector<16xi32>
      %add3A_1583 = arith.addi %and3A_1550, %add3A_1582 : vector<16xi32>
      %gather3A_1584 = tpu.vector_load_idx %arg9[%add3A_1583] : memref<448xf32, #tpu.memory_space<vmem>>[vector<16xi32>], vector<16xf32>,
      %add3A_1585 = arith.constant 192 : i32
      %add3A_1586 = vector.broadcast %add3A_1585 : i32 to vector<16xi32>
      %add3A_1587 = arith.addi %shift_right_logical3A_1553, %add3A_1586 : vector<16xi32>
      %gather3A_1588 = tpu.vector_load_idx %arg10[%add3A_1587] : memref<256xf32, #tpu.memory_space<vmem>>[vector<16xi32>], vector<16xf32>,
      %mul3A_1589 = arith.mulf %gather3A_1584, %gather3A_1588 : vector<16xf32>
      %max3A = arith.maximumf %mul3A_1424, %mul3A_1470 : vector<16xf32>
      %min3A_1590 = arith.minimumf %mul3A_1424, %mul3A_1470 : vector<16xf32>
      %max3A_1591 = arith.maximumf %mul3A_1516, %mul3A_1562 : vector<16xf32>
      %min3A_1592 = arith.minimumf %mul3A_1516, %mul3A_1562 : vector<16xf32>
      %max3A_1593 = arith.maximumf %max3A, %max3A_1591 : vector<16xf32>
      %min3A_1594 = arith.minimumf %max3A, %max3A_1591 : vector<16xf32>
      %max3A_1595 = arith.maximumf %min3A_1590, %min3A_1592 : vector<16xf32>
      %max3A_1596 = arith.maximumf %min3A_1594, %max3A_1595 : vector<16xf32>
      %min3A_1597 = arith.minimumf %min3A_1594, %max3A_1595 : vector<16xf32>
      %max3A_1598 = arith.maximumf %scan3A_1394, %max3A_1593 : vector<16xf32>
      %min3A_1599 = arith.minimumf %scan3A_1394, %max3A_1593 : vector<16xf32>
      %max3A_1600 = arith.maximumf %scan3A_1395, %max3A_1596 : vector<16xf32>
      %max3A_1601 = arith.maximumf %min3A_1599, %max3A_1600 : vector<16xf32>
      %max3A_1602 = arith.maximumf %scan3A_1396, %min3A_1597 : vector<16xf32>
      %min3A_1603 = arith.minimumf %scan3A_1395, %max3A_1593 : vector<16xf32>
      %min3A_1604 = arith.minimumf %scan3A_1394, %max3A_1596 : vector<16xf32>
      %max3A_1605 = arith.maximumf %min3A_1603, %min3A_1604 : vector<16xf32>
      %max3A_1606 = arith.maximumf %max3A_1602, %max3A_1605 : vector<16xf32>
      %max3A_1607 = arith.maximumf %mul3A_1433, %mul3A_1479 : vector<16xf32>
      %min3A_1608 = arith.minimumf %mul3A_1433, %mul3A_1479 : vector<16xf32>
      %max3A_1609 = arith.maximumf %mul3A_1525, %mul3A_1571 : vector<16xf32>
      %min3A_1610 = arith.minimumf %mul3A_1525, %mul3A_1571 : vector<16xf32>
      %max3A_1611 = arith.maximumf %max3A_1607, %max3A_1609 : vector<16xf32>
      %min3A_1612 = arith.minimumf %max3A_1607, %max3A_1609 : vector<16xf32>
      %max3A_1613 = arith.maximumf %min3A_1608, %min3A_1610 : vector<16xf32>
      %max3A_1614 = arith.maximumf %min3A_1612, %max3A_1613 : vector<16xf32>
      %min3A_1615 = arith.minimumf %min3A_1612, %max3A_1613 : vector<16xf32>
      %max3A_1616 = arith.maximumf %scan3A_1397, %max3A_1611 : vector<16xf32>
      %min3A_1617 = arith.minimumf %scan3A_1397, %max3A_1611 : vector<16xf32>
      %max3A_1618 = arith.maximumf %scan3A_1398, %max3A_1614 : vector<16xf32>
      %max3A_1619 = arith.maximumf %min3A_1617, %max3A_1618 : vector<16xf32>
      %max3A_1620 = arith.maximumf %scan3A_1399, %min3A_1615 : vector<16xf32>
      %min3A_1621 = arith.minimumf %scan3A_1398, %max3A_1611 : vector<16xf32>
      %min3A_1622 = arith.minimumf %scan3A_1397, %max3A_1614 : vector<16xf32>
      %max3A_1623 = arith.maximumf %min3A_1621, %min3A_1622 : vector<16xf32>
      %max3A_1624 = arith.maximumf %max3A_1620, %max3A_1623 : vector<16xf32>
      %max3A_1625 = arith.maximumf %mul3A_1442, %mul3A_1488 : vector<16xf32>
      %min3A_1626 = arith.minimumf %mul3A_1442, %mul3A_1488 : vector<16xf32>
      %max3A_1627 = arith.maximumf %mul3A_1534, %mul3A_1580 : vector<16xf32>
      %min3A_1628 = arith.minimumf %mul3A_1534, %mul3A_1580 : vector<16xf32>
      %max3A_1629 = arith.maximumf %max3A_1625, %max3A_1627 : vector<16xf32>
      %min3A_1630 = arith.minimumf %max3A_1625, %max3A_1627 : vector<16xf32>
      %max3A_1631 = arith.maximumf %min3A_1626, %min3A_1628 : vector<16xf32>
      %max3A_1632 = arith.maximumf %min3A_1630, %max3A_1631 : vector<16xf32>
      %min3A_1633 = arith.minimumf %min3A_1630, %max3A_1631 : vector<16xf32>
      %max3A_1634 = arith.maximumf %scan3A_1400, %max3A_1629 : vector<16xf32>
      %min3A_1635 = arith.minimumf %scan3A_1400, %max3A_1629 : vector<16xf32>
      %max3A_1636 = arith.maximumf %scan3A_1401, %max3A_1632 : vector<16xf32>
      %max3A_1637 = arith.maximumf %min3A_1635, %max3A_1636 : vector<16xf32>
      %max3A_1638 = arith.maximumf %scan3A_1402, %min3A_1633 : vector<16xf32>
      %min3A_1639 = arith.minimumf %scan3A_1401, %max3A_1629 : vector<16xf32>
      %min3A_1640 = arith.minimumf %scan3A_1400, %max3A_1632 : vector<16xf32>
      %max3A_1641 = arith.maximumf %min3A_1639, %min3A_1640 : vector<16xf32>
      %max3A_1642 = arith.maximumf %max3A_1638, %max3A_1641 : vector<16xf32>
      %max3A_1643 = arith.maximumf %mul3A_1451, %mul3A_1497 : vector<16xf32>
      %min3A_1644 = arith.minimumf %mul3A_1451, %mul3A_1497 : vector<16xf32>
      %max3A_1645 = arith.maximumf %mul3A_1543, %mul3A_1589 : vector<16xf32>
      %min3A_1646 = arith.minimumf %mul3A_1543, %mul3A_1589 : vector<16xf32>
      %max3A_1647 = arith.maximumf %max3A_1643, %max3A_1645 : vector<16xf32>
      %min3A_1648 = arith.minimumf %max3A_1643, %max3A_1645 : vector<16xf32>
      %max3A_1649 = arith.maximumf %min3A_1644, %min3A_1646 : vector<16xf32>
      %max3A_1650 = arith.maximumf %min3A_1648, %max3A_1649 : vector<16xf32>
      %min3A_1651 = arith.minimumf %min3A_1648, %max3A_1649 : vector<16xf32>
      %max3A_1652 = arith.maximumf %scan3A_1403, %max3A_1647 : vector<16xf32>
      %min3A_1653 = arith.minimumf %scan3A_1403, %max3A_1647 : vector<16xf32>
      %max3A_1654 = arith.maximumf %scan3A_1404, %max3A_1650 : vector<16xf32>
      %max3A_1655 = arith.maximumf %min3A_1653, %max3A_1654 : vector<16xf32>
      %max3A_1656 = arith.maximumf %scan3A_1405, %min3A_1651 : vector<16xf32>
      %min3A_1657 = arith.minimumf %scan3A_1404, %max3A_1647 : vector<16xf32>
      %min3A_1658 = arith.minimumf %scan3A_1403, %max3A_1650 : vector<16xf32>
      %max3A_1659 = arith.maximumf %min3A_1657, %min3A_1658 : vector<16xf32>
      %max3A_1660 = arith.maximumf %max3A_1656, %max3A_1659 : vector<16xf32>
      scf.yield %max3A_1598, %max3A_1601, %max3A_1606, %max3A_1616, %max3A_1619, %max3A_1624, %max3A_1634, %max3A_1637, %max3A_1642, %max3A_1652, %max3A_1655, %max3A_1660 : vector<16xf32>, vector<16xf32>, vector<16xf32>, vector<16xf32>, vector<16xf32>, vector<16xf32>, vector<16xf32>, vector<16xf32>, vector<16xf32>, vector<16xf32>, vector<16xf32>, vector<16xf32>
    }
    %scan3A_1210 = arith.constant 5 : i32
    %get3A_1211 = arith.constant 80 : index
    %get3A_1212 = tpu.vector_load %arg12[%get3A_1211] {strides = array<i32>} : memref<112xi32, #tpu.memory_space<vmem>>, vector<16xi32>,
    %sub3A_1213 = arith.constant 1.000000e+00 : f32
    %sub3A_1214 = vector.broadcast %sub3A_1213 : f32 to vector<16xf32>
    %sub3A_1215 = arith.subf %sub3A_1214, %scan3A_1209#0 : vector<16xf32>
    %sub3A_1216 = arith.constant 1.000000e+00 : f32
    %sub3A_1217 = vector.broadcast %sub3A_1216 : f32 to vector<16xf32>
    %sub3A_1218 = arith.subf %sub3A_1217, %scan3A_1209#1 : vector<16xf32>
    %mul3A_1219 = arith.mulf %sub3A_1215, %sub3A_1218 : vector<16xf32>
    %sub3A_1220 = arith.constant 1.000000e+00 : f32
    %sub3A_1221 = vector.broadcast %sub3A_1220 : f32 to vector<16xf32>
    %sub3A_1222 = arith.subf %sub3A_1221, %scan3A_1209#2 : vector<16xf32>
    %mul3A_1223 = arith.mulf %mul3A_1219, %sub3A_1222 : vector<16xf32>
    %sub3A_1224 = arith.constant 1.000000e+00 : f32
    %sub3A_1225 = vector.broadcast %sub3A_1224 : f32 to vector<16xf32>
    %sub3A_1226 = arith.subf %sub3A_1225, %mul3A_1223 : vector<16xf32>
    %broadcast_in_dim3A_1227 = arith.constant 0 : i32
    %broadcast_in_dim3A_1228 = vector.broadcast %broadcast_in_dim3A_1227 : i32 to vector<16xi32>
    %add3A_1229 = arith.constant 0 : i32
    %add3A_1230 = vector.broadcast %add3A_1229 : i32 to vector<16xi32>
    %add3A_1231 = arith.addi %broadcast_in_dim3A_1228, %add3A_1230 : vector<16xi32>
    tpu.vector_store_idx %arg13[%add3A_1231, %get3A_1212], %sub3A_1226 : memref<4x100xf32, #tpu.memory_space<vmem>>[vector<16xi32>, vector<16xi32>], vector<16xf32>,
    %sub3A_1232 = arith.constant 1.000000e+00 : f32
    %sub3A_1233 = vector.broadcast %sub3A_1232 : f32 to vector<16xf32>
    %sub3A_1234 = arith.subf %sub3A_1233, %scan3A_1209#3 : vector<16xf32>
    %sub3A_1235 = arith.constant 1.000000e+00 : f32
    %sub3A_1236 = vector.broadcast %sub3A_1235 : f32 to vector<16xf32>
    %sub3A_1237 = arith.subf %sub3A_1236, %scan3A_1209#4 : vector<16xf32>
    %mul3A_1238 = arith.mulf %sub3A_1234, %sub3A_1237 : vector<16xf32>
    %sub3A_1239 = arith.constant 1.000000e+00 : f32
    %sub3A_1240 = vector.broadcast %sub3A_1239 : f32 to vector<16xf32>
    %sub3A_1241 = arith.subf %sub3A_1240, %scan3A_1209#5 : vector<16xf32>
    %mul3A_1242 = arith.mulf %mul3A_1238, %sub3A_1241 : vector<16xf32>
    %sub3A_1243 = arith.constant 1.000000e+00 : f32
    %sub3A_1244 = vector.broadcast %sub3A_1243 : f32 to vector<16xf32>
    %sub3A_1245 = arith.subf %sub3A_1244, %mul3A_1242 : vector<16xf32>
    %broadcast_in_dim3A_1246 = arith.constant 0 : i32
    %broadcast_in_dim3A_1247 = vector.broadcast %broadcast_in_dim3A_1246 : i32 to vector<16xi32>
    %add3A_1248 = arith.constant 1 : i32
    %add3A_1249 = vector.broadcast %add3A_1248 : i32 to vector<16xi32>
    %add3A_1250 = arith.addi %broadcast_in_dim3A_1247, %add3A_1249 : vector<16xi32>
    tpu.vector_store_idx %arg13[%add3A_1250, %get3A_1212], %sub3A_1245 : memref<4x100xf32, #tpu.memory_space<vmem>>[vector<16xi32>, vector<16xi32>], vector<16xf32>,
    %sub3A_1251 = arith.constant 1.000000e+00 : f32
    %sub3A_1252 = vector.broadcast %sub3A_1251 : f32 to vector<16xf32>
    %sub3A_1253 = arith.subf %sub3A_1252, %scan3A_1209#6 : vector<16xf32>
    %sub3A_1254 = arith.constant 1.000000e+00 : f32
    %sub3A_1255 = vector.broadcast %sub3A_1254 : f32 to vector<16xf32>
    %sub3A_1256 = arith.subf %sub3A_1255, %scan3A_1209#7 : vector<16xf32>
    %mul3A_1257 = arith.mulf %sub3A_1253, %sub3A_1256 : vector<16xf32>
    %sub3A_1258 = arith.constant 1.000000e+00 : f32
    %sub3A_1259 = vector.broadcast %sub3A_1258 : f32 to vector<16xf32>
    %sub3A_1260 = arith.subf %sub3A_1259, %scan3A_1209#8 : vector<16xf32>
    %mul3A_1261 = arith.mulf %mul3A_1257, %sub3A_1260 : vector<16xf32>
    %sub3A_1262 = arith.constant 1.000000e+00 : f32
    %sub3A_1263 = vector.broadcast %sub3A_1262 : f32 to vector<16xf32>
    %sub3A_1264 = arith.subf %sub3A_1263, %mul3A_1261 : vector<16xf32>
    %broadcast_in_dim3A_1265 = arith.constant 0 : i32
    %broadcast_in_dim3A_1266 = vector.broadcast %broadcast_in_dim3A_1265 : i32 to vector<16xi32>
    %add3A_1267 = arith.constant 2 : i32
    %add3A_1268 = vector.broadcast %add3A_1267 : i32 to vector<16xi32>
    %add3A_1269 = arith.addi %broadcast_in_dim3A_1266, %add3A_1268 : vector<16xi32>
    tpu.vector_store_idx %arg13[%add3A_1269, %get3A_1212], %sub3A_1264 : memref<4x100xf32, #tpu.memory_space<vmem>>[vector<16xi32>, vector<16xi32>], vector<16xf32>,
    %sub3A_1270 = arith.constant 1.000000e+00 : f32
    %sub3A_1271 = vector.broadcast %sub3A_1270 : f32 to vector<16xf32>
    %sub3A_1272 = arith.subf %sub3A_1271, %scan3A_1209#9 : vector<16xf32>
    %sub3A_1273 = arith.constant 1.000000e+00 : f32
    %sub3A_1274 = vector.broadcast %sub3A_1273 : f32 to vector<16xf32>
    %sub3A_1275 = arith.subf %sub3A_1274, %scan3A_1209#10 : vector<16xf32>
    %mul3A_1276 = arith.mulf %sub3A_1272, %sub3A_1275 : vector<16xf32>
    %sub3A_1277 = arith.constant 1.000000e+00 : f32
    %sub3A_1278 = vector.broadcast %sub3A_1277 : f32 to vector<16xf32>
    %sub3A_1279 = arith.subf %sub3A_1278, %scan3A_1209#11 : vector<16xf32>
    %mul3A_1280 = arith.mulf %mul3A_1276, %sub3A_1279 : vector<16xf32>
    %sub3A_1281 = arith.constant 1.000000e+00 : f32
    %sub3A_1282 = vector.broadcast %sub3A_1281 : f32 to vector<16xf32>
    %sub3A_1283 = arith.subf %sub3A_1282, %mul3A_1280 : vector<16xf32>
    %broadcast_in_dim3A_1284 = arith.constant 0 : i32
    %broadcast_in_dim3A_1285 = vector.broadcast %broadcast_in_dim3A_1284 : i32 to vector<16xi32>
    %add3A_1286 = arith.constant 3 : i32
    %add3A_1287 = vector.broadcast %add3A_1286 : i32 to vector<16xi32>
    %add3A_1288 = arith.addi %broadcast_in_dim3A_1285, %add3A_1287 : vector<16xi32>
    tpu.vector_store_idx %arg13[%add3A_1288, %get3A_1212], %sub3A_1283 : memref<4x100xf32, #tpu.memory_space<vmem>>[vector<16xi32>, vector<16xi32>], vector<16xf32>,
    %scan3A_1289 = arith.constant 0 : i32
    %scan3A_1290 = arith.constant 4 : i32
    %scan3A_1291 = arith.addi %scan3A_1289, %scan3A_1290 : i32
    %scan3A_1292 = arith.constant 1 : i32
    %scan3A_1293:12 = scf.for %scan3A_1393 = %scan3A_1289 to %scan3A_1291 step %scan3A_1292 iter_args(%scan3A_1394 = %broadcast_in_dim3A_17, %scan3A_1395 = %broadcast_in_dim3A_17, %scan3A_1396 = %broadcast_in_dim3A_17, %scan3A_1397 = %broadcast_in_dim3A_17, %scan3A_1398 = %broadcast_in_dim3A_17, %scan3A_1399 = %broadcast_in_dim3A_17, %scan3A_1400 = %broadcast_in_dim3A_17, %scan3A_1401 = %broadcast_in_dim3A_17, %scan3A_1402 = %broadcast_in_dim3A_17, %scan3A_1403 = %broadcast_in_dim3A_17, %scan3A_1404 = %broadcast_in_dim3A_17, %scan3A_1405 = %broadcast_in_dim3A_17) -> (vector<16xf32>, vector<16xf32>, vector<16xf32>, vector<16xf32>, vector<16xf32>, vector<16xf32>, vector<16xf32>, vector<16xf32>, vector<16xf32>, vector<16xf32>, vector<16xf32>, vector<16xf32>)  : i32 {
      %mul3A_1406 = arith.constant 64 : i32
      %mul3A_1407 = arith.muli %scan3A_1393, %mul3A_1406 : i32
      %add3A_1408 = arith.constant 3200 : i32
      %add3A_1409 = arith.addi %mul3A_1407, %add3A_1408 : i32
      %get3A_1410 = arith.index_cast %add3A_1409 : i32 to index
      %get3A_1411 = tpu.vector_load %arg11[%get3A_1410] {strides = array<i32>} : memref<3456xi32, #tpu.memory_space<vmem>>, vector<16xi32>,
      %and3A = arith.constant 127 : i32
      %and3A_1412 = vector.broadcast %and3A : i32 to vector<16xi32>
      %and3A_1413 = arith.andi %get3A_1411, %and3A_1412 : vector<16xi32>
      %shift_right_logical3A = arith.constant 7 : i32
      %shift_right_logical3A_1414 = vector.broadcast %shift_right_logical3A : i32 to vector<16xi32>
      %shift_right_logical3A_1415 = arith.shrui %get3A_1411, %shift_right_logical3A_1414 : vector<16xi32>
      %add3A_1416 = arith.constant 0 : i32
      %add3A_1417 = vector.broadcast %add3A_1416 : i32 to vector<16xi32>
      %add3A_1418 = arith.addi %and3A_1413, %add3A_1417 : vector<16xi32>
      %gather3A_1419 = tpu.vector_load_idx %arg9[%add3A_1418] : memref<448xf32, #tpu.memory_space<vmem>>[vector<16xi32>], vector<16xf32>,
      %add3A_1420 = arith.constant 0 : i32
      %add3A_1421 = vector.broadcast %add3A_1420 : i32 to vector<16xi32>
      %add3A_1422 = arith.addi %shift_right_logical3A_1415, %add3A_1421 : vector<16xi32>
      %gather3A_1423 = tpu.vector_load_idx %arg10[%add3A_1422] : memref<256xf32, #tpu.memory_space<vmem>>[vector<16xi32>], vector<16xf32>,
      %mul3A_1424 = arith.mulf %gather3A_1419, %gather3A_1423 : vector<16xf32>
      %add3A_1425 = arith.constant 112 : i32
      %add3A_1426 = vector.broadcast %add3A_1425 : i32 to vector<16xi32>
      %add3A_1427 = arith.addi %and3A_1413, %add3A_1426 : vector<16xi32>
      %gather3A_1428 = tpu.vector_load_idx %arg9[%add3A_1427] : memref<448xf32, #tpu.memory_space<vmem>>[vector<16xi32>], vector<16xf32>,
      %add3A_1429 = arith.constant 64 : i32
      %add3A_1430 = vector.broadcast %add3A_1429 : i32 to vector<16xi32>
      %add3A_1431 = arith.addi %shift_right_logical3A_1415, %add3A_1430 : vector<16xi32>
      %gather3A_1432 = tpu.vector_load_idx %arg10[%add3A_1431] : memref<256xf32, #tpu.memory_space<vmem>>[vector<16xi32>], vector<16xf32>,
      %mul3A_1433 = arith.mulf %gather3A_1428, %gather3A_1432 : vector<16xf32>
      %add3A_1434 = arith.constant 224 : i32
      %add3A_1435 = vector.broadcast %add3A_1434 : i32 to vector<16xi32>
      %add3A_1436 = arith.addi %and3A_1413, %add3A_1435 : vector<16xi32>
      %gather3A_1437 = tpu.vector_load_idx %arg9[%add3A_1436] : memref<448xf32, #tpu.memory_space<vmem>>[vector<16xi32>], vector<16xf32>,
      %add3A_1438 = arith.constant 128 : i32
      %add3A_1439 = vector.broadcast %add3A_1438 : i32 to vector<16xi32>
      %add3A_1440 = arith.addi %shift_right_logical3A_1415, %add3A_1439 : vector<16xi32>
      %gather3A_1441 = tpu.vector_load_idx %arg10[%add3A_1440] : memref<256xf32, #tpu.memory_space<vmem>>[vector<16xi32>], vector<16xf32>,
      %mul3A_1442 = arith.mulf %gather3A_1437, %gather3A_1441 : vector<16xf32>
      %add3A_1443 = arith.constant 336 : i32
      %add3A_1444 = vector.broadcast %add3A_1443 : i32 to vector<16xi32>
      %add3A_1445 = arith.addi %and3A_1413, %add3A_1444 : vector<16xi32>
      %gather3A_1446 = tpu.vector_load_idx %arg9[%add3A_1445] : memref<448xf32, #tpu.memory_space<vmem>>[vector<16xi32>], vector<16xf32>,
      %add3A_1447 = arith.constant 192 : i32
      %add3A_1448 = vector.broadcast %add3A_1447 : i32 to vector<16xi32>
      %add3A_1449 = arith.addi %shift_right_logical3A_1415, %add3A_1448 : vector<16xi32>
      %gather3A_1450 = tpu.vector_load_idx %arg10[%add3A_1449] : memref<256xf32, #tpu.memory_space<vmem>>[vector<16xi32>], vector<16xf32>,
      %mul3A_1451 = arith.mulf %gather3A_1446, %gather3A_1450 : vector<16xf32>
      %add3A_1452 = arith.constant 3216 : i32
      %add3A_1453 = arith.addi %mul3A_1407, %add3A_1452 : i32
      %get3A_1454 = arith.index_cast %add3A_1453 : i32 to index
      %get3A_1455 = tpu.vector_load %arg11[%get3A_1454] {strides = array<i32>} : memref<3456xi32, #tpu.memory_space<vmem>>, vector<16xi32>,
      %and3A_1456 = arith.constant 127 : i32
      %and3A_1457 = vector.broadcast %and3A_1456 : i32 to vector<16xi32>
      %and3A_1458 = arith.andi %get3A_1455, %and3A_1457 : vector<16xi32>
      %shift_right_logical3A_1459 = arith.constant 7 : i32
      %shift_right_logical3A_1460 = vector.broadcast %shift_right_logical3A_1459 : i32 to vector<16xi32>
      %shift_right_logical3A_1461 = arith.shrui %get3A_1455, %shift_right_logical3A_1460 : vector<16xi32>
      %add3A_1462 = arith.constant 0 : i32
      %add3A_1463 = vector.broadcast %add3A_1462 : i32 to vector<16xi32>
      %add3A_1464 = arith.addi %and3A_1458, %add3A_1463 : vector<16xi32>
      %gather3A_1465 = tpu.vector_load_idx %arg9[%add3A_1464] : memref<448xf32, #tpu.memory_space<vmem>>[vector<16xi32>], vector<16xf32>,
      %add3A_1466 = arith.constant 0 : i32
      %add3A_1467 = vector.broadcast %add3A_1466 : i32 to vector<16xi32>
      %add3A_1468 = arith.addi %shift_right_logical3A_1461, %add3A_1467 : vector<16xi32>
      %gather3A_1469 = tpu.vector_load_idx %arg10[%add3A_1468] : memref<256xf32, #tpu.memory_space<vmem>>[vector<16xi32>], vector<16xf32>,
      %mul3A_1470 = arith.mulf %gather3A_1465, %gather3A_1469 : vector<16xf32>
      %add3A_1471 = arith.constant 112 : i32
      %add3A_1472 = vector.broadcast %add3A_1471 : i32 to vector<16xi32>
      %add3A_1473 = arith.addi %and3A_1458, %add3A_1472 : vector<16xi32>
      %gather3A_1474 = tpu.vector_load_idx %arg9[%add3A_1473] : memref<448xf32, #tpu.memory_space<vmem>>[vector<16xi32>], vector<16xf32>,
      %add3A_1475 = arith.constant 64 : i32
      %add3A_1476 = vector.broadcast %add3A_1475 : i32 to vector<16xi32>
      %add3A_1477 = arith.addi %shift_right_logical3A_1461, %add3A_1476 : vector<16xi32>
      %gather3A_1478 = tpu.vector_load_idx %arg10[%add3A_1477] : memref<256xf32, #tpu.memory_space<vmem>>[vector<16xi32>], vector<16xf32>,
      %mul3A_1479 = arith.mulf %gather3A_1474, %gather3A_1478 : vector<16xf32>
      %add3A_1480 = arith.constant 224 : i32
      %add3A_1481 = vector.broadcast %add3A_1480 : i32 to vector<16xi32>
      %add3A_1482 = arith.addi %and3A_1458, %add3A_1481 : vector<16xi32>
      %gather3A_1483 = tpu.vector_load_idx %arg9[%add3A_1482] : memref<448xf32, #tpu.memory_space<vmem>>[vector<16xi32>], vector<16xf32>,
      %add3A_1484 = arith.constant 128 : i32
      %add3A_1485 = vector.broadcast %add3A_1484 : i32 to vector<16xi32>
      %add3A_1486 = arith.addi %shift_right_logical3A_1461, %add3A_1485 : vector<16xi32>
      %gather3A_1487 = tpu.vector_load_idx %arg10[%add3A_1486] : memref<256xf32, #tpu.memory_space<vmem>>[vector<16xi32>], vector<16xf32>,
      %mul3A_1488 = arith.mulf %gather3A_1483, %gather3A_1487 : vector<16xf32>
      %add3A_1489 = arith.constant 336 : i32
      %add3A_1490 = vector.broadcast %add3A_1489 : i32 to vector<16xi32>
      %add3A_1491 = arith.addi %and3A_1458, %add3A_1490 : vector<16xi32>
      %gather3A_1492 = tpu.vector_load_idx %arg9[%add3A_1491] : memref<448xf32, #tpu.memory_space<vmem>>[vector<16xi32>], vector<16xf32>,
      %add3A_1493 = arith.constant 192 : i32
      %add3A_1494 = vector.broadcast %add3A_1493 : i32 to vector<16xi32>
      %add3A_1495 = arith.addi %shift_right_logical3A_1461, %add3A_1494 : vector<16xi32>
      %gather3A_1496 = tpu.vector_load_idx %arg10[%add3A_1495] : memref<256xf32, #tpu.memory_space<vmem>>[vector<16xi32>], vector<16xf32>,
      %mul3A_1497 = arith.mulf %gather3A_1492, %gather3A_1496 : vector<16xf32>
      %add3A_1498 = arith.constant 3232 : i32
      %add3A_1499 = arith.addi %mul3A_1407, %add3A_1498 : i32
      %get3A_1500 = arith.index_cast %add3A_1499 : i32 to index
      %get3A_1501 = tpu.vector_load %arg11[%get3A_1500] {strides = array<i32>} : memref<3456xi32, #tpu.memory_space<vmem>>, vector<16xi32>,
      %and3A_1502 = arith.constant 127 : i32
      %and3A_1503 = vector.broadcast %and3A_1502 : i32 to vector<16xi32>
      %and3A_1504 = arith.andi %get3A_1501, %and3A_1503 : vector<16xi32>
      %shift_right_logical3A_1505 = arith.constant 7 : i32
      %shift_right_logical3A_1506 = vector.broadcast %shift_right_logical3A_1505 : i32 to vector<16xi32>
      %shift_right_logical3A_1507 = arith.shrui %get3A_1501, %shift_right_logical3A_1506 : vector<16xi32>
      %add3A_1508 = arith.constant 0 : i32
      %add3A_1509 = vector.broadcast %add3A_1508 : i32 to vector<16xi32>
      %add3A_1510 = arith.addi %and3A_1504, %add3A_1509 : vector<16xi32>
      %gather3A_1511 = tpu.vector_load_idx %arg9[%add3A_1510] : memref<448xf32, #tpu.memory_space<vmem>>[vector<16xi32>], vector<16xf32>,
      %add3A_1512 = arith.constant 0 : i32
      %add3A_1513 = vector.broadcast %add3A_1512 : i32 to vector<16xi32>
      %add3A_1514 = arith.addi %shift_right_logical3A_1507, %add3A_1513 : vector<16xi32>
      %gather3A_1515 = tpu.vector_load_idx %arg10[%add3A_1514] : memref<256xf32, #tpu.memory_space<vmem>>[vector<16xi32>], vector<16xf32>,
      %mul3A_1516 = arith.mulf %gather3A_1511, %gather3A_1515 : vector<16xf32>
      %add3A_1517 = arith.constant 112 : i32
      %add3A_1518 = vector.broadcast %add3A_1517 : i32 to vector<16xi32>
      %add3A_1519 = arith.addi %and3A_1504, %add3A_1518 : vector<16xi32>
      %gather3A_1520 = tpu.vector_load_idx %arg9[%add3A_1519] : memref<448xf32, #tpu.memory_space<vmem>>[vector<16xi32>], vector<16xf32>,
      %add3A_1521 = arith.constant 64 : i32
      %add3A_1522 = vector.broadcast %add3A_1521 : i32 to vector<16xi32>
      %add3A_1523 = arith.addi %shift_right_logical3A_1507, %add3A_1522 : vector<16xi32>
      %gather3A_1524 = tpu.vector_load_idx %arg10[%add3A_1523] : memref<256xf32, #tpu.memory_space<vmem>>[vector<16xi32>], vector<16xf32>,
      %mul3A_1525 = arith.mulf %gather3A_1520, %gather3A_1524 : vector<16xf32>
      %add3A_1526 = arith.constant 224 : i32
      %add3A_1527 = vector.broadcast %add3A_1526 : i32 to vector<16xi32>
      %add3A_1528 = arith.addi %and3A_1504, %add3A_1527 : vector<16xi32>
      %gather3A_1529 = tpu.vector_load_idx %arg9[%add3A_1528] : memref<448xf32, #tpu.memory_space<vmem>>[vector<16xi32>], vector<16xf32>,
      %add3A_1530 = arith.constant 128 : i32
      %add3A_1531 = vector.broadcast %add3A_1530 : i32 to vector<16xi32>
      %add3A_1532 = arith.addi %shift_right_logical3A_1507, %add3A_1531 : vector<16xi32>
      %gather3A_1533 = tpu.vector_load_idx %arg10[%add3A_1532] : memref<256xf32, #tpu.memory_space<vmem>>[vector<16xi32>], vector<16xf32>,
      %mul3A_1534 = arith.mulf %gather3A_1529, %gather3A_1533 : vector<16xf32>
      %add3A_1535 = arith.constant 336 : i32
      %add3A_1536 = vector.broadcast %add3A_1535 : i32 to vector<16xi32>
      %add3A_1537 = arith.addi %and3A_1504, %add3A_1536 : vector<16xi32>
      %gather3A_1538 = tpu.vector_load_idx %arg9[%add3A_1537] : memref<448xf32, #tpu.memory_space<vmem>>[vector<16xi32>], vector<16xf32>,
      %add3A_1539 = arith.constant 192 : i32
      %add3A_1540 = vector.broadcast %add3A_1539 : i32 to vector<16xi32>
      %add3A_1541 = arith.addi %shift_right_logical3A_1507, %add3A_1540 : vector<16xi32>
      %gather3A_1542 = tpu.vector_load_idx %arg10[%add3A_1541] : memref<256xf32, #tpu.memory_space<vmem>>[vector<16xi32>], vector<16xf32>,
      %mul3A_1543 = arith.mulf %gather3A_1538, %gather3A_1542 : vector<16xf32>
      %add3A_1544 = arith.constant 3248 : i32
      %add3A_1545 = arith.addi %mul3A_1407, %add3A_1544 : i32
      %get3A_1546 = arith.index_cast %add3A_1545 : i32 to index
      %get3A_1547 = tpu.vector_load %arg11[%get3A_1546] {strides = array<i32>} : memref<3456xi32, #tpu.memory_space<vmem>>, vector<16xi32>,
      %and3A_1548 = arith.constant 127 : i32
      %and3A_1549 = vector.broadcast %and3A_1548 : i32 to vector<16xi32>
      %and3A_1550 = arith.andi %get3A_1547, %and3A_1549 : vector<16xi32>
      %shift_right_logical3A_1551 = arith.constant 7 : i32
      %shift_right_logical3A_1552 = vector.broadcast %shift_right_logical3A_1551 : i32 to vector<16xi32>
      %shift_right_logical3A_1553 = arith.shrui %get3A_1547, %shift_right_logical3A_1552 : vector<16xi32>
      %add3A_1554 = arith.constant 0 : i32
      %add3A_1555 = vector.broadcast %add3A_1554 : i32 to vector<16xi32>
      %add3A_1556 = arith.addi %and3A_1550, %add3A_1555 : vector<16xi32>
      %gather3A_1557 = tpu.vector_load_idx %arg9[%add3A_1556] : memref<448xf32, #tpu.memory_space<vmem>>[vector<16xi32>], vector<16xf32>,
      %add3A_1558 = arith.constant 0 : i32
      %add3A_1559 = vector.broadcast %add3A_1558 : i32 to vector<16xi32>
      %add3A_1560 = arith.addi %shift_right_logical3A_1553, %add3A_1559 : vector<16xi32>
      %gather3A_1561 = tpu.vector_load_idx %arg10[%add3A_1560] : memref<256xf32, #tpu.memory_space<vmem>>[vector<16xi32>], vector<16xf32>,
      %mul3A_1562 = arith.mulf %gather3A_1557, %gather3A_1561 : vector<16xf32>
      %add3A_1563 = arith.constant 112 : i32
      %add3A_1564 = vector.broadcast %add3A_1563 : i32 to vector<16xi32>
      %add3A_1565 = arith.addi %and3A_1550, %add3A_1564 : vector<16xi32>
      %gather3A_1566 = tpu.vector_load_idx %arg9[%add3A_1565] : memref<448xf32, #tpu.memory_space<vmem>>[vector<16xi32>], vector<16xf32>,
      %add3A_1567 = arith.constant 64 : i32
      %add3A_1568 = vector.broadcast %add3A_1567 : i32 to vector<16xi32>
      %add3A_1569 = arith.addi %shift_right_logical3A_1553, %add3A_1568 : vector<16xi32>
      %gather3A_1570 = tpu.vector_load_idx %arg10[%add3A_1569] : memref<256xf32, #tpu.memory_space<vmem>>[vector<16xi32>], vector<16xf32>,
      %mul3A_1571 = arith.mulf %gather3A_1566, %gather3A_1570 : vector<16xf32>
      %add3A_1572 = arith.constant 224 : i32
      %add3A_1573 = vector.broadcast %add3A_1572 : i32 to vector<16xi32>
      %add3A_1574 = arith.addi %and3A_1550, %add3A_1573 : vector<16xi32>
      %gather3A_1575 = tpu.vector_load_idx %arg9[%add3A_1574] : memref<448xf32, #tpu.memory_space<vmem>>[vector<16xi32>], vector<16xf32>,
      %add3A_1576 = arith.constant 128 : i32
      %add3A_1577 = vector.broadcast %add3A_1576 : i32 to vector<16xi32>
      %add3A_1578 = arith.addi %shift_right_logical3A_1553, %add3A_1577 : vector<16xi32>
      %gather3A_1579 = tpu.vector_load_idx %arg10[%add3A_1578] : memref<256xf32, #tpu.memory_space<vmem>>[vector<16xi32>], vector<16xf32>,
      %mul3A_1580 = arith.mulf %gather3A_1575, %gather3A_1579 : vector<16xf32>
      %add3A_1581 = arith.constant 336 : i32
      %add3A_1582 = vector.broadcast %add3A_1581 : i32 to vector<16xi32>
      %add3A_1583 = arith.addi %and3A_1550, %add3A_1582 : vector<16xi32>
      %gather3A_1584 = tpu.vector_load_idx %arg9[%add3A_1583] : memref<448xf32, #tpu.memory_space<vmem>>[vector<16xi32>], vector<16xf32>,
      %add3A_1585 = arith.constant 192 : i32
      %add3A_1586 = vector.broadcast %add3A_1585 : i32 to vector<16xi32>
      %add3A_1587 = arith.addi %shift_right_logical3A_1553, %add3A_1586 : vector<16xi32>
      %gather3A_1588 = tpu.vector_load_idx %arg10[%add3A_1587] : memref<256xf32, #tpu.memory_space<vmem>>[vector<16xi32>], vector<16xf32>,
      %mul3A_1589 = arith.mulf %gather3A_1584, %gather3A_1588 : vector<16xf32>
      %max3A = arith.maximumf %mul3A_1424, %mul3A_1470 : vector<16xf32>
      %min3A_1590 = arith.minimumf %mul3A_1424, %mul3A_1470 : vector<16xf32>
      %max3A_1591 = arith.maximumf %mul3A_1516, %mul3A_1562 : vector<16xf32>
      %min3A_1592 = arith.minimumf %mul3A_1516, %mul3A_1562 : vector<16xf32>
      %max3A_1593 = arith.maximumf %max3A, %max3A_1591 : vector<16xf32>
      %min3A_1594 = arith.minimumf %max3A, %max3A_1591 : vector<16xf32>
      %max3A_1595 = arith.maximumf %min3A_1590, %min3A_1592 : vector<16xf32>
      %max3A_1596 = arith.maximumf %min3A_1594, %max3A_1595 : vector<16xf32>
      %min3A_1597 = arith.minimumf %min3A_1594, %max3A_1595 : vector<16xf32>
      %max3A_1598 = arith.maximumf %scan3A_1394, %max3A_1593 : vector<16xf32>
      %min3A_1599 = arith.minimumf %scan3A_1394, %max3A_1593 : vector<16xf32>
      %max3A_1600 = arith.maximumf %scan3A_1395, %max3A_1596 : vector<16xf32>
      %max3A_1601 = arith.maximumf %min3A_1599, %max3A_1600 : vector<16xf32>
      %max3A_1602 = arith.maximumf %scan3A_1396, %min3A_1597 : vector<16xf32>
      %min3A_1603 = arith.minimumf %scan3A_1395, %max3A_1593 : vector<16xf32>
      %min3A_1604 = arith.minimumf %scan3A_1394, %max3A_1596 : vector<16xf32>
      %max3A_1605 = arith.maximumf %min3A_1603, %min3A_1604 : vector<16xf32>
      %max3A_1606 = arith.maximumf %max3A_1602, %max3A_1605 : vector<16xf32>
      %max3A_1607 = arith.maximumf %mul3A_1433, %mul3A_1479 : vector<16xf32>
      %min3A_1608 = arith.minimumf %mul3A_1433, %mul3A_1479 : vector<16xf32>
      %max3A_1609 = arith.maximumf %mul3A_1525, %mul3A_1571 : vector<16xf32>
      %min3A_1610 = arith.minimumf %mul3A_1525, %mul3A_1571 : vector<16xf32>
      %max3A_1611 = arith.maximumf %max3A_1607, %max3A_1609 : vector<16xf32>
      %min3A_1612 = arith.minimumf %max3A_1607, %max3A_1609 : vector<16xf32>
      %max3A_1613 = arith.maximumf %min3A_1608, %min3A_1610 : vector<16xf32>
      %max3A_1614 = arith.maximumf %min3A_1612, %max3A_1613 : vector<16xf32>
      %min3A_1615 = arith.minimumf %min3A_1612, %max3A_1613 : vector<16xf32>
      %max3A_1616 = arith.maximumf %scan3A_1397, %max3A_1611 : vector<16xf32>
      %min3A_1617 = arith.minimumf %scan3A_1397, %max3A_1611 : vector<16xf32>
      %max3A_1618 = arith.maximumf %scan3A_1398, %max3A_1614 : vector<16xf32>
      %max3A_1619 = arith.maximumf %min3A_1617, %max3A_1618 : vector<16xf32>
      %max3A_1620 = arith.maximumf %scan3A_1399, %min3A_1615 : vector<16xf32>
      %min3A_1621 = arith.minimumf %scan3A_1398, %max3A_1611 : vector<16xf32>
      %min3A_1622 = arith.minimumf %scan3A_1397, %max3A_1614 : vector<16xf32>
      %max3A_1623 = arith.maximumf %min3A_1621, %min3A_1622 : vector<16xf32>
      %max3A_1624 = arith.maximumf %max3A_1620, %max3A_1623 : vector<16xf32>
      %max3A_1625 = arith.maximumf %mul3A_1442, %mul3A_1488 : vector<16xf32>
      %min3A_1626 = arith.minimumf %mul3A_1442, %mul3A_1488 : vector<16xf32>
      %max3A_1627 = arith.maximumf %mul3A_1534, %mul3A_1580 : vector<16xf32>
      %min3A_1628 = arith.minimumf %mul3A_1534, %mul3A_1580 : vector<16xf32>
      %max3A_1629 = arith.maximumf %max3A_1625, %max3A_1627 : vector<16xf32>
      %min3A_1630 = arith.minimumf %max3A_1625, %max3A_1627 : vector<16xf32>
      %max3A_1631 = arith.maximumf %min3A_1626, %min3A_1628 : vector<16xf32>
      %max3A_1632 = arith.maximumf %min3A_1630, %max3A_1631 : vector<16xf32>
      %min3A_1633 = arith.minimumf %min3A_1630, %max3A_1631 : vector<16xf32>
      %max3A_1634 = arith.maximumf %scan3A_1400, %max3A_1629 : vector<16xf32>
      %min3A_1635 = arith.minimumf %scan3A_1400, %max3A_1629 : vector<16xf32>
      %max3A_1636 = arith.maximumf %scan3A_1401, %max3A_1632 : vector<16xf32>
      %max3A_1637 = arith.maximumf %min3A_1635, %max3A_1636 : vector<16xf32>
      %max3A_1638 = arith.maximumf %scan3A_1402, %min3A_1633 : vector<16xf32>
      %min3A_1639 = arith.minimumf %scan3A_1401, %max3A_1629 : vector<16xf32>
      %min3A_1640 = arith.minimumf %scan3A_1400, %max3A_1632 : vector<16xf32>
      %max3A_1641 = arith.maximumf %min3A_1639, %min3A_1640 : vector<16xf32>
      %max3A_1642 = arith.maximumf %max3A_1638, %max3A_1641 : vector<16xf32>
      %max3A_1643 = arith.maximumf %mul3A_1451, %mul3A_1497 : vector<16xf32>
      %min3A_1644 = arith.minimumf %mul3A_1451, %mul3A_1497 : vector<16xf32>
      %max3A_1645 = arith.maximumf %mul3A_1543, %mul3A_1589 : vector<16xf32>
      %min3A_1646 = arith.minimumf %mul3A_1543, %mul3A_1589 : vector<16xf32>
      %max3A_1647 = arith.maximumf %max3A_1643, %max3A_1645 : vector<16xf32>
      %min3A_1648 = arith.minimumf %max3A_1643, %max3A_1645 : vector<16xf32>
      %max3A_1649 = arith.maximumf %min3A_1644, %min3A_1646 : vector<16xf32>
      %max3A_1650 = arith.maximumf %min3A_1648, %max3A_1649 : vector<16xf32>
      %min3A_1651 = arith.minimumf %min3A_1648, %max3A_1649 : vector<16xf32>
      %max3A_1652 = arith.maximumf %scan3A_1403, %max3A_1647 : vector<16xf32>
      %min3A_1653 = arith.minimumf %scan3A_1403, %max3A_1647 : vector<16xf32>
      %max3A_1654 = arith.maximumf %scan3A_1404, %max3A_1650 : vector<16xf32>
      %max3A_1655 = arith.maximumf %min3A_1653, %max3A_1654 : vector<16xf32>
      %max3A_1656 = arith.maximumf %scan3A_1405, %min3A_1651 : vector<16xf32>
      %min3A_1657 = arith.minimumf %scan3A_1404, %max3A_1647 : vector<16xf32>
      %min3A_1658 = arith.minimumf %scan3A_1403, %max3A_1650 : vector<16xf32>
      %max3A_1659 = arith.maximumf %min3A_1657, %min3A_1658 : vector<16xf32>
      %max3A_1660 = arith.maximumf %max3A_1656, %max3A_1659 : vector<16xf32>
      scf.yield %max3A_1598, %max3A_1601, %max3A_1606, %max3A_1616, %max3A_1619, %max3A_1624, %max3A_1634, %max3A_1637, %max3A_1642, %max3A_1652, %max3A_1655, %max3A_1660 : vector<16xf32>, vector<16xf32>, vector<16xf32>, vector<16xf32>, vector<16xf32>, vector<16xf32>, vector<16xf32>, vector<16xf32>, vector<16xf32>, vector<16xf32>, vector<16xf32>, vector<16xf32>
    }
    %scan3A_1294 = arith.constant 4 : i32
    %get3A_1295 = arith.constant 96 : index
    %get3A_1296 = tpu.vector_load %arg12[%get3A_1295] {strides = array<i32>} : memref<112xi32, #tpu.memory_space<vmem>>, vector<16xi32>,
    %sub3A_1297 = arith.constant 1.000000e+00 : f32
    %sub3A_1298 = vector.broadcast %sub3A_1297 : f32 to vector<16xf32>
    %sub3A_1299 = arith.subf %sub3A_1298, %scan3A_1293#0 : vector<16xf32>
    %sub3A_1300 = arith.constant 1.000000e+00 : f32
    %sub3A_1301 = vector.broadcast %sub3A_1300 : f32 to vector<16xf32>
    %sub3A_1302 = arith.subf %sub3A_1301, %scan3A_1293#1 : vector<16xf32>
    %mul3A_1303 = arith.mulf %sub3A_1299, %sub3A_1302 : vector<16xf32>
    %sub3A_1304 = arith.constant 1.000000e+00 : f32
    %sub3A_1305 = vector.broadcast %sub3A_1304 : f32 to vector<16xf32>
    %sub3A_1306 = arith.subf %sub3A_1305, %scan3A_1293#2 : vector<16xf32>
    %mul3A_1307 = arith.mulf %mul3A_1303, %sub3A_1306 : vector<16xf32>
    %sub3A_1308 = arith.constant 1.000000e+00 : f32
    %sub3A_1309 = vector.broadcast %sub3A_1308 : f32 to vector<16xf32>
    %sub3A_1310 = arith.subf %sub3A_1309, %mul3A_1307 : vector<16xf32>
    %eq3A_1311 = arith.constant 15 : i32
    %eq3A_1312 = vector.broadcast %eq3A_1311 : i32 to vector<16xi32>
    %eq3A_1313 = arith.cmpi eq, %iota3A, %eq3A_1312 : vector<16xi32>
    %broadcast_in_dim3A_1314 = vector.broadcast %sub3A_650 : f32 to vector<16xf32>
    %select_n3A_1315 = arith.select %eq3A_1313, %broadcast_in_dim3A_1314, %sub3A_1310 : vector<16xi1>, vector<16xf32>
    %broadcast_in_dim3A_1316 = arith.constant 0 : i32
    %broadcast_in_dim3A_1317 = vector.broadcast %broadcast_in_dim3A_1316 : i32 to vector<16xi32>
    %add3A_1318 = arith.constant 0 : i32
    %add3A_1319 = vector.broadcast %add3A_1318 : i32 to vector<16xi32>
    %add3A_1320 = arith.addi %broadcast_in_dim3A_1317, %add3A_1319 : vector<16xi32>
    tpu.vector_store_idx %arg13[%add3A_1320, %get3A_1296], %select_n3A_1315 : memref<4x100xf32, #tpu.memory_space<vmem>>[vector<16xi32>, vector<16xi32>], vector<16xf32>,
    %sub3A_1321 = arith.constant 1.000000e+00 : f32
    %sub3A_1322 = vector.broadcast %sub3A_1321 : f32 to vector<16xf32>
    %sub3A_1323 = arith.subf %sub3A_1322, %scan3A_1293#3 : vector<16xf32>
    %sub3A_1324 = arith.constant 1.000000e+00 : f32
    %sub3A_1325 = vector.broadcast %sub3A_1324 : f32 to vector<16xf32>
    %sub3A_1326 = arith.subf %sub3A_1325, %scan3A_1293#4 : vector<16xf32>
    %mul3A_1327 = arith.mulf %sub3A_1323, %sub3A_1326 : vector<16xf32>
    %sub3A_1328 = arith.constant 1.000000e+00 : f32
    %sub3A_1329 = vector.broadcast %sub3A_1328 : f32 to vector<16xf32>
    %sub3A_1330 = arith.subf %sub3A_1329, %scan3A_1293#5 : vector<16xf32>
    %mul3A_1331 = arith.mulf %mul3A_1327, %sub3A_1330 : vector<16xf32>
    %sub3A_1332 = arith.constant 1.000000e+00 : f32
    %sub3A_1333 = vector.broadcast %sub3A_1332 : f32 to vector<16xf32>
    %sub3A_1334 = arith.subf %sub3A_1333, %mul3A_1331 : vector<16xf32>
    %eq3A_1335 = arith.constant 15 : i32
    %eq3A_1336 = vector.broadcast %eq3A_1335 : i32 to vector<16xi32>
    %eq3A_1337 = arith.cmpi eq, %iota3A, %eq3A_1336 : vector<16xi32>
    %broadcast_in_dim3A_1338 = vector.broadcast %sub3A_695 : f32 to vector<16xf32>
    %select_n3A_1339 = arith.select %eq3A_1337, %broadcast_in_dim3A_1338, %sub3A_1334 : vector<16xi1>, vector<16xf32>
    %broadcast_in_dim3A_1340 = arith.constant 0 : i32
    %broadcast_in_dim3A_1341 = vector.broadcast %broadcast_in_dim3A_1340 : i32 to vector<16xi32>
    %add3A_1342 = arith.constant 1 : i32
    %add3A_1343 = vector.broadcast %add3A_1342 : i32 to vector<16xi32>
    %add3A_1344 = arith.addi %broadcast_in_dim3A_1341, %add3A_1343 : vector<16xi32>
    tpu.vector_store_idx %arg13[%add3A_1344, %get3A_1296], %select_n3A_1339 : memref<4x100xf32, #tpu.memory_space<vmem>>[vector<16xi32>, vector<16xi32>], vector<16xf32>,
    %sub3A_1345 = arith.constant 1.000000e+00 : f32
    %sub3A_1346 = vector.broadcast %sub3A_1345 : f32 to vector<16xf32>
    %sub3A_1347 = arith.subf %sub3A_1346, %scan3A_1293#6 : vector<16xf32>
    %sub3A_1348 = arith.constant 1.000000e+00 : f32
    %sub3A_1349 = vector.broadcast %sub3A_1348 : f32 to vector<16xf32>
    %sub3A_1350 = arith.subf %sub3A_1349, %scan3A_1293#7 : vector<16xf32>
    %mul3A_1351 = arith.mulf %sub3A_1347, %sub3A_1350 : vector<16xf32>
    %sub3A_1352 = arith.constant 1.000000e+00 : f32
    %sub3A_1353 = vector.broadcast %sub3A_1352 : f32 to vector<16xf32>
    %sub3A_1354 = arith.subf %sub3A_1353, %scan3A_1293#8 : vector<16xf32>
    %mul3A_1355 = arith.mulf %mul3A_1351, %sub3A_1354 : vector<16xf32>
    %sub3A_1356 = arith.constant 1.000000e+00 : f32
    %sub3A_1357 = vector.broadcast %sub3A_1356 : f32 to vector<16xf32>
    %sub3A_1358 = arith.subf %sub3A_1357, %mul3A_1355 : vector<16xf32>
    %eq3A_1359 = arith.constant 15 : i32
    %eq3A_1360 = vector.broadcast %eq3A_1359 : i32 to vector<16xi32>
    %eq3A_1361 = arith.cmpi eq, %iota3A, %eq3A_1360 : vector<16xi32>
    %broadcast_in_dim3A_1362 = vector.broadcast %sub3A_740 : f32 to vector<16xf32>
    %select_n3A_1363 = arith.select %eq3A_1361, %broadcast_in_dim3A_1362, %sub3A_1358 : vector<16xi1>, vector<16xf32>
    %broadcast_in_dim3A_1364 = arith.constant 0 : i32
    %broadcast_in_dim3A_1365 = vector.broadcast %broadcast_in_dim3A_1364 : i32 to vector<16xi32>
    %add3A_1366 = arith.constant 2 : i32
    %add3A_1367 = vector.broadcast %add3A_1366 : i32 to vector<16xi32>
    %add3A_1368 = arith.addi %broadcast_in_dim3A_1365, %add3A_1367 : vector<16xi32>
    tpu.vector_store_idx %arg13[%add3A_1368, %get3A_1296], %select_n3A_1363 : memref<4x100xf32, #tpu.memory_space<vmem>>[vector<16xi32>, vector<16xi32>], vector<16xf32>,
    %sub3A_1369 = arith.constant 1.000000e+00 : f32
    %sub3A_1370 = vector.broadcast %sub3A_1369 : f32 to vector<16xf32>
    %sub3A_1371 = arith.subf %sub3A_1370, %scan3A_1293#9 : vector<16xf32>
    %sub3A_1372 = arith.constant 1.000000e+00 : f32
    %sub3A_1373 = vector.broadcast %sub3A_1372 : f32 to vector<16xf32>
    %sub3A_1374 = arith.subf %sub3A_1373, %scan3A_1293#10 : vector<16xf32>
    %mul3A_1375 = arith.mulf %sub3A_1371, %sub3A_1374 : vector<16xf32>
    %sub3A_1376 = arith.constant 1.000000e+00 : f32
    %sub3A_1377 = vector.broadcast %sub3A_1376 : f32 to vector<16xf32>
    %sub3A_1378 = arith.subf %sub3A_1377, %scan3A_1293#11 : vector<16xf32>
    %mul3A_1379 = arith.mulf %mul3A_1375, %sub3A_1378 : vector<16xf32>
    %sub3A_1380 = arith.constant 1.000000e+00 : f32
    %sub3A_1381 = vector.broadcast %sub3A_1380 : f32 to vector<16xf32>
    %sub3A_1382 = arith.subf %sub3A_1381, %mul3A_1379 : vector<16xf32>
    %eq3A_1383 = arith.constant 15 : i32
    %eq3A_1384 = vector.broadcast %eq3A_1383 : i32 to vector<16xi32>
    %eq3A_1385 = arith.cmpi eq, %iota3A, %eq3A_1384 : vector<16xi32>
    %broadcast_in_dim3A_1386 = vector.broadcast %sub3A_785 : f32 to vector<16xf32>
    %select_n3A_1387 = arith.select %eq3A_1385, %broadcast_in_dim3A_1386, %sub3A_1382 : vector<16xi1>, vector<16xf32>
    %broadcast_in_dim3A_1388 = arith.constant 0 : i32
    %broadcast_in_dim3A_1389 = vector.broadcast %broadcast_in_dim3A_1388 : i32 to vector<16xi32>
    %add3A_1390 = arith.constant 3 : i32
    %add3A_1391 = vector.broadcast %add3A_1390 : i32 to vector<16xi32>
    %add3A_1392 = arith.addi %broadcast_in_dim3A_1389, %add3A_1391 : vector<16xi32>
    tpu.vector_store_idx %arg13[%add3A_1392, %get3A_1296], %select_n3A_1387 : memref<4x100xf32, #tpu.memory_space<vmem>>[vector<16xi32>, vector<16xi32>], vector<16xf32>,
    "tpu.region"() ({
      %run_scoped3A = tpu.sem_alloc : memref<!tpu.dma_semaphore, #tpu.memory_space<semaphore_mem>>
      %dma_start3A_1393 = arith.constant 0 : i32
      %dma_start3A_1394 = tpu.memref_slice %arg6[%mul3A_2, %dma_start3A_1393] : memref<128x100xf32, #tpu.memory_space<hbm>> -> memref<4x100xf32, #tpu.memory_space<hbm>>
      %dma_start3A_1395 = arith.constant 0 : i32
      %dma_start3A_1396 = tpu.memref_slice %arg6[%mul3A_2, %dma_start3A_1395] : memref<128x100xf32, #tpu.memory_space<hbm>> -> memref<4x100xf32, #tpu.memory_space<hbm>>
      tpu.enqueue_dma source(%arg13 : memref<4x100xf32, #tpu.memory_space<vmem>>) target(%dma_start3A_1396 : memref<4x100xf32, #tpu.memory_space<hbm>>) target_semaphore(%run_scoped3A : memref<!tpu.dma_semaphore, #tpu.memory_space<semaphore_mem>>)
      %dma_wait3A_1397 = arith.constant 0 : i32
      %dma_wait3A_1398 = tpu.memref_slice %arg6[%mul3A_2, %dma_wait3A_1397] : memref<128x100xf32, #tpu.memory_space<hbm>> -> memref<4x100xf32, #tpu.memory_space<hbm>>
      %dma_wait3A_1399 = arith.constant 0 : i32
      %dma_wait3A_1400 = tpu.memref_slice %arg6[%mul3A_2, %dma_wait3A_1399] : memref<128x100xf32, #tpu.memory_space<hbm>> -> memref<4x100xf32, #tpu.memory_space<hbm>>
      tpu.wait_dma2 semaphore(%run_scoped3A : memref<!tpu.dma_semaphore, #tpu.memory_space<semaphore_mem>>) src(%arg13 : memref<4x100xf32, #tpu.memory_space<vmem>>) dst(%dma_wait3A_1400 : memref<4x100xf32, #tpu.memory_space<hbm>>)
      tpu.yield
    }) : () -> ()
    return
  }
}

</mosaic_0001>

<sc_bundles>
// kernel: _run.3.cloned.1.call-start
scs
__scs_entry_jumppad:
0x0: {  	(pc) =	sbr.rel $0x88, $3  }
0x1: {  	(tag) =	ssettag $0x0;
	lr =	simm.s32 $0x1  }
0x2: {  	[smem:$0x3F9D] =	sst lr;
	_ =	strace $0xD0000000  }
0x3: {  	_ = 	snop  }
0x4: {  	_ = 	snop  }
0x5: {  	_ = 	snop  }
0x6: {  	_ = 	snop  }
0x7: {  	_ = 	snop  }
__scs_overlays_trampoline_lowered:
0x8: {  	[smem:$0x3FAC] =	sst s0  }
0x9: {  	[smem:$0x3FAD] =	sst s1  }
0xa: {  	[smem:$0x3FAE] =	sst s2  }
0xb: {  	[smem:$0x3FAF] =	sst s3  }
0xc: {  	[smem:$0x3FB0] =	sst s4  }
0xd: {  	[smem:$0x3FB1] =	sst s5  }
0xe: {  	[smem:$0x3FB2] =	sst s6  }
0xf: {  	[smem:$0x3FB3] =	sst s7  }
0x10: {  	[smem:$0x3FB4] =	sst s8  }
0x11: {  	[smem:$0x3FB5] =	sst s9;
	s0 =	simm.s32 @!p0 $0x0  }
0x12: {  	s1 =	sld [smem:$0x3F9B];
	s0 =	simm.s32 @p0 $0x1  }
0x13: {  	[smem:$0x3FB6] =	sst s0;
	s0 =	simm.s32 @!p1 $0x0  }
0x14: {  	s2 =	sld [smem:$0x3F9A];
	s0 =	simm.s32 @p1 $0x1  }
0x15: {  	[smem:$0x3FB7] =	sst s0;
	s0 =	simm.s32 @!p2 $0x0  }
0x16: {  	s3 =	sld [smem:$0x3FDB];
	s0 =	simm.s32 @p2 $0x1  }
0x17: {  	s4 =	simm.s32 $0x1BF5;
	[smem:$0x3FB9] =	sst s0  }
0x18: {  	s0 =	sld [smem:$0x3F9C];
	_ =	swait.ge [sflag:s4], $0x0  }
0x19: {  	s7 =	sld [smem:$0x3F9D]  }
0x1a: {  	s8 =	sadd.s32 $0xFFFFE003, lr  }
0x1b: {  	s9 =	sadd.s32 $0xFFFFFEF7, lr;
	s5 =	simm.s32 $0xFFFFFFFF;
	p2 =	slt.u32 s8, $0xFFFFF086  }
0x1c: {  	p1 =	slt.u32 s9, $0xF7A;
	s5 =	simm.s32 @!p2 $0x0  }
0x1d: {  	s5 =	simm.s32 @p1 $0x1;
	p0 =	seq.s32 s7, s2  }
0x1e: {  	s7 =	smul.u32 @!p0 $0xF7A, s2;
	p2 =	seq.s32 @!p0 s5, $0x0  }
0x1f: {  	s9 =	smul.u32 $0xF7A, s1;
	s8 =	simm.s32 @!p0 $0x1BF5;
	p2 =	por !p2, p0  }
0x20: {  	[sflag:s8] =	ssyncset.s32 @!p0 $0xFFFFF086;
	s6 =	sadd.s32 @!p0 s3, s7;
	s7 =	simm.s32 @!p0 $0x108  }
0x21: {  	s3 =	sadd.s32 s3, s9;
	s6 =	sadd.s32 @!p0 $0x88, s6;
	s7 =	simm.s32 @p2 $0x1082  }
0x22: {  	[simem:s7], [sflag:s8] =	dma.local @!p0 [hbm:s6], $0xF7A  }
0x23: {  	s9 =	sor.u32 $0xD0000000, s2;
	s6 =	simm.s32 $0x108;
	_ =	swait.ge @!p0 [sflag:s8], $0x0  }
0x24: {  	s3 =	sadd.s32 $0x88, s3;
	s6 =	simm.s32 @!p1 $0x1082;
	[sflag:s4] =	ssyncset.s32 $0xFFFFF086  }
0x25: {  	[simem:s6], [sflag:s4] =	dma.local [hbm:s3], $0xF7A  }
0x26: {  	[smem:$0x3F9D] =	sst s1;
	(tag) =	ssettag s2;
	_ =	strace s9  }
0x27: {  	s1 =	sld [smem:$0x3FAD]  }
0x28: {  	s2 =	sld [smem:$0x3FAE]  }
0x29: {  	s4 =	sld [smem:$0x3FB0]  }
0x2a: {  	p0 =	seq.s32 s5, $0x0;
	s5 =	sld [smem:$0x3FB1]  }
0x2b: {  	s6 =	sld [smem:$0x3FB2]  }
0x2c: {  	s7 =	sld [smem:$0x3FB3]  }
0x2d: {  	s3 =	simm.s32 $0x108;
	s8 =	sld [smem:$0x3FB4]  }
0x2e: {  	s3 =	simm.s32 @!p0 $0x1082;
	s9 =	sld [smem:$0x3FB5]  }
0x2f: {  	lr =	sadd.s32 s0, s3;
	s0 =	sld [smem:$0x3FAC]  }
0x30: {  	s3 =	sld [smem:$0x3FAF]  }
0x31: {  	[smem:$0x3FB8] =	sst s10  }
0x32: {  	s10 =	sld [smem:$0x3FB6];
	_ =	sdelay $0x3  }
0x33: {  	p0 =	seq.s32 s10, $0x1;
	s10 =	sld [smem:$0x3FB8];
	_ =	sdelay $0x3  }
0x34: {  	[smem:$0x3FB8] =	sst s10  }
0x35: {  	s10 =	sld [smem:$0x3FB7];
	_ =	sdelay $0x3  }
0x36: {  	p1 =	seq.s32 s10, $0x1;
	s10 =	sld [smem:$0x3FB8];
	_ =	sdelay $0x3  }
0x37: {  	[smem:$0x3FB8] =	sst s10  }
0x38: {  	s10 =	sld [smem:$0x3FB9]  }
0x39: {  	_ = 	snop;
	(pc) =	sbr.ind lr, $3  }
0x3a: {  	_ = 	snop  }
0x3b: {  	_ = 	snop  }
0x3c: {  	p2 =	seq.s32 s10, $0x1;
	s10 =	sld [smem:$0x3FB8]  }
0x3d: {  	_ =	shalt  }
0x3e: {  	_ =	shalt  }
0x3f: {  	_ =	shalt  }
0x40: {  	_ =	shalt  }
0x41: {  	_ =	shalt  }
0x42: {  	_ =	shalt  }
0x43: {  	_ =	shalt  }
0x44: {  	_ =	shalt  }
0x45: {  	_ =	shalt  }
0x46: {  	_ =	shalt  }
0x47: {  	_ =	shalt  }
0x48: {  	_ =	shalt  }
0x49: {  	_ =	shalt  }
0x4a: {  	_ =	shalt  }
0x4b: {  	_ =	shalt  }
0x4c: {  	_ =	shalt  }
0x4d: {  	_ =	shalt  }
0x4e: {  	_ =	shalt  }
0x4f: {  	_ =	shalt  }
0x50: {  	_ =	shalt  }
0x51: {  	_ =	shalt  }
0x52: {  	_ =	shalt  }
0x53: {  	_ =	shalt  }
0x54: {  	_ =	shalt  }
0x55: {  	_ =	shalt  }
0x56: {  	_ =	shalt  }
0x57: {  	_ =	shalt  }
0x58: {  	_ =	shalt  }
0x59: {  	_ =	shalt  }
0x5a: {  	_ =	shalt  }
0x5b: {  	_ =	shalt  }
0x5c: {  	_ =	shalt  }
0x5d: {  	_ =	shalt  }
0x5e: {  	_ =	shalt  }
0x5f: {  	_ =	shalt  }
0x60: {  	_ =	shalt  }
0x61: {  	_ =	shalt  }
0x62: {  	_ =	shalt  }
0x63: {  	_ =	shalt  }
0x64: {  	_ =	shalt  }
0x65: {  	_ =	shalt  }
0x66: {  	_ =	shalt  }
0x67: {  	_ =	shalt  }
0x68: {  	_ =	shalt  }
0x69: {  	_ =	shalt  }
0x6a: {  	_ =	shalt  }
0x6b: {  	_ =	shalt  }
0x6c: {  	_ =	shalt  }
0x6d: {  	_ =	shalt  }
0x6e: {  	_ =	shalt  }
0x6f: {  	_ =	shalt  }
0x70: {  	_ =	shalt  }
0x71: {  	_ =	shalt  }
0x72: {  	_ =	shalt  }
0x73: {  	_ =	shalt  }
0x74: {  	_ =	shalt  }
0x75: {  	_ =	shalt  }
0x76: {  	_ =	shalt  }
0x77: {  	_ =	shalt  }
0x78: {  	_ =	shalt  }
0x79: {  	_ =	shalt  }
0x7a: {  	_ =	shalt  }
0x7b: {  	_ =	shalt  }
0x7c: {  	_ =	shalt  }
0x7d: {  	_ =	shalt  }
0x7e: {  	_ =	shalt  }
0x7f: {  	_ =	shalt  }
0x80: {  	_ =	shalt  }
0x81: {  	_ =	shalt  }
0x82: {  	_ =	shalt  }
0x83: {  	_ =	shalt  }
0x84: {  	_ =	shalt  }
0x85: {  	_ =	shalt  }
0x86: {  	_ =	shalt  }
0x87: {  	_ =	shalt  }
.Lfunc_end0:
.L_simem_size_0:
called_computation_lowered:
.L_overlay_start_0:
0x88: {  	s2 =	sld [smem:$0x3FD9]  }
0x89: {  	s3 =	sld [smem:$0x3FFE];
	_ =	sdelay $0x1  }
0x8a: {  	s1 =	srdreg.scid  }
0x8b: {  	s0 =	sand.u32 $0x1, s1  }
0x8c: {  	s17 =	sshll.u32 s0, $0xA;
	s2 =	sadd.s32 s3, s2  }
0x8d: {  	s2 =	sadd.s32 s2, s17  }
0x8e: {  	[smem:$0x3FC4] =	sst s2  }
0x8f: {  	_ = 	snop  }
0x90: {  	s2 =	sld [smem:$0x3FC7]  }
0x91: {  	s18 =	sld [smem:$0x3FC6];
	(tm) =	ssettm $0x1  }
0x92: {  	s4 =	sld [smem:$0x3FFB];
	_ =	sdelay $0x3  }
0x93: {  	_ =	strace s4  }
0x94: {  	s4 =	sld [smem:$0x3FFC];
	_ =	sdelay $0x3  }
0x95: {  	_ =	strace s4  }
0x96: {  	s4 =	sld [smem:$0x3FFD];
	_ =	sdelay $0x3  }
0x97: {  	_ =	strace s4  }
0x98: {  	_ =	strace $0x8FFFFFFF  }
0x99: {  	s19 =	sld [smem:$0x3FDB];
	_ =	sdelay $0x1  }
0x9a: {  	s5 =	simm.s32 $_scs_section_size  }
0x9b: {  	s6 =	simm.s32 $_size__tile_overlayer_lowered;
	s7 =	simm.s32 $_tile_overlayer_lowered  }
0x9c: {  	s22 =	simm.s32 $0x1BFF;
	s21 =	sshll.u32 s7, $0x1;
	s4 =	sadd.s32 s5, s19  }
0x9d: {  	s8 =	simm.s32 $0x0;
	s20 =	sshll.u32 s6, $0x1;
	s6 =	sadd.s32 s21, s4  }
0x9e: {  	[timem:s8], [sflag:s22] =	dma.local [hbm:s6], s20  }
0x9f: {  	_ =	swait.ge [sflag:s22], s20  }
0xa0: {  	s5 =	ssub.s32 $0x0, s20;
	[sflag:s22] =	ssyncset.done $0x0  }
0xa1: {  	[sflag:s22] =	ssyncadd.s32 s5;
	_ =	sdelay $0x1  }
0xa2: {  	s23 =	simm.s32 $0x1B8B  }
0xa3: {  	_ =	swait.ge [sflag:s23], $0x1  }
0xa4: {  	[sflag:s23] =	ssyncset.done $0x0  }
0xa5: {  	s25 =	simm.s32 $0x1B8E;
	s24 =	sld [smem:$0x3FFE];
	[sflag:s23] =	ssyncadd.s32 $0xFFFFFFFF  }
0xa6: {  	s26 =	simm.s32 $execute0_lowered;
	[smem:$0x3FD2] =	sst s25  }
0xa7: {  	s6 =	sshll.u32 s26, $0x1;
	_ =	strace $0x80000046;
	[dreg:$0x1] =	wrdreg $0xFFFFFFFF  }
0xa8: {  	s28 =	simm.s32 $_size_execute0_lowered;
	s4 =	sadd.s32 s4, s6;
	[dreg:$0x0] =	wrdreg $0x0  }
0xa9: {  	s6 =	sshll.u32 s28, $0x1;
	[dreg:$0x2] =	wrdreg s4  }
0xaa: {  	[dreg:$0x3] =	wrdreg s6  }
0xab: {  	[dreg:$0x4] =	wrdreg $0xC0  }
0xac: {  	_ =	task [dreg:s8], $0x5FFFF  }
0xad: {  	[dreg:$0x1] =	wrdreg $0xFFFFFFFF  }
0xae: {  	[dreg:$0x0] =	wrdreg $0x60  }
0xaf: {  	[dreg:$0x2] =	wrdreg s24  }
0xb0: {  	[dreg:$0x3] =	wrdreg s2  }
0xb1: {  	[dreg:$0x4] =	wrdreg s18  }
0xb2: {  	[dreg:$0x5] =	wrdreg $0x9  }
0xb3: {  	_ =	task.clear_ibuf [dreg:s8], $0x6FFFF;
	_ =	strace $0x90000046  }
0xb4: {  	s29 =	simm.s32 $0x9;
	_ =	strace $0x80000048  }
0xb5: {  	_ =	swait.ge [sflag:s29], $0x1  }
0xb6: {  	[sflag:s29] =	ssyncadd.s32 $0xFFFFFFFF  }
0xb7: {  	_ =	strace $0x90000048  }
0xb8: {  	_ =	sfence  }
0xb9: {  	s30 =	sld [smem:$0x0];
	_ =	sdelay $0x2  }
0xba: {  	s31 =	sshll.u32 s1, $0xD;
	s1 =	sshrl.u32 s1, $0x2  }
0xbb: {  	s3 =	sand.u32 $0x4000, s31;
	s1 =	sadd.s32 s1, s30  }
0xbc: {  	s0 =	sor.u32 s3, s0;
	s1 =	sshll.u32 s1, $0x11  }
0xbd: {  	s0 =	sor.u32 s1, s0  }
0xbe: {  	s0 =	sadd.s32 $0x8F2B, s0  }
0xbf: {  	[sflag:s0] =	ssyncadd.remote.s32 $0x1  }
0xc0: {  	_ =	sfence.sel $0xFFFF  }
0xc1: {  	[dreg:$0x0] =	wrdreg $0xFFFFFFFF;
	(pc) =	sbr.abs _section_cstart, $3  }
0xc2: {  	[dreg:$0x1] =	wrdreg $0xFFFFFFFF  }
0xc3: {  	_ =	task.clear_ibuf [dreg:s8], $0x2FFFF;
	_ =	strace $0x9FFFFFFF  }
0xc4: {  	(tm) =	ssettm $0x7FFFFFFF  }
0xc5: {  	_ =	shalt  }
tec
execute0_lowered:
.L_overlay_start_1:
0x0: {  	(tag) =	ssettag $0x1  }
0x1: {  	v60 =	vlaneseq.u32  }
0x2: {  	v0 =	vor.u32 $0x10, v60  }
0x3: {  	v26 =	vor.u32 $0x20, v60;
	[tilespmem:$0x1FE10] =	vst v0  }
0x4: {  	v27 =	vor.u32 $0x30, v60;
	[tilespmem:$0x1FE20] =	vst v26  }
0x5: {  	v28 =	vor.u32 $0x40, v60;
	[tilespmem:$0x1FE30] =	vst v27  }
0x6: {  	v31 =	vimm.s32 $0x31;
	vm2 =	vcmask $0x300;
	v29 =	vor.u32 $0x50, v60;
	[tilespmem:$0x1FE40] =	vst v28  }
0x7: {  	v32 =	vsel vm2, $0x30, v31;
	[tilespmem:$0x1FE50] =	vst v29  }
0x8: {  	v34 =	vor.u32 $0x80, v60;
	[tilespmem:$0x1FE70] =	vst v32  }
0x9: {  	v35 =	vor.u32 $0x90, v60;
	[tilespmem:$0x1FE80] =	vst v34  }
0xa: {  	v36 =	vor.u32 $0xA0, v60;
	[tilespmem:$0x1FE90] =	vst v35  }
0xb: {  	v37 =	vor.u32 $0xB0, v60;
	[tilespmem:$0x1FEA0] =	vst v36  }
0xc: {  	v38 =	vor.u32 $0xC0, v60;
	[tilespmem:$0x1FEB0] =	vst v37  }
0xd: {  	v41 =	vimm.s32 $0xB1;
	v39 =	vor.u32 $0xD0, v60;
	[tilespmem:$0x1FEC0] =	vst v38  }
0xe: {  	v42 =	vsel vm2, $0xB0, v41;
	[tilespmem:$0x1FED0] =	vst v39  }
0xf: {  	v43 =	vor.u32 $0x100, v60;
	[tilespmem:$0x1FEF0] =	vst v42  }
0x10: {  	v44 =	vor.u32 $0x110, v60;
	[tilespmem:$0x1FF00] =	vst v43  }
0x11: {  	v1 =	vimm.s32 $0x63626160;
	v2 =	vimm.s32 $0xE3E2E1E0;
	v45 =	vor.u32 $0x120, v60;
	[tilespmem:$0x1FF10] =	vst v44  }
0x12: {  	v1 =	vunpack.c.0.s8.s32 v1;
	v33 =	vunpack.c.0.s8.s32 v2;
	v46 =	vor.u32 $0x130, v60;
	[tilespmem:$0x1FF20] =	vst v45  }
0x13: {  	vm3 =	vcmask $0xF00;
	s5 =	rddreg [dreg:$0x0];
	v48 =	vor.u32 $0x140, v60;
	[tilespmem:$0x1FF30] =	vst v46  }
0x14: {  	s0 =	rddreg [dreg:$0x1];
	[tilespmem:$0x1FF40] =	vst v48;
	v30 =	vnsel vm3, $0x63, v1;
	v1 =	vand.u32 $0xFF, v33  }
0x15: {  	s3 =	rddreg [dreg:$0x2];
	s4 =	simm.s32 $0x0;
	[tilespmem:$0x1FE60] =	vst v30;
	v40 =	vnsel vm3, $0xE3, v1  }
0x16: {  	s2 =	srdreg.scid;
	v49 =	vimm.s32 $0x131;
	[smem:$0x7FF] =	sst s4;
	v50 =	vor.u32 $0x150, v60;
	[tilespmem:$0x1FEE0] =	vst v40  }
0x17: {  	s6 =	sand.u32 $0x1, s2;
	s2 =	rddreg [dreg:$0x3];
	v52 =	vsel vm2, $0x130, v49;
	_ =	strace $0x80000047;
	[tilespmem:$0x1FF50] =	vst v50  }
0x18: {  	v53 =	vor.u32 $0x180, v60;
	[tilespmem:$0x1FF70] =	vst v52  }
0x19: {  	v54 =	vor.u32 $0x190, v60;
	[tilespmem:$0x1FF80] =	vst v53  }
0x1a: {  	v47 =	vimm.s32 $0x163;
	v56 =	vor.u32 $0x1A0, v60;
	[tilespmem:$0x1FF90] =	vst v54  }
0x1b: {  	s1 =	stileid.u32;
	vm4 =	vcmask $0xB08;
	v55 =	vimm.s32 $0x1E3;
	s9 =	simm.s32 $0x200;
	s10 =	simm.s32 $0x700;
	v57 =	vor.u32 $0x1B0, v60;
	[tilespmem:$0x1FFA0] =	vst v56  }
0x1c: {  	s11 =	simm.s32 $0x1480;
	s12 =	simm.s32 $0x1;
	s13 =	simm.s32 $0x400;
	v58 =	vor.u32 $0x1C0, v60;
	v1 =	vsel vm2, $0x160, v47;
	vm3 =	vcmask $0x704;
	[tilespmem:$0x1FFB0] =	vst v57  }
0x1d: {  	v59 =	vimm.s32 $0x1B1;
	s14 =	simm.s32 $0x600;
	s7 =	sshll.u32 s1, $0x7;
	v61 =	vor.u32 $0x1D0, v60;
	s8 =	sshll.u32 s6, $0x6;
	v1 =	vsel vm3, $0x161, v1;
	[tilespmem:$0x1FFC0] =	vst v58  }
0x1e: {  	s15 =	simm.s32 $0x1500;
	v63 =	vsel vm2, $0x1B0, v59;
	s6 =	ssub.s32 $0x2, s6;
	s7 =	sor.u32 s8, s7;
	v51 =	vsel vm4, $0x162, v1;
	v1 =	vsel vm2, $0x1E0, v55;
	[tilespmem:$0x1FFD0] =	vst v61  }
0x1f: {  	s16 =	simm.s32 $0x2;
	s30 =	sshrl.u32 s6, $0x1;
	s7 =	sadd.s32 s7, s5;
	[tilespmem:$0x1FFF0] =	vst v63;
	v1 =	vsel vm3, $0x1E1, v1  }
0x20: {  	s17 =	simm.s32 $0x0;
	s31 =	ssub.s32 s6, s30;
	s5 =	sadd.s32 $0x600, s7;
	[tilespmem:$0x1FF60] =	vst v51;
	v62 =	vsel vm4, $0x1E2, v1  }
0x21: {  	vm0 =	vmmov $0xf;
	vm1 =	vmmov $0x3;
	s6 =	sadd.s32 $0xE00, s7;
	s7 =	sadd.s32 $0x1600, s7;
	s8 =	smax.u32 s31, $0x1;
	[tilespmem:$0x1FFE0] =	vst v62  }
.LBB2_1:
0x22: {  	[tilespmem:s4], [sflag:$0x1] =	stream.linear.gather [hbm4b:s5+s4], $0x200, $0x38;
	[tilespmem:$0x1700] =	vst v63  }
0x23: {  	_ = 	snop  }
0x24: {  	[tilespmem:s9], [sflag:$0x1] =	stream.linear.gather [hbm4b:s6+s4], $0x200, $0x38;
	[tilespmem:$0x1700] =	vst v63  }
0x25: {  	_ = 	snop  }
0x26: {  	[tilespmem:s10], [sflag:$0x1] =	stream.linear.gather [hbm4b:s0+s4], $0xD80, $0x38;
	[tilespmem:$0x1700] =	vst v63  }
0x27: {  	_ = 	snop  }
0x28: {  	[tilespmem:s11], [sflag:$0x1] =	stream.linear.gather [hbm4b:s3+s4], $0x80, $0x38;
	[tilespmem:$0x1700] =	vst v63  }
0x29: {  	_ =	swait.ge [sflag:s12], $0x200  }
0x2a: {  	[sflag:s12] =	ssyncset.done $0x0  }
0x2b: {  	[sflag:s12] =	ssyncadd.s32 $0xFFFFFE00  }
0x2c: {  	_ =	swait.ge [sflag:s12], $0x200  }
0x2d: {  	[sflag:s12] =	ssyncset.done $0x0  }
0x2e: {  	[sflag:s12] =	ssyncadd.s32 $0xFFFFFE00  }
0x2f: {  	_ =	swait.ge [sflag:s12], $0xD80  }
0x30: {  	[sflag:s12] =	ssyncset.done $0x0  }
0x31: {  	[sflag:s12] =	ssyncadd.s32 $0xFFFFF280  }
0x32: {  	_ =	swait.ge [sflag:s12], $0x80  }
0x33: {  	[sflag:s12] =	ssyncset.done $0x0;
	v0 =	vld [tilespmem:$0x1FE10]  }
0x34: {  	[sflag:s12] =	ssyncadd.s32 $0xFFFFFF80  }
0x35: {  	v1 =	vld.idx.msk [tilespmem:v60+s4+$0x0], $0xffff;
	_ =	sdelay $0x3  }
0x36: {  	v2 =	vld [tilespmem:$0x1FE20]  }
0x37: {  	[tilespmem:$0x400] =	vst v1  }
0x38: {  	v1 =	vld.idx.msk [tilespmem:v0+s4+$0x0], $0xffff;
	_ =	sdelay $0x4  }
0x39: {  	[tilespmem:$0x410] =	vst v1  }
0x3a: {  	v1 =	vld.idx.msk [tilespmem:v2+s4+$0x0], $0xffff;
	_ =	sdelay $0x4  }
0x3b: {  	[tilespmem:$0x420] =	vst v1;
	v1 =	vld [tilespmem:$0x1FE30];
	_ =	sdelay $0x7  }
0x3c: {  	v1 =	vld.idx.msk [tilespmem:v1+s4+$0x0], $0xffff;
	_ =	sdelay $0x4  }
0x3d: {  	[tilespmem:$0x430] =	vst v1;
	v1 =	vld [tilespmem:$0x1FE40];
	_ =	sdelay $0x7  }
0x3e: {  	v1 =	vld.idx.msk [tilespmem:v1+s4+$0x0], $0xffff;
	_ =	sdelay $0x4  }
0x3f: {  	[tilespmem:$0x440] =	vst v1;
	v1 =	vld [tilespmem:$0x1FE50];
	_ =	sdelay $0x7  }
0x40: {  	v1 =	vld.idx.msk [tilespmem:v1+s4+$0x0], $0xffff;
	_ =	sdelay $0x4  }
0x41: {  	[tilespmem:$0x450] =	vst v1;
	v1 =	vld [tilespmem:$0x1FE60];
	_ =	sdelay $0x7  }
0x42: {  	v1 =	vld.idx.msk [tilespmem:v1+s4+$0x0], $0xffff;
	_ =	sdelay $0x4  }
0x43: {  	v1 =	vnsel vm0, $0x0, v1  }
0x44: {  	[tilespmem:$0x460] =	vst v1  }
0x45: {  	v1 =	vld.idx.msk [tilespmem:v60+s9+$0x0], $0xffff;
	_ =	sdelay $0x4  }
0x46: {  	[tilespmem:$0x600] =	vst v1  }
0x47: {  	v1 =	vld.idx.msk [tilespmem:v0+s9+$0x0], $0xffff;
	_ =	sdelay $0x3  }
0x48: {  	v0 =	vld [tilespmem:$0x1FE70]  }
0x49: {  	[tilespmem:$0x610] =	vst v1  }
0x4a: {  	v1 =	vld.idx.msk [tilespmem:v2+s9+$0x0], $0xffff;
	_ =	sdelay $0x4  }
0x4b: {  	[tilespmem:$0x620] =	vst v1  }
0x4c: {  	v1 =	vld.idx.msk [tilespmem:v0+s9+$0x0], $0xffff  }
0x4d: {  	v0 =	vld [tilespmem:$0x1FE80];
	_ =	sdelay $0x5  }
0x4e: {  	v2 =	vld [tilespmem:$0x1FE90];
	v1 =	vnsel vm1, $0x0, v1  }
0x4f: {  	[tilespmem:$0x630] =	vst v1  }
0x50: {  	v1 =	vld.idx.msk [tilespmem:v0+s4+$0x0], $0xffff;
	_ =	sdelay $0x3  }
0x51: {  	v3 =	vld [tilespmem:$0x1FEA0]  }
0x52: {  	[tilespmem:$0x470] =	vst v1  }
0x53: {  	v1 =	vld.idx.msk [tilespmem:v2+s4+$0x0], $0xffff;
	_ =	sdelay $0x4  }
0x54: {  	[tilespmem:$0x480] =	vst v1  }
0x55: {  	v1 =	vld.idx.msk [tilespmem:v3+s4+$0x0], $0xffff;
	_ =	sdelay $0x4  }
0x56: {  	[tilespmem:$0x490] =	vst v1;
	v1 =	vld [tilespmem:$0x1FEB0];
	_ =	sdelay $0x7  }
0x57: {  	v1 =	vld.idx.msk [tilespmem:v1+s4+$0x0], $0xffff;
	_ =	sdelay $0x4  }
0x58: {  	[tilespmem:$0x4A0] =	vst v1;
	v1 =	vld [tilespmem:$0x1FEC0];
	_ =	sdelay $0x7  }
0x59: {  	v1 =	vld.idx.msk [tilespmem:v1+s4+$0x0], $0xffff;
	_ =	sdelay $0x4  }
0x5a: {  	[tilespmem:$0x4B0] =	vst v1;
	v1 =	vld [tilespmem:$0x1FED0];
	_ =	sdelay $0x7  }
0x5b: {  	v1 =	vld.idx.msk [tilespmem:v1+s4+$0x0], $0xffff;
	_ =	sdelay $0x4  }
0x5c: {  	[tilespmem:$0x4C0] =	vst v1;
	v1 =	vld [tilespmem:$0x1FEE0];
	_ =	sdelay $0x7  }
0x5d: {  	v1 =	vld.idx.msk [tilespmem:v1+s4+$0x0], $0xffff;
	_ =	sdelay $0x4  }
0x5e: {  	v1 =	vnsel vm0, $0x0, v1  }
0x5f: {  	[tilespmem:$0x4D0] =	vst v1  }
0x60: {  	v1 =	vld.idx.msk [tilespmem:v0+s9+$0x0], $0xffff;
	_ =	sdelay $0x4  }
0x61: {  	[tilespmem:$0x640] =	vst v1  }
0x62: {  	v1 =	vld.idx.msk [tilespmem:v2+s9+$0x0], $0xffff;
	_ =	sdelay $0x3  }
0x63: {  	v0 =	vld [tilespmem:$0x1FEF0]  }
0x64: {  	[tilespmem:$0x650] =	vst v1  }
0x65: {  	v1 =	vld.idx.msk [tilespmem:v3+s9+$0x0], $0xffff;
	_ =	sdelay $0x4  }
0x66: {  	[tilespmem:$0x660] =	vst v1  }
0x67: {  	v1 =	vld.idx.msk [tilespmem:v0+s9+$0x0], $0xffff  }
0x68: {  	v0 =	vld [tilespmem:$0x1FF00];
	_ =	sdelay $0x5  }
0x69: {  	v2 =	vld [tilespmem:$0x1FF10];
	v1 =	vnsel vm1, $0x0, v1  }
0x6a: {  	[tilespmem:$0x670] =	vst v1  }
0x6b: {  	v1 =	vld.idx.msk [tilespmem:v0+s4+$0x0], $0xffff;
	_ =	sdelay $0x3  }
0x6c: {  	v3 =	vld [tilespmem:$0x1FF20]  }
0x6d: {  	[tilespmem:$0x4E0] =	vst v1  }
0x6e: {  	v1 =	vld.idx.msk [tilespmem:v2+s4+$0x0], $0xffff;
	_ =	sdelay $0x4  }
0x6f: {  	[tilespmem:$0x4F0] =	vst v1  }
0x70: {  	v1 =	vld.idx.msk [tilespmem:v3+s4+$0x0], $0xffff;
	_ =	sdelay $0x4  }
0x71: {  	[tilespmem:$0x500] =	vst v1;
	v1 =	vld [tilespmem:$0x1FF30];
	_ =	sdelay $0x7  }
0x72: {  	v1 =	vld.idx.msk [tilespmem:v1+s4+$0x0], $0xffff;
	_ =	sdelay $0x4  }
0x73: {  	[tilespmem:$0x510] =	vst v1;
	v1 =	vld [tilespmem:$0x1FF40];
	_ =	sdelay $0x7  }
0x74: {  	v1 =	vld.idx.msk [tilespmem:v1+s4+$0x0], $0xffff;
	_ =	sdelay $0x4  }
0x75: {  	[tilespmem:$0x520] =	vst v1;
	v1 =	vld [tilespmem:$0x1FF50];
	_ =	sdelay $0x7  }
0x76: {  	v1 =	vld.idx.msk [tilespmem:v1+s4+$0x0], $0xffff;
	_ =	sdelay $0x4  }
0x77: {  	[tilespmem:$0x530] =	vst v1;
	v1 =	vld [tilespmem:$0x1FF60];
	_ =	sdelay $0x7  }
0x78: {  	v1 =	vld.idx.msk [tilespmem:v1+s4+$0x0], $0xffff;
	_ =	sdelay $0x4  }
0x79: {  	v1 =	vnsel vm0, $0x0, v1  }
0x7a: {  	[tilespmem:$0x540] =	vst v1  }
0x7b: {  	v1 =	vld.idx.msk [tilespmem:v0+s9+$0x0], $0xffff;
	_ =	sdelay $0x4  }
0x7c: {  	[tilespmem:$0x680] =	vst v1  }
0x7d: {  	v1 =	vld.idx.msk [tilespmem:v2+s9+$0x0], $0xffff;
	_ =	sdelay $0x3  }
0x7e: {  	v0 =	vld [tilespmem:$0x1FF70]  }
0x7f: {  	[tilespmem:$0x690] =	vst v1  }
0x80: {  	v1 =	vld.idx.msk [tilespmem:v3+s9+$0x0], $0xffff;
	_ =	sdelay $0x4  }
0x81: {  	[tilespmem:$0x6A0] =	vst v1  }
0x82: {  	v1 =	vld.idx.msk [tilespmem:v0+s9+$0x0], $0xffff  }
0x83: {  	v0 =	vld [tilespmem:$0x1FF80];
	_ =	sdelay $0x5  }
0x84: {  	v2 =	vld [tilespmem:$0x1FF90];
	v1 =	vnsel vm1, $0x0, v1  }
0x85: {  	[tilespmem:$0x6B0] =	vst v1  }
0x86: {  	v1 =	vld.idx.msk [tilespmem:v0+s4+$0x0], $0xffff;
	_ =	sdelay $0x3  }
0x87: {  	v3 =	vld [tilespmem:$0x1FFA0]  }
0x88: {  	[tilespmem:$0x550] =	vst v1  }
0x89: {  	v1 =	vld.idx.msk [tilespmem:v2+s4+$0x0], $0xffff;
	_ =	sdelay $0x4  }
0x8a: {  	[tilespmem:$0x560] =	vst v1  }
0x8b: {  	v1 =	vld.idx.msk [tilespmem:v3+s4+$0x0], $0xffff;
	_ =	sdelay $0x4  }
0x8c: {  	[tilespmem:$0x570] =	vst v1;
	v1 =	vld [tilespmem:$0x1FFB0];
	_ =	sdelay $0x7  }
0x8d: {  	v1 =	vld.idx.msk [tilespmem:v1+s4+$0x0], $0xffff;
	_ =	sdelay $0x4  }
0x8e: {  	[tilespmem:$0x580] =	vst v1;
	v1 =	vld [tilespmem:$0x1FFC0];
	_ =	sdelay $0x7  }
0x8f: {  	v1 =	vld.idx.msk [tilespmem:v1+s4+$0x0], $0xffff;
	_ =	sdelay $0x4  }
0x90: {  	[tilespmem:$0x590] =	vst v1;
	v1 =	vld [tilespmem:$0x1FFD0];
	_ =	sdelay $0x7  }
0x91: {  	v1 =	vld.idx.msk [tilespmem:v1+s4+$0x0], $0xffff;
	_ =	sdelay $0x4  }
0x92: {  	[tilespmem:$0x5A0] =	vst v1;
	v1 =	vld [tilespmem:$0x1FFE0];
	_ =	sdelay $0x7  }
0x93: {  	v1 =	vld.idx.msk [tilespmem:v1+s4+$0x0], $0xffff;
	_ =	sdelay $0x4  }
0x94: {  	v1 =	vnsel vm0, $0x0, v1  }
0x95: {  	[tilespmem:$0x5B0] =	vst v1  }
0x96: {  	v1 =	vld.idx.msk [tilespmem:v0+s9+$0x0], $0xffff;
	_ =	sdelay $0x4  }
0x97: {  	[tilespmem:$0x6C0] =	vst v1  }
0x98: {  	v1 =	vld.idx.msk [tilespmem:v2+s9+$0x0], $0xffff;
	_ =	sdelay $0x3  }
0x99: {  	v0 =	vld [tilespmem:$0x1FFF0]  }
0x9a: {  	[tilespmem:$0x6D0] =	vst v1  }
0x9b: {  	v1 =	vld.idx.msk [tilespmem:v3+s9+$0x0], $0xffff;
	_ =	sdelay $0x4  }
0x9c: {  	[tilespmem:$0x6E0] =	vst v1  }
0x9d: {  	v1 =	vld.idx.msk [tilespmem:v0+s9+$0x0], $0xffff;
	_ =	sdelay $0x4  }
0x9e: {  	v1 =	vnsel vm1, $0x0, v1  }
0x9f: {  	s18 =	simm.s32 $0x0;
	[tilespmem:$0x6F0] =	vst v1  }
0xa0: {  	v1 =	vld [tilespmem:s18+$0x720]  }
0xa1: {  	v2 =	vld [tilespmem:s18+$0x710]  }
0xa2: {  	v3 =	vld [tilespmem:s18+$0x730];
	_ =	sdelay $0x2  }
0xa3: {  	v4 =	vshrl.u32 v1, $0x7  }
0xa4: {  	v5 =	vshrl.u32 v2, $0x7  }
0xa5: {  	v8 =	vand.u32 $0x7F, v3  }
0xa6: {  	v2 =	vand.u32 $0x7F, v2  }
0xa7: {  	v6 =	vld [tilespmem:s18+$0x700];
	v1 =	vand.u32 $0x7F, v1  }
0xa8: {  	v13 =	vadd.s32 $0xC0, v5;
	v10 =	vld.idx.msk [tilespmem:v4+s14+$0x0], $0xffff  }
0xa9: {  	v14 =	vadd.s32 $0xE0, v8;
	v11 =	vld.idx.msk [tilespmem:v5+s14+$0x0], $0xffff  }
0xaa: {  	v22 =	vadd.s32 $0xE0, v1;
	v12 =	vld.idx.msk [tilespmem:v8+s13+$0x0], $0xffff  }
0xab: {  	v24 =	vadd.s32 $0x150, v2;
	v17 =	vld.idx.msk [tilespmem:v2+s13+$0x0], $0xffff  }
0xac: {  	v7 =	vadd.s32 $0x80, v5;
	v51 =	vadd.s32 $0xE0, v2;
	v25 =	vld.idx.msk [tilespmem:v1+s13+$0x0], $0xffff  }
0xad: {  	v9 =	vand.u32 $0x7F, v5;
	v26 =	vadd.s32 $0x150, v8;
	v7 =	vand.u32 $0x3FFFF80, v7;
	v13 =	vld.idx.msk [tilespmem:v13+s14+$0x0], $0xffff  }
0xae: {  	v7 =	vor.u32 v9, v7;
	v9 =	vshrl.u32 v3, $0x7;
	v14 =	vld.idx.msk [tilespmem:v14+s13+$0x0], $0xffff  }
0xaf: {  	v21 =	vadd.s32 $0x80, v9;
	v22 =	vld.idx.msk [tilespmem:v22+s13+$0x0], $0xffff  }
0xb0: {  	v3 =	vshrl.u32 v6, $0x7;
	v23 =	vand.u32 $0x7F, v9;
	v21 =	vand.u32 $0x3FFFF80, v21;
	v24 =	vld.idx.msk [tilespmem:v24+s13+$0x0], $0xffff  }
0xb1: {  	v6 =	vand.u32 $0x7F, v6;
	v21 =	vor.u32 v23, v21;
	v23 =	vld.idx.msk [tilespmem:v51+s13+$0x0], $0xffff  }
0xb2: {  	v16 =	vadd.s32 $0xE0, v6;
	v26 =	vld.idx.msk [tilespmem:v26+s13+$0x0], $0xffff  }
0xb3: {  	v33 =	vimm.f32 $0.0e+00;
	v20 =	vadd.s32 $0x150, v6;
	v7 =	vld.idx.msk [tilespmem:v7+s14+$0x0], $0xffff  }
0xb4: {  	v42 =	vimm.f32 $0.0e+00;
	v57 =	vimm.f32 $0.0e+00;
	v31 =	vadd.s32 $0xC0, v9;
	v15 =	vld.idx.msk [tilespmem:v9+s14+$0x0], $0xffff  }
0xb5: {  	v46 =	vimm.f32 $0.0e+00;
	v44 =	vimm.f32 $0.0e+00;
	v5 =	vadd.s32 $0x40, v5;
	v18 =	vld.idx.msk [tilespmem:v3+s14+$0x0], $0xffff  }
0xb6: {  	v45 =	vimm.f32 $0.0e+00;
	v49 =	vimm.f32 $0.0e+00;
	v2 =	vadd.s32 $0x70, v2;
	v19 =	vld.idx.msk [tilespmem:v6+s13+$0x0], $0xffff  }
0xb7: {  	v55 =	vimm.f32 $0.0e+00;
	v27 =	vadd.s32 $0x80, v4;
	v29 =	vadd.s32 $0xC0, v3;
	v16 =	vld.idx.msk [tilespmem:v16+s13+$0x0], $0xffff  }
0xb8: {  	v28 =	vand.u32 $0x7F, v4;
	v27 =	vand.u32 $0x3FFFF80, v27;
	v52 =	vadd.s32 $0x80, v3;
	v20 =	vld.idx.msk [tilespmem:v20+s13+$0x0], $0xffff  }
0xb9: {  	v27 =	vor.u32 v28, v27;
	v30 =	vand.u32 $0x7F, v3;
	v28 =	vand.u32 $0x3FFFF80, v52;
	v61 =	vld.idx.msk [tilespmem:v31+s14+$0x0], $0xffff  }
0xba: {  	v54 =	vimm.f32 $0.0e+00;
	v32 =	vadd.s32 $0xC0, v4;
	v28 =	vor.u32 v30, v28;
	v5 =	vld.idx.msk [tilespmem:v5+s14+$0x0], $0xffff  }
0xbb: {  	v34 =	vadd.s32 $0x40, v4;
	v62 =	vadd.s32 $0x70, v1;
	v2 =	vld.idx.msk [tilespmem:v2+s13+$0x0], $0xffff;
	v4 =	vmul.f32 v11, v17  }
0xbc: {  	v53 =	vadd.s32 $0x40, v3;
	v17 =	vld.idx.msk [tilespmem:v29+s14+$0x0], $0xffff;
	v10 =	vmul.f32 v10, v25;
	v11 =	vmul.f32 v18, v19  }
0xbd: {  	v21 =	vld.idx.msk [tilespmem:v21+s14+$0x0], $0xffff;
	v18 =	vadd.s32 $0x70, v8;
	v8 =	vmul.f32 v15, v12;
	v19 =	vadd.s32 $0x70, v6  }
0xbe: {  	v50 =	vimm.f32 $0.0e+00;
	v63 =	vadd.s32 $0x40, v9;
	v52 =	vimm.f32 $0.0e+00;
	v12 =	vld.idx.msk [tilespmem:v27+s14+$0x0], $0xffff  }
0xbf: {  	v3 =	vadd.s32 $0x150, v1;
	v1 =	vmin.f32 v10, v8;
	v8 =	vmax.f32 v10, v8;
	v10 =	vld.idx.msk [tilespmem:v28+s14+$0x0], $0xffff  }
0xc0: {  	v51 =	vimm.f32 $0.0e+00;
	v9 =	vld.idx.msk [tilespmem:v62+s13+$0x0], $0xffff;
	v24 =	vmul.f32 v13, v24;
	v15 =	vmax.f32 v11, v4  }
0xc1: {  	v6 =	vmul.f32 v7, v23;
	v43 =	vmax.f32 v15, v8;
	v13 =	vmin.f32 v15, v8;
	v15 =	vld.idx.msk [tilespmem:v53+s14+$0x0], $0xffff  }
0xc2: {  	v56 =	vmul.f32 v61, v26;
	v4 =	vmin.f32 v11, v4;
	v2 =	vmul.f32 v5, v2;
	v8 =	vld.idx.msk [tilespmem:v19+s13+$0x0], $0xffff  }
0xc3: {  	v37 =	vmul.f32 v21, v14;
	v1 =	vmax.f32 v4, v1;
	v4 =	vmul.f32 v17, v20;
	v17 =	vld.idx.msk [tilespmem:v18+s13+$0x0], $0xffff  }
0xc4: {  	v5 =	vimm.f32 $0.0e+00;
	v11 =	vmul.f32 v12, v22;
	v12 =	vmul.f32 v10, v16;
	v10 =	vld.idx.msk [tilespmem:v34+s14+$0x0], $0xffff  }
0xc5: {  	v14 =	vmax.f32 v13, v1;
	v48 =	vmax.f32 v4, v24;
	v47 =	vmin.f32 v4, v24;
	v16 =	vld.idx.msk [tilespmem:v63+s14+$0x0], $0xffff  }
0xc6: {  	s18 =	simm.s32 $0x100;
	v41 =	vld.idx.msk [tilespmem:v32+s14+$0x0], $0xffff;
	v53 =	vmin.f32 v33, v14;
	v4 =	vimm.f32 $0.0e+00;
	v7 =	vmin.f32 v11, v37  }
.LBB2_2:
0xc7: {  	s19 =	sshra.s32 s18, $0x2;
	p0 =	sne.s32 s18, $0x200;
	s18 =	sadd.s32 $0x100, s18;
	v13 =	vmin.f32 v13, v1;
	v1 =	vmin.f32 v33, v43;
	v5 =	vmax.f32 v5, v14  }
0xc8: {  	v33 =	vmax.f32 v33, v43;
	v14 =	vld [tilespmem:s19+$0x730];
	v5 =	vmax.f32 v1, v5;
	v1 =	vmin.f32 v12, v6  }
0xc9: {  	v8 =	vmul.f32 v15, v8;
	v18 =	vld [tilespmem:s19+$0x720]  }
0xca: {  	v9 =	vmul.f32 v10, v9;
	v10 =	vmul.f32 v16, v17;
	v15 =	vld [tilespmem:s19+$0x710]  }
0xcb: {  	v17 =	vmax.f32 v8, v2;
	v16 =	vld [tilespmem:s19+$0x700]  }
0xcc: {  	v2 =	vmin.f32 v8, v2;
	v8 =	vmax.f32 v9, v10;
	v9 =	vmin.f32 v9, v10  }
0xcd: {  	v19 =	vmin.f32 v17, v8;
	v2 =	vmax.f32 v2, v9;
	v10 =	vand.u32 $0x7F, v14  }
0xce: {  	v8 =	vmax.f32 v17, v8;
	v14 =	vshrl.u32 v14, $0x7;
	v9 =	vshrl.u32 v18, $0x7  }
0xcf: {  	v21 =	vmax.f32 v19, v2;
	v20 =	vadd.s32 $0x80, v14;
	v17 =	vshrl.u32 v15, $0x7  }
0xd0: {  	v2 =	vmin.f32 v19, v2;
	v20 =	vand.u32 $0x3FFFF80, v20;
	v22 =	vadd.s32 $0x80, v17  }
0xd1: {  	v23 =	vmin.f32 v4, v8;
	v19 =	vand.u32 $0x7F, v17;
	v22 =	vand.u32 $0x3FFFF80, v22  }
0xd2: {  	v24 =	vmin.f32 v42, v21;
	v19 =	vor.u32 v19, v22;
	v22 =	vand.u32 $0x7F, v9  }
0xd3: {  	v2 =	vmax.f32 v57, v2;
	v15 =	vand.u32 $0x7F, v15;
	v26 =	vadd.s32 $0x80, v9;
	v25 =	vld.idx.msk [tilespmem:v9+s14+$0x0], $0xffff  }
0xd4: {  	v29 =	vadd.s32 $0xE0, v10;
	v23 =	vmax.f32 v23, v24;
	v27 =	vand.u32 $0x7F, v16;
	v28 =	vld.idx.msk [tilespmem:v17+s14+$0x0], $0xffff  }
0xd5: {  	v16 =	vshrl.u32 v16, $0x7;
	v24 =	vand.u32 $0x3FFFF80, v26;
	v26 =	vand.u32 $0x7F, v14;
	v30 =	vld.idx.msk [tilespmem:v3+s13+$0x0], $0xffff  }
0xd6: {  	v31 =	vadd.s32 $0xE0, v15;
	v32 =	vadd.s32 $0x150, v15;
	v57 =	vmax.f32 v2, v23;
	v34 =	vld.idx.msk [tilespmem:v10+s13+$0x0], $0xffff  }
0xd7: {  	v4 =	vmax.f32 v4, v21;
	v2 =	vadd.s32 $0x40, v16;
	v3 =	vadd.s32 $0xC0, v17;
	v19 =	vld.idx.msk [tilespmem:v19+s14+$0x0], $0xffff  }
0xd8: {  	v36 =	vmin.f32 v42, v8;
	v21 =	vadd.s32 $0xE0, v27;
	v23 =	vadd.s32 $0x150, v27;
	v35 =	vld.idx.msk [tilespmem:v14+s14+$0x0], $0xffff  }
0xd9: {  	v40 =	vadd.s32 $0x150, v10;
	v39 =	vadd.s32 $0xC0, v9;
	v4 =	vmax.f32 v36, v4;
	v38 =	vld.idx.msk [tilespmem:v15+s13+$0x0], $0xffff  }
0xda: {  	v42 =	vmax.f32 v42, v8;
	v58 =	vadd.s32 $0x70, v15;
	v15 =	vadd.s32 $0x40, v17;
	v36 =	vld.idx.msk [tilespmem:v16+s14+$0x0], $0xffff  }
0xdb: {  	v20 =	vor.u32 v26, v20;
	v17 =	vor.u32 v22, v24;
	v8 =	vld.idx.msk [tilespmem:v27+s13+$0x0], $0xffff  }
0xdc: {  	v18 =	vand.u32 $0x7F, v18;
	v26 =	vadd.s32 $0x40, v9;
	v22 =	vadd.s32 $0x80, v16;
	v24 =	vld.idx.msk [tilespmem:v3+s14+$0x0], $0xffff  }
0xdd: {  	v9 =	vand.u32 $0x3FFFF80, v22;
	v22 =	vadd.s32 $0x70, v10;
	v3 =	vadd.s32 $0x150, v18;
	v10 =	vld.idx.msk [tilespmem:v29+s13+$0x0], $0xffff  }
0xde: {  	v59 =	vadd.s32 $0xE0, v18;
	v29 =	vand.u32 $0x7F, v16;
	v34 =	vmul.f32 v35, v34;
	v21 =	vld.idx.msk [tilespmem:v21+s13+$0x0], $0xffff  }
0xdf: {  	v11 =	vmax.f32 v11, v37;
	v30 =	vmul.f32 v41, v30;
	v16 =	vadd.s32 $0xC0, v16;
	v41 =	vld.idx.msk [tilespmem:v39+s14+$0x0], $0xffff  }
0xe0: {  	v6 =	vmax.f32 v12, v6;
	v1 =	vmax.f32 v1, v7;
	v28 =	vmul.f32 v28, v38;
	v35 =	vld.idx.msk [tilespmem:v15+s14+$0x0], $0xffff  }
0xe1: {  	v12 =	vmin.f32 v6, v11;
	v9 =	vor.u32 v29, v9;
	v7 =	vmul.f32 v36, v8;
	v8 =	vld.idx.msk [tilespmem:v18+s13+$0x0], $0xffff  }
0xe2: {  	v6 =	vmax.f32 v6, v11;
	v27 =	vadd.s32 $0x70, v27;
	v29 =	vadd.s32 $0xC0, v14;
	v23 =	vld.idx.msk [tilespmem:v23+s13+$0x0], $0xffff  }
0xe3: {  	v15 =	vmax.f32 v12, v1;
	v36 =	vmax.f32 v7, v28;
	v7 =	vmin.f32 v7, v28;
	v11 =	vld.idx.msk [tilespmem:v59+s13+$0x0], $0xffff  }
0xe4: {  	v1 =	vmin.f32 v12, v1;
	v12 =	vmin.f32 v46, v6;
	v28 =	vld.idx.msk [tilespmem:v32+s13+$0x0], $0xffff;
	v32 =	vmin.f32 v44, v15  }
0xe5: {  	v37 =	vmax.f32 v46, v15;
	v1 =	vmax.f32 v45, v1;
	v20 =	vld.idx.msk [tilespmem:v20+s14+$0x0], $0xffff;
	v12 =	vmax.f32 v12, v32  }
0xe6: {  	v32 =	vmin.f32 v44, v6;
	v44 =	vmax.f32 v44, v6;
	v31 =	vld.idx.msk [tilespmem:v31+s13+$0x0], $0xffff;
	v45 =	vmax.f32 v1, v12  }
0xe7: {  	v1 =	vmul.f32 v25, v8;
	v46 =	vmax.f32 v32, v37;
	v15 =	vld.idx.msk [tilespmem:v2+s14+$0x0], $0xffff;
	v2 =	vmin.f32 v49, v43  }
0xe8: {  	v6 =	vmax.f32 v30, v56;
	v30 =	vmin.f32 v30, v56;
	v25 =	vmax.f32 v55, v13;
	v12 =	vld.idx.msk [tilespmem:v40+s13+$0x0], $0xffff  }
0xe9: {  	v18 =	vadd.s32 $0x70, v18;
	v39 =	vmin.f32 v48, v6;
	v49 =	vmovc v5;
	v38 =	vmin.f32 v1, v34;
	v32 =	vld.idx.msk [tilespmem:v58+s13+$0x0], $0xffff  }
0xea: {  	v1 =	vmax.f32 v1, v34;
	v24 =	vmul.f32 v24, v28;
	v28 =	vmax.f32 v48, v6;
	v16 =	vld.idx.msk [tilespmem:v16+s14+$0x0], $0xffff  }
0xeb: {  	v2 =	vmax.f32 v2, v53;
	v43 =	vmax.f32 v36, v1;
	v37 =	vmul.f32 v20, v10;
	v8 =	vld.idx.msk [tilespmem:v27+s13+$0x0], $0xffff  }
0xec: {  	v14 =	vadd.s32 $0x40, v14;
	v13 =	vmin.f32 v36, v1;
	v6 =	vmul.f32 v19, v31;
	v17 =	vld.idx.msk [tilespmem:v17+s14+$0x0], $0xffff  }
0xed: {  	v55 =	vmax.f32 v25, v2;
	v1 =	vmax.f32 v47, v30;
	v54 =	vmax.f32 v54, v28;
	v19 =	vld.idx.msk [tilespmem:v29+s14+$0x0], $0xffff  }
0xee: {  	v2 =	vmax.f32 v39, v1;
	v25 =	vmin.f32 v39, v1;
	v27 =	vmin.f32 v52, v28;
	v20 =	vld.idx.msk [tilespmem:v9+s14+$0x0], $0xffff  }
0xef: {  	v9 =	vld.idx.msk [tilespmem:v18+s13+$0x0], $0xffff;
	v18 =	vmin.f32 v51, v28;
	v28 =	vmax.f32 v52, v2;
	v2 =	vmin.f32 v51, v2  }
.Ltmp0:
0xf0: {  	v1 =	vmax.f32 v7, v38;
	v7 =	vmax.f32 v50, v25;
	v10 =	vld.idx.msk [tilespmem:v26+s14+$0x0], $0xffff;
	v25 =	vmax.f32 v27, v2;
	(pc) =	sbr.rel @p0 .LBB2_2-.Ltmp0, $4  }
0xf1: {  	v23 =	vmul.f32 v16, v23;
	v2 =	vmul.f32 v35, v32;
	v16 =	vld.idx.msk [tilespmem:v14+s14+$0x0], $0xffff;
	v50 =	vmax.f32 v7, v25  }
0xf2: {  	v52 =	vmax.f32 v18, v28;
	v11 =	vmul.f32 v17, v11;
	v14 =	vmax.f32 v13, v1;
	v17 =	vld.idx.msk [tilespmem:v22+s13+$0x0], $0xffff  }
0xf3: {  	v51 =	vmovc v54;
	v48 =	vmax.f32 v23, v24;
	v47 =	vmin.f32 v23, v24;
	v56 =	vmul.f32 v19, v12  }
0xf4: {  	v53 =	vmin.f32 v33, v14;
	v12 =	vmul.f32 v20, v21;
	v7 =	vmin.f32 v11, v37  }
0xf5: {  	v18 =	vmax.f32 v33, v43  }
0xf6: {  	(xrf0) =	vmax.scan.msk.f32 $0xffff, v18;
	_ =	sdelay $0x5  }
0xf7: {  	v0, _, _ =	vpop (xrf0)  }
0xf8: {  	v19 =	vbroadcast v0, $0xF;
	_ =	sdelay $0x1  }
0xf9: {  	v9 =	vmul.f32 v10, v9;
	v10 =	vmul.f32 v16, v17;
	vm2 =	veq.f32 v18, v19  }
0xfa: {  	v8 =	vmul.f32 v15, v8;
	v5 =	vmax.f32 v5, v14;
	v14 =	vmctz.xlane vm2  }
0xfb: {  	v20 =	vmin.f32 v33, v43;
	v15 =	vmax.f32 v9, v10  }
0xfc: {  	[tilespmem:$0x1FC90] =	vst v0;
	v0 =	vmax.f32 v20, v5;
	v5 =	vmax.f32 v8, v2;
	vm2 =	veq.s32 v14, v60  }
0xfd: {  	v14 =	vmax.f32 v5, v15;
	v32 =	vsel vm2, v0, v18  }
0xfe: {  	v16 =	vmax.f32 v42, v14;
	(xrf0) =	vmax.scan.msk.f32 $0xffff, v32  }
0xff: {  	(xrf0) =	vmax.scan.msk.f32 $0xffff, v16;
	_ =	sdelay $0x4  }
0x100: {  	v31, _, _ =	vpop (xrf0)  }
0x101: {  	[tilespmem:$0x1FCA0] =	vst v0;
	v0, _, _ =	vpop (xrf0)  }
0x102: {  	v2 =	vmin.f32 v8, v2;
	v8 =	vmin.f32 v9, v10;
	v9 =	vbroadcast v0, $0xF  }
0x103: {  	v2 =	vmax.f32 v2, v8;
	v5 =	vmin.f32 v5, v15  }
0x104: {  	v8 =	vmax.f32 v5, v2;
	vm3 =	veq.f32 v16, v9  }
0x105: {  	v10 =	vmin.f32 v42, v14;
	v9 =	vmax.f32 v4, v8;
	v15 =	vmctz.xlane vm3  }
0x106: {  	[tilespmem:$0x1FCB0] =	vst v0;
	v0 =	vmax.f32 v10, v9  }
0x107: {  	v9 =	vmax.f32 v11, v37;
	v10 =	vmax.f32 v12, v6;
	vm3 =	veq.s32 v15, v60  }
0x108: {  	v11 =	vmax.f32 v10, v9;
	v63 =	vsel vm3, v0, v16  }
0x109: {  	v3 =	vld.idx.msk [tilespmem:v3+s13+$0x0], $0xffff;
	v15 =	vmax.f32 v44, v11;
	(xrf0) =	vmax.scan.msk.f32 $0xffff, v63  }
0x10a: {  	(xrf0) =	vmax.scan.msk.f32 $0xffff, v15;
	_ =	sdelay $0x1  }
0x10b: {  	v1 =	vmin.f32 v13, v1  }
0x10c: {  	v1 =	vmax.f32 v55, v1  }
0x10d: {  	v3 =	vmul.f32 v41, v3;
	v2 =	vmin.f32 v5, v2;
	v5 =	vmin.f32 v42, v8  }
0x10e: {  	v2 =	vmax.f32 v57, v2;
	v4 =	vmin.f32 v4, v14;
	v6 =	vmin.f32 v12, v6;
	[tilespmem:$0x1FCC0] =	vst v0;
	v0, _, _ =	vpop (xrf0)  }
0x10f: {  	s18 =	simm.s32 $0x0;
	v4 =	vmax.f32 v4, v5;
	v5 =	vmax.f32 v3, v56;
	v3 =	vmin.f32 v3, v56;
	v12, _, _ =	vpop (xrf0)  }
0x110: {  	v6 =	vmax.f32 v6, v7;
	v7 =	vmin.f32 v10, v9;
	[tilespmem:$0x1FCD0] =	vst v12;
	v8 =	vbroadcast v12, $0xF;
	v12 =	vld [tilespmem:s18+$0x7F0]  }
0x111: {  	v2 =	vmax.f32 v2, v4;
	v3 =	vmax.f32 v47, v3;
	v10 =	vmax.f32 v7, v6  }
0x112: {  	v9 =	vld [tilespmem:s18+$0x7D0];
	v14 =	vmin.f32 v44, v11;
	v6 =	vmin.f32 v7, v6;
	v11 =	vmin.f32 v46, v11  }
0x113: {  	v13 =	vmax.f32 v46, v10;
	v10 =	vmin.f32 v44, v10;
	vm4 =	veq.f32 v15, v8  }
0x114: {  	v6 =	vmax.f32 v45, v6;
	v10 =	vmax.f32 v11, v10;
	v16 =	vmctz.xlane vm4  }
0x115: {  	[tilespmem:$0x1FCF0] =	vst v2;
	v17 =	vmax.f32 v14, v13;
	v2 =	vmax.f32 v6, v10;
	v14 =	vand.u32 $0x7F, v12  }
0x116: {  	v6 =	vmin.f32 v49, v43;
	v8 =	vld [tilespmem:s18+$0x7E0];
	vm4 =	veq.s32 v16, v60;
	v12 =	vshrl.u32 v12, $0x7  }
0x117: {  	[tilespmem:$0x1FCE0] =	vst v17;
	v6 =	vmax.f32 v6, v53;
	v34 =	vsel vm4, v17, v15;
	v15 =	vshrl.u32 v9, $0x7  }
0x118: {  	v13 =	vmax.f32 v48, v5;
	[tilespmem:$0x1FD00] =	vst v2;
	v1 =	vmax.f32 v1, v6;
	v9 =	vand.u32 $0x7F, v9  }
0x119: {  	[tilespmem:$0x1FD20] =	vst v1;
	v16 =	vmax.f32 v54, v13;
	v17 =	vld [tilespmem:s18+$0x7C0];
	v22 =	vadd.s32 $0xE0, v14;
	v19 =	vadd.s32 $0x80, v15  }
0x11a: {  	v1 =	vadd.s32 $0xC0, v12;
	(xrf0) =	vmax.scan.msk.f32 $0xffff, v34;
	v7 =	vand.u32 $0x7F, v15;
	v19 =	vand.u32 $0x3FFFF80, v19;
	v11 =	vld.idx.msk [tilespmem:v14+s13+$0x0], $0xffff  }
0x11b: {  	v18 =	vshrl.u32 v8, $0x7;
	(xrf0) =	vmax.scan.msk.f32 $0xffff, v16;
	v7 =	vor.u32 v7, v19;
	v19 =	vadd.s32 $0x80, v12;
	v2 =	vld.idx.msk [tilespmem:v12+s14+$0x0], $0xffff  }
0x11c: {  	v21 =	vand.u32 $0x7F, v12;
	v4 =	vand.u32 $0x7F, v8;
	v19 =	vand.u32 $0x3FFFF80, v19;
	v20 =	vld.idx.msk [tilespmem:v15+s14+$0x0], $0xffff  }
0x11d: {  	v5 =	vmin.f32 v48, v5;
	v27 =	vadd.s32 $0xC0, v15;
	v19 =	vor.u32 v21, v19;
	v21 =	vld.idx.msk [tilespmem:v9+s13+$0x0], $0xffff  }
0x11e: {  	v25 =	vmax.f32 v5, v3;
	v3 =	vmin.f32 v5, v3;
	v5 =	vadd.s32 $0x70, v9;
	v22 =	vld.idx.msk [tilespmem:v22+s13+$0x0], $0xffff  }
0x11f: {  	v8 =	vand.u32 $0x7F, v17;
	v17 =	vshrl.u32 v17, $0x7;
	v1 =	vld.idx.msk [tilespmem:v1+s14+$0x0], $0xffff  }
0x120: {  	v29 =	vmin.f32 v51, v13;
	v30 =	vmax.f32 v52, v25;
	v25 =	vmin.f32 v51, v25;
	v10 =	vld.idx.msk [tilespmem:v18+s14+$0x0], $0xffff;
	v35, _, _ =	vpop (xrf0)  }
0x121: {  	v3 =	vmax.f32 v50, v3;
	v29 =	vmax.f32 v29, v30;
	v13 =	vmin.f32 v52, v13;
	v6 =	vld.idx.msk [tilespmem:v4+s13+$0x0], $0xffff;
	v23, _, _ =	vpop (xrf0)  }
0x122: {  	v13 =	vmax.f32 v13, v25;
	v24 =	vadd.s32 $0xE0, v4;
	v27 =	vld.idx.msk [tilespmem:v27+s14+$0x0], $0xffff;
	[tilespmem:$0x1FD10] =	vst v23;
	v23 =	vbroadcast v23, $0xF  }
0x123: {  	v25 =	vbroadcast v0, $0xF;
	v42 =	vadd.s32 $0x150, v14;
	v3 =	vmax.f32 v3, v13;
	v5 =	vld.idx.msk [tilespmem:v5+s13+$0x0], $0xffff  }
0x124: {  	v39 =	vadd.s32 $0x80, v18;
	v12 =	vadd.s32 $0x40, v12;
	v28 =	vld.idx.msk [tilespmem:v17+s14+$0x0], $0xffff;
	vm5 =	veq.f32 v16, v23  }
0x125: {  	v40 =	vadd.s32 $0x70, v4;
	v15 =	vadd.s32 $0x40, v15;
	v19 =	vld.idx.msk [tilespmem:v19+s14+$0x0], $0xffff;
	v26 =	vmctz.xlane vm5  }
0x126: {  	v41 =	vand.u32 $0x7F, v18;
	v53 =	vand.u32 $0x3FFFF80, v39;
	v14 =	vadd.s32 $0x70, v14;
	v23 =	vld.idx.msk [tilespmem:v8+s13+$0x0], $0xffff  }
0x127: {  	[tilespmem:$0x1FD40] =	vst v31;
	v30 =	vadd.s32 $0xE0, v8;
	v4 =	vadd.s32 $0x150, v4;
	v24 =	vld.idx.msk [tilespmem:v24+s13+$0x0], $0xffff;
	vm5 =	veq.s32 v26, v60  }
0x128: {  	v7 =	vld.idx.msk [tilespmem:v7+s14+$0x0], $0xffff;
	v2 =	vmul.f32 v2, v11;
	v11 =	vmul.f32 v20, v21;
	v36 =	vsel vm5, v29, v16  }
0x129: {  	v12 =	vld.idx.msk [tilespmem:v12+s14+$0x0], $0xffff;
	v6 =	vmul.f32 v10, v6;
	v26 =	vadd.s32 $0xE0, v9;
	v16 =	vbroadcast v31, $0xF;
	(xrf0) =	vmax.scan.msk.f32 $0xffff, v36  }
0x12a: {  	[tilespmem:$0x1FD30] =	vst v29;
	v15 =	vld.idx.msk [tilespmem:v15+s14+$0x0], $0xffff;
	v9 =	vadd.s32 $0x150, v9;
	v29 =	vadd.s32 $0x150, v8;
	v31 =	vand.u32 $0x7F, v17  }
0x12b: {  	v21 =	vld.idx.msk [tilespmem:v40+s13+$0x0], $0xffff;
	v19 =	vmul.f32 v19, v22;
	v20 =	vmul.f32 v28, v23;
	vm6 =	veq.f32 v32, v16  }
0x12c: {  	[tilespmem:$0x1FD60] =	vst v3;
	v30 =	vld.idx.msk [tilespmem:v30+s13+$0x0], $0xffff;
	v23 =	vmax.f32 v6, v2;
	v2 =	vmin.f32 v6, v2;
	v3 =	vmctz.xlane vm6  }
0x12d: {  	v22 =	vld.idx.msk [tilespmem:v4+s13+$0x0], $0xffff;
	v16 =	vadd.s32 $0xC0, v17;
	vm6 =	veq.f32 v63, v25;
	v25 =	vbroadcast v35, $0xF  }
0x12e: {  	v6 =	vmax.f32 v20, v11;
	v13 =	vld.idx.msk [tilespmem:v26+s13+$0x0], $0xffff;
	v26 =	vadd.s32 $0x80, v17;
	[tilespmem:$0x1FD70] =	vst v3;
	v3 =	vadd.s32 $0x40, v18  }
0x12f: {  	[tilespmem:$0x1FD80] =	vst v0;
	v11 =	vmin.f32 v20, v11;
	v9 =	vld.idx.msk [tilespmem:v9+s13+$0x0], $0xffff;
	v26 =	vand.u32 $0x3FFFF80, v26;
	v18 =	vadd.s32 $0xC0, v18;
	v0, _, _ =	vpop (xrf0)  }
0x130: {  	v2 =	vmax.f32 v11, v2;
	v11 =	vld.idx.msk [tilespmem:v14+s13+$0x0], $0xffff;
	v26 =	vor.u32 v31, v26;
	v31 =	vbroadcast v0, $0xF  }
0x131: {  	v29 =	vld.idx.msk [tilespmem:v29+s13+$0x0], $0xffff;
	[tilespmem:$0x1FDB0] =	vst v0;
	v0 =	vmctz.xlane vm6;
	vm6 =	veq.f32 v34, v25;
	v25 =	vor.u32 v41, v53  }
0x132: {  	v16 =	vld.idx.msk [tilespmem:v16+s14+$0x0], $0xffff  }
0x133: {  	v56 =	vimm.f32 $0.0e+00;
	v8 =	vadd.s32 $0x70, v8;
	v3 =	vld.idx.msk [tilespmem:v3+s14+$0x0], $0xffff  }
0x134: {  	v17 =	vadd.s32 $0x40, v17;
	v9 =	vmul.f32 v27, v9;
	[tilespmem:$0x1FDC0] =	vst v0;
	v0 =	vmctz.xlane vm6;
	v18 =	vld.idx.msk [tilespmem:v18+s14+$0x0], $0xffff  }
0x135: {  	v7 =	vmul.f32 v7, v13;
	v13 =	vmul.f32 v15, v5;
	vm6 =	veq.f32 v36, v31;
	v10 =	vld.idx.msk [tilespmem:v26+s14+$0x0], $0xffff  }
0x136: {  	v11 =	vmul.f32 v12, v11;
	[tilespmem:$0x1FDE0] =	vst v0;
	v0 =	vmctz.xlane vm6;
	v20 =	vld.idx.msk [tilespmem:v25+s14+$0x0], $0xffff;
	v25 =	vmin.f32 v6, v23  }
0x137: {  	v26 =	vld.idx.msk [tilespmem:v42+s13+$0x0], $0xffff;
	v6 =	vmax.f32 v6, v23;
	v14 =	vmax.f32 v25, v2;
	v2 =	vmin.f32 v25, v2  }
0x138: {  	s31 =	simm.s32 $0x40;
	v23 =	vmin.f32 v56, v6;
	v31 =	vmax.f32 v56, v6;
	v4 =	vmin.f32 v56, v6;
	v6 =	vld.idx.msk [tilespmem:v8+s13+$0x0], $0xffff  }
0x139: {  	v25 =	vmin.f32 v56, v14;
	v8 =	vmax.f32 v56, v14;
	v14 =	vmul.f32 v16, v29;
	v16 =	vld [tilespmem:s31+$0x7F0]  }
0x13a: {  	v2 =	vmax.f32 v56, v2;
	v8 =	vmax.f32 v4, v8;
	v4 =	vmul.f32 v10, v30;
	v10 =	vld.idx.msk [tilespmem:v17+s14+$0x0], $0xffff  }
0x13b: {  	v21 =	vmul.f32 v3, v21;
	v12 =	vmul.f32 v18, v22;
	v23 =	vmax.f32 v23, v25;
	v17 =	vld [tilespmem:s31+$0x7E0]  }
0x13c: {  	v1 =	vmul.f32 v1, v26;
	v15 =	vmin.f32 v14, v9;
	v20 =	vmul.f32 v20, v24  }
0x13d: {  	v2 =	vmax.f32 v2, v23;
	v9 =	vmax.f32 v14, v9;
	v3 =	vmax.f32 v4, v7  }
0x13e: {  	v14 =	vld [tilespmem:s31+$0x7C0];
	v4 =	vmin.f32 v4, v7;
	v18 =	vand.u32 $0x7F, v16;
	v5 =	vmin.f32 v20, v19  }
0x13f: {  	v16 =	vshrl.u32 v16, $0x7;
	v6 =	vmul.f32 v10, v6;
	v10 =	vmax.f32 v21, v11  }
0x140: {  	v7 =	vld [tilespmem:s31+$0x7D0];
	v23 =	vshrl.u32 v17, $0x7;
	v11 =	vmin.f32 v21, v11;
	v21 =	vmax.f32 v12, v1  }
0x141: {  	v1 =	vmin.f32 v12, v1;
	v12 =	vmax.f32 v20, v19;
	v19 =	vadd.s32 $0x80, v16  }
0x142: {  	v17 =	vand.u32 $0x7F, v17;
	v52 =	vand.u32 $0x7F, v16;
	v59 =	vadd.s32 $0xE0, v18  }
0x143: {  	v19 =	vand.u32 $0x3FFFF80, v19;
	v25 =	vmin.f32 v9, v21;
	v27 =	vand.u32 $0x7F, v14  }
0x144: {  	v30 =	vshrl.u32 v14, $0x7;
	v1 =	vmax.f32 v15, v1;
	v15 =	vand.u32 $0x7F, v23  }
0x145: {  	v41 =	vadd.s32 $0x150, v17;
	v42 =	vadd.s32 $0xC0, v23;
	v22 =	vshrl.u32 v7, $0x7;
	v24 =	vld.idx.msk [tilespmem:v18+s13+$0x0], $0xffff  }
0x146: {  	v50 =	vmax.f32 v3, v12;
	v7 =	vand.u32 $0x7F, v7;
	v43 =	vmax.f32 v6, v13;
	v26 =	vld.idx.msk [tilespmem:v16+s14+$0x0], $0xffff  }
0x147: {  	v53 =	vadd.s32 $0x80, v30;
	v19 =	vor.u32 v52, v19;
	v54 =	vand.u32 $0x7F, v30;
	v29 =	vld.idx.msk [tilespmem:v23+s14+$0x0], $0xffff  }
0x148: {  	v49 =	vmin.f32 v25, v1;
	v25 =	vmax.f32 v25, v1;
	v20 =	vadd.s32 $0x80, v22;
	v61 =	vld.idx.msk [tilespmem:v17+s13+$0x0], $0xffff  }
0x149: {  	v6 =	vmin.f32 v6, v13;
	v28 =	vand.u32 $0x7F, v22;
	v20 =	vand.u32 $0x3FFFF80, v20;
	v62 =	vld.idx.msk [tilespmem:v27+s13+$0x0], $0xffff  }
0x14a: {  	v13 =	vadd.s32 $0xE0, v7;
	v14 =	vor.u32 v28, v20;
	v28 =	vadd.s32 $0x80, v23;
	v20 =	vld.idx.msk [tilespmem:v22+s14+$0x0], $0xffff  }
0x14b: {  	[tilespmem:$0x1FDA0] =	vst v35;
	v1 =	vadd.s32 $0xC0, v16;
	v35 =	vadd.s32 $0x150, v27;
	v28 =	vand.u32 $0x3FFFF80, v28;
	v58 =	vld.idx.msk [tilespmem:v7+s13+$0x0], $0xffff  }
0x14c: {  	v39 =	vadd.s32 $0xE0, v27;
	v48 =	vadd.s32 $0x40, v30;
	v45 =	vor.u32 v15, v28;
	v15 =	vld.idx.msk [tilespmem:v30+s14+$0x0], $0xffff  }
0x14d: {  	v60 =	vand.u32 $0x3FFFF80, v53;
	v6 =	vmax.f32 v6, v11;
	v11 =	vadd.s32 $0xC0, v22;
	v33 =	vld.idx.msk [tilespmem:v59+s13+$0x0], $0xffff  }
0x14e: {  	[tilespmem:$0x1FD50] =	vst v32;
	v37 =	vadd.s32 $0x40, v22;
	v46 =	vor.u32 v54, v60;
	v19 =	vld.idx.msk [tilespmem:v19+s14+$0x0], $0xffff;
	v22 =	vmax.f32 v9, v21  }
0x14f: {  	v13 =	vld.idx.msk [tilespmem:v13+s13+$0x0], $0xffff;
	v24 =	vmul.f32 v26, v24;
	v28 =	vmul.f32 v29, v61;
	v29 =	vmin.f32 v43, v10  }
0x150: {  	[tilespmem:$0x1FDF0] =	vst v36;
	v26 =	vadd.s32 $0x70, v7;
	v7 =	vadd.s32 $0x150, v7;
	v36 =	vld.idx.msk [tilespmem:v14+s14+$0x0], $0xffff;
	v32 =	vmax.f32 v29, v6  }
0x151: {  	[tilespmem:$0x1FD90] =	vst v63;
	v6 =	vmin.f32 v29, v6;
	v20 =	vmul.f32 v20, v58;
	v15 =	vmul.f32 v15, v62  }
0x152: {  	[tilespmem:$0x1FDD0] =	vst v34;
	v63 =	vld.idx.msk [tilespmem:v1+s14+$0x0], $0xffff;
	v29 =	vadd.s32 $0xE0, v17;
	v34 =	vmax.f32 v28, v24;
	v24 =	vmin.f32 v28, v24  }
0x153: {  	v51 =	vld.idx.msk [tilespmem:v39+s13+$0x0], $0xffff;
	v14 =	vmax.f32 v15, v20;
	v15 =	vmin.f32 v15, v20;
	v20 =	vadd.s32 $0xC0, v30  }
0x154: {  	v9 =	vld.idx.msk [tilespmem:v11+s14+$0x0], $0xffff;
	v15 =	vmax.f32 v15, v24;
	v24 =	vmin.f32 v14, v34;
	v1 =	vmax.f32 v14, v34  }
0x155: {  	v26 =	vld.idx.msk [tilespmem:v26+s13+$0x0], $0xffff;
	v14 =	vmul.f32 v19, v33;
	v40 =	vmul.f32 v36, v13;
	v38 =	vmax.f32 v24, v15  }
0x156: {  	v13 =	vadd.s32 $0x40, v16;
	v16 =	vld.idx.msk [tilespmem:v37+s14+$0x0], $0xffff;
	v11 =	vmin.f32 v8, v1;
	v19 =	vmin.f32 v31, v38  }
0x157: {  	v59 =	vmax.f32 v56, v50;
	v17 =	vadd.s32 $0x70, v17;
	v28 =	vmax.f32 v11, v19;
	v19 =	vld.idx.msk [tilespmem:v35+s13+$0x0], $0xffff  }
0x158: {  	v21 =	vmin.f32 v3, v12;
	v10 =	vmax.f32 v43, v10;
	v11 =	vadd.s32 $0x40, v23;
	v20 =	vld.idx.msk [tilespmem:v20+s14+$0x0], $0xffff  }
0x159: {  	v12 =	vmin.f32 v56, v22;
	v43 =	vadd.s32 $0x70, v27;
	v61 =	vmax.f32 v56, v10;
	v7 =	vld.idx.msk [tilespmem:v7+s13+$0x0], $0xffff  }
0x15a: {  	v24 =	vmin.f32 v24, v15;
	v15 =	vld.idx.msk [tilespmem:v29+s13+$0x0], $0xffff;
	v57 =	vmax.f32 v31, v1;
	v1 =	vmin.f32 v31, v1  }
0x15b: {  	v29 =	vadd.s32 $0x70, v18;
	v18 =	vadd.s32 $0x150, v18;
	v8 =	vmax.f32 v8, v38;
	v31 =	vld.idx.msk [tilespmem:v13+s14+$0x0], $0xffff  }
0x15c: {  	v58 =	vmax.f32 v1, v8;
	v8 =	vmax.f32 v2, v24;
	v13 =	vmul.f32 v16, v26;
	v16 =	vld.idx.msk [tilespmem:v17+s13+$0x0], $0xffff  }
0x15d: {  	v2 =	vmin.f32 v56, v10;
	v11 =	vld.idx.msk [tilespmem:v11+s14+$0x0], $0xffff;
	v1 =	vmul.f32 v20, v19;
	v19 =	vmax.f32 v56, v32  }
0x15e: {  	v6 =	vmax.f32 v56, v6;
	v62 =	vimm.f32 $0.0e+00;
	v60 =	vmax.f32 v2, v19;
	v19 =	vld.idx.msk [tilespmem:v46+s14+$0x0], $0xffff  }
0x15f: {  	v23 =	vmax.f32 v4, v5;
	v27 =	vmul.f32 v9, v7;
	v9 =	vld.idx.msk [tilespmem:v42+s14+$0x0], $0xffff;
	v20 =	vmin.f32 v56, v32  }
0x160: {  	v24 =	vmin.f32 v56, v50;
	v17 =	vld.idx.msk [tilespmem:v45+s14+$0x0], $0xffff;
	v20 =	vmax.f32 v2, v20;
	v2 =	vmax.f32 v56, v25  }
0x161: {  	v26 =	vmax.f32 v56, v49;
	v3 =	vmax.f32 v12, v2;
	v2 =	vld.idx.msk [tilespmem:v18+s13+$0x0], $0xffff;
	v18 =	vmin.f32 v56, v25  }
0x162: {  	v10 =	vld.idx.msk [tilespmem:v29+s13+$0x0], $0xffff;
	v7 =	vmax.f32 v6, v20;
	v29 =	vmin.f32 v1, v27;
	v25 =	vmin.f32 v56, v50  }
0x163: {  	v20 =	vld.idx.msk [tilespmem:v41+s13+$0x0], $0xffff;
	v4 =	vmax.f32 v12, v18;
	v30 =	vmul.f32 v11, v16;
	v12 =	vmul.f32 v19, v51  }
0x164: {  	v18 =	vld.idx.msk [tilespmem:v48+s14+$0x0], $0xffff;
	v6 =	vmax.f32 v26, v4;
	v26 =	vmin.f32 v21, v23;
	v11 =	vimm.f32 $0.0e+00  }
0x165: {  	s18 =	simm.s32 $0x200;
	[tilespmem:$0x1FE00] =	vst v0;
	v16 =	vld.idx.msk [tilespmem:v43+s13+$0x0], $0xffff;
	v5 =	vmax.f32 v12, v40;
	v4 =	vmin.f32 v12, v40;
	v12 =	vimm.f32 $0.0e+00  }
.LBB2_4:
0x166: {  	s19 =	sshra.s32 s18, $0x2;
	p0 =	sne.s32 s18, $0xC00;
	s18 =	sadd.s32 $0x100, s18;
	v15 =	vmul.f32 v17, v15;
	v19 =	vmax.f32 v8, v28;
	v8 =	vmax.f32 v21, v23;
	v28 =	vmovc v61  }
0x167: {  	v12 =	vmax.f32 v12, v26;
	v23 =	vmovc v57;
	v17 =	vld [tilespmem:s19+$0x7F0];
	v0 =	vmax.f32 v56, v8;
	v8 =	vmin.f32 v11, v8  }
0x168: {  	v62 =	vmax.f32 v62, v22;
	v21 =	vmovc v60;
	v26 =	vld [tilespmem:s19+$0x7E0];
	v56 =	vmax.f32 v24, v0;
	v8 =	vmax.f32 v25, v8  }
0x169: {  	v10 =	vmul.f32 v31, v10;
	v22 =	vmax.f32 v1, v27;
	v11 =	vmovc v59;
	v24 =	vld [tilespmem:s19+$0x7D0];
	v12 =	vmax.f32 v12, v8  }
0x16a: {  	v2 =	vmul.f32 v63, v2;
	v8 =	vmul.f32 v9, v20;
	v20 =	vmin.f32 v15, v14;
	v1 =	vld [tilespmem:s19+$0x7C0]  }
0x16b: {  	v9 =	vmul.f32 v18, v16;
	v16 =	vmax.f32 v30, v10;
	v10 =	vmin.f32 v30, v10  }
0x16c: {  	v25 =	vmax.f32 v8, v2;
	v2 =	vmin.f32 v8, v2;
	v18 =	vand.u32 $0x7F, v17  }
0x16d: {  	v27 =	vmax.f32 v15, v14;
	v17 =	vshrl.u32 v17, $0x7;
	v8 =	vshrl.u32 v26, $0x7  }
0x16e: {  	v31 =	vadd.s32 $0x40, v17;
	v15 =	vadd.s32 $0x80, v17;
	v14 =	vshrl.u32 v24, $0x7  }
0x16f: {  	v45 =	vmin.f32 v22, v25;
	v15 =	vand.u32 $0x3FFFF80, v15;
	v30 =	vadd.s32 $0x80, v14  }
0x170: {  	v2 =	vmax.f32 v29, v2;
	v46 =	vand.u32 $0x7F, v14;
	v30 =	vand.u32 $0x3FFFF80, v30  }
0x171: {  	v29 =	vadd.s32 $0x70, v18;
	v49 =	vand.u32 $0x7F, v8;
	v46 =	vor.u32 v46, v30;
	v51 =	vld.idx.msk [tilespmem:v18+s13+$0x0], $0xffff  }
0x172: {  	v54 =	vmax.f32 v9, v13;
	v24 =	vand.u32 $0x7F, v24;
	v52 =	vadd.s32 $0x80, v8;
	v53 =	vld.idx.msk [tilespmem:v17+s14+$0x0], $0xffff  }
0x173: {  	v26 =	vand.u32 $0x7F, v26;
	v63 =	vadd.s32 $0xC0, v17;
	v55 =	vand.u32 $0x7F, v1;
	v32 =	vld.idx.msk [tilespmem:v8+s14+$0x0], $0xffff  }
0x174: {  	v1 =	vshrl.u32 v1, $0x7;
	v30 =	vadd.s32 $0x150, v26;
	v17 =	vand.u32 $0x7F, v17;
	v33 =	vld.idx.msk [tilespmem:v14+s14+$0x0], $0xffff  }
0x175: {  	v37 =	vadd.s32 $0xE0, v18;
	v34 =	vadd.s32 $0xE0, v24;
	v35 =	vadd.s32 $0x150, v24  }
0x176: {  	v38 =	vadd.s32 $0xC0, v14;
	v52 =	vand.u32 $0x3FFFF80, v52;
	v15 =	vor.u32 v17, v15;
	v46 =	vld.idx.msk [tilespmem:v46+s14+$0x0], $0xffff  }
0x177: {  	v39 =	vadd.s32 $0x80, v1;
	v49 =	vor.u32 v49, v52;
	v17 =	vand.u32 $0x7F, v1;
	v41 =	vld.idx.msk [tilespmem:v24+s13+$0x0], $0xffff  }
0x178: {  	v43 =	vadd.s32 $0x70, v26;
	v44 =	vadd.s32 $0xC0, v8;
	v18 =	vadd.s32 $0x150, v18;
	v52 =	vld.idx.msk [tilespmem:v26+s13+$0x0], $0xffff  }
0x179: {  	v39 =	vand.u32 $0x3FFFF80, v39;
	v24 =	vadd.s32 $0x70, v24;
	v26 =	vadd.s32 $0xE0, v26;
	v47 =	vld.idx.msk [tilespmem:v55+s13+$0x0], $0xffff  }
0x17a: {  	v17 =	vor.u32 v17, v39;
	v14 =	vadd.s32 $0x40, v14;
	v39 =	vmin.f32 v45, v2;
	v50 =	vld.idx.msk [tilespmem:v1+s14+$0x0], $0xffff  }
0x17b: {  	v36 =	vadd.s32 $0x150, v55;
	v40 =	vadd.s32 $0xC0, v1;
	v45 =	vmax.f32 v45, v2;
	v37 =	vld.idx.msk [tilespmem:v37+s13+$0x0], $0xffff  }
0x17c: {  	v9 =	vmin.f32 v9, v13;
	v13 =	vmin.f32 v54, v16;
	v2 =	vadd.s32 $0x40, v8;
	v8 =	vld.idx.msk [tilespmem:v15+s14+$0x0], $0xffff  }
0x17d: {  	v9 =	vmax.f32 v9, v10;
	v42 =	vadd.s32 $0x70, v55;
	v55 =	vadd.s32 $0xE0, v55;
	v63 =	vld.idx.msk [tilespmem:v63+s14+$0x0], $0xffff  }
0x17e: {  	v48 =	vadd.s32 $0x40, v1;
	v10 =	vmul.f32 v53, v51;
	v1 =	vmul.f32 v32, v52;
	v15 =	vld.idx.msk [tilespmem:v26+s13+$0x0], $0xffff  }
0x17f: {  	v26 =	vmul.f32 v33, v41;
	v33 =	vmax.f32 v13, v9;
	v9 =	vmin.f32 v13, v9;
	v32 =	vld.idx.msk [tilespmem:v38+s14+$0x0], $0xffff  }
0x180: {  	v13 =	vmul.f32 v50, v47;
	v41 =	vmin.f32 v61, v33;
	v38 =	vld.idx.msk [tilespmem:v14+s14+$0x0], $0xffff;
	v14 =	vmax.f32 v1, v10  }
0x181: {  	v7 =	vmax.f32 v7, v9;
	v1 =	vmin.f32 v1, v10;
	v10 =	vmax.f32 v54, v16;
	v34 =	vld.idx.msk [tilespmem:v34+s13+$0x0], $0xffff  }
0x182: {  	v16 =	vmax.f32 v13, v26;
	v13 =	vmin.f32 v13, v26;
	v61 =	vmax.f32 v61, v10;
	v9 =	vld.idx.msk [tilespmem:v24+s13+$0x0], $0xffff  }
0x183: {  	v26 =	vmin.f32 v16, v14;
	v1 =	vmax.f32 v13, v1;
	v13 =	vmin.f32 v28, v10;
	v24 =	vld.idx.msk [tilespmem:v36+s13+$0x0], $0xffff  }
0x184: {  	v16 =	vmax.f32 v16, v14;
	v47 =	vmax.f32 v26, v1;
	v1 =	vmin.f32 v26, v1;
	v36 =	vld.idx.msk [tilespmem:v55+s13+$0x0], $0xffff  }
0x185: {  	v22 =	vmax.f32 v22, v25;
	v28 =	vmin.f32 v58, v16;
	v26 =	vld.idx.msk [tilespmem:v40+s14+$0x0], $0xffff;
	v40 =	vmin.f32 v57, v47  }
0x186: {  	v14 =	vmul.f32 v8, v37;
	v57 =	vmax.f32 v57, v16;
	v25 =	vld.idx.msk [tilespmem:v2+s14+$0x0], $0xffff;
	v28 =	vmax.f32 v28, v40  }
0x187: {  	v34 =	vmul.f32 v46, v34;
	v2 =	vmin.f32 v23, v16;
	v16 =	vmin.f32 v3, v22;
	v35 =	vld.idx.msk [tilespmem:v35+s13+$0x0], $0xffff  }
0x188: {  	v6 =	vmax.f32 v6, v39;
	v8 =	vmax.f32 v60, v33;
	v3 =	vmax.f32 v3, v45;
	v31 =	vld.idx.msk [tilespmem:v31+s14+$0x0], $0xffff  }
0x189: {  	v60 =	vmax.f32 v13, v8;
	v13 =	vmin.f32 v62, v22;
	v33 =	vld.idx.msk [tilespmem:v17+s14+$0x0], $0xffff;
	v17 =	vmax.f32 v58, v47  }
0x18a: {  	v8 =	vmax.f32 v19, v1;
	v3 =	vmax.f32 v13, v3;
	v37 =	vld.idx.msk [tilespmem:v43+s13+$0x0], $0xffff;
	v58 =	vmax.f32 v2, v17  }
0x18b: {  	v10 =	vmin.f32 v21, v10;
	v1 =	vmul.f32 v26, v24;
	v2 =	vld.idx.msk [tilespmem:v18+s13+$0x0], $0xffff;
	v18 =	vmax.f32 v5, v27  }
0x18c: {  	v21 =	vmin.f32 v5, v27;
	v19 =	vmax.f32 v10, v41;
	v5 =	vmin.f32 v62, v45;
	v17 =	vld.idx.msk [tilespmem:v49+s14+$0x0], $0xffff  }
.Ltmp1:
0x18d: {  	v7 =	vmax.f32 v7, v19;
	v13 =	vmul.f32 v38, v9;
	v27 =	vmul.f32 v32, v35;
	v10 =	vld.idx.msk [tilespmem:v29+s13+$0x0], $0xffff;
	(pc) =	sbr.rel @p0 .LBB2_4-.Ltmp1, $4  }
0x18e: {  	v23 =	vmax.f32 v4, v20;
	v59 =	vmax.f32 v59, v18;
	v4 =	vmax.f32 v16, v5;
	v9 =	vld.idx.msk [tilespmem:v44+s14+$0x0], $0xffff  }
0x18f: {  	v24 =	vmin.f32 v11, v18;
	v19 =	vmul.f32 v33, v36;
	v29 =	vmin.f32 v1, v27;
	v20 =	vld.idx.msk [tilespmem:v30+s13+$0x0], $0xffff  }
0x190: {  	v6 =	vmax.f32 v6, v4;
	v30 =	vmul.f32 v25, v37;
	v25 =	vmin.f32 v56, v18;
	v16 =	vld.idx.msk [tilespmem:v42+s13+$0x0], $0xffff  }
0x191: {  	v26 =	vmin.f32 v21, v23;
	v5 =	vmax.f32 v19, v34;
	v4 =	vmin.f32 v19, v34;
	v18 =	vld.idx.msk [tilespmem:v48+s14+$0x0], $0xffff  }
0x192: {  	v19 =	vmax.f32 v21, v23;
	v15 =	vmul.f32 v17, v15  }
0x193: {  	v8 =	vmax.f32 v8, v28;
	v12 =	vmax.f32 v12, v26;
	v10 =	vmul.f32 v31, v10  }
0x194: {  	v1 =	vmax.f32 v1, v27;
	v2 =	vmul.f32 v63, v2;
	v17 =	vmax.f32 v56, v19  }
0x195: {  	v11 =	vmin.f32 v11, v19;
	v19 =	vmax.f32 v62, v22;
	v8 =	vsub.f32 $1.000000000e+00, v8  }
0x196: {  	v17 =	vmax.f32 v24, v17;
	v11 =	vmax.f32 v25, v11;
	v9 =	vmul.f32 v9, v20  }
0x197: {  	v11 =	vmax.f32 v12, v11;
	v12 =	vmin.f32 v15, v14;
	v16 =	vmul.f32 v18, v16  }
0x198: {  	v18 =	vmax.f32 v30, v10;
	v10 =	vmin.f32 v30, v10;
	v20 =	vmax.f32 v9, v2  }
0x199: {  	v2 =	vmin.f32 v9, v2;
	v9 =	vmax.f32 v15, v14;
	v4 =	vmax.f32 v4, v12  }
0x19a: {  	v14 =	vmin.f32 v1, v20;
	v2 =	vmax.f32 v29, v2;
	v1 =	vmax.f32 v1, v20  }
0x19b: {  	v15 =	vmax.f32 v16, v13;
	v13 =	vmin.f32 v16, v13;
	v16 =	vmin.f32 v14, v2  }
0x19c: {  	v2 =	vmax.f32 v14, v2;
	v20 =	vmin.f32 v3, v1;
	v21 =	vmin.f32 v15, v18  }
0x19d: {  	v10 =	vmax.f32 v13, v10;
	v15 =	vmax.f32 v15, v18;
	v3 =	vmax.f32 v3, v2  }
0x19e: {  	v6 =	vmax.f32 v6, v16;
	v16 =	vmin.f32 v19, v1;
	v2 =	vmin.f32 v19, v2  }
0x19f: {  	v1 =	vmax.f32 v19, v1;
	v13 =	vmax.f32 v21, v10;
	v10 =	vmin.f32 v21, v10  }
0x1a0: {  	v18 =	vmin.f32 v61, v15;
	v3 =	vmax.f32 v16, v3;
	v16 =	vmax.f32 v5, v9  }
0x1a1: {  	v5 =	vmin.f32 v5, v9;
	v2 =	vmax.f32 v20, v2;
	v1 =	vsub.f32 $1.000000000e+00, v1  }
0x1a2: {  	v14 =	vmin.f32 v61, v13;
	v7 =	vmax.f32 v7, v10;
	v10 =	vmax.f32 v61, v15  }
0x1a3: {  	v13 =	vmax.f32 v60, v13;
	v15 =	vmin.f32 v60, v15;
	v9 =	vmax.f32 v59, v16  }
0x1a4: {  	v12 =	vmin.f32 v59, v16;
	v2 =	vmax.f32 v6, v2;
	v6 =	vmin.f32 v5, v4  }
0x1a5: {  	v4 =	vmax.f32 v5, v4;
	v13 =	vmax.f32 v18, v13;
	v14 =	vmax.f32 v15, v14  }
0x1a6: {  	v5 =	vmax.f32 v17, v4;
	v6 =	vmax.f32 v11, v6;
	v4 =	vmin.f32 v59, v4  }
0x1a7: {  	v11 =	vsub.f32 $1.000000000e+00, v57;
	v7 =	vmax.f32 v7, v14;
	v14 =	vmin.f32 v17, v16  }
0x1a8: {  	v10 =	vsub.f32 $1.000000000e+00, v10;
	v9 =	vsub.f32 $1.000000000e+00, v9;
	v4 =	vmax.f32 v14, v4;
	v14 =	vld [tilespmem:$0x1480]  }
0x1a9: {  	v5 =	vmax.f32 v12, v5;
	v12 =	vsub.f32 $1.000000000e+00, v58;
	v13 =	vsub.f32 $1.000000000e+00, v13  }
0x1aa: {  	v7 =	vsub.f32 $1.000000000e+00, v7;
	v5 =	vsub.f32 $1.000000000e+00, v5  }
0x1ab: {  	v11 =	vmul.f32 v12, v11;
	v4 =	vmax.f32 v6, v4;
	v6 =	vmul.f32 v13, v10  }
0x1ac: {  	v3 =	vsub.f32 $1.000000000e+00, v3;
	v5 =	vmul.f32 v5, v9;
	v4 =	vsub.f32 $1.000000000e+00, v4  }
0x1ad: {  	v8 =	vmul.f32 v8, v11;
	v6 =	vmul.f32 v7, v6;
	v7 =	vadd.s32 $0x80, v14  }
0x1ae: {  	v2 =	vsub.f32 $1.000000000e+00, v2;
	v1 =	vmul.f32 v3, v1;
	v9 =	vadd.s32 $0x100, v14  }
0x1af: {  	v4 =	vmul.f32 v4, v5;
	v3 =	vsub.f32 $1.000000000e+00, v8;
	v5 =	vadd.s32 $0x180, v14  }
0x1b0: {  	v1 =	vmul.f32 v2, v1;
	v6 =	vsub.f32 $1.000000000e+00, v6  }
0x1b1: {  	v2 =	vsub.f32 $1.000000000e+00, v4;
	[tilespmem:v14+s15+$0x0] =	vst.idx.msk $0xffff, v3  }
0x1b2: {  	v1 =	vsub.f32 $1.000000000e+00, v1;
	[tilespmem:v7+s15+$0x0] =	vst.idx.msk $0xffff, v6  }
0x1b3: {  	[tilespmem:v9+s15+$0x0] =	vst.idx.msk $0xffff, v2  }
0x1b4: {  	s18 =	simm.s32 $0xB30;
	[tilespmem:v5+s15+$0x0] =	vst.idx.msk $0xffff, v1  }
0x1b5: {  	v1 =	vld [tilespmem:s18+$0xFFFFFFE0]  }
0x1b6: {  	v2 =	vld [tilespmem:s18+$0x0];
	_ =	sdelay $0x2  }
0x1b7: {  	v8 =	vld [tilespmem:s18+$0xFFFFFFF0]  }
0x1b8: {  	v4 =	vshrl.u32 v1, $0x7  }
0x1b9: {  	v5 =	vshrl.u32 v2, $0x7  }
0x1ba: {  	s19 =	simm.s32 $0x0;
	v2 =	vand.u32 $0x7F, v2  }
0x1bb: {  	s19 =	sand.u32 $0x3C0, s19;
	v1 =	vand.u32 $0x7F, v1  }
0x1bc: {  	v3 =	vld [tilespmem:s19+$0xB00];
	v20 =	vshrl.u32 v8, $0x7  }
0x1bd: {  	v8 =	vand.u32 $0x7F, v8;
	v9 =	vld.idx.msk [tilespmem:v4+s14+$0x0], $0xffff  }
0x1be: {  	v16 =	vadd.s32 $0xC0, v5;
	v10 =	vld.idx.msk [tilespmem:v5+s14+$0x0], $0xffff  }
0x1bf: {  	v18 =	vadd.s32 $0xC0, v4;
	v12 =	vld.idx.msk [tilespmem:v2+s13+$0x0], $0xffff  }
0x1c0: {  	v21 =	vadd.s32 $0x150, v2;
	v15 =	vld.idx.msk [tilespmem:v1+s13+$0x0], $0xffff  }
0x1c1: {  	v23 =	vadd.s32 $0xE0, v2;
	v46 =	vld.idx.msk [tilespmem:v20+s14+$0x0], $0xffff  }
0x1c2: {  	v6 =	vadd.s32 $0x80, v4;
	v49 =	vadd.s32 $0x150, v1;
	v47 =	vld.idx.msk [tilespmem:v8+s13+$0x0], $0xffff  }
0x1c3: {  	v7 =	vand.u32 $0x7F, v4;
	v32 =	vadd.s32 $0x150, v8;
	v6 =	vand.u32 $0x3FFFF80, v6;
	v16 =	vld.idx.msk [tilespmem:v16+s14+$0x0], $0xffff  }
0x1c4: {  	v6 =	vor.u32 v7, v6;
	v18 =	vld.idx.msk [tilespmem:v18+s14+$0x0], $0xffff  }
0x1c5: {  	v7 =	vshrl.u32 v3, $0x7;
	v21 =	vld.idx.msk [tilespmem:v21+s13+$0x0], $0xffff  }
0x1c6: {  	v3 =	vand.u32 $0x7F, v3;
	v23 =	vld.idx.msk [tilespmem:v23+s13+$0x0], $0xffff  }
0x1c7: {  	v11 =	vadd.s32 $0xE0, v3;
	v53 =	vld.idx.msk [tilespmem:v49+s13+$0x0], $0xffff  }
0x1c8: {  	v13 =	vadd.s32 $0x80, v5;
	v17 =	vand.u32 $0x7F, v5;
	v14 =	vadd.s32 $0x40, v7;
	v62 =	vld.idx.msk [tilespmem:v32+s13+$0x0], $0xffff  }
0x1c9: {  	v48 =	vadd.s32 $0xE0, v1;
	v13 =	vand.u32 $0x3FFFF80, v13;
	v45 =	vadd.s32 $0x70, v3;
	v6 =	vld.idx.msk [tilespmem:v6+s14+$0x0], $0xffff  }
0x1ca: {  	v13 =	vor.u32 v17, v13;
	v22 =	vadd.s32 $0x80, v7;
	v4 =	vadd.s32 $0x40, v4;
	v17 =	vld.idx.msk [tilespmem:v7+s14+$0x0], $0xffff  }
0x1cb: {  	v44 =	vand.u32 $0x7F, v7;
	v22 =	vand.u32 $0x3FFFF80, v22;
	v1 =	vadd.s32 $0x70, v1;
	v19 =	vld.idx.msk [tilespmem:v3+s13+$0x0], $0xffff  }
0x1cc: {  	v56 =	vimm.f32 $0.0e+00;
	v61 =	vimm.f32 $0.0e+00;
	v22 =	vor.u32 v44, v22;
	v11 =	vld.idx.msk [tilespmem:v11+s13+$0x0], $0xffff  }
0x1cd: {  	v60 =	vimm.f32 $0.0e+00;
	v51 =	vand.u32 $0x7F, v20;
	v50 =	vadd.s32 $0xC0, v7;
	v14 =	vld.idx.msk [tilespmem:v14+s14+$0x0], $0xffff  }
0x1ce: {  	v52 =	vadd.s32 $0x70, v8;
	v33 =	vadd.s32 $0x80, v20;
	v55 =	vadd.s32 $0x40, v20;
	v25 =	vld.idx.msk [tilespmem:v45+s13+$0x0], $0xffff  }
0x1cf: {  	v5 =	vadd.s32 $0x40, v5;
	v8 =	vadd.s32 $0xE0, v8;
	v3 =	vadd.s32 $0x150, v3;
	v4 =	vld.idx.msk [tilespmem:v4+s14+$0x0], $0xffff  }
0x1d0: {  	v7 =	vadd.s32 $0x70, v2;
	v9 =	vmul.f32 v9, v15;
	v10 =	vmul.f32 v10, v12;
	v1 =	vld.idx.msk [tilespmem:v1+s13+$0x0], $0xffff  }
0x1d1: {  	v15 =	vadd.s32 $0xC0, v20;
	v12 =	vmul.f32 v46, v47;
	v22 =	vld.idx.msk [tilespmem:v22+s14+$0x0], $0xffff;
	v2 =	vmul.f32 v17, v19  }
0x1d2: {  	v20 =	vld.idx.msk [tilespmem:v50+s14+$0x0], $0xffff;
	v21 =	vmul.f32 v16, v21;
	v18 =	vmul.f32 v18, v53;
	v17 =	vand.u32 $0x3FFFF80, v33  }
0x1d3: {  	v19 =	vld.idx.msk [tilespmem:v48+s13+$0x0], $0xffff;
	v17 =	vor.u32 v51, v17;
	v14 =	vmul.f32 v14, v25;
	v54 =	vmin.f32 v2, v9  }
0x1d4: {  	v3 =	vld.idx.msk [tilespmem:v3+s13+$0x0], $0xffff;
	v2 =	vmax.f32 v2, v9;
	v9 =	vmax.f32 v12, v10;
	v10 =	vmin.f32 v12, v10  }
0x1d5: {  	v13 =	vld.idx.msk [tilespmem:v13+s14+$0x0], $0xffff;
	v1 =	vmul.f32 v4, v1;
	v4 =	vimm.f32 $0.0e+00;
	v63 =	vmax.f32 v2, v9  }
0x1d6: {  	v12 =	vld.idx.msk [tilespmem:v15+s14+$0x0], $0xffff;
	v2 =	vmin.f32 v2, v9;
	v9 =	vmax.f32 v54, v10;
	v11 =	vmul.f32 v22, v11  }
0x1d7: {  	v57 =	vmax.f32 v56, v63;
	v10 =	vmin.f32 v56, v63;
	v16 =	vmax.f32 v2, v9  }
0x1d8: {  	v2 =	vmin.f32 v2, v9;
	v6 =	vmul.f32 v6, v19;
	v9 =	vmin.f32 v56, v16  }
0x1d9: {  	v2 =	vmax.f32 v56, v2;
	v3 =	vmul.f32 v20, v3;
	v15 =	vld.idx.msk [tilespmem:v17+s14+$0x0], $0xffff;
	v9 =	vmax.f32 v10, v9  }
0x1da: {  	v20 =	vmin.f32 v14, v1;
	v17 =	vld.idx.msk [tilespmem:v8+s13+$0x0], $0xffff;
	v8 =	vmul.f32 v13, v23;
	v58 =	vmax.f32 v2, v9  }
0x1db: {  	v10 =	vmax.f32 v11, v6;
	v22 =	vmin.f32 v11, v6;
	v2 =	vmul.f32 v12, v62  }
0x1dc: {  	v6 =	vmin.f32 v56, v63;
	v9 =	vmax.f32 v56, v16;
	v16 =	vmin.f32 v3, v18  }
0x1dd: {  	v12 =	vimm.f32 $0.0e+00;
	v62 =	vimm.f32 $0.0e+00;
	v59 =	vmax.f32 v6, v9  }
0x1de: {  	v9 =	vld.idx.msk [tilespmem:v55+s14+$0x0], $0xffff;
	v6 =	vimm.f32 $0.0e+00;
	v11 =	vmin.f32 v2, v21;
	v13 =	vmax.f32 v2, v21  }
0x1df: {  	v21 =	vmax.f32 v14, v1;
	v14 =	vmax.f32 v3, v18;
	v1 =	vld.idx.msk [tilespmem:v5+s14+$0x0], $0xffff;
	v17 =	vmul.f32 v15, v17  }
0x1e0: {  	s18 =	simm.s32 $0x40;
	s19 =	simm.s32 $0xB70;
	v2 =	vld.idx.msk [tilespmem:v52+s13+$0x0], $0xffff;
	v5 =	vimm.f32 $0.0e+00;
	v3 =	vimm.f32 $0.0e+00;
	v15 =	vimm.f32 $0.0e+00  }
.LBB2_6:
0x1e1: {  	s20 =	sand.u32 $0x3C0, s18;
	v18 =	vld [tilespmem:s19+$0xFFFFFFE0];
	p0 =	sne.s32 s18, $0x200;
	s18 =	sadd.s32 $0x40, s18;
	v23 =	vmax.f32 v17, v8;
	v8 =	vmin.f32 v17, v8;
	v19 =	vmax.f32 v16, v11;
	v11 =	vmovc v57  }
0x1e2: {  	v16 =	vld [tilespmem:s19+$0x0];
	v17 =	vmax.f32 v10, v23;
	v10 =	vmin.f32 v10, v23;
	v8 =	vmax.f32 v22, v8  }
0x1e3: {  	v22 =	vld [tilespmem:s19+$0xFFFFFFF0];
	v23 =	vmax.f32 v10, v8;
	v8 =	vmin.f32 v10, v8;
	v10 =	vmax.f32 v14, v13  }
0x1e4: {  	v25 =	vmin.f32 v56, v17;
	v26 =	vmin.f32 v12, v17;
	v24 =	vld [tilespmem:s20+$0xB00];
	v27 =	vmin.f32 v56, v23  }
0x1e5: {  	v12 =	vmax.f32 v12, v23;
	v8 =	vmax.f32 v15, v8;
	v7 =	vld.idx.msk [tilespmem:v7+s13+$0x0], $0xffff;
	v15 =	vmax.f32 v26, v27  }
0x1e6: {  	v61 =	vmax.f32 v61, v10;
	v23 =	vand.u32 $0x7F, v18;
	v18 =	vshrl.u32 v18, $0x7  }
0x1e7: {  	v28 =	vmin.f32 v5, v10;
	v26 =	vadd.s32 $0x80, v18;
	v27 =	vshrl.u32 v16, $0x7  }
0x1e8: {  	v29 =	vadd.s32 $0xC0, v18;
	v16 =	vand.u32 $0x7F, v16;
	v30 =	vadd.s32 $0x80, v27  }
0x1e9: {  	v31 =	vand.u32 $0x7F, v18;
	v26 =	vand.u32 $0x3FFFF80, v26;
	v32 =	vadd.s32 $0xC0, v27  }
0x1ea: {  	v2 =	vmul.f32 v9, v2;
	v26 =	vor.u32 v31, v26;
	v30 =	vand.u32 $0x3FFFF80, v30  }
0x1eb: {  	v33 =	vand.u32 $0x7F, v27;
	v9 =	vshrl.u32 v24, $0x7;
	v1 =	vmul.f32 v1, v7;
	v31 =	vld.idx.msk [tilespmem:v18+s14+$0x0], $0xffff  }
0x1ec: {  	v56 =	vmax.f32 v56, v17;
	v24 =	vand.u32 $0x7F, v24;
	v7 =	vand.u32 $0x7F, v9;
	v34 =	vld.idx.msk [tilespmem:v27+s14+$0x0], $0xffff  }
0x1ed: {  	v10 =	vmin.f32 v4, v10;
	v17 =	vadd.s32 $0x40, v9;
	v35 =	vadd.s32 $0xE0, v24;
	v36 =	vld.idx.msk [tilespmem:v16+s13+$0x0], $0xffff  }
0x1ee: {  	v37 =	vadd.s32 $0x70, v24;
	v38 =	vadd.s32 $0x80, v9;
	v40 =	vmax.f32 v2, v1;
	v39 =	vld.idx.msk [tilespmem:v23+s13+$0x0], $0xffff  }
0x1ef: {  	v30 =	vor.u32 v33, v30;
	v38 =	vand.u32 $0x3FFFF80, v38;
	v33 =	vmin.f32 v21, v40;
	v26 =	vld.idx.msk [tilespmem:v26+s14+$0x0], $0xffff  }
0x1f0: {  	v42 =	vadd.s32 $0xE0, v23;
	v38 =	vor.u32 v7, v38;
	v21 =	vmax.f32 v21, v40;
	v41 =	vld.idx.msk [tilespmem:v9+s14+$0x0], $0xffff  }
0x1f1: {  	v43 =	vadd.s32 $0x150, v23;
	v1 =	vmin.f32 v2, v1;
	v9 =	vadd.s32 $0xC0, v9;
	v40 =	vld.idx.msk [tilespmem:v24+s13+$0x0], $0xffff  }
0x1f2: {  	v1 =	vmax.f32 v20, v1;
	v2 =	vld.idx.msk [tilespmem:v35+s13+$0x0], $0xffff;
	v35 =	vand.u32 $0x7F, v22;
	v22 =	vshrl.u32 v22, $0x7  }
0x1f3: {  	v12 =	vmax.f32 v25, v12;
	v44 =	vadd.s32 $0x150, v16;
	v17 =	vld.idx.msk [tilespmem:v17+s14+$0x0], $0xffff;
	v20 =	vand.u32 $0x7F, v22  }
0x1f4: {  	v18 =	vadd.s32 $0x40, v18;
	v23 =	vadd.s32 $0x70, v23;
	v25 =	vld.idx.msk [tilespmem:v32+s14+$0x0], $0xffff;
	v32 =	vmin.f32 v3, v21  }
0x1f5: {  	v47 =	vadd.s32 $0xE0, v16;
	v45 =	vadd.s32 $0x70, v35;
	v46 =	vadd.s32 $0x80, v22;
	v30 =	vld.idx.msk [tilespmem:v30+s14+$0x0], $0xffff  }
0x1f6: {  	v7 =	vadd.s32 $0x70, v16;
	v16 =	vadd.s32 $0x40, v27;
	v27 =	vmin.f32 v60, v21;
	v29 =	vld.idx.msk [tilespmem:v29+s14+$0x0], $0xffff  }
0x1f7: {  	v48 =	vmax.f32 v33, v1;
	v46 =	vand.u32 $0x3FFFF80, v46;
	v40 =	vmul.f32 v41, v40;
	v41 =	vld.idx.msk [tilespmem:v22+s14+$0x0], $0xffff  }
0x1f8: {  	v13 =	vmin.f32 v14, v13;
	v24 =	vadd.s32 $0x150, v24;
	v20 =	vor.u32 v20, v46;
	v49 =	vld.idx.msk [tilespmem:v35+s13+$0x0], $0xffff  }
0x1f9: {  	v15 =	vmax.f32 v8, v15;
	v14 =	vmul.f32 v31, v39;
	v39 =	vmin.f32 v3, v48;
	v31 =	vld.idx.msk [tilespmem:v44+s13+$0x0], $0xffff  }
0x1fa: {  	v34 =	vmul.f32 v34, v36;
	v8 =	vadd.s32 $0x150, v35;
	v44 =	vmin.f32 v13, v19;
	v36 =	vld.idx.msk [tilespmem:v47+s13+$0x0], $0xffff  }
0x1fb: {  	v46 =	vadd.s32 $0xC0, v22;
	v47 =	vmin.f32 v40, v14;
	v44 =	vmax.f32 v62, v44;
	v37 =	vld.idx.msk [tilespmem:v37+s13+$0x0], $0xffff  }
0x1fc: {  	v1 =	vmin.f32 v33, v1;
	v50 =	vadd.s32 $0x40, v22;
	v14 =	vmax.f32 v40, v14;
	v38 =	vld.idx.msk [tilespmem:v38+s14+$0x0], $0xffff  }
0x1fd: {  	v33 =	vmax.f32 v60, v48;
	v27 =	vmax.f32 v27, v39;
	v22 =	vadd.s32 $0xE0, v35;
	v24 =	vld.idx.msk [tilespmem:v24+s13+$0x0], $0xffff  }
0x1fe: {  	v1 =	vmax.f32 v6, v1;
	v6 =	vmax.f32 v13, v19;
	v39 =	vmul.f32 v41, v49;
	v35 =	vld.idx.msk [tilespmem:v42+s13+$0x0], $0xffff  }
0x1ff: {  	v4 =	vmax.f32 v4, v6;
	v5 =	vmin.f32 v5, v6;
	v60 =	vmax.f32 v32, v33;
	v13 =	vld.idx.msk [tilespmem:v43+s13+$0x0], $0xffff  }
0x200: {  	v4 =	vmax.f32 v28, v4;
	v5 =	vmax.f32 v10, v5;
	v19 =	vmax.f32 v39, v34;
	v9 =	vld.idx.msk [tilespmem:v9+s14+$0x0], $0xffff  }
0x201: {  	v3 =	vmax.f32 v3, v21;
	v62 =	vmax.f32 v44, v5;
	v32 =	vmax.f32 v14, v19;
	v28 =	vld.idx.msk [tilespmem:v8+s13+$0x0], $0xffff  }
0x202: {  	v6 =	vmax.f32 v1, v27;
	v33 =	vmul.f32 v17, v37;
	v57 =	vmax.f32 v57, v32;
	v17 =	vld.idx.msk [tilespmem:v18+s14+$0x0], $0xffff  }
0x203: {  	v5 =	vmov v61;
	v10 =	vmin.f32 v14, v19;
	v8 =	vmin.f32 v39, v34;
	v1 =	vld.idx.msk [tilespmem:v46+s14+$0x0], $0xffff  }
0x204: {  	v18 =	vmul.f32 v25, v31;
	v19 =	vmax.f32 v47, v8;
	v14 =	vld.idx.msk [tilespmem:v20+s14+$0x0], $0xffff;
	v20 =	vmin.f32 v59, v32  }
0x205: {  	v8 =	vmul.f32 v30, v36;
	v25 =	vmax.f32 v10, v19;
	v21 =	vld.idx.msk [tilespmem:v23+s13+$0x0], $0xffff;
	v23 =	vmul.f32 v26, v35  }
0x206: {  	v2 =	vmul.f32 v38, v2;
	v10 =	vmin.f32 v10, v19;
	v19 =	vmin.f32 v11, v25;
	v26 =	vld.idx.msk [tilespmem:v22+s13+$0x0], $0xffff  }
0x207: {  	v27 =	vmul.f32 v29, v13;
	v10 =	vmax.f32 v58, v10;
	v13 =	vmax.f32 v20, v19  }
0x208: {  	v58 =	vmax.f32 v10, v13;
	v10 =	vmax.f32 v2, v23;
	v22 =	vmin.f32 v2, v23  }
.Ltmp2:
0x209: {  	v2 =	vmax.f32 v59, v25;
	v13 =	vmul.f32 v1, v28;
	v1 =	vmin.f32 v11, v32;
	(pc) =	sbr.rel @p0 .LBB2_6-.Ltmp2, $4  }
0x20a: {  	v19 =	vmul.f32 v9, v24;
	v59 =	vmax.f32 v1, v2  }
0x20b: {  	v20 =	vmul.f32 v17, v21;
	v11 =	vmin.f32 v13, v18;
	v1 =	vld.idx.msk [tilespmem:v16+s14+$0x0], $0xffff  }
0x20c: {  	v13 =	vmax.f32 v13, v18;
	v17 =	vmul.f32 v14, v26;
	v16 =	vmin.f32 v19, v27;
	v2 =	vld.idx.msk [tilespmem:v45+s13+$0x0], $0xffff  }
0x20d: {  	s19 =	sadd.s32 $0x40, s19;
	v14 =	vmax.f32 v19, v27;
	v21 =	vmax.f32 v33, v20;
	v20 =	vmin.f32 v33, v20;
	v9 =	vld.idx.msk [tilespmem:v50+s14+$0x0], $0xffff  }
0x20e: {  	_ =	sdelay $0x2  }
0x20f: {  	v18 =	vmax.f32 v17, v8;
	v8 =	vmin.f32 v17, v8  }
0x210: {  	v7 =	vld.idx.msk [tilespmem:v7+s13+$0x0], $0xffff;
	v11 =	vmax.f32 v16, v11;
	v16 =	vmin.f32 v10, v18;
	v8 =	vmax.f32 v22, v8  }
0x211: {  	v10 =	vmax.f32 v10, v18;
	v17 =	vmax.f32 v16, v8;
	v8 =	vmin.f32 v16, v8  }
0x212: {  	v16 =	vmax.f32 v14, v13;
	v18 =	vmin.f32 v56, v10;
	v19 =	vmin.f32 v12, v10  }
0x213: {  	v10 =	vmax.f32 v56, v10;
	v13 =	vmin.f32 v14, v13;
	v22 =	vmin.f32 v56, v17  }
0x214: {  	v12 =	vmax.f32 v12, v17;
	v8 =	vmax.f32 v15, v8;
	v15 =	vmax.f32 v19, v22  }
0x215: {  	v2 =	vmul.f32 v9, v2;
	v9 =	vmin.f32 v5, v16;
	v1 =	vmul.f32 v1, v7  }
0x216: {  	v12 =	vmax.f32 v18, v12;
	v7 =	vmax.f32 v61, v16;
	v8 =	vmax.f32 v8, v15  }
0x217: {  	v16 =	vmin.f32 v4, v16;
	v8 =	vsub.f32 $1.000000000e+00, v8;
	v17 =	vmax.f32 v2, v1  }
0x218: {  	v1 =	vmin.f32 v2, v1;
	v2 =	vmin.f32 v21, v17;
	v17 =	vmax.f32 v21, v17  }
0x219: {  	v1 =	vmax.f32 v20, v1;
	v20 =	vmin.f32 v13, v11;
	v11 =	vmax.f32 v13, v11  }
0x21a: {  	v18 =	vmin.f32 v3, v17;
	v14 =	vmin.f32 v60, v17;
	v19 =	vmax.f32 v2, v1  }
0x21b: {  	v15 =	vmax.f32 v62, v20;
	v1 =	vmin.f32 v2, v1;
	v4 =	vmax.f32 v4, v11  }
0x21c: {  	v5 =	vmin.f32 v5, v11;
	v21 =	vmin.f32 v3, v19;
	v2 =	vmax.f32 v60, v19  }
0x21d: {  	v1 =	vmax.f32 v6, v1;
	v4 =	vmax.f32 v9, v4;
	v3 =	vmax.f32 v3, v17  }
0x21e: {  	v6 =	vsub.f32 $1.000000000e+00, v57;
	v9 =	vsub.f32 $1.000000000e+00, v59;
	v2 =	vmax.f32 v18, v2  }
0x21f: {  	v11 =	vld [tilespmem:$0x1490];
	v13 =	vmax.f32 v14, v21;
	v3 =	vsub.f32 $1.000000000e+00, v3;
	v2 =	vsub.f32 $1.000000000e+00, v2  }
0x220: {  	v1 =	vmax.f32 v1, v13;
	v6 =	vmul.f32 v9, v6;
	v9 =	vsub.f32 $1.000000000e+00, v58  }
0x221: {  	v5 =	vmax.f32 v16, v5;
	v1 =	vsub.f32 $1.000000000e+00, v1;
	v2 =	vmul.f32 v2, v3  }
0x222: {  	v3 =	vmul.f32 v9, v6;
	v6 =	vsub.f32 $1.000000000e+00, v10;
	v9 =	vsub.f32 $1.000000000e+00, v12  }
0x223: {  	v4 =	vsub.f32 $1.000000000e+00, v4;
	v1 =	vmul.f32 v1, v2;
	v2 =	vsub.f32 $1.000000000e+00, v7  }
0x224: {  	v5 =	vmax.f32 v15, v5;
	v7 =	vadd.s32 $0x80, v11;
	v6 =	vmul.f32 v9, v6  }
0x225: {  	v9 =	vadd.s32 $0x100, v11;
	v2 =	vmul.f32 v4, v2;
	v4 =	vsub.f32 $1.000000000e+00, v5  }
0x226: {  	v3 =	vsub.f32 $1.000000000e+00, v3;
	v5 =	vmul.f32 v8, v6;
	v6 =	vadd.s32 $0x180, v11  }
0x227: {  	v1 =	vsub.f32 $1.000000000e+00, v1;
	v2 =	vmul.f32 v4, v2  }
0x228: {  	[tilespmem:v11+s15+$0x0] =	vst.idx.msk $0xffff, v3;
	v3 =	vsub.f32 $1.000000000e+00, v5  }
0x229: {  	[tilespmem:v7+s15+$0x0] =	vst.idx.msk $0xffff, v1;
	v1 =	vsub.f32 $1.000000000e+00, v2  }
0x22a: {  	[tilespmem:v9+s15+$0x0] =	vst.idx.msk $0xffff, v3  }
0x22b: {  	s18 =	simm.s32 $0x0;
	[tilespmem:v6+s15+$0x0] =	vst.idx.msk $0xffff, v1  }
0x22c: {  	v1 =	vld [tilespmem:s18+$0xD70]  }
0x22d: {  	v2 =	vld [tilespmem:s18+$0xD50]  }
0x22e: {  	v3 =	vld [tilespmem:s18+$0xD60];
	_ =	sdelay $0x2  }
0x22f: {  	v4 =	vand.u32 $0x7F, v1  }
0x230: {  	v6 =	vld [tilespmem:s18+$0xD40];
	v1 =	vshrl.u32 v1, $0x7  }
0x231: {  	v5 =	vshrl.u32 v2, $0x7;
	v7 =	vshrl.u32 v3, $0x7  }
0x232: {  	v8 =	vadd.s32 $0x80, v5  }
0x233: {  	v2 =	vand.u32 $0x7F, v2;
	v9 =	vand.u32 $0x7F, v5;
	v8 =	vand.u32 $0x3FFFF80, v8  }
0x234: {  	v3 =	vand.u32 $0x7F, v3;
	v8 =	vor.u32 v9, v8;
	v9 =	vld.idx.msk [tilespmem:v4+s13+$0x0], $0xffff  }
0x235: {  	v11 =	vand.u32 $0x7F, v6;
	v10 =	vld.idx.msk [tilespmem:v1+s14+$0x0], $0xffff  }
0x236: {  	v6 =	vshrl.u32 v6, $0x7;
	v13 =	vadd.s32 $0x80, v1;
	v12 =	vld.idx.msk [tilespmem:v7+s14+$0x0], $0xffff  }
0x237: {  	v15 =	vand.u32 $0x7F, v1;
	v16 =	vadd.s32 $0xE0, v4;
	v13 =	vand.u32 $0x3FFFF80, v13;
	v14 =	vld.idx.msk [tilespmem:v5+s14+$0x0], $0xffff  }
0x238: {  	v17 =	vadd.s32 $0xC0, v1;
	v13 =	vor.u32 v15, v13;
	v15 =	vld.idx.msk [tilespmem:v2+s13+$0x0], $0xffff  }
0x239: {  	v20 =	vadd.s32 $0xE0, v3;
	v18 =	vld.idx.msk [tilespmem:v3+s13+$0x0], $0xffff  }
0x23a: {  	v21 =	vadd.s32 $0xC0, v5;
	v19 =	vld.idx.msk [tilespmem:v11+s13+$0x0], $0xffff  }
0x23b: {  	v23 =	vadd.s32 $0xE0, v2;
	v22 =	vld.idx.msk [tilespmem:v6+s14+$0x0], $0xffff  }
0x23c: {  	v24 =	vadd.s32 $0x70, v2;
	v16 =	vld.idx.msk [tilespmem:v16+s13+$0x0], $0xffff  }
0x23d: {  	v25 =	vadd.s32 $0x150, v11;
	v17 =	vld.idx.msk [tilespmem:v17+s14+$0x0], $0xffff  }
0x23e: {  	v26 =	vadd.s32 $0xE0, v11;
	v20 =	vld.idx.msk [tilespmem:v20+s13+$0x0], $0xffff  }
0x23f: {  	v27 =	vadd.s32 $0xC0, v6;
	v21 =	vld.idx.msk [tilespmem:v21+s14+$0x0], $0xffff  }
0x240: {  	v28 =	vadd.s32 $0x40, v7;
	v23 =	vld.idx.msk [tilespmem:v23+s13+$0x0], $0xffff  }
0x241: {  	v24 =	vld.idx.msk [tilespmem:v24+s13+$0x0], $0xffff  }
0x242: {  	v25 =	vld.idx.msk [tilespmem:v25+s13+$0x0], $0xffff  }
0x243: {  	v5 =	vadd.s32 $0x40, v5;
	v26 =	vld.idx.msk [tilespmem:v26+s13+$0x0], $0xffff  }
0x244: {  	v29 =	vadd.s32 $0x80, v6;
	v2 =	vadd.s32 $0x150, v2;
	v27 =	vld.idx.msk [tilespmem:v27+s14+$0x0], $0xffff  }
0x245: {  	v30 =	vand.u32 $0x7F, v6;
	v29 =	vand.u32 $0x3FFFF80, v29;
	v1 =	vadd.s32 $0x40, v1;
	v28 =	vld.idx.msk [tilespmem:v28+s14+$0x0], $0xffff  }
0x246: {  	v29 =	vor.u32 v30, v29;
	v8 =	vld.idx.msk [tilespmem:v8+s14+$0x0], $0xffff  }
0x247: {  	v56 =	vimm.f32 $0.0e+00;
	v62 =	vimm.f32 $0.0e+00;
	v31 =	vadd.s32 $0x70, v3;
	v13 =	vld.idx.msk [tilespmem:v13+s14+$0x0], $0xffff  }
0x248: {  	v32 =	vand.u32 $0x7F, v7;
	v30 =	vadd.s32 $0x80, v7;
	v7 =	vadd.s32 $0xC0, v7;
	v5 =	vld.idx.msk [tilespmem:v5+s14+$0x0], $0xffff  }
0x249: {  	v33 =	vadd.s32 $0x150, v4;
	v30 =	vand.u32 $0x3FFFF80, v30;
	v11 =	vadd.s32 $0x70, v11;
	v2 =	vld.idx.msk [tilespmem:v2+s13+$0x0], $0xffff  }
0x24a: {  	v30 =	vor.u32 v32, v30;
	v12 =	vmul.f32 v12, v18;
	v9 =	vmul.f32 v10, v9;
	v1 =	vld.idx.msk [tilespmem:v1+s14+$0x0], $0xffff  }
0x24b: {  	v4 =	vadd.s32 $0x70, v4;
	v10 =	vmul.f32 v14, v15;
	v14 =	vmul.f32 v22, v19;
	v15 =	vld.idx.msk [tilespmem:v29+s14+$0x0], $0xffff  }
0x24c: {  	v6 =	vadd.s32 $0x40, v6;
	v18 =	vadd.s32 $0x150, v3;
	v19 =	vld.idx.msk [tilespmem:v31+s13+$0x0], $0xffff;
	v3 =	vmax.f32 v12, v9  }
0x24d: {  	v31 =	vld.idx.msk [tilespmem:v7+s14+$0x0], $0xffff;
	v9 =	vmin.f32 v12, v9;
	v12 =	vmax.f32 v14, v10;
	v10 =	vmin.f32 v14, v10  }
0x24e: {  	v11 =	vld.idx.msk [tilespmem:v11+s13+$0x0], $0xffff;
	v22 =	vmin.f32 v12, v3;
	v9 =	vmax.f32 v10, v9;
	v12 =	vmax.f32 v12, v3  }
0x24f: {  	v10 =	vld.idx.msk [tilespmem:v30+s14+$0x0], $0xffff;
	v13 =	vmul.f32 v13, v16;
	v8 =	vmul.f32 v8, v23;
	v29 =	vmax.f32 v22, v9  }
0x250: {  	v30 =	vld.idx.msk [tilespmem:v4+s13+$0x0], $0xffff;
	v4 =	vmin.f32 v22, v9;
	v9 =	vmin.f32 v56, v12;
	v3 =	vmax.f32 v56, v12  }
0x251: {  	v14 =	vld.idx.msk [tilespmem:v33+s13+$0x0], $0xffff;
	v7 =	vmin.f32 v56, v12;
	v12 =	vmul.f32 v27, v25;
	v22 =	vmin.f32 v56, v29  }
0x252: {  	v16 =	vld.idx.msk [tilespmem:v18+s13+$0x0], $0xffff;
	v18 =	vmax.f32 v56, v29;
	v2 =	vmul.f32 v21, v2;
	v15 =	vmul.f32 v15, v26  }
0x253: {  	s31 =	simm.s32 $0x40;
	v21 =	vld.idx.msk [tilespmem:v6+s14+$0x0], $0xffff;
	v6 =	vmax.f32 v56, v4;
	v19 =	vmul.f32 v28, v19;
	v9 =	vmax.f32 v9, v22  }
0x254: {  	v7 =	vmax.f32 v7, v18;
	v18 =	vmul.f32 v5, v24;
	v22 =	vld [tilespmem:s31+$0xD70];
	v23 =	vmin.f32 v12, v2  }
0x255: {  	v5 =	vmax.f32 v15, v8;
	v4 =	vmin.f32 v15, v8;
	v8 =	vmul.f32 v10, v20  }
0x256: {  	v24 =	vld [tilespmem:s31+$0xD60];
	v9 =	vmax.f32 v6, v9;
	v2 =	vmax.f32 v12, v2;
	v1 =	vmul.f32 v1, v30  }
0x257: {  	v14 =	vmul.f32 v17, v14;
	v12 =	vmul.f32 v31, v16;
	v6 =	vmin.f32 v8, v13  }
0x258: {  	v11 =	vmul.f32 v21, v11;
	v15 =	vmax.f32 v19, v1;
	v1 =	vmin.f32 v19, v1  }
0x259: {  	v10 =	vld [tilespmem:s31+$0xD50];
	v13 =	vmax.f32 v8, v13;
	v16 =	vand.u32 $0x7F, v22;
	v20 =	vshrl.u32 v22, $0x7  }
0x25a: {  	v55 =	vmax.f32 v5, v13;
	v17 =	vmax.f32 v12, v14;
	v12 =	vmin.f32 v12, v14  }
0x25b: {  	v14 =	vshrl.u32 v24, $0x7;
	v21 =	vadd.s32 $0x40, v20;
	v22 =	vadd.s32 $0x80, v20  }
0x25c: {  	v30 =	vmax.f32 v11, v18;
	v24 =	vand.u32 $0x7F, v24;
	v58 =	vadd.s32 $0xC0, v20  }
0x25d: {  	v39 =	vadd.s32 $0xE0, v16;
	v11 =	vmin.f32 v11, v18;
	v60 =	vmax.f32 v56, v55  }
0x25e: {  	v19 =	vld [tilespmem:s31+$0xD40];
	v8 =	vshrl.u32 v10, $0x7;
	v22 =	vand.u32 $0x3FFFF80, v22;
	v27 =	vmin.f32 v2, v17  }
0x25f: {  	v12 =	vmax.f32 v23, v12;
	v10 =	vand.u32 $0x7F, v10;
	v29 =	vadd.s32 $0x80, v14;
	v28 =	vld.idx.msk [tilespmem:v16+s13+$0x0], $0xffff  }
0x260: {  	v35 =	vadd.s32 $0x150, v24;
	v44 =	vadd.s32 $0xC0, v14;
	v49 =	vadd.s32 $0x40, v14;
	v57 =	vld.idx.msk [tilespmem:v20+s14+$0x0], $0xffff  }
0x261: {  	v18 =	vmin.f32 v30, v15;
	v1 =	vmax.f32 v11, v1;
	v15 =	vmax.f32 v30, v15;
	v34 =	vld.idx.msk [tilespmem:v14+s14+$0x0], $0xffff  }
0x262: {  	v25 =	vadd.s32 $0x80, v8;
	v26 =	vand.u32 $0x7F, v8;
	v36 =	vadd.s32 $0xE0, v10;
	v43 =	vld.idx.msk [tilespmem:v24+s13+$0x0], $0xffff  }
0x263: {  	v38 =	vadd.s32 $0x150, v10;
	v40 =	vadd.s32 $0xC0, v8;
	v31 =	vand.u32 $0x7F, v19;
	v39 =	vld.idx.msk [tilespmem:v39+s13+$0x0], $0xffff  }
0x264: {  	v29 =	vand.u32 $0x3FFFF80, v29;
	v25 =	vand.u32 $0x3FFFF80, v25;
	v19 =	vshrl.u32 v19, $0x7;
	v63 =	vld.idx.msk [tilespmem:v58+s14+$0x0], $0xffff  }
0x265: {  	v46 =	vmin.f32 v27, v12;
	v23 =	vor.u32 v26, v25;
	v20 =	vand.u32 $0x7F, v20;
	v37 =	vld.idx.msk [tilespmem:v8+s14+$0x0], $0xffff  }
0x266: {  	v25 =	vand.u32 $0x7F, v14;
	v41 =	vadd.s32 $0x80, v19;
	v20 =	vor.u32 v20, v22;
	v42 =	vld.idx.msk [tilespmem:v10+s13+$0x0], $0xffff  }
0x267: {  	v25 =	vor.u32 v25, v29;
	v29 =	vadd.s32 $0x70, v24;
	v24 =	vadd.s32 $0xE0, v24;
	v36 =	vld.idx.msk [tilespmem:v36+s13+$0x0], $0xffff  }
0x268: {  	v22 =	vand.u32 $0x7F, v19;
	v41 =	vand.u32 $0x3FFFF80, v41;
	v8 =	vadd.s32 $0x40, v8;
	v45 =	vld.idx.msk [tilespmem:v31+s13+$0x0], $0xffff  }
0x269: {  	v12 =	vmax.f32 v27, v12;
	v53 =	vmax.f32 v56, v46;
	v22 =	vor.u32 v22, v41;
	v59 =	vld.idx.msk [tilespmem:v19+s14+$0x0], $0xffff  }
0x26a: {  	v26 =	vadd.s32 $0x70, v16;
	v16 =	vadd.s32 $0x150, v16;
	v47 =	vadd.s32 $0x150, v31;
	v23 =	vld.idx.msk [tilespmem:v23+s14+$0x0], $0xffff  }
0x26b: {  	v48 =	vadd.s32 $0xC0, v19;
	v50 =	vadd.s32 $0x70, v31;
	v27 =	vadd.s32 $0xE0, v31;
	v20 =	vld.idx.msk [tilespmem:v20+s14+$0x0], $0xffff  }
0x26c: {  	v33 =	vadd.s32 $0x40, v19;
	v58 =	vmax.f32 v56, v15;
	v10 =	vadd.s32 $0x70, v10;
	v14 =	vld.idx.msk [tilespmem:v24+s13+$0x0], $0xffff  }
0x26d: {  	v31 =	vmax.f32 v18, v1;
	v19 =	vmul.f32 v57, v28;
	v11 =	vmul.f32 v34, v43;
	v32 =	vld.idx.msk [tilespmem:v8+s14+$0x0], $0xffff  }
0x26e: {  	v1 =	vmin.f32 v18, v1;
	v24 =	vmul.f32 v37, v42;
	v54 =	vld.idx.msk [tilespmem:v22+s14+$0x0], $0xffff;
	v18 =	vmul.f32 v59, v45  }
0x26f: {  	v30 =	vmax.f32 v56, v1;
	v22 =	vld.idx.msk [tilespmem:v25+s14+$0x0], $0xffff;
	v25 =	vmin.f32 v56, v55;
	v8 =	vmax.f32 v11, v19  }
0x270: {  	v11 =	vmin.f32 v11, v19;
	v1 =	vmax.f32 v18, v24;
	v18 =	vmin.f32 v18, v24;
	v24 =	vld.idx.msk [tilespmem:v47+s13+$0x0], $0xffff  }
0x271: {  	v45 =	vmin.f32 v56, v31;
	v36 =	vmul.f32 v23, v36;
	v47 =	vld.idx.msk [tilespmem:v27+s13+$0x0], $0xffff;
	v27 =	vmax.f32 v2, v17  }
0x272: {  	v28 =	vld.idx.msk [tilespmem:v40+s14+$0x0], $0xffff;
	v19 =	vmin.f32 v1, v8;
	v11 =	vmax.f32 v18, v11;
	v18 =	vmin.f32 v56, v15  }
0x273: {  	v10 =	vld.idx.msk [tilespmem:v10+s13+$0x0], $0xffff;
	v8 =	vmax.f32 v1, v8;
	v52 =	vmin.f32 v56, v27;
	v15 =	vmax.f32 v19, v11  }
0x274: {  	v48 =	vld.idx.msk [tilespmem:v48+s14+$0x0], $0xffff;
	v11 =	vmin.f32 v19, v11;
	v1 =	vmin.f32 v7, v8;
	v19 =	vmul.f32 v20, v39  }
0x275: {  	v17 =	vld.idx.msk [tilespmem:v49+s14+$0x0], $0xffff;
	v57 =	vmax.f32 v3, v8;
	v2 =	vmin.f32 v3, v8;
	v8 =	vmax.f32 v56, v12  }
0x276: {  	v20 =	vld.idx.msk [tilespmem:v38+s13+$0x0], $0xffff;
	v51 =	vmin.f32 v3, v15;
	v3 =	vmax.f32 v56, v31;
	v7 =	vmax.f32 v7, v15  }
0x277: {  	v31 =	vld.idx.msk [tilespmem:v21+s14+$0x0], $0xffff;
	v15 =	vmax.f32 v9, v11;
	v21 =	vmin.f32 v5, v13;
	v5 =	vmin.f32 v56, v12  }
0x278: {  	v11 =	vld.idx.msk [tilespmem:v29+s13+$0x0], $0xffff;
	v13 =	vmul.f32 v32, v10;
	v1 =	vmax.f32 v1, v51;
	v61 =	vmax.f32 v18, v3  }
0x279: {  	v10 =	vld.idx.msk [tilespmem:v26+s13+$0x0], $0xffff;
	v59 =	vmax.f32 v2, v7;
	v3 =	vmax.f32 v52, v8;
	v7 =	vmax.f32 v18, v45  }
0x27a: {  	v9 =	vld.idx.msk [tilespmem:v44+s14+$0x0], $0xffff;
	v8 =	vmul.f32 v48, v24;
	v24 =	vmax.f32 v4, v6;
	v4 =	vmax.f32 v52, v5  }
0x27b: {  	v2 =	vld.idx.msk [tilespmem:v16+s13+$0x0], $0xffff;
	v7 =	vmax.f32 v30, v7;
	v12 =	vmul.f32 v54, v47;
	v6 =	vmax.f32 v53, v4  }
0x27c: {  	v16 =	vld.idx.msk [tilespmem:v35+s13+$0x0], $0xffff;
	v26 =	vmin.f32 v21, v24;
	v23 =	vmul.f32 v28, v20;
	v20 =	vmin.f32 v56, v55  }
0x27d: {  	v18 =	vld.idx.msk [tilespmem:v33+s14+$0x0], $0xffff;
	v5 =	vmax.f32 v12, v36;
	v4 =	vmin.f32 v12, v36;
	v12 =	vimm.f32 $0.0e+00  }
0x27e: {  	s18 =	simm.s32 $0x200;
	v30 =	vmul.f32 v17, v11;
	v17 =	vld.idx.msk [tilespmem:v50+s13+$0x0], $0xffff;
	v11 =	vimm.f32 $0.0e+00;
	v29 =	vmin.f32 v8, v23  }
.LBB2_8:
0x27f: {  	s19 =	sshra.s32 s18, $0x2;
	p0 =	sne.s32 s18, $0x600;
	s18 =	sadd.s32 $0x100, s18;
	v14 =	vmul.f32 v22, v14;
	v15 =	vmax.f32 v15, v1;
	v1 =	vmax.f32 v21, v24;
	v28 =	vmovc v58  }
0x280: {  	v12 =	vmax.f32 v12, v26;
	v22 =	vmovc v57;
	v24 =	vld [tilespmem:s19+$0xD70];
	v0 =	vmax.f32 v56, v1;
	v1 =	vmin.f32 v11, v1  }
0x281: {  	v62 =	vmax.f32 v62, v27;
	v21 =	vmovc v61;
	v26 =	vld [tilespmem:s19+$0xD60];
	v56 =	vmax.f32 v20, v0;
	v1 =	vmax.f32 v25, v1  }
0x282: {  	v10 =	vmul.f32 v31, v10;
	v27 =	vmax.f32 v8, v23;
	v11 =	vmovc v60;
	v25 =	vld [tilespmem:s19+$0xD50];
	v12 =	vmax.f32 v12, v1  }
0x283: {  	v2 =	vmul.f32 v63, v2;
	v8 =	vmul.f32 v9, v16;
	v20 =	vmin.f32 v14, v19;
	v1 =	vld [tilespmem:s19+$0xD40]  }
0x284: {  	v16 =	vmax.f32 v30, v10;
	v10 =	vmin.f32 v30, v10;
	v9 =	vmul.f32 v18, v17  }
0x285: {  	v18 =	vmax.f32 v8, v2;
	v2 =	vmin.f32 v8, v2;
	v17 =	vand.u32 $0x7F, v24  }
0x286: {  	v23 =	vmax.f32 v14, v19;
	v24 =	vshrl.u32 v24, $0x7;
	v8 =	vshrl.u32 v26, $0x7  }
0x287: {  	v31 =	vadd.s32 $0x40, v24;
	v19 =	vadd.s32 $0x80, v24;
	v14 =	vshrl.u32 v25, $0x7  }
0x288: {  	v32 =	vmin.f32 v27, v18;
	v19 =	vand.u32 $0x3FFFF80, v19;
	v30 =	vadd.s32 $0x80, v14  }
0x289: {  	v2 =	vmax.f32 v29, v2;
	v33 =	vand.u32 $0x7F, v14;
	v30 =	vand.u32 $0x3FFFF80, v30  }
0x28a: {  	v29 =	vadd.s32 $0x70, v17;
	v34 =	vand.u32 $0x7F, v8;
	v33 =	vor.u32 v33, v30;
	v35 =	vld.idx.msk [tilespmem:v17+s13+$0x0], $0xffff  }
0x28b: {  	v38 =	vmax.f32 v9, v13;
	v25 =	vand.u32 $0x7F, v25;
	v36 =	vadd.s32 $0x80, v8;
	v37 =	vld.idx.msk [tilespmem:v24+s14+$0x0], $0xffff  }
0x28c: {  	v26 =	vand.u32 $0x7F, v26;
	v41 =	vadd.s32 $0xC0, v24;
	v39 =	vand.u32 $0x7F, v1;
	v40 =	vld.idx.msk [tilespmem:v8+s14+$0x0], $0xffff  }
0x28d: {  	v1 =	vshrl.u32 v1, $0x7;
	v30 =	vadd.s32 $0x150, v26;
	v24 =	vand.u32 $0x7F, v24;
	v42 =	vld.idx.msk [tilespmem:v14+s14+$0x0], $0xffff  }
0x28e: {  	v45 =	vadd.s32 $0xE0, v17;
	v43 =	vadd.s32 $0xE0, v25;
	v44 =	vadd.s32 $0x150, v25  }
0x28f: {  	v46 =	vadd.s32 $0xC0, v14;
	v36 =	vand.u32 $0x3FFFF80, v36;
	v19 =	vor.u32 v24, v19;
	v33 =	vld.idx.msk [tilespmem:v33+s14+$0x0], $0xffff  }
0x290: {  	v47 =	vadd.s32 $0x80, v1;
	v34 =	vor.u32 v34, v36;
	v24 =	vand.u32 $0x7F, v1;
	v48 =	vld.idx.msk [tilespmem:v25+s13+$0x0], $0xffff  }
0x291: {  	v49 =	vadd.s32 $0x70, v26;
	v50 =	vadd.s32 $0xC0, v8;
	v17 =	vadd.s32 $0x150, v17;
	v36 =	vld.idx.msk [tilespmem:v26+s13+$0x0], $0xffff  }
0x292: {  	v47 =	vand.u32 $0x3FFFF80, v47;
	v25 =	vadd.s32 $0x70, v25;
	v26 =	vadd.s32 $0xE0, v26;
	v51 =	vld.idx.msk [tilespmem:v39+s13+$0x0], $0xffff  }
0x293: {  	v53 =	vmin.f32 v32, v2;
	v24 =	vor.u32 v24, v47;
	v47 =	vadd.s32 $0x40, v14;
	v52 =	vld.idx.msk [tilespmem:v1+s14+$0x0], $0xffff  }
0x294: {  	v32 =	vmax.f32 v32, v2;
	v54 =	vadd.s32 $0x150, v39;
	v55 =	vadd.s32 $0xC0, v1;
	v45 =	vld.idx.msk [tilespmem:v45+s13+$0x0], $0xffff  }
0x295: {  	v9 =	vmin.f32 v9, v13;
	v13 =	vmin.f32 v38, v16;
	v2 =	vadd.s32 $0x40, v8;
	v8 =	vld.idx.msk [tilespmem:v19+s14+$0x0], $0xffff  }
0x296: {  	v9 =	vmax.f32 v9, v10;
	v0 =	vadd.s32 $0x70, v39;
	v19 =	vadd.s32 $0xE0, v39;
	v63 =	vld.idx.msk [tilespmem:v41+s14+$0x0], $0xffff  }
0x297: {  	v10 =	vmul.f32 v37, v35;
	v39 =	vadd.s32 $0x40, v1;
	v1 =	vmul.f32 v40, v36;
	v14 =	vld.idx.msk [tilespmem:v26+s13+$0x0], $0xffff  }
0x298: {  	v36 =	vmax.f32 v13, v9;
	v9 =	vmin.f32 v13, v9;
	v26 =	vmul.f32 v42, v48;
	v35 =	vld.idx.msk [tilespmem:v46+s14+$0x0], $0xffff  }
0x299: {  	v41 =	vmin.f32 v58, v36;
	v13 =	vmul.f32 v52, v51;
	v40 =	vmax.f32 v1, v10;
	v37 =	vld.idx.msk [tilespmem:v47+s14+$0x0], $0xffff  }
0x29a: {  	v7 =	vmax.f32 v7, v9;
	v1 =	vmin.f32 v1, v10;
	v10 =	vmax.f32 v38, v16;
	v42 =	vld.idx.msk [tilespmem:v43+s13+$0x0], $0xffff  }
0x29b: {  	v58 =	vmax.f32 v58, v10;
	v16 =	vmax.f32 v13, v26;
	v13 =	vmin.f32 v13, v26;
	v9 =	vld.idx.msk [tilespmem:v25+s13+$0x0], $0xffff  }
0x29c: {  	v26 =	vmin.f32 v16, v40;
	v1 =	vmax.f32 v13, v1;
	v13 =	vmin.f32 v28, v10;
	v25 =	vld.idx.msk [tilespmem:v54+s13+$0x0], $0xffff  }
0x29d: {  	v16 =	vmax.f32 v16, v40;
	v38 =	vmax.f32 v26, v1;
	v26 =	vmin.f32 v26, v1;
	v28 =	vld.idx.msk [tilespmem:v19+s13+$0x0], $0xffff  }
0x29e: {  	v27 =	vmax.f32 v27, v18;
	v1 =	vmin.f32 v59, v16;
	v43 =	vmin.f32 v57, v38;
	v40 =	vld.idx.msk [tilespmem:v55+s14+$0x0], $0xffff  }
0x29f: {  	v19 =	vmul.f32 v8, v45;
	v57 =	vmax.f32 v57, v16;
	v1 =	vmax.f32 v1, v43;
	v18 =	vld.idx.msk [tilespmem:v2+s14+$0x0], $0xffff  }
0x2a0: {  	v33 =	vmul.f32 v33, v42;
	v2 =	vmin.f32 v22, v16;
	v16 =	vmin.f32 v3, v27;
	v42 =	vld.idx.msk [tilespmem:v44+s13+$0x0], $0xffff  }
0x2a1: {  	v6 =	vmax.f32 v6, v53;
	v8 =	vmax.f32 v61, v36;
	v3 =	vmax.f32 v3, v32;
	v31 =	vld.idx.msk [tilespmem:v31+s14+$0x0], $0xffff  }
0x2a2: {  	v61 =	vmax.f32 v13, v8;
	v8 =	vmin.f32 v62, v27;
	v22 =	vmax.f32 v59, v38;
	v36 =	vld.idx.msk [tilespmem:v24+s14+$0x0], $0xffff  }
0x2a3: {  	v15 =	vmax.f32 v15, v26;
	v59 =	vmax.f32 v2, v22;
	v3 =	vmax.f32 v8, v3;
	v38 =	vld.idx.msk [tilespmem:v49+s13+$0x0], $0xffff  }
0x2a4: {  	v10 =	vmin.f32 v21, v10;
	v8 =	vmul.f32 v40, v25;
	v25 =	vmax.f32 v5, v23;
	v2 =	vld.idx.msk [tilespmem:v17+s13+$0x0], $0xffff  }
0x2a5: {  	v21 =	vmin.f32 v5, v23;
	v5 =	vmin.f32 v62, v32;
	v17 =	vmax.f32 v10, v41;
	v22 =	vld.idx.msk [tilespmem:v34+s14+$0x0], $0xffff  }
.Ltmp3:
0x2a6: {  	v13 =	vmul.f32 v37, v9;
	v23 =	vmul.f32 v35, v42;
	v7 =	vmax.f32 v7, v17;
	v10 =	vld.idx.msk [tilespmem:v29+s13+$0x0], $0xffff;
	(pc) =	sbr.rel @p0 .LBB2_8-.Ltmp3, $4  }
0x2a7: {  	v24 =	vmax.f32 v4, v20;
	v60 =	vmax.f32 v60, v25;
	v4 =	vmax.f32 v16, v5;
	v9 =	vld.idx.msk [tilespmem:v50+s14+$0x0], $0xffff  }
0x2a8: {  	v20 =	vmin.f32 v11, v25;
	v26 =	vmul.f32 v36, v28;
	v29 =	vmin.f32 v8, v23;
	v16 =	vld.idx.msk [tilespmem:v30+s13+$0x0], $0xffff  }
0x2a9: {  	v25 =	vmin.f32 v56, v25;
	v6 =	vmax.f32 v6, v4;
	v30 =	vmul.f32 v18, v38;
	v17 =	vld.idx.msk [tilespmem:v0+s13+$0x0], $0xffff  }
0x2aa: {  	v5 =	vmax.f32 v26, v33;
	v4 =	vmin.f32 v26, v33;
	v26 =	vmin.f32 v21, v24;
	v18 =	vld.idx.msk [tilespmem:v39+s14+$0x0], $0xffff  }
0x2ab: {  	v0 =	vmax.f32 v21, v24  }
0x2ac: {  	v14 =	vmul.f32 v22, v14;
	v1 =	vmax.f32 v15, v1;
	v12 =	vmax.f32 v12, v26  }
0x2ad: {  	v10 =	vmul.f32 v31, v10;
	v8 =	vmax.f32 v8, v23;
	v2 =	vmul.f32 v63, v2  }
0x2ae: {  	v15 =	vmax.f32 v56, v0;
	v0 =	vmin.f32 v11, v0;
	v1 =	vsub.f32 $1.000000000e+00, v1  }
0x2af: {  	v11 =	vmax.f32 v20, v15;
	v0 =	vmax.f32 v25, v0;
	v15 =	vmax.f32 v62, v27  }
0x2b0: {  	v9 =	vmul.f32 v9, v16;
	v0 =	vmax.f32 v12, v0;
	v12 =	vmin.f32 v14, v19  }
0x2b1: {  	v16 =	vmul.f32 v18, v17;
	v17 =	vmax.f32 v30, v10;
	v10 =	vmin.f32 v30, v10  }
0x2b2: {  	v18 =	vmax.f32 v9, v2;
	v2 =	vmin.f32 v9, v2;
	v9 =	vmax.f32 v14, v19  }
0x2b3: {  	v4 =	vmax.f32 v4, v12;
	v14 =	vmin.f32 v8, v18;
	v2 =	vmax.f32 v29, v2  }
0x2b4: {  	v8 =	vmax.f32 v8, v18;
	v19 =	vmax.f32 v16, v13;
	v13 =	vmin.f32 v16, v13  }
0x2b5: {  	v16 =	vmin.f32 v14, v2;
	v2 =	vmax.f32 v14, v2;
	v18 =	vmin.f32 v3, v8  }
0x2b6: {  	v20 =	vmin.f32 v19, v17;
	v10 =	vmax.f32 v13, v10;
	v17 =	vmax.f32 v19, v17  }
0x2b7: {  	v3 =	vmax.f32 v3, v2;
	v6 =	vmax.f32 v6, v16;
	v16 =	vmin.f32 v15, v8  }
0x2b8: {  	v2 =	vmin.f32 v15, v2;
	v8 =	vmax.f32 v15, v8;
	v13 =	vmax.f32 v20, v10  }
0x2b9: {  	v10 =	vmin.f32 v20, v10;
	v19 =	vmin.f32 v58, v17;
	v3 =	vmax.f32 v16, v3  }
0x2ba: {  	v16 =	vmin.f32 v61, v17;
	v2 =	vmax.f32 v18, v2;
	v14 =	vmin.f32 v58, v13  }
0x2bb: {  	v7 =	vmax.f32 v7, v10;
	v10 =	vmax.f32 v58, v17;
	v13 =	vmax.f32 v61, v13  }
0x2bc: {  	v17 =	vmax.f32 v5, v9;
	v5 =	vmin.f32 v5, v9;
	v2 =	vmax.f32 v6, v2  }
0x2bd: {  	v13 =	vmax.f32 v19, v13;
	v14 =	vmax.f32 v16, v14;
	v12 =	vmin.f32 v60, v17  }
0x2be: {  	v6 =	vmin.f32 v5, v4;
	v4 =	vmax.f32 v5, v4;
	v10 =	vsub.f32 $1.000000000e+00, v10  }
0x2bf: {  	v7 =	vmax.f32 v7, v14;
	v14 =	vmin.f32 v11, v17;
	v5 =	vmax.f32 v11, v4  }
0x2c0: {  	v0 =	vmax.f32 v0, v6;
	v6 =	vsub.f32 $1.000000000e+00, v57;
	v11 =	vsub.f32 $1.000000000e+00, v59  }
0x2c1: {  	v4 =	vmin.f32 v60, v4;
	v13 =	vsub.f32 $1.000000000e+00, v13;
	v5 =	vmax.f32 v12, v5;
	v12 =	vld [tilespmem:$0x14A0]  }
0x2c2: {  	v9 =	vmax.f32 v60, v17;
	v4 =	vmax.f32 v14, v4;
	v6 =	vmul.f32 v11, v6  }
0x2c3: {  	v7 =	vsub.f32 $1.000000000e+00, v7;
	v0 =	vmax.f32 v0, v4;
	v4 =	vmul.f32 v13, v10  }
0x2c4: {  	v5 =	vsub.f32 $1.000000000e+00, v5;
	v1 =	vmul.f32 v1, v6;
	v6 =	vsub.f32 $1.000000000e+00, v9  }
0x2c5: {  	v3 =	vsub.f32 $1.000000000e+00, v3;
	v4 =	vmul.f32 v7, v4;
	v7 =	vsub.f32 $1.000000000e+00, v8  }
0x2c6: {  	v0 =	vsub.f32 $1.000000000e+00, v0;
	v8 =	vadd.s32 $0x80, v12;
	v5 =	vmul.f32 v5, v6  }
0x2c7: {  	v2 =	vsub.f32 $1.000000000e+00, v2;
	v6 =	vadd.s32 $0x100, v12;
	v3 =	vmul.f32 v3, v7  }
0x2c8: {  	v1 =	vsub.f32 $1.000000000e+00, v1;
	v0 =	vmul.f32 v0, v5;
	v5 =	vadd.s32 $0x180, v12  }
0x2c9: {  	v4 =	vsub.f32 $1.000000000e+00, v4;
	v2 =	vmul.f32 v2, v3  }
0x2ca: {  	[tilespmem:v12+s15+$0x0] =	vst.idx.msk $0xffff, v1;
	v0 =	vsub.f32 $1.000000000e+00, v0  }
0x2cb: {  	v1 =	vsub.f32 $1.000000000e+00, v2;
	[tilespmem:v8+s15+$0x0] =	vst.idx.msk $0xffff, v4  }
0x2cc: {  	[tilespmem:v6+s15+$0x0] =	vst.idx.msk $0xffff, v0  }
0x2cd: {  	s18 =	simm.s32 $0xF30;
	[tilespmem:v5+s15+$0x0] =	vst.idx.msk $0xffff, v1  }
0x2ce: {  	v0 =	vld [tilespmem:s18+$0xFFFFFFE0]  }
0x2cf: {  	v1 =	vld [tilespmem:s18+$0x0];
	_ =	sdelay $0x2  }
0x2d0: {  	v7 =	vld [tilespmem:s18+$0xFFFFFFF0]  }
0x2d1: {  	v3 =	vshrl.u32 v0, $0x7  }
0x2d2: {  	v4 =	vshrl.u32 v1, $0x7  }
0x2d3: {  	s19 =	simm.s32 $0x0;
	v1 =	vand.u32 $0x7F, v1  }
0x2d4: {  	s19 =	sand.u32 $0x1C0, s19;
	v0 =	vand.u32 $0x7F, v0  }
0x2d5: {  	v2 =	vld [tilespmem:s19+$0xF00];
	v20 =	vand.u32 $0x7F, v7  }
0x2d6: {  	v15 =	vadd.s32 $0xC0, v4;
	v8 =	vld.idx.msk [tilespmem:v3+s14+$0x0], $0xffff  }
0x2d7: {  	v17 =	vadd.s32 $0xC0, v3;
	v9 =	vld.idx.msk [tilespmem:v4+s14+$0x0], $0xffff  }
0x2d8: {  	v19 =	vshrl.u32 v7, $0x7;
	v5 =	vadd.s32 $0x80, v3;
	v11 =	vld.idx.msk [tilespmem:v1+s13+$0x0], $0xffff  }
0x2d9: {  	v6 =	vand.u32 $0x7F, v3;
	v7 =	vadd.s32 $0x150, v1;
	v5 =	vand.u32 $0x3FFFF80, v5;
	v14 =	vld.idx.msk [tilespmem:v0+s13+$0x0], $0xffff  }
0x2da: {  	v22 =	vadd.s32 $0xE0, v1;
	v5 =	vor.u32 v6, v5;
	v6 =	vshrl.u32 v2, $0x7;
	v51 =	vld.idx.msk [tilespmem:v20+s13+$0x0], $0xffff  }
0x2db: {  	v60 =	vadd.s32 $0x150, v20;
	v21 =	vadd.s32 $0x80, v6;
	v15 =	vld.idx.msk [tilespmem:v15+s14+$0x0], $0xffff  }
0x2dc: {  	v23 =	vand.u32 $0x7F, v6;
	v21 =	vand.u32 $0x3FFFF80, v21;
	v17 =	vld.idx.msk [tilespmem:v17+s14+$0x0], $0xffff  }
0x2dd: {  	v21 =	vor.u32 v23, v21;
	v23 =	vld.idx.msk [tilespmem:v19+s14+$0x0], $0xffff  }
0x2de: {  	v2 =	vand.u32 $0x7F, v2;
	v53 =	vld.idx.msk [tilespmem:v7+s13+$0x0], $0xffff  }
0x2df: {  	v10 =	vadd.s32 $0xE0, v2;
	v22 =	vld.idx.msk [tilespmem:v22+s13+$0x0], $0xffff  }
0x2e0: {  	v12 =	vadd.s32 $0x80, v4;
	v13 =	vadd.s32 $0x40, v6;
	v62 =	vld.idx.msk [tilespmem:v60+s13+$0x0], $0xffff  }
0x2e1: {  	v16 =	vand.u32 $0x7F, v4;
	v12 =	vand.u32 $0x3FFFF80, v12;
	v50 =	vadd.s32 $0x70, v2;
	v5 =	vld.idx.msk [tilespmem:v5+s14+$0x0], $0xffff  }
0x2e2: {  	v12 =	vor.u32 v16, v12;
	v3 =	vadd.s32 $0x40, v3;
	v16 =	vld.idx.msk [tilespmem:v6+s14+$0x0], $0xffff  }
0x2e3: {  	v52 =	vadd.s32 $0xE0, v0;
	v28 =	vadd.s32 $0x150, v0;
	v0 =	vadd.s32 $0x70, v0;
	v18 =	vld.idx.msk [tilespmem:v2+s13+$0x0], $0xffff  }
0x2e4: {  	v10 =	vld.idx.msk [tilespmem:v10+s13+$0x0], $0xffff  }
0x2e5: {  	v2 =	vadd.s32 $0x150, v2;
	v13 =	vld.idx.msk [tilespmem:v13+s14+$0x0], $0xffff  }
0x2e6: {  	v56 =	vimm.f32 $0.0e+00;
	v24 =	vld.idx.msk [tilespmem:v50+s13+$0x0], $0xffff  }
0x2e7: {  	v54 =	vand.u32 $0x7F, v19;
	v55 =	vadd.s32 $0x70, v20;
	v6 =	vadd.s32 $0xC0, v6;
	v3 =	vld.idx.msk [tilespmem:v3+s14+$0x0], $0xffff  }
0x2e8: {  	v32 =	vadd.s32 $0x80, v19;
	v4 =	vadd.s32 $0x40, v4;
	v7 =	vadd.s32 $0x70, v1;
	v0 =	vld.idx.msk [tilespmem:v0+s13+$0x0], $0xffff  }
0x2e9: {  	v60 =	vimm.f32 $0.0e+00;
	v8 =	vmul.f32 v8, v14;
	v14 =	vadd.s32 $0xC0, v19;
	v21 =	vld.idx.msk [tilespmem:v21+s14+$0x0], $0xffff  }
0x2ea: {  	v9 =	vmul.f32 v9, v11;
	v1 =	vmul.f32 v16, v18;
	v2 =	vld.idx.msk [tilespmem:v2+s13+$0x0], $0xffff;
	v16 =	vand.u32 $0x3FFFF80, v32  }
0x2eb: {  	v19 =	vadd.s32 $0x40, v19;
	v11 =	vmul.f32 v23, v51;
	v18 =	vld.idx.msk [tilespmem:v52+s13+$0x0], $0xffff;
	v16 =	vor.u32 v54, v16  }
0x2ec: {  	v6 =	vld.idx.msk [tilespmem:v6+s14+$0x0], $0xffff;
	v24 =	vmul.f32 v13, v24;
	v61 =	vmin.f32 v1, v8;
	v1 =	vmax.f32 v1, v8  }
0x2ed: {  	v12 =	vld.idx.msk [tilespmem:v12+s14+$0x0], $0xffff;
	v8 =	vadd.s32 $0xE0, v20;
	v20 =	vmax.f32 v11, v9;
	v9 =	vmin.f32 v11, v9  }
0x2ee: {  	v11 =	vld.idx.msk [tilespmem:v14+s14+$0x0], $0xffff;
	v14 =	vmul.f32 v15, v53;
	v0 =	vmul.f32 v3, v0;
	v3 =	vimm.f32 $0.0e+00  }
0x2ef: {  	v23 =	vld.idx.msk [tilespmem:v28+s13+$0x0], $0xffff;
	v63 =	vmax.f32 v1, v20;
	v1 =	vmin.f32 v1, v20;
	v9 =	vmax.f32 v61, v9  }
0x2f0: {  	v61 =	vimm.f32 $0.0e+00;
	v57 =	vmax.f32 v56, v63;
	v5 =	vmul.f32 v5, v18  }
0x2f1: {  	v15 =	vmin.f32 v56, v63;
	v18 =	vmul.f32 v21, v10;
	v2 =	vmul.f32 v6, v2  }
0x2f2: {  	v21 =	vmax.f32 v24, v0;
	v13 =	vld.idx.msk [tilespmem:v16+s14+$0x0], $0xffff;
	v16 =	vmax.f32 v1, v9;
	v1 =	vmin.f32 v1, v9  }
0x2f3: {  	v6 =	vimm.f32 $0.0e+00;
	v9 =	vmin.f32 v56, v16;
	v1 =	vmax.f32 v56, v1  }
0x2f4: {  	v20 =	vld.idx.msk [tilespmem:v8+s13+$0x0], $0xffff;
	v8 =	vmul.f32 v12, v22;
	v12 =	vmul.f32 v17, v23;
	v10 =	vmax.f32 v18, v5  }
0x2f5: {  	v22 =	vmin.f32 v18, v5;
	v5 =	vmin.f32 v56, v63;
	v9 =	vmax.f32 v15, v9  }
0x2f6: {  	v15 =	vimm.f32 $0.0e+00;
	v58 =	vmax.f32 v1, v9;
	v1 =	vmul.f32 v11, v62  }
0x2f7: {  	v9 =	vmax.f32 v56, v16;
	v16 =	vmin.f32 v2, v12;
	v62 =	vimm.f32 $0.0e+00  }
0x2f8: {  	v59 =	vmax.f32 v5, v9;
	v5 =	vimm.f32 $0.0e+00;
	v9 =	vld.idx.msk [tilespmem:v19+s14+$0x0], $0xffff;
	v11 =	vmin.f32 v1, v14  }
0x2f9: {  	v17 =	vmul.f32 v13, v20;
	v13 =	vmax.f32 v1, v14;
	v20 =	vmin.f32 v24, v0;
	v1 =	vld.idx.msk [tilespmem:v4+s14+$0x0], $0xffff  }
0x2fa: {  	s18 =	simm.s32 $0x40;
	s19 =	simm.s32 $0xF70;
	v14 =	vmax.f32 v2, v12;
	v12 =	vimm.f32 $0.0e+00;
	v2 =	vld.idx.msk [tilespmem:v55+s13+$0x0], $0xffff;
	v4 =	vimm.f32 $0.0e+00  }
.LBB2_10:
0x2fb: {  	s20 =	sand.u32 $0x1C0, s18;
	v0 =	vld [tilespmem:s19+$0xFFFFFFE0];
	p0 =	sne.s32 s18, $0x180;
	s18 =	sadd.s32 $0x40, s18;
	v18 =	vmax.f32 v17, v8;
	v8 =	vmin.f32 v17, v8;
	v19 =	vmax.f32 v16, v11;
	v11 =	vmovc v57  }
0x2fc: {  	v16 =	vld [tilespmem:s19+$0x0];
	v17 =	vmax.f32 v10, v18;
	v10 =	vmin.f32 v10, v18;
	v8 =	vmax.f32 v22, v8  }
0x2fd: {  	v18 =	vld [tilespmem:s19+$0xFFFFFFF0];
	v22 =	vmax.f32 v10, v8;
	v8 =	vmin.f32 v10, v8;
	v10 =	vmax.f32 v14, v13  }
0x2fe: {  	v24 =	vmin.f32 v56, v17;
	v25 =	vmin.f32 v12, v17;
	v23 =	vld [tilespmem:s20+$0xF00];
	v26 =	vmin.f32 v56, v22  }
0x2ff: {  	v12 =	vmax.f32 v12, v22;
	v8 =	vmax.f32 v15, v8;
	v7 =	vld.idx.msk [tilespmem:v7+s13+$0x0], $0xffff;
	v15 =	vmax.f32 v25, v26  }
0x300: {  	v61 =	vmax.f32 v61, v10;
	v22 =	vand.u32 $0x7F, v0;
	v0 =	vshrl.u32 v0, $0x7  }
0x301: {  	v27 =	vmin.f32 v5, v10;
	v25 =	vadd.s32 $0x80, v0;
	v26 =	vshrl.u32 v16, $0x7  }
0x302: {  	v28 =	vadd.s32 $0xC0, v0;
	v16 =	vand.u32 $0x7F, v16;
	v29 =	vadd.s32 $0x80, v26  }
0x303: {  	v30 =	vand.u32 $0x7F, v0;
	v25 =	vand.u32 $0x3FFFF80, v25;
	v31 =	vadd.s32 $0xC0, v26  }
0x304: {  	v2 =	vmul.f32 v9, v2;
	v25 =	vor.u32 v30, v25;
	v29 =	vand.u32 $0x3FFFF80, v29  }
0x305: {  	v32 =	vand.u32 $0x7F, v26;
	v9 =	vshrl.u32 v23, $0x7;
	v1 =	vmul.f32 v1, v7;
	v30 =	vld.idx.msk [tilespmem:v0+s14+$0x0], $0xffff  }
0x306: {  	v56 =	vmax.f32 v56, v17;
	v23 =	vand.u32 $0x7F, v23;
	v7 =	vand.u32 $0x7F, v9;
	v33 =	vld.idx.msk [tilespmem:v26+s14+$0x0], $0xffff  }
0x307: {  	v10 =	vmin.f32 v4, v10;
	v17 =	vadd.s32 $0x40, v9;
	v34 =	vadd.s32 $0xE0, v23;
	v35 =	vld.idx.msk [tilespmem:v16+s13+$0x0], $0xffff  }
0x308: {  	v36 =	vadd.s32 $0x70, v23;
	v37 =	vadd.s32 $0x80, v9;
	v39 =	vmax.f32 v2, v1;
	v38 =	vld.idx.msk [tilespmem:v22+s13+$0x0], $0xffff  }
0x309: {  	v29 =	vor.u32 v32, v29;
	v37 =	vand.u32 $0x3FFFF80, v37;
	v32 =	vmin.f32 v21, v39;
	v25 =	vld.idx.msk [tilespmem:v25+s14+$0x0], $0xffff  }
0x30a: {  	v41 =	vadd.s32 $0xE0, v22;
	v37 =	vor.u32 v7, v37;
	v21 =	vmax.f32 v21, v39;
	v40 =	vld.idx.msk [tilespmem:v9+s14+$0x0], $0xffff  }
0x30b: {  	v42 =	vadd.s32 $0x150, v22;
	v1 =	vmin.f32 v2, v1;
	v9 =	vadd.s32 $0xC0, v9;
	v39 =	vld.idx.msk [tilespmem:v23+s13+$0x0], $0xffff  }
0x30c: {  	v1 =	vmax.f32 v20, v1;
	v2 =	vld.idx.msk [tilespmem:v34+s13+$0x0], $0xffff;
	v34 =	vand.u32 $0x7F, v18;
	v18 =	vshrl.u32 v18, $0x7  }
0x30d: {  	v12 =	vmax.f32 v24, v12;
	v43 =	vadd.s32 $0x150, v16;
	v17 =	vld.idx.msk [tilespmem:v17+s14+$0x0], $0xffff;
	v20 =	vand.u32 $0x7F, v18  }
0x30e: {  	v0 =	vadd.s32 $0x40, v0;
	v22 =	vadd.s32 $0x70, v22;
	v24 =	vld.idx.msk [tilespmem:v31+s14+$0x0], $0xffff;
	v31 =	vmin.f32 v3, v21  }
0x30f: {  	v46 =	vadd.s32 $0xE0, v16;
	v44 =	vadd.s32 $0x70, v34;
	v45 =	vadd.s32 $0x80, v18;
	v29 =	vld.idx.msk [tilespmem:v29+s14+$0x0], $0xffff  }
0x310: {  	v7 =	vadd.s32 $0x70, v16;
	v16 =	vadd.s32 $0x40, v26;
	v26 =	vmin.f32 v60, v21;
	v28 =	vld.idx.msk [tilespmem:v28+s14+$0x0], $0xffff  }
0x311: {  	v47 =	vmax.f32 v32, v1;
	v45 =	vand.u32 $0x3FFFF80, v45;
	v39 =	vmul.f32 v40, v39;
	v40 =	vld.idx.msk [tilespmem:v18+s14+$0x0], $0xffff  }
0x312: {  	v13 =	vmin.f32 v14, v13;
	v23 =	vadd.s32 $0x150, v23;
	v20 =	vor.u32 v20, v45;
	v48 =	vld.idx.msk [tilespmem:v34+s13+$0x0], $0xffff  }
0x313: {  	v15 =	vmax.f32 v8, v15;
	v14 =	vmul.f32 v30, v38;
	v38 =	vmin.f32 v3, v47;
	v30 =	vld.idx.msk [tilespmem:v43+s13+$0x0], $0xffff  }
0x314: {  	v33 =	vmul.f32 v33, v35;
	v8 =	vadd.s32 $0x150, v34;
	v43 =	vmin.f32 v13, v19;
	v35 =	vld.idx.msk [tilespmem:v46+s13+$0x0], $0xffff  }
0x315: {  	v45 =	vadd.s32 $0xC0, v18;
	v46 =	vmin.f32 v39, v14;
	v43 =	vmax.f32 v62, v43;
	v36 =	vld.idx.msk [tilespmem:v36+s13+$0x0], $0xffff  }
0x316: {  	v1 =	vmin.f32 v32, v1;
	v18 =	vadd.s32 $0x40, v18;
	v14 =	vmax.f32 v39, v14;
	v37 =	vld.idx.msk [tilespmem:v37+s14+$0x0], $0xffff  }
0x317: {  	v32 =	vadd.s32 $0xE0, v34;
	v26 =	vmax.f32 v26, v38;
	v34 =	vmax.f32 v60, v47;
	v23 =	vld.idx.msk [tilespmem:v23+s13+$0x0], $0xffff  }
0x318: {  	v1 =	vmax.f32 v6, v1;
	v6 =	vmax.f32 v13, v19;
	v39 =	vmul.f32 v40, v48;
	v38 =	vld.idx.msk [tilespmem:v41+s13+$0x0], $0xffff  }
0x319: {  	v4 =	vmax.f32 v4, v6;
	v5 =	vmin.f32 v5, v6;
	v60 =	vmax.f32 v31, v34;
	v13 =	vld.idx.msk [tilespmem:v42+s13+$0x0], $0xffff  }
0x31a: {  	v4 =	vmax.f32 v27, v4;
	v5 =	vmax.f32 v10, v5;
	v19 =	vmax.f32 v39, v33;
	v9 =	vld.idx.msk [tilespmem:v9+s14+$0x0], $0xffff  }
0x31b: {  	v3 =	vmax.f32 v3, v21;
	v62 =	vmax.f32 v43, v5;
	v31 =	vmax.f32 v14, v19;
	v27 =	vld.idx.msk [tilespmem:v8+s13+$0x0], $0xffff  }
0x31c: {  	v6 =	vmax.f32 v1, v26;
	v34 =	vmul.f32 v17, v36;
	v57 =	vmax.f32 v57, v31;
	v0 =	vld.idx.msk [tilespmem:v0+s14+$0x0], $0xffff  }
0x31d: {  	v5 =	vmov v61;
	v10 =	vmin.f32 v14, v19;
	v8 =	vmin.f32 v39, v33;
	v1 =	vld.idx.msk [tilespmem:v45+s14+$0x0], $0xffff  }
0x31e: {  	v19 =	vmul.f32 v24, v30;
	v17 =	vmax.f32 v46, v8;
	v14 =	vld.idx.msk [tilespmem:v20+s14+$0x0], $0xffff;
	v20 =	vmin.f32 v59, v31  }
0x31f: {  	v8 =	vmul.f32 v29, v35;
	v24 =	vmax.f32 v10, v17;
	v21 =	vld.idx.msk [tilespmem:v22+s13+$0x0], $0xffff;
	v22 =	vmul.f32 v25, v38  }
0x320: {  	v2 =	vmul.f32 v37, v2;
	v10 =	vmin.f32 v10, v17;
	v17 =	vmin.f32 v11, v24;
	v25 =	vld.idx.msk [tilespmem:v32+s13+$0x0], $0xffff  }
0x321: {  	v26 =	vmul.f32 v28, v13;
	v10 =	vmax.f32 v58, v10;
	v13 =	vmax.f32 v20, v17  }
0x322: {  	v58 =	vmax.f32 v10, v13;
	v10 =	vmax.f32 v2, v22;
	v22 =	vmin.f32 v2, v22  }
.Ltmp4:
0x323: {  	v2 =	vmax.f32 v59, v24;
	v13 =	vmul.f32 v1, v27;
	v1 =	vmin.f32 v11, v31;
	(pc) =	sbr.rel @p0 .LBB2_10-.Ltmp4, $4  }
0x324: {  	v23 =	vmul.f32 v9, v23;
	v59 =	vmax.f32 v1, v2  }
0x325: {  	v0 =	vmul.f32 v0, v21;
	v11 =	vmin.f32 v13, v19;
	v1 =	vld.idx.msk [tilespmem:v16+s14+$0x0], $0xffff  }
0x326: {  	v13 =	vmax.f32 v13, v19;
	v17 =	vmul.f32 v14, v25;
	v16 =	vmin.f32 v23, v26;
	v2 =	vld.idx.msk [tilespmem:v44+s13+$0x0], $0xffff  }
0x327: {  	s19 =	sadd.s32 $0x40, s19;
	v14 =	vmax.f32 v23, v26;
	v21 =	vmax.f32 v34, v0;
	v20 =	vmin.f32 v34, v0;
	v9 =	vld.idx.msk [tilespmem:v18+s14+$0x0], $0xffff  }
0x328: {  	_ = 	snop  }
0x329: {  	v0 =	vmax.f32 v17, v8;
	v8 =	vmin.f32 v17, v8  }
0x32a: {  	v11 =	vmax.f32 v16, v11;
	v16 =	vmin.f32 v10, v0;
	v8 =	vmax.f32 v22, v8  }
0x32b: {  	v0 =	vmax.f32 v10, v0;
	v10 =	vmax.f32 v16, v8;
	v8 =	vmin.f32 v16, v8  }
0x32c: {  	v7 =	vld.idx.msk [tilespmem:v7+s13+$0x0], $0xffff;
	v16 =	vmax.f32 v14, v13;
	v17 =	vmin.f32 v56, v0;
	v18 =	vmin.f32 v12, v0  }
0x32d: {  	v0 =	vmax.f32 v56, v0;
	v13 =	vmin.f32 v14, v13;
	v19 =	vmin.f32 v56, v10  }
0x32e: {  	v10 =	vmax.f32 v12, v10;
	v8 =	vmax.f32 v15, v8;
	v15 =	vmin.f32 v4, v16  }
0x32f: {  	v0 =	vsub.f32 $1.000000000e+00, v0;
	v12 =	vmax.f32 v18, v19;
	v2 =	vmul.f32 v9, v2  }
0x330: {  	v9 =	vmin.f32 v5, v16;
	v10 =	vmax.f32 v17, v10;
	v19 =	vmin.f32 v13, v11  }
0x331: {  	v11 =	vmax.f32 v13, v11;
	v1 =	vmul.f32 v1, v7;
	v7 =	vmax.f32 v61, v16  }
0x332: {  	v8 =	vmax.f32 v8, v12;
	v12 =	vmax.f32 v62, v19;
	v4 =	vmax.f32 v4, v11  }
0x333: {  	v5 =	vmin.f32 v5, v11;
	v4 =	vmax.f32 v9, v4;
	v16 =	vmax.f32 v2, v1  }
0x334: {  	v1 =	vmin.f32 v2, v1;
	v2 =	vmin.f32 v21, v16;
	v16 =	vmax.f32 v21, v16  }
0x335: {  	v9 =	vsub.f32 $1.000000000e+00, v59;
	v1 =	vmax.f32 v20, v1;
	v17 =	vmin.f32 v3, v16  }
0x336: {  	v14 =	vmin.f32 v60, v16;
	v18 =	vmax.f32 v2, v1;
	v1 =	vmin.f32 v2, v1  }
0x337: {  	v20 =	vmin.f32 v3, v18;
	v2 =	vmax.f32 v60, v18;
	v1 =	vmax.f32 v6, v1  }
0x338: {  	v3 =	vmax.f32 v3, v16;
	v6 =	vsub.f32 $1.000000000e+00, v57;
	v2 =	vmax.f32 v17, v2  }
0x339: {  	v11 =	vld [tilespmem:$0x14B0];
	v13 =	vmax.f32 v14, v20;
	v3 =	vsub.f32 $1.000000000e+00, v3;
	v2 =	vsub.f32 $1.000000000e+00, v2  }
0x33a: {  	v1 =	vmax.f32 v1, v13;
	v6 =	vmul.f32 v9, v6;
	v9 =	vsub.f32 $1.000000000e+00, v58  }
0x33b: {  	v5 =	vmax.f32 v15, v5;
	v1 =	vsub.f32 $1.000000000e+00, v1;
	v2 =	vmul.f32 v2, v3  }
0x33c: {  	v5 =	vmax.f32 v12, v5;
	v3 =	vmul.f32 v9, v6;
	v6 =	vsub.f32 $1.000000000e+00, v10  }
0x33d: {  	v4 =	vsub.f32 $1.000000000e+00, v4;
	v1 =	vmul.f32 v1, v2;
	v2 =	vsub.f32 $1.000000000e+00, v7  }
0x33e: {  	v7 =	vadd.s32 $0x80, v11;
	v0 =	vmul.f32 v6, v0;
	v6 =	vsub.f32 $1.000000000e+00, v8  }
0x33f: {  	v8 =	vadd.s32 $0x100, v11;
	v2 =	vmul.f32 v4, v2;
	v4 =	vsub.f32 $1.000000000e+00, v5  }
0x340: {  	v3 =	vsub.f32 $1.000000000e+00, v3;
	v0 =	vmul.f32 v6, v0;
	v5 =	vadd.s32 $0x180, v11  }
0x341: {  	v1 =	vsub.f32 $1.000000000e+00, v1;
	v2 =	vmul.f32 v4, v2  }
0x342: {  	[tilespmem:v11+s15+$0x0] =	vst.idx.msk $0xffff, v3;
	v0 =	vsub.f32 $1.000000000e+00, v0  }
0x343: {  	[tilespmem:v7+s15+$0x0] =	vst.idx.msk $0xffff, v1;
	v1 =	vsub.f32 $1.000000000e+00, v2  }
0x344: {  	[tilespmem:v8+s15+$0x0] =	vst.idx.msk $0xffff, v0  }
0x345: {  	s18 =	simm.s32 $0x0;
	[tilespmem:v5+s15+$0x0] =	vst.idx.msk $0xffff, v1  }
0x346: {  	v0 =	vld [tilespmem:s18+$0x10F0]  }
0x347: {  	v1 =	vld [tilespmem:s18+$0x10D0]  }
0x348: {  	v2 =	vld [tilespmem:s18+$0x10E0];
	_ =	sdelay $0x2  }
0x349: {  	v3 =	vand.u32 $0x7F, v0  }
0x34a: {  	v5 =	vld [tilespmem:s18+$0x10C0];
	v0 =	vshrl.u32 v0, $0x7  }
0x34b: {  	v4 =	vshrl.u32 v1, $0x7;
	v6 =	vshrl.u32 v2, $0x7  }
0x34c: {  	v7 =	vadd.s32 $0x80, v4  }
0x34d: {  	v1 =	vand.u32 $0x7F, v1;
	v8 =	vand.u32 $0x7F, v4;
	v7 =	vand.u32 $0x3FFFF80, v7  }
0x34e: {  	v2 =	vand.u32 $0x7F, v2;
	v7 =	vor.u32 v8, v7;
	v8 =	vld.idx.msk [tilespmem:v3+s13+$0x0], $0xffff  }
0x34f: {  	v10 =	vand.u32 $0x7F, v5;
	v9 =	vld.idx.msk [tilespmem:v0+s14+$0x0], $0xffff  }
0x350: {  	v5 =	vshrl.u32 v5, $0x7;
	v12 =	vadd.s32 $0x80, v0;
	v11 =	vld.idx.msk [tilespmem:v6+s14+$0x0], $0xffff  }
0x351: {  	v14 =	vand.u32 $0x7F, v0;
	v15 =	vadd.s32 $0xE0, v3;
	v12 =	vand.u32 $0x3FFFF80, v12;
	v13 =	vld.idx.msk [tilespmem:v4+s14+$0x0], $0xffff  }
0x352: {  	v16 =	vadd.s32 $0xC0, v0;
	v12 =	vor.u32 v14, v12;
	v14 =	vld.idx.msk [tilespmem:v1+s13+$0x0], $0xffff  }
0x353: {  	v19 =	vadd.s32 $0xE0, v2;
	v17 =	vld.idx.msk [tilespmem:v2+s13+$0x0], $0xffff  }
0x354: {  	v20 =	vadd.s32 $0xC0, v4;
	v18 =	vld.idx.msk [tilespmem:v10+s13+$0x0], $0xffff  }
0x355: {  	v22 =	vadd.s32 $0xE0, v1;
	v21 =	vld.idx.msk [tilespmem:v5+s14+$0x0], $0xffff  }
0x356: {  	v23 =	vadd.s32 $0x70, v1;
	v15 =	vld.idx.msk [tilespmem:v15+s13+$0x0], $0xffff  }
0x357: {  	v24 =	vadd.s32 $0x150, v10;
	v16 =	vld.idx.msk [tilespmem:v16+s14+$0x0], $0xffff  }
0x358: {  	v25 =	vadd.s32 $0xE0, v10;
	v19 =	vld.idx.msk [tilespmem:v19+s13+$0x0], $0xffff  }
0x359: {  	v26 =	vadd.s32 $0xC0, v5;
	v20 =	vld.idx.msk [tilespmem:v20+s14+$0x0], $0xffff  }
0x35a: {  	v27 =	vadd.s32 $0x40, v6;
	v22 =	vld.idx.msk [tilespmem:v22+s13+$0x0], $0xffff  }
0x35b: {  	v23 =	vld.idx.msk [tilespmem:v23+s13+$0x0], $0xffff  }
0x35c: {  	v24 =	vld.idx.msk [tilespmem:v24+s13+$0x0], $0xffff  }
0x35d: {  	v4 =	vadd.s32 $0x40, v4;
	v25 =	vld.idx.msk [tilespmem:v25+s13+$0x0], $0xffff  }
0x35e: {  	v28 =	vadd.s32 $0x80, v5;
	v1 =	vadd.s32 $0x150, v1;
	v26 =	vld.idx.msk [tilespmem:v26+s14+$0x0], $0xffff  }
0x35f: {  	v29 =	vand.u32 $0x7F, v5;
	v28 =	vand.u32 $0x3FFFF80, v28;
	v0 =	vadd.s32 $0x40, v0;
	v27 =	vld.idx.msk [tilespmem:v27+s14+$0x0], $0xffff  }
0x360: {  	v28 =	vor.u32 v29, v28;
	v7 =	vld.idx.msk [tilespmem:v7+s14+$0x0], $0xffff  }
0x361: {  	v56 =	vimm.f32 $0.0e+00;
	v62 =	vimm.f32 $0.0e+00;
	v30 =	vadd.s32 $0x70, v2;
	v12 =	vld.idx.msk [tilespmem:v12+s14+$0x0], $0xffff  }
0x362: {  	v32 =	vadd.s32 $0x150, v3;
	v29 =	vadd.s32 $0x80, v6;
	v3 =	vadd.s32 $0x70, v3;
	v4 =	vld.idx.msk [tilespmem:v4+s14+$0x0], $0xffff  }
0x363: {  	v31 =	vand.u32 $0x7F, v6;
	v29 =	vand.u32 $0x3FFFF80, v29;
	v6 =	vadd.s32 $0xC0, v6;
	v1 =	vld.idx.msk [tilespmem:v1+s13+$0x0], $0xffff  }
0x364: {  	v2 =	vadd.s32 $0x150, v2;
	v11 =	vmul.f32 v11, v17;
	v8 =	vmul.f32 v9, v8;
	v0 =	vld.idx.msk [tilespmem:v0+s14+$0x0], $0xffff  }
0x365: {  	v29 =	vor.u32 v31, v29;
	v9 =	vmul.f32 v13, v14;
	v13 =	vmul.f32 v21, v18;
	v14 =	vld.idx.msk [tilespmem:v28+s14+$0x0], $0xffff  }
0x366: {  	v10 =	vadd.s32 $0x70, v10;
	v5 =	vadd.s32 $0x40, v5;
	v18 =	vld.idx.msk [tilespmem:v30+s13+$0x0], $0xffff;
	v17 =	vmax.f32 v11, v8  }
0x367: {  	v28 =	vld.idx.msk [tilespmem:v3+s13+$0x0], $0xffff;
	v8 =	vmin.f32 v11, v8;
	v11 =	vmax.f32 v13, v9;
	v9 =	vmin.f32 v13, v9  }
0x368: {  	v6 =	vld.idx.msk [tilespmem:v6+s14+$0x0], $0xffff;
	v21 =	vmin.f32 v11, v17;
	v8 =	vmax.f32 v9, v8;
	v11 =	vmax.f32 v11, v17  }
0x369: {  	v2 =	vld.idx.msk [tilespmem:v2+s13+$0x0], $0xffff;
	v12 =	vmul.f32 v12, v15;
	v17 =	vmax.f32 v21, v8;
	v8 =	vmin.f32 v21, v8  }
0x36a: {  	v9 =	vld.idx.msk [tilespmem:v29+s14+$0x0], $0xffff;
	v21 =	vmin.f32 v56, v11;
	v3 =	vmax.f32 v56, v11;
	v29 =	vmin.f32 v56, v17  }
0x36b: {  	v10 =	vld.idx.msk [tilespmem:v10+s13+$0x0], $0xffff;
	v17 =	vmax.f32 v56, v17;
	v1 =	vmul.f32 v20, v1;
	v14 =	vmul.f32 v14, v25  }
0x36c: {  	v13 =	vld.idx.msk [tilespmem:v32+s13+$0x0], $0xffff;
	v8 =	vmax.f32 v56, v8;
	v18 =	vmul.f32 v27, v18;
	v15 =	vmax.f32 v21, v29  }
0x36d: {  	s31 =	simm.s32 $0x40;
	v20 =	vld.idx.msk [tilespmem:v5+s14+$0x0], $0xffff;
	v21 =	vmul.f32 v7, v22;
	v7 =	vmin.f32 v56, v11;
	v11 =	vmul.f32 v26, v24  }
0x36e: {  	v0 =	vmul.f32 v0, v28;
	v2 =	vmul.f32 v6, v2;
	v22 =	vld [tilespmem:s31+$0x10F0];
	v7 =	vmax.f32 v7, v17  }
0x36f: {  	v24 =	vld [tilespmem:s31+$0x10E0];
	v17 =	vmul.f32 v4, v23;
	v8 =	vmax.f32 v8, v15;
	v23 =	vmin.f32 v11, v1  }
0x370: {  	v5 =	vmax.f32 v14, v21;
	v4 =	vmin.f32 v14, v21;
	v9 =	vmul.f32 v9, v19  }
0x371: {  	v1 =	vmax.f32 v11, v1;
	v11 =	vmul.f32 v16, v13;
	v13 =	vmax.f32 v18, v0  }
0x372: {  	v0 =	vmin.f32 v18, v0;
	v6 =	vmin.f32 v9, v12;
	v10 =	vmul.f32 v20, v10  }
0x373: {  	v16 =	vmax.f32 v2, v11;
	v2 =	vmin.f32 v2, v11;
	v9 =	vmax.f32 v9, v12  }
0x374: {  	v15 =	vand.u32 $0x7F, v22;
	v11 =	vshrl.u32 v24, $0x7;
	v19 =	vshrl.u32 v22, $0x7  }
0x375: {  	v14 =	vld [tilespmem:s31+$0x10D0];
	v26 =	vmin.f32 v1, v16;
	v2 =	vmax.f32 v23, v2;
	v24 =	vand.u32 $0x7F, v24  }
0x376: {  	v18 =	vld [tilespmem:s31+$0x10C0];
	v55 =	vmax.f32 v5, v9;
	v20 =	vadd.s32 $0x40, v19;
	v21 =	vadd.s32 $0x80, v19  }
0x377: {  	v23 =	vand.u32 $0x7F, v11;
	v28 =	vadd.s32 $0x80, v11;
	v29 =	vmax.f32 v10, v17  }
0x378: {  	v58 =	vadd.s32 $0xC0, v19;
	v34 =	vadd.s32 $0x150, v24;
	v38 =	vadd.s32 $0xE0, v15  }
0x379: {  	v43 =	vadd.s32 $0xC0, v11;
	v44 =	vadd.s32 $0x150, v15;
	v10 =	vmin.f32 v10, v17;
	v27 =	vld.idx.msk [tilespmem:v15+s13+$0x0], $0xffff  }
0x37a: {  	v60 =	vmax.f32 v56, v55;
	v12 =	vshrl.u32 v14, $0x7;
	v21 =	vand.u32 $0x3FFFF80, v21;
	v31 =	vld.idx.msk [tilespmem:v19+s14+$0x0], $0xffff  }
0x37b: {  	v14 =	vand.u32 $0x7F, v14;
	v30 =	vand.u32 $0x7F, v18;
	v18 =	vshrl.u32 v18, $0x7;
	v33 =	vld.idx.msk [tilespmem:v11+s14+$0x0], $0xffff  }
0x37c: {  	v28 =	vand.u32 $0x3FFFF80, v28;
	v17 =	vmin.f32 v29, v13;
	v0 =	vmax.f32 v10, v0;
	v42 =	vld.idx.msk [tilespmem:v24+s13+$0x0], $0xffff  }
0x37d: {  	v13 =	vmax.f32 v29, v13;
	v22 =	vadd.s32 $0x80, v12;
	v25 =	vand.u32 $0x7F, v12;
	v38 =	vld.idx.msk [tilespmem:v38+s13+$0x0], $0xffff  }
0x37e: {  	v35 =	vadd.s32 $0xE0, v14;
	v39 =	vadd.s32 $0xC0, v12;
	v40 =	vadd.s32 $0x80, v18;
	v63 =	vld.idx.msk [tilespmem:v58+s14+$0x0], $0xffff  }
0x37f: {  	v45 =	vadd.s32 $0x70, v14;
	v46 =	vadd.s32 $0x150, v30;
	v22 =	vand.u32 $0x3FFFF80, v22;
	v36 =	vld.idx.msk [tilespmem:v12+s14+$0x0], $0xffff  }
0x380: {  	v22 =	vor.u32 v25, v22;
	v25 =	vadd.s32 $0x70, v15;
	v19 =	vand.u32 $0x7F, v19;
	v41 =	vld.idx.msk [tilespmem:v14+s13+$0x0], $0xffff  }
0x381: {  	v15 =	vand.u32 $0x3FFFF80, v40;
	v19 =	vor.u32 v19, v21;
	v21 =	vand.u32 $0x7F, v18;
	v59 =	vld.idx.msk [tilespmem:v30+s13+$0x0], $0xffff  }
0x382: {  	v37 =	vadd.s32 $0x150, v14;
	v23 =	vor.u32 v23, v28;
	v15 =	vor.u32 v21, v15;
	v21 =	vld.idx.msk [tilespmem:v18+s14+$0x0], $0xffff  }
0x383: {  	v28 =	vadd.s32 $0x70, v24;
	v47 =	vadd.s32 $0xC0, v18;
	v48 =	vadd.s32 $0x70, v30;
	v32 =	vld.idx.msk [tilespmem:v39+s14+$0x0], $0xffff  }
0x384: {  	v58 =	vmax.f32 v56, v13;
	v13 =	vmin.f32 v56, v13;
	v14 =	vadd.s32 $0xE0, v24;
	v35 =	vld.idx.msk [tilespmem:v35+s13+$0x0], $0xffff  }
0x385: {  	v12 =	vadd.s32 $0x40, v12;
	v24 =	vmin.f32 v26, v2;
	v26 =	vmax.f32 v26, v2;
	v29 =	vld.idx.msk [tilespmem:v45+s13+$0x0], $0xffff  }
0x386: {  	v2 =	vadd.s32 $0x40, v11;
	v18 =	vadd.s32 $0x40, v18;
	v50 =	vld.idx.msk [tilespmem:v46+s13+$0x0], $0xffff;
	v10 =	vmul.f32 v33, v42  }
0x387: {  	v22 =	vld.idx.msk [tilespmem:v22+s14+$0x0], $0xffff;
	v27 =	vmul.f32 v31, v27;
	v31 =	vmax.f32 v17, v0;
	v0 =	vmin.f32 v17, v0  }
0x388: {  	v11 =	vld.idx.msk [tilespmem:v19+s14+$0x0], $0xffff;
	v19 =	vadd.s32 $0xE0, v30;
	v30 =	vmul.f32 v36, v41;
	v17 =	vmul.f32 v21, v59  }
0x389: {  	v52 =	vld.idx.msk [tilespmem:v47+s14+$0x0], $0xffff;
	v54 =	vmax.f32 v56, v24;
	v24 =	vmax.f32 v4, v6;
	v49 =	vmin.f32 v56, v31  }
0x38a: {  	v28 =	vld.idx.msk [tilespmem:v28+s13+$0x0], $0xffff;
	v21 =	vmax.f32 v10, v27;
	v10 =	vmin.f32 v10, v27;
	v27 =	vmax.f32 v17, v30  }
0x38b: {  	v0 =	vmax.f32 v56, v0;
	v14 =	vld.idx.msk [tilespmem:v14+s13+$0x0], $0xffff;
	v17 =	vmin.f32 v17, v30;
	v30 =	vmin.f32 v27, v21  }
0x38c: {  	v12 =	vld.idx.msk [tilespmem:v12+s14+$0x0], $0xffff;
	v10 =	vmax.f32 v17, v10;
	v17 =	vmax.f32 v27, v21;
	v27 =	vmax.f32 v1, v16  }
0x38d: {  	v35 =	vmul.f32 v22, v35;
	v16 =	vld.idx.msk [tilespmem:v37+s13+$0x0], $0xffff;
	v21 =	vmax.f32 v30, v10;
	v10 =	vmin.f32 v30, v10  }
0x38e: {  	v51 =	vld.idx.msk [tilespmem:v19+s13+$0x0], $0xffff;
	v30 =	vmin.f32 v7, v17;
	v19 =	vmul.f32 v11, v38;
	v57 =	vmax.f32 v3, v17  }
0x38f: {  	v11 =	vld.idx.msk [tilespmem:v2+s14+$0x0], $0xffff;
	v2 =	vmin.f32 v3, v17;
	v17 =	vmin.f32 v56, v27;
	v53 =	vmin.f32 v3, v21  }
0x390: {  	v3 =	vmax.f32 v56, v31;
	v31 =	vld.idx.msk [tilespmem:v20+s14+$0x0], $0xffff;
	v20 =	vmax.f32 v56, v26;
	v7 =	vmax.f32 v7, v21  }
0x391: {  	v21 =	vmin.f32 v5, v9;
	v5 =	vmin.f32 v56, v26;
	v1 =	vmax.f32 v30, v53;
	v30 =	vld.idx.msk [tilespmem:v15+s14+$0x0], $0xffff  }
0x392: {  	v18 =	vld.idx.msk [tilespmem:v18+s14+$0x0], $0xffff;
	v61 =	vmax.f32 v13, v3;
	v59 =	vmax.f32 v2, v7;
	v15 =	vmax.f32 v8, v10  }
0x393: {  	v22 =	vld.idx.msk [tilespmem:v23+s14+$0x0], $0xffff;
	v3 =	vmax.f32 v17, v20;
	v8 =	vmul.f32 v52, v50;
	v7 =	vmax.f32 v13, v49  }
0x394: {  	v13 =	vmul.f32 v12, v29;
	v10 =	vld.idx.msk [tilespmem:v25+s13+$0x0], $0xffff;
	v20 =	vmin.f32 v56, v55;
	v25 =	vmin.f32 v56, v55  }
0x395: {  	v9 =	vld.idx.msk [tilespmem:v43+s14+$0x0], $0xffff;
	v26 =	vmin.f32 v21, v24;
	v12 =	vimm.f32 $0.0e+00;
	v23 =	vmul.f32 v32, v16  }
0x396: {  	v2 =	vld.idx.msk [tilespmem:v44+s13+$0x0], $0xffff;
	v7 =	vmax.f32 v0, v7;
	v0 =	vmax.f32 v17, v5;
	v4 =	vmul.f32 v30, v51  }
0x397: {  	v17 =	vld.idx.msk [tilespmem:v48+s13+$0x0], $0xffff;
	v6 =	vmax.f32 v54, v0;
	v29 =	vmin.f32 v8, v23;
	v30 =	vmul.f32 v11, v28  }
0x398: {  	s18 =	simm.s32 $0x200;
	v16 =	vld.idx.msk [tilespmem:v34+s13+$0x0], $0xffff;
	v11 =	vimm.f32 $0.0e+00;
	v5 =	vmax.f32 v4, v35;
	v4 =	vmin.f32 v4, v35  }
.LBB2_12:
0x399: {  	s19 =	sshra.s32 s18, $0x2;
	p0 =	sne.s32 s18, $0x500;
	s18 =	sadd.s32 $0x100, s18;
	v0 =	vmul.f32 v22, v14;
	v15 =	vmax.f32 v15, v1;
	v1 =	vmax.f32 v21, v24;
	v28 =	vmovc v58  }
0x39a: {  	v12 =	vmax.f32 v12, v26;
	v22 =	vmovc v57;
	v14 =	vld [tilespmem:s19+$0x10F0];
	v32 =	vmax.f32 v56, v1;
	v1 =	vmin.f32 v11, v1  }
0x39b: {  	v62 =	vmax.f32 v62, v27;
	v21 =	vmovc v61;
	v24 =	vld [tilespmem:s19+$0x10E0];
	v56 =	vmax.f32 v20, v32;
	v1 =	vmax.f32 v25, v1  }
0x39c: {  	v10 =	vmul.f32 v31, v10;
	v27 =	vmax.f32 v8, v23;
	v11 =	vmovc v60;
	v25 =	vld [tilespmem:s19+$0x10D0];
	v12 =	vmax.f32 v12, v1  }
0x39d: {  	v2 =	vmul.f32 v63, v2;
	v8 =	vmul.f32 v9, v16;
	v20 =	vmin.f32 v0, v19;
	v1 =	vld [tilespmem:s19+$0x10C0]  }
0x39e: {  	v16 =	vmax.f32 v30, v10;
	v10 =	vmin.f32 v30, v10;
	v9 =	vmul.f32 v18, v17  }
0x39f: {  	v18 =	vmax.f32 v8, v2;
	v2 =	vmin.f32 v8, v2;
	v17 =	vand.u32 $0x7F, v14  }
0x3a0: {  	v23 =	vmax.f32 v0, v19;
	v14 =	vshrl.u32 v14, $0x7;
	v8 =	vshrl.u32 v24, $0x7  }
0x3a1: {  	v26 =	vadd.s32 $0x40, v14;
	v19 =	vadd.s32 $0x80, v14;
	v0 =	vshrl.u32 v25, $0x7  }
0x3a2: {  	v31 =	vmin.f32 v27, v18;
	v19 =	vand.u32 $0x3FFFF80, v19;
	v30 =	vadd.s32 $0x80, v0  }
0x3a3: {  	v2 =	vmax.f32 v29, v2;
	v32 =	vand.u32 $0x7F, v0;
	v30 =	vand.u32 $0x3FFFF80, v30  }
0x3a4: {  	v29 =	vadd.s32 $0x70, v17;
	v33 =	vand.u32 $0x7F, v8;
	v32 =	vor.u32 v32, v30;
	v34 =	vld.idx.msk [tilespmem:v17+s13+$0x0], $0xffff  }
0x3a5: {  	v37 =	vmax.f32 v9, v13;
	v25 =	vand.u32 $0x7F, v25;
	v35 =	vadd.s32 $0x80, v8;
	v36 =	vld.idx.msk [tilespmem:v14+s14+$0x0], $0xffff  }
0x3a6: {  	v24 =	vand.u32 $0x7F, v24;
	v40 =	vadd.s32 $0xC0, v14;
	v38 =	vand.u32 $0x7F, v1;
	v39 =	vld.idx.msk [tilespmem:v8+s14+$0x0], $0xffff  }
0x3a7: {  	v1 =	vshrl.u32 v1, $0x7;
	v30 =	vadd.s32 $0x150, v24;
	v14 =	vand.u32 $0x7F, v14;
	v41 =	vld.idx.msk [tilespmem:v0+s14+$0x0], $0xffff  }
0x3a8: {  	v44 =	vadd.s32 $0xE0, v17;
	v42 =	vadd.s32 $0xE0, v25;
	v43 =	vadd.s32 $0x150, v25  }
0x3a9: {  	v45 =	vadd.s32 $0xC0, v0;
	v35 =	vand.u32 $0x3FFFF80, v35;
	v14 =	vor.u32 v14, v19;
	v32 =	vld.idx.msk [tilespmem:v32+s14+$0x0], $0xffff  }
0x3aa: {  	v46 =	vadd.s32 $0x80, v1;
	v33 =	vor.u32 v33, v35;
	v19 =	vand.u32 $0x7F, v1;
	v47 =	vld.idx.msk [tilespmem:v25+s13+$0x0], $0xffff  }
0x3ab: {  	v48 =	vadd.s32 $0x70, v24;
	v49 =	vadd.s32 $0xC0, v8;
	v17 =	vadd.s32 $0x150, v17;
	v35 =	vld.idx.msk [tilespmem:v24+s13+$0x0], $0xffff  }
0x3ac: {  	v46 =	vand.u32 $0x3FFFF80, v46;
	v25 =	vadd.s32 $0x70, v25;
	v24 =	vadd.s32 $0xE0, v24;
	v50 =	vld.idx.msk [tilespmem:v38+s13+$0x0], $0xffff  }
0x3ad: {  	v52 =	vmin.f32 v31, v2;
	v46 =	vor.u32 v19, v46;
	v0 =	vadd.s32 $0x40, v0;
	v51 =	vld.idx.msk [tilespmem:v1+s14+$0x0], $0xffff  }
0x3ae: {  	v54 =	vmax.f32 v31, v2;
	v53 =	vadd.s32 $0xC0, v1;
	v19 =	vadd.s32 $0x150, v38;
	v44 =	vld.idx.msk [tilespmem:v44+s13+$0x0], $0xffff  }
0x3af: {  	v9 =	vmin.f32 v9, v13;
	v13 =	vmin.f32 v37, v16;
	v2 =	vadd.s32 $0x40, v8;
	v8 =	vld.idx.msk [tilespmem:v14+s14+$0x0], $0xffff  }
0x3b0: {  	v9 =	vmax.f32 v9, v10;
	v55 =	vadd.s32 $0x70, v38;
	v31 =	vadd.s32 $0xE0, v38;
	v63 =	vld.idx.msk [tilespmem:v40+s14+$0x0], $0xffff  }
0x3b1: {  	v10 =	vmul.f32 v36, v34;
	v38 =	vadd.s32 $0x40, v1;
	v1 =	vmul.f32 v39, v35;
	v14 =	vld.idx.msk [tilespmem:v24+s13+$0x0], $0xffff  }
0x3b2: {  	v35 =	vmax.f32 v13, v9;
	v9 =	vmin.f32 v13, v9;
	v24 =	vmul.f32 v41, v47;
	v34 =	vld.idx.msk [tilespmem:v45+s14+$0x0], $0xffff  }
0x3b3: {  	v39 =	vmin.f32 v58, v35;
	v13 =	vmul.f32 v51, v50;
	v36 =	vmax.f32 v1, v10;
	v0 =	vld.idx.msk [tilespmem:v0+s14+$0x0], $0xffff  }
0x3b4: {  	v7 =	vmax.f32 v7, v9;
	v1 =	vmin.f32 v1, v10;
	v10 =	vmax.f32 v37, v16;
	v40 =	vld.idx.msk [tilespmem:v42+s13+$0x0], $0xffff  }
0x3b5: {  	v58 =	vmax.f32 v58, v10;
	v16 =	vmax.f32 v13, v24;
	v13 =	vmin.f32 v13, v24;
	v9 =	vld.idx.msk [tilespmem:v25+s13+$0x0], $0xffff  }
0x3b6: {  	v1 =	vmax.f32 v13, v1;
	v13 =	vmin.f32 v28, v10;
	v24 =	vld.idx.msk [tilespmem:v19+s13+$0x0], $0xffff;
	v19 =	vmin.f32 v16, v36  }
0x3b7: {  	v16 =	vmax.f32 v16, v36;
	v25 =	vld.idx.msk [tilespmem:v31+s13+$0x0], $0xffff;
	v28 =	vmax.f32 v19, v1;
	v36 =	vmin.f32 v19, v1  }
0x3b8: {  	v27 =	vmax.f32 v27, v18;
	v1 =	vmin.f32 v59, v16;
	v37 =	vld.idx.msk [tilespmem:v53+s14+$0x0], $0xffff;
	v31 =	vmin.f32 v57, v28  }
0x3b9: {  	v19 =	vmul.f32 v8, v44;
	v57 =	vmax.f32 v57, v16;
	v18 =	vld.idx.msk [tilespmem:v2+s14+$0x0], $0xffff;
	v1 =	vmax.f32 v1, v31  }
0x3ba: {  	v32 =	vmul.f32 v32, v40;
	v2 =	vmin.f32 v22, v16;
	v16 =	vmin.f32 v3, v27;
	v40 =	vld.idx.msk [tilespmem:v43+s13+$0x0], $0xffff  }
0x3bb: {  	v6 =	vmax.f32 v6, v52;
	v8 =	vmax.f32 v61, v35;
	v3 =	vmax.f32 v3, v54;
	v31 =	vld.idx.msk [tilespmem:v26+s14+$0x0], $0xffff  }
0x3bc: {  	v61 =	vmax.f32 v13, v8;
	v8 =	vmin.f32 v62, v27;
	v22 =	vmax.f32 v59, v28;
	v26 =	vld.idx.msk [tilespmem:v46+s14+$0x0], $0xffff  }
0x3bd: {  	v15 =	vmax.f32 v15, v36;
	v59 =	vmax.f32 v2, v22;
	v3 =	vmax.f32 v8, v3;
	v28 =	vld.idx.msk [tilespmem:v48+s13+$0x0], $0xffff  }
0x3be: {  	v10 =	vmin.f32 v21, v10;
	v35 =	vmax.f32 v5, v23;
	v8 =	vmul.f32 v37, v24;
	v2 =	vld.idx.msk [tilespmem:v17+s13+$0x0], $0xffff  }
0x3bf: {  	v21 =	vmin.f32 v5, v23;
	v5 =	vmin.f32 v62, v54;
	v17 =	vmax.f32 v10, v39;
	v22 =	vld.idx.msk [tilespmem:v33+s14+$0x0], $0xffff  }
.Ltmp5:
0x3c0: {  	v13 =	vmul.f32 v0, v9;
	v23 =	vmul.f32 v34, v40;
	v7 =	vmax.f32 v7, v17;
	v10 =	vld.idx.msk [tilespmem:v29+s13+$0x0], $0xffff;
	(pc) =	sbr.rel @p0 .LBB2_12-.Ltmp5, $4  }
0x3c1: {  	v60 =	vmax.f32 v60, v35;
	v0 =	vmax.f32 v16, v5;
	v24 =	vmax.f32 v4, v20;
	v9 =	vld.idx.msk [tilespmem:v49+s14+$0x0], $0xffff  }
0x3c2: {  	v20 =	vmin.f32 v11, v35;
	v4 =	vmul.f32 v26, v25;
	v29 =	vmin.f32 v8, v23;
	v16 =	vld.idx.msk [tilespmem:v30+s13+$0x0], $0xffff  }
0x3c3: {  	v6 =	vmax.f32 v6, v0;
	v25 =	vmin.f32 v56, v35;
	v30 =	vmul.f32 v18, v28;
	v17 =	vld.idx.msk [tilespmem:v55+s13+$0x0], $0xffff  }
0x3c4: {  	v26 =	vmin.f32 v21, v24;
	v5 =	vmax.f32 v4, v32;
	v4 =	vmin.f32 v4, v32;
	v18 =	vld.idx.msk [tilespmem:v38+s14+$0x0], $0xffff  }
0x3c5: {  	v0 =	vmax.f32 v21, v24  }
0x3c6: {  	v14 =	vmul.f32 v22, v14;
	v1 =	vmax.f32 v15, v1;
	v12 =	vmax.f32 v12, v26  }
0x3c7: {  	v10 =	vmul.f32 v31, v10;
	v8 =	vmax.f32 v8, v23;
	v2 =	vmul.f32 v63, v2  }
0x3c8: {  	v15 =	vmax.f32 v56, v0;
	v0 =	vmin.f32 v11, v0;
	v1 =	vsub.f32 $1.000000000e+00, v1  }
0x3c9: {  	v11 =	vmax.f32 v20, v15;
	v0 =	vmax.f32 v25, v0;
	v15 =	vmax.f32 v62, v27  }
0x3ca: {  	v9 =	vmul.f32 v9, v16;
	v0 =	vmax.f32 v12, v0;
	v12 =	vmin.f32 v14, v19  }
0x3cb: {  	v16 =	vmul.f32 v18, v17;
	v17 =	vmax.f32 v30, v10;
	v10 =	vmin.f32 v30, v10  }
0x3cc: {  	v18 =	vmax.f32 v9, v2;
	v2 =	vmin.f32 v9, v2;
	v9 =	vmax.f32 v14, v19  }
0x3cd: {  	v4 =	vmax.f32 v4, v12;
	v14 =	vmin.f32 v8, v18;
	v2 =	vmax.f32 v29, v2  }
0x3ce: {  	v8 =	vmax.f32 v8, v18;
	v19 =	vmax.f32 v16, v13;
	v13 =	vmin.f32 v16, v13  }
0x3cf: {  	v16 =	vmin.f32 v14, v2;
	v2 =	vmax.f32 v14, v2;
	v18 =	vmin.f32 v3, v8  }
0x3d0: {  	v20 =	vmin.f32 v19, v17;
	v10 =	vmax.f32 v13, v10;
	v17 =	vmax.f32 v19, v17  }
0x3d1: {  	v3 =	vmax.f32 v3, v2;
	v6 =	vmax.f32 v6, v16;
	v16 =	vmin.f32 v15, v8  }
0x3d2: {  	v2 =	vmin.f32 v15, v2;
	v8 =	vmax.f32 v15, v8;
	v13 =	vmax.f32 v20, v10  }
0x3d3: {  	v10 =	vmin.f32 v20, v10;
	v19 =	vmin.f32 v58, v17;
	v3 =	vmax.f32 v16, v3  }
0x3d4: {  	v16 =	vmin.f32 v61, v17;
	v2 =	vmax.f32 v18, v2;
	v14 =	vmin.f32 v58, v13  }
0x3d5: {  	v7 =	vmax.f32 v7, v10;
	v10 =	vmax.f32 v58, v17;
	v13 =	vmax.f32 v61, v13  }
0x3d6: {  	v17 =	vmax.f32 v5, v9;
	v5 =	vmin.f32 v5, v9;
	v2 =	vmax.f32 v6, v2  }
0x3d7: {  	v13 =	vmax.f32 v19, v13;
	v14 =	vmax.f32 v16, v14;
	v12 =	vmin.f32 v60, v17  }
0x3d8: {  	v6 =	vmin.f32 v5, v4;
	v4 =	vmax.f32 v5, v4;
	v10 =	vsub.f32 $1.000000000e+00, v10  }
0x3d9: {  	v7 =	vmax.f32 v7, v14;
	v14 =	vmin.f32 v11, v17;
	v5 =	vmax.f32 v11, v4  }
0x3da: {  	v0 =	vmax.f32 v0, v6;
	v6 =	vsub.f32 $1.000000000e+00, v57;
	v11 =	vsub.f32 $1.000000000e+00, v59  }
0x3db: {  	v4 =	vmin.f32 v60, v4;
	v13 =	vsub.f32 $1.000000000e+00, v13;
	v5 =	vmax.f32 v12, v5;
	v12 =	vld [tilespmem:$0x14C0]  }
0x3dc: {  	v9 =	vmax.f32 v60, v17;
	v4 =	vmax.f32 v14, v4;
	v6 =	vmul.f32 v11, v6  }
0x3dd: {  	v7 =	vsub.f32 $1.000000000e+00, v7;
	v0 =	vmax.f32 v0, v4;
	v4 =	vmul.f32 v13, v10  }
0x3de: {  	v5 =	vsub.f32 $1.000000000e+00, v5;
	v1 =	vmul.f32 v1, v6;
	v6 =	vsub.f32 $1.000000000e+00, v9  }
0x3df: {  	v3 =	vsub.f32 $1.000000000e+00, v3;
	v4 =	vmul.f32 v7, v4;
	v7 =	vsub.f32 $1.000000000e+00, v8  }
0x3e0: {  	v0 =	vsub.f32 $1.000000000e+00, v0;
	v8 =	vadd.s32 $0x80, v12;
	v5 =	vmul.f32 v5, v6  }
0x3e1: {  	v2 =	vsub.f32 $1.000000000e+00, v2;
	v6 =	vadd.s32 $0x100, v12;
	v3 =	vmul.f32 v3, v7  }
0x3e2: {  	v1 =	vsub.f32 $1.000000000e+00, v1;
	v0 =	vmul.f32 v0, v5;
	v5 =	vadd.s32 $0x180, v12  }
0x3e3: {  	v4 =	vsub.f32 $1.000000000e+00, v4;
	v2 =	vmul.f32 v2, v3  }
0x3e4: {  	[tilespmem:v12+s15+$0x0] =	vst.idx.msk $0xffff, v1;
	v0 =	vsub.f32 $1.000000000e+00, v0  }
0x3e5: {  	v1 =	vsub.f32 $1.000000000e+00, v2;
	[tilespmem:v8+s15+$0x0] =	vst.idx.msk $0xffff, v4  }
0x3e6: {  	[tilespmem:v6+s15+$0x0] =	vst.idx.msk $0xffff, v0  }
0x3e7: {  	s18 =	simm.s32 $0x0;
	[tilespmem:v5+s15+$0x0] =	vst.idx.msk $0xffff, v1  }
0x3e8: {  	v0 =	vld [tilespmem:s18+$0x1270]  }
0x3e9: {  	v1 =	vld [tilespmem:s18+$0x1250]  }
0x3ea: {  	v2 =	vld [tilespmem:s18+$0x1260];
	_ =	sdelay $0x2  }
0x3eb: {  	v3 =	vand.u32 $0x7F, v0  }
0x3ec: {  	v5 =	vld [tilespmem:s18+$0x1240];
	v0 =	vshrl.u32 v0, $0x7  }
0x3ed: {  	v4 =	vshrl.u32 v1, $0x7;
	v6 =	vshrl.u32 v2, $0x7  }
0x3ee: {  	v7 =	vadd.s32 $0x80, v4  }
0x3ef: {  	v1 =	vand.u32 $0x7F, v1;
	v8 =	vand.u32 $0x7F, v4;
	v7 =	vand.u32 $0x3FFFF80, v7  }
0x3f0: {  	v2 =	vand.u32 $0x7F, v2;
	v7 =	vor.u32 v8, v7;
	v8 =	vld.idx.msk [tilespmem:v3+s13+$0x0], $0xffff  }
0x3f1: {  	v10 =	vand.u32 $0x7F, v5;
	v9 =	vld.idx.msk [tilespmem:v0+s14+$0x0], $0xffff  }
0x3f2: {  	v5 =	vshrl.u32 v5, $0x7;
	v12 =	vadd.s32 $0x80, v0;
	v11 =	vld.idx.msk [tilespmem:v6+s14+$0x0], $0xffff  }
0x3f3: {  	v14 =	vand.u32 $0x7F, v0;
	v15 =	vadd.s32 $0xE0, v3;
	v12 =	vand.u32 $0x3FFFF80, v12;
	v13 =	vld.idx.msk [tilespmem:v4+s14+$0x0], $0xffff  }
0x3f4: {  	v16 =	vadd.s32 $0xC0, v0;
	v12 =	vor.u32 v14, v12;
	v14 =	vld.idx.msk [tilespmem:v1+s13+$0x0], $0xffff  }
0x3f5: {  	v19 =	vadd.s32 $0xE0, v2;
	v17 =	vld.idx.msk [tilespmem:v2+s13+$0x0], $0xffff  }
0x3f6: {  	v20 =	vadd.s32 $0xC0, v4;
	v18 =	vld.idx.msk [tilespmem:v10+s13+$0x0], $0xffff  }
0x3f7: {  	v22 =	vadd.s32 $0xE0, v1;
	v21 =	vld.idx.msk [tilespmem:v5+s14+$0x0], $0xffff  }
0x3f8: {  	v23 =	vadd.s32 $0x70, v1;
	v15 =	vld.idx.msk [tilespmem:v15+s13+$0x0], $0xffff  }
0x3f9: {  	v24 =	vadd.s32 $0x150, v10;
	v16 =	vld.idx.msk [tilespmem:v16+s14+$0x0], $0xffff  }
0x3fa: {  	v25 =	vadd.s32 $0xE0, v10;
	v19 =	vld.idx.msk [tilespmem:v19+s13+$0x0], $0xffff  }
0x3fb: {  	v26 =	vadd.s32 $0xC0, v5;
	v20 =	vld.idx.msk [tilespmem:v20+s14+$0x0], $0xffff  }
0x3fc: {  	v27 =	vadd.s32 $0x40, v6;
	v22 =	vld.idx.msk [tilespmem:v22+s13+$0x0], $0xffff  }
0x3fd: {  	v23 =	vld.idx.msk [tilespmem:v23+s13+$0x0], $0xffff  }
0x3fe: {  	v24 =	vld.idx.msk [tilespmem:v24+s13+$0x0], $0xffff  }
0x3ff: {  	v4 =	vadd.s32 $0x40, v4;
	v25 =	vld.idx.msk [tilespmem:v25+s13+$0x0], $0xffff  }
0x400: {  	v28 =	vadd.s32 $0x80, v5;
	v1 =	vadd.s32 $0x150, v1;
	v26 =	vld.idx.msk [tilespmem:v26+s14+$0x0], $0xffff  }
0x401: {  	v29 =	vand.u32 $0x7F, v5;
	v28 =	vand.u32 $0x3FFFF80, v28;
	v0 =	vadd.s32 $0x40, v0;
	v27 =	vld.idx.msk [tilespmem:v27+s14+$0x0], $0xffff  }
0x402: {  	v28 =	vor.u32 v29, v28;
	v7 =	vld.idx.msk [tilespmem:v7+s14+$0x0], $0xffff  }
0x403: {  	v56 =	vimm.f32 $0.0e+00;
	v62 =	vimm.f32 $0.0e+00;
	v30 =	vadd.s32 $0x70, v2;
	v12 =	vld.idx.msk [tilespmem:v12+s14+$0x0], $0xffff  }
0x404: {  	v32 =	vadd.s32 $0x150, v3;
	v29 =	vadd.s32 $0x80, v6;
	v3 =	vadd.s32 $0x70, v3;
	v4 =	vld.idx.msk [tilespmem:v4+s14+$0x0], $0xffff  }
0x405: {  	v31 =	vand.u32 $0x7F, v6;
	v29 =	vand.u32 $0x3FFFF80, v29;
	v6 =	vadd.s32 $0xC0, v6;
	v1 =	vld.idx.msk [tilespmem:v1+s13+$0x0], $0xffff  }
0x406: {  	v2 =	vadd.s32 $0x150, v2;
	v11 =	vmul.f32 v11, v17;
	v8 =	vmul.f32 v9, v8;
	v0 =	vld.idx.msk [tilespmem:v0+s14+$0x0], $0xffff  }
0x407: {  	v29 =	vor.u32 v31, v29;
	v9 =	vmul.f32 v13, v14;
	v13 =	vmul.f32 v21, v18;
	v14 =	vld.idx.msk [tilespmem:v28+s14+$0x0], $0xffff  }
0x408: {  	v10 =	vadd.s32 $0x70, v10;
	v5 =	vadd.s32 $0x40, v5;
	v18 =	vld.idx.msk [tilespmem:v30+s13+$0x0], $0xffff;
	v17 =	vmax.f32 v11, v8  }
0x409: {  	v28 =	vld.idx.msk [tilespmem:v3+s13+$0x0], $0xffff;
	v8 =	vmin.f32 v11, v8;
	v11 =	vmax.f32 v13, v9;
	v9 =	vmin.f32 v13, v9  }
0x40a: {  	v6 =	vld.idx.msk [tilespmem:v6+s14+$0x0], $0xffff;
	v21 =	vmin.f32 v11, v17;
	v8 =	vmax.f32 v9, v8;
	v11 =	vmax.f32 v11, v17  }
0x40b: {  	v2 =	vld.idx.msk [tilespmem:v2+s13+$0x0], $0xffff;
	v12 =	vmul.f32 v12, v15;
	v17 =	vmax.f32 v21, v8;
	v8 =	vmin.f32 v21, v8  }
0x40c: {  	v9 =	vld.idx.msk [tilespmem:v29+s14+$0x0], $0xffff;
	v21 =	vmin.f32 v56, v11;
	v3 =	vmax.f32 v56, v11;
	v29 =	vmin.f32 v56, v17  }
0x40d: {  	v10 =	vld.idx.msk [tilespmem:v10+s13+$0x0], $0xffff;
	v17 =	vmax.f32 v56, v17;
	v1 =	vmul.f32 v20, v1;
	v14 =	vmul.f32 v14, v25  }
0x40e: {  	v13 =	vld.idx.msk [tilespmem:v32+s13+$0x0], $0xffff;
	v8 =	vmax.f32 v56, v8;
	v18 =	vmul.f32 v27, v18;
	v15 =	vmax.f32 v21, v29  }
0x40f: {  	s31 =	simm.s32 $0x40;
	v20 =	vld.idx.msk [tilespmem:v5+s14+$0x0], $0xffff;
	v21 =	vmul.f32 v7, v22;
	v7 =	vmin.f32 v56, v11;
	v11 =	vmul.f32 v26, v24  }
0x410: {  	v0 =	vmul.f32 v0, v28;
	v2 =	vmul.f32 v6, v2;
	v22 =	vld [tilespmem:s31+$0x1270];
	v7 =	vmax.f32 v7, v17  }
0x411: {  	v24 =	vld [tilespmem:s31+$0x1260];
	v17 =	vmul.f32 v4, v23;
	v8 =	vmax.f32 v8, v15;
	v23 =	vmin.f32 v11, v1  }
0x412: {  	v5 =	vmax.f32 v14, v21;
	v4 =	vmin.f32 v14, v21;
	v9 =	vmul.f32 v9, v19  }
0x413: {  	v1 =	vmax.f32 v11, v1;
	v11 =	vmul.f32 v16, v13;
	v13 =	vmax.f32 v18, v0  }
0x414: {  	v0 =	vmin.f32 v18, v0;
	v6 =	vmin.f32 v9, v12;
	v10 =	vmul.f32 v20, v10  }
0x415: {  	v16 =	vmax.f32 v2, v11;
	v2 =	vmin.f32 v2, v11;
	v9 =	vmax.f32 v9, v12  }
0x416: {  	v15 =	vand.u32 $0x7F, v22;
	v11 =	vshrl.u32 v24, $0x7;
	v19 =	vshrl.u32 v22, $0x7  }
0x417: {  	v14 =	vld [tilespmem:s31+$0x1250];
	v26 =	vmin.f32 v1, v16;
	v2 =	vmax.f32 v23, v2;
	v24 =	vand.u32 $0x7F, v24  }
0x418: {  	v18 =	vld [tilespmem:s31+$0x1240];
	v55 =	vmax.f32 v5, v9;
	v20 =	vadd.s32 $0x40, v19;
	v21 =	vadd.s32 $0x80, v19  }
0x419: {  	v23 =	vand.u32 $0x7F, v11;
	v28 =	vadd.s32 $0x80, v11;
	v29 =	vmax.f32 v10, v17  }
0x41a: {  	v58 =	vadd.s32 $0xC0, v19;
	v34 =	vadd.s32 $0x150, v24;
	v38 =	vadd.s32 $0xE0, v15  }
0x41b: {  	v43 =	vadd.s32 $0xC0, v11;
	v44 =	vadd.s32 $0x150, v15;
	v10 =	vmin.f32 v10, v17;
	v27 =	vld.idx.msk [tilespmem:v15+s13+$0x0], $0xffff  }
0x41c: {  	v60 =	vmax.f32 v56, v55;
	v12 =	vshrl.u32 v14, $0x7;
	v21 =	vand.u32 $0x3FFFF80, v21;
	v31 =	vld.idx.msk [tilespmem:v19+s14+$0x0], $0xffff  }
0x41d: {  	v14 =	vand.u32 $0x7F, v14;
	v30 =	vand.u32 $0x7F, v18;
	v18 =	vshrl.u32 v18, $0x7;
	v33 =	vld.idx.msk [tilespmem:v11+s14+$0x0], $0xffff  }
0x41e: {  	v28 =	vand.u32 $0x3FFFF80, v28;
	v17 =	vmin.f32 v29, v13;
	v0 =	vmax.f32 v10, v0;
	v42 =	vld.idx.msk [tilespmem:v24+s13+$0x0], $0xffff  }
0x41f: {  	v13 =	vmax.f32 v29, v13;
	v22 =	vadd.s32 $0x80, v12;
	v25 =	vand.u32 $0x7F, v12;
	v38 =	vld.idx.msk [tilespmem:v38+s13+$0x0], $0xffff  }
0x420: {  	v35 =	vadd.s32 $0xE0, v14;
	v39 =	vadd.s32 $0xC0, v12;
	v40 =	vadd.s32 $0x80, v18;
	v63 =	vld.idx.msk [tilespmem:v58+s14+$0x0], $0xffff  }
0x421: {  	v45 =	vadd.s32 $0x70, v14;
	v46 =	vadd.s32 $0x150, v30;
	v22 =	vand.u32 $0x3FFFF80, v22;
	v36 =	vld.idx.msk [tilespmem:v12+s14+$0x0], $0xffff  }
0x422: {  	v22 =	vor.u32 v25, v22;
	v25 =	vadd.s32 $0x70, v15;
	v19 =	vand.u32 $0x7F, v19;
	v41 =	vld.idx.msk [tilespmem:v14+s13+$0x0], $0xffff  }
0x423: {  	v15 =	vand.u32 $0x3FFFF80, v40;
	v19 =	vor.u32 v19, v21;
	v21 =	vand.u32 $0x7F, v18;
	v59 =	vld.idx.msk [tilespmem:v30+s13+$0x0], $0xffff  }
0x424: {  	v37 =	vadd.s32 $0x150, v14;
	v23 =	vor.u32 v23, v28;
	v15 =	vor.u32 v21, v15;
	v21 =	vld.idx.msk [tilespmem:v18+s14+$0x0], $0xffff  }
0x425: {  	v28 =	vadd.s32 $0x70, v24;
	v47 =	vadd.s32 $0xC0, v18;
	v48 =	vadd.s32 $0x70, v30;
	v32 =	vld.idx.msk [tilespmem:v39+s14+$0x0], $0xffff  }
0x426: {  	v58 =	vmax.f32 v56, v13;
	v13 =	vmin.f32 v56, v13;
	v14 =	vadd.s32 $0xE0, v24;
	v35 =	vld.idx.msk [tilespmem:v35+s13+$0x0], $0xffff  }
0x427: {  	v12 =	vadd.s32 $0x40, v12;
	v24 =	vmin.f32 v26, v2;
	v26 =	vmax.f32 v26, v2;
	v29 =	vld.idx.msk [tilespmem:v45+s13+$0x0], $0xffff  }
0x428: {  	v2 =	vadd.s32 $0x40, v11;
	v18 =	vadd.s32 $0x40, v18;
	v50 =	vld.idx.msk [tilespmem:v46+s13+$0x0], $0xffff;
	v10 =	vmul.f32 v33, v42  }
0x429: {  	v22 =	vld.idx.msk [tilespmem:v22+s14+$0x0], $0xffff;
	v27 =	vmul.f32 v31, v27;
	v31 =	vmax.f32 v17, v0;
	v0 =	vmin.f32 v17, v0  }
0x42a: {  	v11 =	vld.idx.msk [tilespmem:v19+s14+$0x0], $0xffff;
	v19 =	vadd.s32 $0xE0, v30;
	v30 =	vmul.f32 v36, v41;
	v17 =	vmul.f32 v21, v59  }
0x42b: {  	v52 =	vld.idx.msk [tilespmem:v47+s14+$0x0], $0xffff;
	v54 =	vmax.f32 v56, v24;
	v24 =	vmax.f32 v4, v6;
	v49 =	vmin.f32 v56, v31  }
0x42c: {  	v28 =	vld.idx.msk [tilespmem:v28+s13+$0x0], $0xffff;
	v21 =	vmax.f32 v10, v27;
	v10 =	vmin.f32 v10, v27;
	v27 =	vmax.f32 v17, v30  }
0x42d: {  	v0 =	vmax.f32 v56, v0;
	v14 =	vld.idx.msk [tilespmem:v14+s13+$0x0], $0xffff;
	v17 =	vmin.f32 v17, v30;
	v30 =	vmin.f32 v27, v21  }
0x42e: {  	v12 =	vld.idx.msk [tilespmem:v12+s14+$0x0], $0xffff;
	v10 =	vmax.f32 v17, v10;
	v17 =	vmax.f32 v27, v21;
	v27 =	vmax.f32 v1, v16  }
0x42f: {  	v35 =	vmul.f32 v22, v35;
	v16 =	vld.idx.msk [tilespmem:v37+s13+$0x0], $0xffff;
	v21 =	vmax.f32 v30, v10;
	v10 =	vmin.f32 v30, v10  }
0x430: {  	v51 =	vld.idx.msk [tilespmem:v19+s13+$0x0], $0xffff;
	v30 =	vmin.f32 v7, v17;
	v19 =	vmul.f32 v11, v38;
	v57 =	vmax.f32 v3, v17  }
0x431: {  	v11 =	vld.idx.msk [tilespmem:v2+s14+$0x0], $0xffff;
	v2 =	vmin.f32 v3, v17;
	v17 =	vmin.f32 v56, v27;
	v53 =	vmin.f32 v3, v21  }
0x432: {  	v3 =	vmax.f32 v56, v31;
	v31 =	vld.idx.msk [tilespmem:v20+s14+$0x0], $0xffff;
	v20 =	vmax.f32 v56, v26;
	v7 =	vmax.f32 v7, v21  }
0x433: {  	v21 =	vmin.f32 v5, v9;
	v5 =	vmin.f32 v56, v26;
	v1 =	vmax.f32 v30, v53;
	v30 =	vld.idx.msk [tilespmem:v15+s14+$0x0], $0xffff  }
0x434: {  	v18 =	vld.idx.msk [tilespmem:v18+s14+$0x0], $0xffff;
	v61 =	vmax.f32 v13, v3;
	v59 =	vmax.f32 v2, v7;
	v15 =	vmax.f32 v8, v10  }
0x435: {  	v22 =	vld.idx.msk [tilespmem:v23+s14+$0x0], $0xffff;
	v3 =	vmax.f32 v17, v20;
	v8 =	vmul.f32 v52, v50;
	v7 =	vmax.f32 v13, v49  }
0x436: {  	v13 =	vmul.f32 v12, v29;
	v10 =	vld.idx.msk [tilespmem:v25+s13+$0x0], $0xffff;
	v20 =	vmin.f32 v56, v55;
	v25 =	vmin.f32 v56, v55  }
0x437: {  	v9 =	vld.idx.msk [tilespmem:v43+s14+$0x0], $0xffff;
	v26 =	vmin.f32 v21, v24;
	v12 =	vimm.f32 $0.0e+00;
	v23 =	vmul.f32 v32, v16  }
0x438: {  	v2 =	vld.idx.msk [tilespmem:v44+s13+$0x0], $0xffff;
	v7 =	vmax.f32 v0, v7;
	v0 =	vmax.f32 v17, v5;
	v4 =	vmul.f32 v30, v51  }
0x439: {  	v17 =	vld.idx.msk [tilespmem:v48+s13+$0x0], $0xffff;
	v6 =	vmax.f32 v54, v0;
	v29 =	vmin.f32 v8, v23;
	v30 =	vmul.f32 v11, v28  }
0x43a: {  	s18 =	simm.s32 $0x200;
	v16 =	vld.idx.msk [tilespmem:v34+s13+$0x0], $0xffff;
	v11 =	vimm.f32 $0.0e+00;
	v5 =	vmax.f32 v4, v35;
	v4 =	vmin.f32 v4, v35  }
.LBB2_14:
0x43b: {  	s19 =	sshra.s32 s18, $0x2;
	p0 =	sne.s32 s18, $0x400;
	s18 =	sadd.s32 $0x100, s18;
	v0 =	vmul.f32 v22, v14;
	v15 =	vmax.f32 v15, v1;
	v1 =	vmax.f32 v21, v24;
	v28 =	vmovc v58  }
0x43c: {  	v12 =	vmax.f32 v12, v26;
	v22 =	vmovc v57;
	v14 =	vld [tilespmem:s19+$0x1270];
	v32 =	vmax.f32 v56, v1;
	v1 =	vmin.f32 v11, v1  }
0x43d: {  	v62 =	vmax.f32 v62, v27;
	v21 =	vmovc v61;
	v24 =	vld [tilespmem:s19+$0x1260];
	v56 =	vmax.f32 v20, v32;
	v1 =	vmax.f32 v25, v1  }
0x43e: {  	v10 =	vmul.f32 v31, v10;
	v27 =	vmax.f32 v8, v23;
	v11 =	vmovc v60;
	v25 =	vld [tilespmem:s19+$0x1250];
	v12 =	vmax.f32 v12, v1  }
0x43f: {  	v2 =	vmul.f32 v63, v2;
	v8 =	vmul.f32 v9, v16;
	v20 =	vmin.f32 v0, v19;
	v1 =	vld [tilespmem:s19+$0x1240]  }
0x440: {  	v16 =	vmax.f32 v30, v10;
	v10 =	vmin.f32 v30, v10;
	v9 =	vmul.f32 v18, v17  }
0x441: {  	v18 =	vmax.f32 v8, v2;
	v2 =	vmin.f32 v8, v2;
	v17 =	vand.u32 $0x7F, v14  }
0x442: {  	v23 =	vmax.f32 v0, v19;
	v14 =	vshrl.u32 v14, $0x7;
	v8 =	vshrl.u32 v24, $0x7  }
0x443: {  	v26 =	vadd.s32 $0x40, v14;
	v19 =	vadd.s32 $0x80, v14;
	v0 =	vshrl.u32 v25, $0x7  }
0x444: {  	v31 =	vmin.f32 v27, v18;
	v19 =	vand.u32 $0x3FFFF80, v19;
	v30 =	vadd.s32 $0x80, v0  }
0x445: {  	v2 =	vmax.f32 v29, v2;
	v32 =	vand.u32 $0x7F, v0;
	v30 =	vand.u32 $0x3FFFF80, v30  }
0x446: {  	v29 =	vadd.s32 $0x70, v17;
	v33 =	vand.u32 $0x7F, v8;
	v32 =	vor.u32 v32, v30;
	v34 =	vld.idx.msk [tilespmem:v17+s13+$0x0], $0xffff  }
0x447: {  	v37 =	vmax.f32 v9, v13;
	v25 =	vand.u32 $0x7F, v25;
	v35 =	vadd.s32 $0x80, v8;
	v36 =	vld.idx.msk [tilespmem:v14+s14+$0x0], $0xffff  }
0x448: {  	v24 =	vand.u32 $0x7F, v24;
	v40 =	vadd.s32 $0xC0, v14;
	v38 =	vand.u32 $0x7F, v1;
	v39 =	vld.idx.msk [tilespmem:v8+s14+$0x0], $0xffff  }
0x449: {  	v1 =	vshrl.u32 v1, $0x7;
	v30 =	vadd.s32 $0x150, v24;
	v14 =	vand.u32 $0x7F, v14;
	v41 =	vld.idx.msk [tilespmem:v0+s14+$0x0], $0xffff  }
0x44a: {  	v44 =	vadd.s32 $0xE0, v17;
	v42 =	vadd.s32 $0xE0, v25;
	v43 =	vadd.s32 $0x150, v25  }
0x44b: {  	v45 =	vadd.s32 $0xC0, v0;
	v35 =	vand.u32 $0x3FFFF80, v35;
	v14 =	vor.u32 v14, v19;
	v32 =	vld.idx.msk [tilespmem:v32+s14+$0x0], $0xffff  }
0x44c: {  	v46 =	vadd.s32 $0x80, v1;
	v33 =	vor.u32 v33, v35;
	v19 =	vand.u32 $0x7F, v1;
	v47 =	vld.idx.msk [tilespmem:v25+s13+$0x0], $0xffff  }
0x44d: {  	v48 =	vadd.s32 $0x70, v24;
	v49 =	vadd.s32 $0xC0, v8;
	v17 =	vadd.s32 $0x150, v17;
	v35 =	vld.idx.msk [tilespmem:v24+s13+$0x0], $0xffff  }
0x44e: {  	v46 =	vand.u32 $0x3FFFF80, v46;
	v25 =	vadd.s32 $0x70, v25;
	v24 =	vadd.s32 $0xE0, v24;
	v50 =	vld.idx.msk [tilespmem:v38+s13+$0x0], $0xffff  }
0x44f: {  	v52 =	vmin.f32 v31, v2;
	v46 =	vor.u32 v19, v46;
	v0 =	vadd.s32 $0x40, v0;
	v51 =	vld.idx.msk [tilespmem:v1+s14+$0x0], $0xffff  }
0x450: {  	v54 =	vmax.f32 v31, v2;
	v53 =	vadd.s32 $0xC0, v1;
	v19 =	vadd.s32 $0x150, v38;
	v44 =	vld.idx.msk [tilespmem:v44+s13+$0x0], $0xffff  }
0x451: {  	v9 =	vmin.f32 v9, v13;
	v13 =	vmin.f32 v37, v16;
	v2 =	vadd.s32 $0x40, v8;
	v8 =	vld.idx.msk [tilespmem:v14+s14+$0x0], $0xffff  }
0x452: {  	v9 =	vmax.f32 v9, v10;
	v55 =	vadd.s32 $0x70, v38;
	v31 =	vadd.s32 $0xE0, v38;
	v63 =	vld.idx.msk [tilespmem:v40+s14+$0x0], $0xffff  }
0x453: {  	v10 =	vmul.f32 v36, v34;
	v38 =	vadd.s32 $0x40, v1;
	v1 =	vmul.f32 v39, v35;
	v14 =	vld.idx.msk [tilespmem:v24+s13+$0x0], $0xffff  }
0x454: {  	v35 =	vmax.f32 v13, v9;
	v9 =	vmin.f32 v13, v9;
	v24 =	vmul.f32 v41, v47;
	v34 =	vld.idx.msk [tilespmem:v45+s14+$0x0], $0xffff  }
0x455: {  	v39 =	vmin.f32 v58, v35;
	v13 =	vmul.f32 v51, v50;
	v36 =	vmax.f32 v1, v10;
	v0 =	vld.idx.msk [tilespmem:v0+s14+$0x0], $0xffff  }
0x456: {  	v7 =	vmax.f32 v7, v9;
	v1 =	vmin.f32 v1, v10;
	v10 =	vmax.f32 v37, v16;
	v40 =	vld.idx.msk [tilespmem:v42+s13+$0x0], $0xffff  }
0x457: {  	v58 =	vmax.f32 v58, v10;
	v16 =	vmax.f32 v13, v24;
	v13 =	vmin.f32 v13, v24;
	v9 =	vld.idx.msk [tilespmem:v25+s13+$0x0], $0xffff  }
0x458: {  	v1 =	vmax.f32 v13, v1;
	v13 =	vmin.f32 v28, v10;
	v24 =	vld.idx.msk [tilespmem:v19+s13+$0x0], $0xffff;
	v19 =	vmin.f32 v16, v36  }
0x459: {  	v16 =	vmax.f32 v16, v36;
	v25 =	vld.idx.msk [tilespmem:v31+s13+$0x0], $0xffff;
	v28 =	vmax.f32 v19, v1;
	v36 =	vmin.f32 v19, v1  }
0x45a: {  	v27 =	vmax.f32 v27, v18;
	v1 =	vmin.f32 v59, v16;
	v37 =	vld.idx.msk [tilespmem:v53+s14+$0x0], $0xffff;
	v31 =	vmin.f32 v57, v28  }
0x45b: {  	v19 =	vmul.f32 v8, v44;
	v57 =	vmax.f32 v57, v16;
	v18 =	vld.idx.msk [tilespmem:v2+s14+$0x0], $0xffff;
	v1 =	vmax.f32 v1, v31  }
0x45c: {  	v32 =	vmul.f32 v32, v40;
	v2 =	vmin.f32 v22, v16;
	v16 =	vmin.f32 v3, v27;
	v40 =	vld.idx.msk [tilespmem:v43+s13+$0x0], $0xffff  }
0x45d: {  	v6 =	vmax.f32 v6, v52;
	v8 =	vmax.f32 v61, v35;
	v3 =	vmax.f32 v3, v54;
	v31 =	vld.idx.msk [tilespmem:v26+s14+$0x0], $0xffff  }
0x45e: {  	v61 =	vmax.f32 v13, v8;
	v8 =	vmin.f32 v62, v27;
	v22 =	vmax.f32 v59, v28;
	v26 =	vld.idx.msk [tilespmem:v46+s14+$0x0], $0xffff  }
0x45f: {  	v15 =	vmax.f32 v15, v36;
	v59 =	vmax.f32 v2, v22;
	v3 =	vmax.f32 v8, v3;
	v28 =	vld.idx.msk [tilespmem:v48+s13+$0x0], $0xffff  }
0x460: {  	v10 =	vmin.f32 v21, v10;
	v35 =	vmax.f32 v5, v23;
	v8 =	vmul.f32 v37, v24;
	v2 =	vld.idx.msk [tilespmem:v17+s13+$0x0], $0xffff  }
0x461: {  	v21 =	vmin.f32 v5, v23;
	v5 =	vmin.f32 v62, v54;
	v17 =	vmax.f32 v10, v39;
	v22 =	vld.idx.msk [tilespmem:v33+s14+$0x0], $0xffff  }
.Ltmp6:
0x462: {  	v13 =	vmul.f32 v0, v9;
	v23 =	vmul.f32 v34, v40;
	v7 =	vmax.f32 v7, v17;
	v10 =	vld.idx.msk [tilespmem:v29+s13+$0x0], $0xffff;
	(pc) =	sbr.rel @p0 .LBB2_14-.Ltmp6, $4  }
0x463: {  	v60 =	vmax.f32 v60, v35;
	v0 =	vmax.f32 v16, v5;
	v24 =	vmax.f32 v4, v20;
	v9 =	vld.idx.msk [tilespmem:v49+s14+$0x0], $0xffff  }
0x464: {  	v20 =	vmin.f32 v11, v35;
	v4 =	vmul.f32 v26, v25;
	v29 =	vmin.f32 v8, v23;
	v16 =	vld.idx.msk [tilespmem:v30+s13+$0x0], $0xffff  }
0x465: {  	v6 =	vmax.f32 v6, v0;
	v25 =	vmin.f32 v56, v35;
	v30 =	vmul.f32 v18, v28;
	v17 =	vld.idx.msk [tilespmem:v55+s13+$0x0], $0xffff  }
0x466: {  	v26 =	vmin.f32 v21, v24;
	v5 =	vmax.f32 v4, v32;
	v4 =	vmin.f32 v4, v32;
	v18 =	vld.idx.msk [tilespmem:v38+s14+$0x0], $0xffff  }
0x467: {  	v0 =	vmax.f32 v21, v24  }
0x468: {  	v14 =	vmul.f32 v22, v14;
	v1 =	vmax.f32 v15, v1;
	v12 =	vmax.f32 v12, v26  }
0x469: {  	v10 =	vmul.f32 v31, v10;
	v8 =	vmax.f32 v8, v23;
	v2 =	vmul.f32 v63, v2  }
0x46a: {  	v15 =	vmax.f32 v56, v0;
	v0 =	vmin.f32 v11, v0;
	v1 =	vsub.f32 $1.000000000e+00, v1  }
0x46b: {  	v11 =	vmax.f32 v20, v15;
	v0 =	vmax.f32 v25, v0;
	v15 =	vmax.f32 v62, v27  }
0x46c: {  	v9 =	vmul.f32 v9, v16;
	v0 =	vmax.f32 v12, v0;
	v12 =	vmin.f32 v14, v19  }
0x46d: {  	v16 =	vmul.f32 v18, v17;
	v17 =	vmax.f32 v30, v10;
	v10 =	vmin.f32 v30, v10  }
0x46e: {  	v18 =	vmax.f32 v9, v2;
	v2 =	vmin.f32 v9, v2;
	v9 =	vmax.f32 v14, v19  }
0x46f: {  	v4 =	vmax.f32 v4, v12;
	v14 =	vmin.f32 v8, v18;
	v2 =	vmax.f32 v29, v2  }
0x470: {  	v8 =	vmax.f32 v8, v18;
	v19 =	vmax.f32 v16, v13;
	v13 =	vmin.f32 v16, v13  }
0x471: {  	v16 =	vmin.f32 v14, v2;
	v2 =	vmax.f32 v14, v2;
	v18 =	vmin.f32 v3, v8  }
0x472: {  	v20 =	vmin.f32 v19, v17;
	v10 =	vmax.f32 v13, v10;
	v17 =	vmax.f32 v19, v17  }
0x473: {  	v3 =	vmax.f32 v3, v2;
	v6 =	vmax.f32 v6, v16;
	v16 =	vmin.f32 v15, v8  }
0x474: {  	v2 =	vmin.f32 v15, v2;
	v8 =	vmax.f32 v15, v8;
	v13 =	vmax.f32 v20, v10  }
0x475: {  	v10 =	vmin.f32 v20, v10;
	v19 =	vmin.f32 v58, v17;
	v3 =	vmax.f32 v16, v3  }
0x476: {  	v16 =	vmin.f32 v61, v17;
	v2 =	vmax.f32 v18, v2;
	v14 =	vmin.f32 v58, v13  }
0x477: {  	v7 =	vmax.f32 v7, v10;
	v10 =	vmax.f32 v58, v17;
	v13 =	vmax.f32 v61, v13  }
0x478: {  	v17 =	vmax.f32 v5, v9;
	v5 =	vmin.f32 v5, v9;
	v2 =	vmax.f32 v6, v2  }
0x479: {  	v13 =	vmax.f32 v19, v13;
	v14 =	vmax.f32 v16, v14;
	v12 =	vmin.f32 v60, v17  }
0x47a: {  	v6 =	vmin.f32 v5, v4;
	v4 =	vmax.f32 v5, v4;
	v10 =	vsub.f32 $1.000000000e+00, v10  }
0x47b: {  	v7 =	vmax.f32 v7, v14;
	v14 =	vmin.f32 v11, v17;
	v5 =	vmax.f32 v11, v4  }
0x47c: {  	v0 =	vmax.f32 v0, v6;
	v6 =	vsub.f32 $1.000000000e+00, v57;
	v11 =	vsub.f32 $1.000000000e+00, v59  }
0x47d: {  	v4 =	vmin.f32 v60, v4;
	v13 =	vsub.f32 $1.000000000e+00, v13;
	v5 =	vmax.f32 v12, v5;
	v12 =	vld [tilespmem:$0x14D0]  }
0x47e: {  	v9 =	vmax.f32 v60, v17;
	v4 =	vmax.f32 v14, v4;
	v6 =	vmul.f32 v11, v6  }
0x47f: {  	v7 =	vsub.f32 $1.000000000e+00, v7;
	v0 =	vmax.f32 v0, v4;
	v4 =	vmul.f32 v13, v10  }
0x480: {  	v5 =	vsub.f32 $1.000000000e+00, v5;
	v1 =	vmul.f32 v1, v6;
	v6 =	vsub.f32 $1.000000000e+00, v9  }
0x481: {  	v3 =	vsub.f32 $1.000000000e+00, v3;
	v4 =	vmul.f32 v7, v4;
	v7 =	vsub.f32 $1.000000000e+00, v8  }
0x482: {  	v0 =	vsub.f32 $1.000000000e+00, v0;
	v8 =	vadd.s32 $0x80, v12;
	v5 =	vmul.f32 v5, v6  }
0x483: {  	v2 =	vsub.f32 $1.000000000e+00, v2;
	v6 =	vadd.s32 $0x100, v12;
	v3 =	vmul.f32 v3, v7  }
0x484: {  	v1 =	vsub.f32 $1.000000000e+00, v1;
	v0 =	vmul.f32 v0, v5;
	v5 =	vadd.s32 $0x180, v12  }
0x485: {  	v4 =	vsub.f32 $1.000000000e+00, v4;
	v2 =	vmul.f32 v2, v3  }
0x486: {  	[tilespmem:v12+s15+$0x0] =	vst.idx.msk $0xffff, v1;
	v0 =	vsub.f32 $1.000000000e+00, v0  }
0x487: {  	v1 =	vsub.f32 $1.000000000e+00, v2;
	[tilespmem:v8+s15+$0x0] =	vst.idx.msk $0xffff, v4  }
0x488: {  	[tilespmem:v6+s15+$0x0] =	vst.idx.msk $0xffff, v0  }
0x489: {  	s18 =	simm.s32 $0x13B0;
	[tilespmem:v5+s15+$0x0] =	vst.idx.msk $0xffff, v1  }
0x48a: {  	v0 =	vld [tilespmem:s18+$0xFFFFFFE0]  }
0x48b: {  	v1 =	vld [tilespmem:s18+$0x0];
	_ =	sdelay $0x2  }
0x48c: {  	v7 =	vld [tilespmem:s18+$0xFFFFFFF0]  }
0x48d: {  	v3 =	vshrl.u32 v0, $0x7  }
0x48e: {  	v4 =	vshrl.u32 v1, $0x7  }
0x48f: {  	s19 =	simm.s32 $0x0;
	v1 =	vand.u32 $0x7F, v1  }
0x490: {  	s19 =	sand.u32 $0xC0, s19;
	v0 =	vand.u32 $0x7F, v0  }
0x491: {  	v2 =	vld [tilespmem:s19+$0x1380];
	v19 =	vshrl.u32 v7, $0x7;
	v7 =	vand.u32 $0x7F, v7  }
0x492: {  	v15 =	vadd.s32 $0xC0, v4;
	v8 =	vld.idx.msk [tilespmem:v3+s14+$0x0], $0xffff  }
0x493: {  	v17 =	vadd.s32 $0xC0, v3;
	v9 =	vld.idx.msk [tilespmem:v4+s14+$0x0], $0xffff  }
0x494: {  	v5 =	vadd.s32 $0x80, v3;
	v11 =	vld.idx.msk [tilespmem:v1+s13+$0x0], $0xffff  }
0x495: {  	v6 =	vand.u32 $0x7F, v3;
	v20 =	vadd.s32 $0x150, v1;
	v5 =	vand.u32 $0x3FFFF80, v5;
	v14 =	vld.idx.msk [tilespmem:v0+s13+$0x0], $0xffff  }
0x496: {  	v22 =	vadd.s32 $0xE0, v1;
	v5 =	vor.u32 v6, v5;
	v6 =	vshrl.u32 v2, $0x7;
	v46 =	vld.idx.msk [tilespmem:v7+s13+$0x0], $0xffff  }
0x497: {  	v51 =	vadd.s32 $0x150, v7;
	v21 =	vadd.s32 $0x80, v6;
	v15 =	vld.idx.msk [tilespmem:v15+s14+$0x0], $0xffff  }
0x498: {  	v23 =	vand.u32 $0x7F, v6;
	v21 =	vand.u32 $0x3FFFF80, v21;
	v17 =	vld.idx.msk [tilespmem:v17+s14+$0x0], $0xffff  }
0x499: {  	v21 =	vor.u32 v23, v21;
	v23 =	vld.idx.msk [tilespmem:v19+s14+$0x0], $0xffff  }
0x49a: {  	v2 =	vand.u32 $0x7F, v2;
	v20 =	vld.idx.msk [tilespmem:v20+s13+$0x0], $0xffff  }
0x49b: {  	v10 =	vadd.s32 $0xE0, v2;
	v22 =	vld.idx.msk [tilespmem:v22+s13+$0x0], $0xffff  }
0x49c: {  	v12 =	vadd.s32 $0x80, v4;
	v13 =	vadd.s32 $0x40, v6;
	v62 =	vld.idx.msk [tilespmem:v51+s13+$0x0], $0xffff  }
0x49d: {  	v16 =	vand.u32 $0x7F, v4;
	v12 =	vand.u32 $0x3FFFF80, v12;
	v45 =	vadd.s32 $0x70, v2;
	v5 =	vld.idx.msk [tilespmem:v5+s14+$0x0], $0xffff  }
0x49e: {  	v12 =	vor.u32 v16, v12;
	v3 =	vadd.s32 $0x40, v3;
	v16 =	vld.idx.msk [tilespmem:v6+s14+$0x0], $0xffff  }
0x49f: {  	v47 =	vadd.s32 $0xE0, v0;
	v48 =	vadd.s32 $0x150, v0;
	v0 =	vadd.s32 $0x70, v0;
	v18 =	vld.idx.msk [tilespmem:v2+s13+$0x0], $0xffff  }
0x4a0: {  	v10 =	vld.idx.msk [tilespmem:v10+s13+$0x0], $0xffff  }
0x4a1: {  	v61 =	vimm.f32 $0.0e+00;
	v2 =	vadd.s32 $0x150, v2;
	v13 =	vld.idx.msk [tilespmem:v13+s14+$0x0], $0xffff  }
0x4a2: {  	v57 =	vimm.f32 $0.0e+00;
	v60 =	vimm.f32 $0.0e+00;
	v49 =	vand.u32 $0x7F, v19;
	v24 =	vld.idx.msk [tilespmem:v45+s13+$0x0], $0xffff  }
0x4a3: {  	v50 =	vadd.s32 $0x70, v7;
	v32 =	vadd.s32 $0x80, v19;
	v53 =	vadd.s32 $0x40, v19;
	v3 =	vld.idx.msk [tilespmem:v3+s14+$0x0], $0xffff  }
0x4a4: {  	v28 =	vadd.s32 $0xC0, v6;
	v8 =	vmul.f32 v8, v14;
	v14 =	vadd.s32 $0xC0, v19;
	v0 =	vld.idx.msk [tilespmem:v0+s13+$0x0], $0xffff  }
0x4a5: {  	v4 =	vadd.s32 $0x40, v4;
	v6 =	vadd.s32 $0x70, v1;
	v9 =	vmul.f32 v9, v11;
	v21 =	vld.idx.msk [tilespmem:v21+s14+$0x0], $0xffff  }
0x4a6: {  	v11 =	vmul.f32 v23, v46;
	v1 =	vmul.f32 v16, v18;
	v16 =	vld.idx.msk [tilespmem:v2+s13+$0x0], $0xffff;
	v2 =	vand.u32 $0x3FFFF80, v32  }
0x4a7: {  	v7 =	vadd.s32 $0xE0, v7;
	v12 =	vld.idx.msk [tilespmem:v12+s14+$0x0], $0xffff;
	v2 =	vor.u32 v49, v2;
	v24 =	vmul.f32 v13, v24  }
0x4a8: {  	v18 =	vld.idx.msk [tilespmem:v47+s13+$0x0], $0xffff;
	v52 =	vmin.f32 v1, v8;
	v1 =	vmax.f32 v1, v8;
	v8 =	vmax.f32 v11, v9  }
0x4a9: {  	v9 =	vmin.f32 v11, v9;
	v11 =	vld.idx.msk [tilespmem:v14+s14+$0x0], $0xffff;
	v14 =	vmul.f32 v15, v20;
	v0 =	vmul.f32 v3, v0  }
0x4aa: {  	v23 =	vld.idx.msk [tilespmem:v48+s13+$0x0], $0xffff;
	v3 =	vimm.f32 $0.0e+00;
	v63 =	vmax.f32 v1, v8;
	v1 =	vmin.f32 v1, v8  }
0x4ab: {  	v8 =	vmax.f32 v52, v9;
	v10 =	vmul.f32 v21, v10;
	v21 =	vld.idx.msk [tilespmem:v4+s14+$0x0], $0xffff;
	v4 =	vimm.f32 $0.0e+00  }
0x4ac: {  	v19 =	vld.idx.msk [tilespmem:v28+s14+$0x0], $0xffff;
	v56 =	vmax.f32 v57, v63;
	v9 =	vmax.f32 v1, v8;
	v1 =	vmin.f32 v1, v8  }
0x4ad: {  	v15 =	vmin.f32 v24, v0;
	v5 =	vmul.f32 v5, v18;
	v8 =	vmin.f32 v57, v9  }
0x4ae: {  	v1 =	vmax.f32 v57, v1;
	v9 =	vmax.f32 v57, v9;
	v13 =	vld.idx.msk [tilespmem:v2+s14+$0x0], $0xffff;
	v2 =	vmin.f32 v57, v63  }
0x4af: {  	v7 =	vld.idx.msk [tilespmem:v7+s13+$0x0], $0xffff;
	v8 =	vmax.f32 v2, v8;
	v2 =	vmul.f32 v12, v22;
	v12 =	vmul.f32 v17, v23  }
0x4b0: {  	v23 =	vmax.f32 v10, v5;
	v58 =	vmax.f32 v1, v8;
	v8 =	vmin.f32 v10, v5  }
0x4b1: {  	v1 =	vmul.f32 v11, v62;
	v5 =	vmin.f32 v57, v63;
	v11 =	vmul.f32 v19, v16  }
0x4b2: {  	v19 =	vmax.f32 v24, v0;
	v62 =	vimm.f32 $0.0e+00;
	v63 =	vimm.f32 $0.0e+00  }
0x4b3: {  	v59 =	vmax.f32 v5, v9;
	v5 =	vimm.f32 $0.0e+00;
	v9 =	vmin.f32 v1, v14  }
0x4b4: {  	v22 =	vld.idx.msk [tilespmem:v50+s13+$0x0], $0xffff;
	v10 =	vmin.f32 v11, v12;
	v12 =	vmax.f32 v11, v12;
	v13 =	vmul.f32 v13, v7  }
0x4b5: {  	s18 =	simm.s32 $0x40;
	s19 =	simm.s32 $0x13F0;
	v11 =	vimm.f32 $0.0e+00;
	v7 =	vmax.f32 v1, v14;
	v14 =	vimm.f32 $0.0e+00;
	v1 =	vld.idx.msk [tilespmem:v53+s14+$0x0], $0xffff  }
.LBB2_16:
0x4b6: {  	s20 =	sand.u32 $0xC0, s18;
	v0 =	vld [tilespmem:s19+$0xFFFFFFE0];
	p0 =	sne.s32 s18, $0xC0;
	s18 =	sadd.s32 $0x40, s18;
	v16 =	vmax.f32 v13, v2;
	v2 =	vmin.f32 v13, v2;
	v20 =	vmax.f32 v10, v9;
	v13 =	vmovc v56  }
0x4b7: {  	v9 =	vld [tilespmem:s19+$0x0];
	v10 =	vmax.f32 v23, v16;
	v16 =	vmin.f32 v23, v16;
	v2 =	vmax.f32 v8, v2  }
0x4b8: {  	v8 =	vld [tilespmem:s19+$0xFFFFFFF0];
	v17 =	vmax.f32 v16, v2;
	v2 =	vmin.f32 v16, v2;
	v16 =	vmax.f32 v12, v7  }
0x4b9: {  	v23 =	vmin.f32 v57, v10;
	v24 =	vmin.f32 v11, v10;
	v18 =	vld [tilespmem:s20+$0x1380];
	v25 =	vmin.f32 v57, v17  }
0x4ba: {  	v11 =	vmax.f32 v11, v17;
	v2 =	vmax.f32 v14, v2;
	v6 =	vld.idx.msk [tilespmem:v6+s13+$0x0], $0xffff;
	v14 =	vmax.f32 v24, v25  }
0x4bb: {  	v4 =	vmax.f32 v4, v16;
	v17 =	vand.u32 $0x7F, v0;
	v0 =	vshrl.u32 v0, $0x7  }
0x4bc: {  	v26 =	vmin.f32 v62, v16;
	v24 =	vadd.s32 $0x80, v0;
	v25 =	vshrl.u32 v9, $0x7  }
0x4bd: {  	v27 =	vadd.s32 $0xC0, v0;
	v9 =	vand.u32 $0x7F, v9;
	v28 =	vadd.s32 $0x80, v25  }
0x4be: {  	v29 =	vand.u32 $0x7F, v0;
	v24 =	vand.u32 $0x3FFFF80, v24;
	v30 =	vadd.s32 $0xC0, v25  }
0x4bf: {  	v1 =	vmul.f32 v1, v22;
	v24 =	vor.u32 v29, v24;
	v28 =	vand.u32 $0x3FFFF80, v28  }
0x4c0: {  	v31 =	vand.u32 $0x7F, v25;
	v22 =	vshrl.u32 v18, $0x7;
	v6 =	vmul.f32 v21, v6;
	v29 =	vld.idx.msk [tilespmem:v0+s14+$0x0], $0xffff  }
0x4c1: {  	v57 =	vmax.f32 v57, v10;
	v18 =	vand.u32 $0x7F, v18;
	v21 =	vand.u32 $0x7F, v22;
	v32 =	vld.idx.msk [tilespmem:v25+s14+$0x0], $0xffff  }
0x4c2: {  	v16 =	vmin.f32 v61, v16;
	v10 =	vadd.s32 $0x40, v22;
	v33 =	vadd.s32 $0xE0, v18;
	v34 =	vld.idx.msk [tilespmem:v9+s13+$0x0], $0xffff  }
0x4c3: {  	v35 =	vadd.s32 $0x70, v18;
	v36 =	vadd.s32 $0x80, v22;
	v38 =	vmax.f32 v1, v6;
	v37 =	vld.idx.msk [tilespmem:v17+s13+$0x0], $0xffff  }
0x4c4: {  	v28 =	vor.u32 v31, v28;
	v36 =	vand.u32 $0x3FFFF80, v36;
	v31 =	vmin.f32 v19, v38;
	v24 =	vld.idx.msk [tilespmem:v24+s14+$0x0], $0xffff  }
0x4c5: {  	v21 =	vor.u32 v21, v36;
	v36 =	vadd.s32 $0xE0, v17;
	v19 =	vmax.f32 v19, v38;
	v39 =	vld.idx.msk [tilespmem:v22+s14+$0x0], $0xffff  }
0x4c6: {  	v40 =	vadd.s32 $0x150, v17;
	v1 =	vmin.f32 v1, v6;
	v22 =	vadd.s32 $0xC0, v22;
	v38 =	vld.idx.msk [tilespmem:v18+s13+$0x0], $0xffff  }
0x4c7: {  	v41 =	vand.u32 $0x7F, v8;
	v8 =	vshrl.u32 v8, $0x7;
	v1 =	vmax.f32 v15, v1;
	v33 =	vld.idx.msk [tilespmem:v33+s13+$0x0], $0xffff  }
0x4c8: {  	v11 =	vmax.f32 v23, v11;
	v42 =	vadd.s32 $0x150, v9;
	v15 =	vand.u32 $0x7F, v8;
	v10 =	vld.idx.msk [tilespmem:v10+s14+$0x0], $0xffff  }
0x4c9: {  	v0 =	vadd.s32 $0x40, v0;
	v17 =	vadd.s32 $0x70, v17;
	v23 =	vld.idx.msk [tilespmem:v30+s14+$0x0], $0xffff;
	v30 =	vmin.f32 v60, v19  }
0x4ca: {  	v45 =	vadd.s32 $0xE0, v9;
	v43 =	vadd.s32 $0x70, v41;
	v44 =	vadd.s32 $0x80, v8;
	v28 =	vld.idx.msk [tilespmem:v28+s14+$0x0], $0xffff  }
0x4cb: {  	v6 =	vadd.s32 $0x70, v9;
	v9 =	vadd.s32 $0x40, v25;
	v25 =	vmin.f32 v63, v19;
	v27 =	vld.idx.msk [tilespmem:v27+s14+$0x0], $0xffff  }
0x4cc: {  	v44 =	vand.u32 $0x3FFFF80, v44;
	v46 =	vmax.f32 v31, v1;
	v38 =	vmul.f32 v39, v38;
	v39 =	vld.idx.msk [tilespmem:v8+s14+$0x0], $0xffff  }
0x4cd: {  	v7 =	vmin.f32 v12, v7;
	v15 =	vor.u32 v15, v44;
	v18 =	vadd.s32 $0x150, v18;
	v47 =	vld.idx.msk [tilespmem:v41+s13+$0x0], $0xffff  }
0x4ce: {  	v14 =	vmax.f32 v2, v14;
	v12 =	vmul.f32 v29, v37;
	v37 =	vmin.f32 v60, v46;
	v29 =	vld.idx.msk [tilespmem:v42+s13+$0x0], $0xffff  }
0x4cf: {  	v2 =	vadd.s32 $0x150, v41;
	v32 =	vmul.f32 v32, v34;
	v42 =	vmin.f32 v7, v20;
	v34 =	vld.idx.msk [tilespmem:v45+s13+$0x0], $0xffff  }
0x4d0: {  	v44 =	vadd.s32 $0xC0, v8;
	v45 =	vmin.f32 v38, v12;
	v5 =	vmax.f32 v5, v42;
	v35 =	vld.idx.msk [tilespmem:v35+s13+$0x0], $0xffff  }
0x4d1: {  	v1 =	vmin.f32 v31, v1;
	v42 =	vadd.s32 $0x40, v8;
	v8 =	vmax.f32 v38, v12;
	v21 =	vld.idx.msk [tilespmem:v21+s14+$0x0], $0xffff  }
0x4d2: {  	v31 =	vmax.f32 v63, v46;
	v25 =	vmax.f32 v25, v37;
	v12 =	vld.idx.msk [tilespmem:v18+s13+$0x0], $0xffff;
	v18 =	vadd.s32 $0xE0, v41  }
0x4d3: {  	v1 =	vmax.f32 v3, v1;
	v3 =	vmax.f32 v7, v20;
	v37 =	vmul.f32 v39, v47;
	v36 =	vld.idx.msk [tilespmem:v36+s13+$0x0], $0xffff  }
0x4d4: {  	v63 =	vmax.f32 v30, v31;
	v20 =	vmax.f32 v61, v3;
	v3 =	vmin.f32 v62, v3;
	v7 =	vld.idx.msk [tilespmem:v40+s13+$0x0], $0xffff  }
0x4d5: {  	v61 =	vmax.f32 v26, v20;
	v3 =	vmax.f32 v16, v3;
	v30 =	vmax.f32 v37, v32;
	v22 =	vld.idx.msk [tilespmem:v22+s14+$0x0], $0xffff  }
0x4d6: {  	v60 =	vmax.f32 v60, v19;
	v5 =	vmax.f32 v5, v3;
	v20 =	vmax.f32 v8, v30;
	v16 =	vld.idx.msk [tilespmem:v2+s13+$0x0], $0xffff  }
0x4d7: {  	v3 =	vmax.f32 v1, v25;
	v26 =	vmul.f32 v10, v35;
	v56 =	vmax.f32 v56, v20;
	v0 =	vld.idx.msk [tilespmem:v0+s14+$0x0], $0xffff  }
0x4d8: {  	v62 =	vmov v4;
	v8 =	vmin.f32 v8, v30;
	v2 =	vmin.f32 v37, v32;
	v1 =	vld.idx.msk [tilespmem:v44+s14+$0x0], $0xffff  }
0x4d9: {  	v19 =	vmax.f32 v45, v2;
	v10 =	vld.idx.msk [tilespmem:v15+s14+$0x0], $0xffff;
	v15 =	vmul.f32 v23, v29;
	v23 =	vmin.f32 v59, v20  }
0x4da: {  	v2 =	vmul.f32 v28, v34;
	v24 =	vmul.f32 v24, v36;
	v25 =	vmax.f32 v8, v19;
	v17 =	vld.idx.msk [tilespmem:v17+s13+$0x0], $0xffff  }
0x4db: {  	v21 =	vmul.f32 v21, v33;
	v8 =	vmin.f32 v8, v19;
	v19 =	vmin.f32 v13, v25;
	v18 =	vld.idx.msk [tilespmem:v18+s13+$0x0], $0xffff  }
0x4dc: {  	v27 =	vmul.f32 v27, v7;
	v7 =	vmax.f32 v58, v8;
	v8 =	vmax.f32 v23, v19  }
0x4dd: {  	v23 =	vmax.f32 v21, v24;
	v58 =	vmax.f32 v7, v8;
	v8 =	vmin.f32 v21, v24  }
.Ltmp7:
0x4de: {  	v7 =	vmin.f32 v13, v20;
	v13 =	vmax.f32 v59, v25;
	v1 =	vmul.f32 v1, v16;
	(pc) =	sbr.rel @p0 .LBB2_16-.Ltmp7, $4  }
0x4df: {  	v12 =	vmul.f32 v22, v12;
	v59 =	vmax.f32 v7, v13  }
0x4e0: {  	v0 =	vmul.f32 v0, v17;
	v21 =	vld.idx.msk [tilespmem:v9+s14+$0x0], $0xffff;
	v9 =	vmin.f32 v1, v15  }
0x4e1: {  	v7 =	vmax.f32 v1, v15;
	v13 =	vmul.f32 v10, v18;
	v10 =	vmin.f32 v12, v27;
	v22 =	vld.idx.msk [tilespmem:v43+s13+$0x0], $0xffff  }
0x4e2: {  	s19 =	sadd.s32 $0x40, s19;
	v12 =	vmax.f32 v12, v27;
	v19 =	vmax.f32 v26, v0;
	v15 =	vmin.f32 v26, v0;
	v1 =	vld.idx.msk [tilespmem:v42+s14+$0x0], $0xffff  }
0x4e3: {  	v0 =	vld [tilespmem:$0x1FCA0]  }
0x4e4: {  	v16 =	vld [tilespmem:$0x1FD20]  }
0x4e5: {  	v38 =	vld [tilespmem:$0x1FD70]  }
0x4e6: {  	v39 =	vld [tilespmem:$0x1FD50]  }
0x4e7: {  	v40 =	vld [tilespmem:$0x1FCC0]  }
0x4e8: {  	v41 =	vld [tilespmem:$0x1FCF0]  }
0x4e9: {  	v42 =	vld [tilespmem:$0x1FDC0]  }
0x4ea: {  	v43 =	vld [tilespmem:$0x1FD90]  }
0x4eb: {  	v44 =	vld [tilespmem:$0x1FC90]  }
0x4ec: {  	v45 =	vld [tilespmem:$0x1FCE0]  }
0x4ed: {  	v17 =	vlaneseq.u32;
	v46 =	vld [tilespmem:$0x1FD00]  }
0x4ee: {  	v47 =	vld [tilespmem:$0x1FDE0];
	v0 =	vsel vm2, v16, v0;
	vm2 =	veq.s32 v38, v17  }
0x4ef: {  	v48 =	vld [tilespmem:$0x1FD40];
	v0 =	vsel vm2, v0, v39  }
0x4f0: {  	v18 =	vld [tilespmem:$0x1FDD0];
	(xrf0) =	vmax.scan.msk.f32 $0xffff, v0  }
0x4f1: {  	v50 =	vld [tilespmem:$0x1FCB0];
	vm2 =	veq.s32 v42, v17;
	v0 =	vsel vm3, v41, v40  }
0x4f2: {  	v52 =	vld [tilespmem:$0x1FD80];
	v0 =	vsel vm2, v0, v43  }
0x4f3: {  	v54 =	vld [tilespmem:$0x1FD30];
	(xrf0) =	vmax.scan.msk.f32 $0xffff, v0  }
0x4f4: {  	v55 =	vld [tilespmem:$0x1FD60];
	(v2sf) =	vpush v44, $0xF;
	vm2 =	veq.s32 v47, v17;
	v0 =	vsel vm4, v46, v45  }
0x4f5: {  	v20 =	vld [tilespmem:$0x1FE00];
	(v2sf) =	vpush v48, $0xF;
	v0 =	vsel vm2, v0, v18  }
0x4f6: {  	v24 =	vld [tilespmem:$0x1FDF0];
	v49, _, _ =	vpop (xrf0);
	(xrf0) =	vmax.scan.msk.f32 $0xffff, v0  }
0x4f7: {  	v53 =	vld [tilespmem:$0x1FCD0];
	(v2sf) =	vpush v49, $0xF  }
0x4f8: {  	v27 =	vld [tilespmem:$0x1FDA0];
	(v2sf) =	vpush v50, $0xF  }
0x4f9: {  	v25 =	vmax.f32 v13, v2;
	v51, _, _ =	vpop (xrf0);
	(v2sf) =	vpush v52, $0xF  }
0x4fa: {  	v34 =	vld [tilespmem:$0x1FD10];
	vm2 =	veq.s32 v20, v17;
	v0 =	vsel vm5, v55, v54;
	(v2sf) =	vpush v51, $0xF  }
0x4fb: {  	v26 =	vmin.f32 v13, v2;
	v6 =	vld.idx.msk [tilespmem:v6+s13+$0x0], $0xffff;
	v30 =	vmax.f32 v10, v9;
	v0 =	vsel vm2, v0, v24  }
0x4fc: {  	v33 =	vmax.f32 v12, v7;
	v37 =	vld [tilespmem:$0x1FDB0];
	v29 =	vmin.f32 v23, v25;
	(v2sf) =	vpush v53, $0xF;
	v28, _, _ =	vpop (xrf0);
	(xrf0) =	vmax.scan.msk.f32 $0xffff, v0  }
0x4fd: {  	v2 =	vmax.f32 v8, v26;
	v31 =	vmax.f32 v23, v25;
	(v2sf) =	vpush v27, $0xF  }
0x4fe: {  	v4 =	vmax.f32 v4, v33;
	v32 =	vmax.f32 v29, v2;
	(v2sf) =	vpush v28, $0xF  }
0x4ff: {  	v35 =	vmin.f32 v57, v31;
	v9 =	vmax.f32 v57, v31;
	(v2sf) =	vpush v34, $0xF  }
0x500: {  	v4 =	vsub.f32 $1.000000000e+00, v4;
	v36 =	vmin.f32 v57, v32;
	v1 =	vmul.f32 v1, v22  }
0x501: {  	v16 =	vmin.f32 v11, v31;
	v6 =	vmul.f32 v21, v6;
	(v2sf) =	vpush v37, $0xF  }
0x502: {  	v10 =	vmax.f32 v11, v32;
	v57 =	vsub.f32 $1.000000000e+00, v9;
	v38 =	vmax.f32 v16, v36;
	v39, _, _ =	vpop (xrf0)  }
0x503: {  	v41 =	vmax.f32 v1, v6;
	v1 =	vmin.f32 v1, v6;
	s18 =	spop (v2sf);
	(v2sf) =	vpush v39, $0xF  }
0x504: {  	v40 =	vmin.f32 v62, v33;
	v42 =	vmin.f32 v19, v41;
	v1 =	vmax.f32 v15, v1;
	s19 =	spop (v2sf);
	s18 =	ssub.f32 $1.000000000e+00, s18  }
0x505: {  	v43 =	vmax.f32 v35, v10;
	v15 =	vmax.f32 v42, v1;
	v46 =	vmin.f32 v12, v7;
	s19 =	ssub.f32 $1.000000000e+00, s19  }
0x506: {  	v1 =	vmin.f32 v42, v1;
	v6 =	vsub.f32 $1.000000000e+00, v43;
	v47 =	vmin.f32 v60, v15;
	v55 =	vld [tilespmem:$0x14E0];
	s20 =	spop (v2sf)  }
0x507: {  	v48 =	vmin.f32 v46, v30;
	v1 =	vmax.f32 v3, v1;
	v50 =	vmax.f32 v46, v30;
	s18 =	smul.f32 s19, s18;
	s21 =	spop (v2sf)  }
0x508: {  	v5 =	vmax.f32 v5, v48;
	v54 =	vsub.f32 $1.000000000e+00, v59;
	v8 =	vmax.f32 v61, v50;
	s20 =	ssub.f32 $1.000000000e+00, s20;
	s22 =	spop (v2sf)  }
0x509: {  	v49 =	vmax.f32 v63, v15;
	v8 =	vmax.f32 v40, v8;
	v53 =	vsub.f32 $1.000000000e+00, v56;
	s29 =	ssub.f32 $1.000000000e+00, s21;
	s23 =	spop (v2sf)  }
0x50a: {  	v3 =	vmin.f32 v62, v50;
	v56 =	vsub.f32 $1.000000000e+00, v58;
	v8 =	vsub.f32 $1.000000000e+00, v8;
	s22 =	ssub.f32 $1.000000000e+00, s22;
	s18 =	smul.f32 s20, s18  }
0x50b: {  	v58 =	vmul.f32 v6, v57;
	v59 =	vadd.s32 $0x80, v55;
	v0 =	vmin.f32 v29, v2;
	s24 =	spop (v2sf);
	s23 =	ssub.f32 $1.000000000e+00, s23  }
0x50c: {  	v2 =	vmin.f32 v61, v33;
	v0 =	vmax.f32 v14, v0;
	v14 =	vmax.f32 v19, v41;
	s30 =	spop (v2sf);
	s19 =	smul.f32 s22, s29  }
0x50d: {  	v62 =	vadd.s32 $0x180, v55;
	v2 =	vmax.f32 v2, v3;
	v44 =	vmin.f32 v60, v14;
	s24 =	ssub.f32 $1.000000000e+00, s24;
	s31 =	spop (v2sf)  }
0x50e: {  	v45 =	vmin.f32 v63, v14;
	v52 =	vmax.f32 v60, v14;
	v51 =	vmax.f32 v44, v49;
	s21 =	ssub.f32 $1.000000000e+00, s30;
	s25 =	spop (v2sf)  }
0x50f: {  	v12 =	vmax.f32 v45, v47;
	v3 =	vsub.f32 $1.000000000e+00, v52;
	v7 =	vsub.f32 $1.000000000e+00, v51;
	s19 =	smul.f32 s23, s19;
	s20 =	ssub.f32 $1.000000000e+00, s31  }
0x510: {  	v2 =	vmax.f32 v5, v2;
	v5 =	vmul.f32 v54, v53;
	v1 =	vmax.f32 v1, v12;
	s26 =	spop (v2sf);
	s23 =	ssub.f32 $1.000000000e+00, s25  }
0x511: {  	v0 =	vmax.f32 v0, v38;
	v1 =	vsub.f32 $1.000000000e+00, v1;
	v3 =	vmul.f32 v7, v3;
	s22 =	ssub.f32 $1.000000000e+00, s26  }
0x512: {  	v61 =	vadd.s32 $0x100, v55;
	v0 =	vsub.f32 $1.000000000e+00, v0;
	v5 =	vmul.f32 v56, v5;
	s21 =	smul.f32 s21, s24;
	s28 =	spop (v2sf)  }
0x513: {  	v4 =	vmul.f32 v8, v4;
	v2 =	vsub.f32 $1.000000000e+00, v2;
	v1 =	vmul.f32 v1, v3;
	s22 =	smul.f32 s22, s23;
	s29 =	ssub.f32 $1.000000000e+00, s28  }
0x514: {  	v60 =	vlaneseq.u32;
	v0 =	vmul.f32 v0, v58;
	v5 =	vsub.f32 $1.000000000e+00, v5;
	s18 =	ssub.f32 $1.000000000e+00, s18;
	s20 =	smul.f32 s20, s21  }
0x515: {  	vm2 =	veq.s32 v60, $0xF;
	v2 =	vmul.f32 v2, v4;
	v1 =	vsub.f32 $1.000000000e+00, v1;
	s19 =	ssub.f32 $1.000000000e+00, s19;
	s30 =	smul.f32 s29, s22  }
0x516: {  	v0 =	vsub.f32 $1.000000000e+00, v0;
	v5 =	vsel vm2, s18, v5;
	s20 =	ssub.f32 $1.000000000e+00, s20  }
0x517: {  	v2 =	vsub.f32 $1.000000000e+00, v2;
	[tilespmem:v55+s15+$0x0] =	vst.idx.msk $0xffff, v5;
	v1 =	vsel vm2, s19, v1;
	s31 =	ssub.f32 $1.000000000e+00, s30  }
0x518: {  	s17 =	sadd.s32 $0x1, s17;
	[tilespmem:v59+s15+$0x0] =	vst.idx.msk $0xffff, v1;
	v0 =	vsel vm2, s20, v0  }
0x519: {  	p0 =	sne.s32 s17, s8;
	[tilespmem:v61+s15+$0x0] =	vst.idx.msk $0xffff, v0;
	v63 =	vsel vm2, s31, v2  }
.Ltmp8:
0x51a: {  	[tilespmem:v62+s15+$0x0] =	vst.idx.msk $0xffff, v63;
	(pc) =	sbr.rel @p0 .LBB2_1-.Ltmp8, $4  }
0x51b: {  	[hbm4b:s7+s4] =	stream.linear.scatter [tilespmem:s15], [sflag:$0x2], $0x200, $0x38;
	[tilespmem:$0x1700] =	vst v63  }
0x51c: {  	_ =	swait.ge [sflag:s16], $0x200  }
0x51d: {  	[sflag:s16] =	ssyncset.done $0x0  }
0x51e: {  	[sflag:s16] =	ssyncadd.s32 $0xFFFFFE00  }
0x51f: {  	_ =	sfence.sel $0x180000  }
0x520: {  	[bflag:$0x0] =	sbarrier.arrive $0xFFFF  }
0x521: {  	p0 =	sne.s32 s1, $0x0;
	_ =	strace $0x90000047  }
0x522: {  	s0 =	sadd.s32 @!p0 $0x100000, s2;
	[bflag:$0x2] =	sbarrier.arrive $0xFFFF  }
0x523: {  	[sflag:s0] =	ssyncadd.tile.s32 @!p0 $0x1;
	_ =	shalt  }
.Lfunc_end2:
_tile_overlayer_lowered:
.L_overlay_start_2:
0x524: {  	(tag) =	ssettag $0x2  }
0x525: {  	s0 =	rddreg [dreg:$0x0];
	s2 =	stileid.u32  }
0x526: {  	s1 =	rddreg [dreg:$0x1];
	p0 =	sne.s32 s2, $0x0  }
0x527: {  	s3 =	rddreg [dreg:$0x2];
	[bflag:$0x3] =	sbarrier.arrive $0xFFFF;
	s2 =	simm.s32 @!p0 $0x1C02  }
0x528: {  	[timem:s3], [sflag:s2] =	dma.local @!p0 [hbm:s0], s1  }
0x529: {  	s0 =	simm.s32 @!p0 $0x2  }
0x52a: {  	_ =	swait.ge @!p0 [sflag:s0], s1  }
0x52b: {  	s1 =	ssub.s32 @!p0 $0x0, s1;
	[sflag:s0] =	ssyncset.done @!p0 $0x0  }
0x52c: {  	[sflag:s0] =	ssyncadd.s32 @!p0 s1  }
0x52d: {  	[bflag:$0x3] =	sbarrier.arrive $0xFFFF  }
0x52e: {  	_ =	shalt  }

</sc_bundles>
